<compile_context>
chip_gen: v7x
topology: tpu7x:2x2x1
jax: 0.10.2.dev20260603
libtpu: 0.0.44.dev20260713+nightly
codegen_flags: <defaults>
</compile_context>

<pallas_src>
import functools

import jax
import jax.numpy as jnp
from jax import lax
from jax.experimental import pallas as pl
from jax.experimental.pallas import tpu as pltpu
from jax.experimental.pallas import tpu_sc as plsc

N = 10000
E = 320000
D = 128
H = 64
G = 64
C = 2
NC, NS, L = 2, 16, 16
NW = NC * NS
NP = 10112
RPT = NP // NS
CH = 128
EPT = E // NW
K = 81
NBUF = 3
KO = K // NBUF
SLOTS = K * CH
HC = H // NC
EPT2 = E // NS
K2 = 160
NBUF2 = 8
KO2 = K2 // NBUF2
SLOTS2 = K2 * CH
PAD_SRC = N
PAD_DST = N + 8
GP = 72
BPT = RPT
NBP = NP - N

_MESH = plsc.VectorSubcoreMesh(
    core_axis_name="c", subcore_axis_name="s", num_cores=NC, num_subcores=NS)
_SC_PARAMS = pltpu.CompilerParams(use_tc_tiling_on_sc=False)
_SC_PARAMS_NL = pltpu.CompilerParams(use_tc_tiling_on_sc=False,
                                     needs_layout_passes=False)


def _pad_tail(idx, start, count, value):
    for i in range(count // 16):
        idx[pl.ds(start + 16 * i, 16)] = jnp.full((16,), value, jnp.int32)



@functools.partial(
    pl.kernel,
    out_type=(jax.ShapeDtypeStruct((NC, NP), jnp.float32),
              jax.ShapeDtypeStruct((NC, GP, L), jnp.float32)),
    mesh=_MESH,
    scratch_types=[
        pltpu.VMEM_SHARED((NP, L), jnp.float32),
        pltpu.VMEM_SHARED((GP, L), jnp.float32),
        pltpu.VMEM((SLOTS,), jnp.int32),
        pltpu.VMEM((5 * CH,), jnp.int32),
        pltpu.VMEM((CH, L), jnp.float32),
        pltpu.VMEM((RPT + 8, L), jnp.float32),
        pltpu.VMEM((RPT + 8,), jnp.float32),
        pltpu.SemaphoreType.DMA((NBUF,)),
    ],
    compiler_params=_SC_PARAMS_NL,
)
def _sc_deg(ei_hbm, bidx_hbm, z_hbm, ones_hbm, deg_hbm, cnt_hbm,
            acc, bacc, didx, bidx, ones_v, vb16, dcomp, ssem):
    c = lax.axis_index("c")
    s = lax.axis_index("s")
    wid = s * NC + c
    base = s * RPT
    pltpu.sync_copy(z_hbm.at[pl.ds(base, RPT)], acc.at[pl.ds(base, RPT)])

    @pl.when(s == 0)
    def _():
        pltpu.sync_copy(z_hbm.at[pl.ds(0, GP)], bacc)

    _pad_tail(didx, EPT, SLOTS - EPT, PAD_DST)
    pltpu.sync_copy(ei_hbm.at[1, pl.ds(wid * EPT, EPT)], didx.at[pl.ds(0, EPT)])
    pltpu.sync_copy(ones_hbm, ones_v)

    @pl.when(c == 0)
    def _():
        _pad_tail(bidx, 4 * CH, CH, G)
        pltpu.sync_copy(bidx_hbm.at[pl.ds(s * BPT, BPT)],
                        bidx.at[pl.ds(0, BPT)])
    plsc.subcore_barrier()

    for b in range(NBUF):
        pltpu.async_copy(ones_v, acc.at[didx.at[pl.ds(b * CH, CH)]],
                         ssem.at[b], add=True)

    def body(j0, carry):
        for b in range(NBUF):
            j = j0 * NBUF + b
            pltpu.make_async_copy(ones_v, acc.at[didx.at[pl.ds(j * CH, CH)]],
                                  ssem.at[b]).wait()

            @pl.when(j0 < KO - 1)
            def _():
                pltpu.async_copy(ones_v,
                                 acc.at[didx.at[pl.ds((j + NBUF) * CH, CH)]],
                                 ssem.at[b], add=True)
        return carry

    lax.fori_loop(0, KO, body, 0)

    @pl.when(c == 0)
    def _():
        for j in range(5):
            pltpu.sync_copy(ones_v, bacc.at[bidx.at[pl.ds(j * CH, CH)]],
                            add=True)
    plsc.subcore_barrier()
    pltpu.sync_copy(acc.at[pl.ds(base, RPT)], vb16.at[pl.ds(0, RPT)])
    zero16 = jnp.zeros((L,), jnp.int32)
    iota16 = lax.iota(jnp.int32, L)

    def compact(g, carry):
        rowv = iota16 + g * L
        dcomp[pl.ds(g * L, L)] = plsc.load_gather(vb16, [rowv, zero16])
        return carry

    lax.fori_loop(0, (RPT + 8) // L, compact, 0)
    pltpu.sync_copy(dcomp.at[pl.ds(0, RPT)], deg_hbm.at[c].at[pl.ds(base, RPT)])

    @pl.when(s == 0)
    def _():
        pltpu.sync_copy(bacc, cnt_hbm.at[c])


@functools.partial(
    pl.kernel,
    out_type=jax.ShapeDtypeStruct((NP, H), jnp.float32),
    mesh=_MESH,
    scratch_types=[
        pltpu.VMEM_SHARED((NP, HC), jnp.float32),
        pltpu.VMEM_SHARED((NP, HC), jnp.float32),
        pltpu.VMEM((SLOTS2,), jnp.int32),
        pltpu.VMEM((SLOTS2,), jnp.int32),
        pltpu.VMEM((NBUF2, CH, HC), jnp.float32),
        pltpu.SemaphoreType.DMA((NBUF2,)),
        pltpu.SemaphoreType.DMA((NBUF2,)),
    ],
    compiler_params=_SC_PARAMS,
)
def _sc_agg(y_hbm, ei_hbm, out_hbm, acc, ybuf, sidx, didx, rows, gsem, ssem):
    c = lax.axis_index("c")
    s = lax.axis_index("s")
    base = s * RPT

    pltpu.sync_copy(y_hbm.at[pl.ds(base, RPT), pl.ds(c * HC, HC)],
                    ybuf.at[pl.ds(base, RPT)])
    pltpu.sync_copy(y_hbm.at[pl.ds(base, RPT), pl.ds(c * HC, HC)],
                    acc.at[pl.ds(base, RPT)])

    _pad_tail(sidx, EPT2, SLOTS2 - EPT2, PAD_SRC)
    _pad_tail(didx, EPT2, SLOTS2 - EPT2, PAD_DST)
    pltpu.sync_copy(ei_hbm.at[0, pl.ds(s * EPT2, EPT2)], sidx.at[pl.ds(0, EPT2)])
    pltpu.sync_copy(ei_hbm.at[1, pl.ds(s * EPT2, EPT2)], didx.at[pl.ds(0, EPT2)])
    plsc.subcore_barrier()

    for b in range(NBUF2):
        pltpu.async_copy(ybuf.at[sidx.at[pl.ds(b * CH, CH)]], rows.at[b],
                         gsem.at[b])

    def body(j0, carry):
        for b in range(NBUF2):
            j = j0 * NBUF2 + b
            pltpu.make_async_copy(ybuf.at[sidx.at[pl.ds(j * CH, CH)]],
                                  rows.at[b], gsem.at[b]).wait()
            pltpu.async_copy(rows.at[b], acc.at[didx.at[pl.ds(j * CH, CH)]],
                             ssem.at[b], add=True)

            @pl.when(j0 < KO2 - 1)
            def _():
                pltpu.make_async_copy(rows.at[b],
                                      acc.at[didx.at[pl.ds(j * CH, CH)]],
                                      ssem.at[b]).wait()
                pltpu.async_copy(ybuf.at[sidx.at[pl.ds((j + NBUF2) * CH, CH)]],
                                 rows.at[b], gsem.at[b])
        return carry

    lax.fori_loop(0, KO2, body, 0)
    for b in range(NBUF2):
        pltpu.make_async_copy(
            rows.at[b], acc.at[didx.at[pl.ds((K2 - NBUF2 + b) * CH, CH)]],
            ssem.at[b]).wait()
    plsc.subcore_barrier()
    pltpu.sync_copy(acc.at[pl.ds(base, RPT)],
                    out_hbm.at[pl.ds(base, RPT), pl.ds(c * HC, HC)])



def _tc_xw_body(x_ref, w_ref, xw_ref):
    xw = jnp.dot(x_ref[...], w_ref[...], preferred_element_type=jnp.float32)
    xw_ref[...] = jnp.pad(xw, ((0, NP - N), (0, 0)))


_tc_xw = pl.pallas_call(
    _tc_xw_body,
    out_shape=jax.ShapeDtypeStruct((NP, H), jnp.float32),
)


def _tc_scale_body(xw_ref, degp_ref, y_ref, dinv_ref):
    deg = (degp_ref[0, :] + degp_ref[1, :]).reshape(NP, 1) + 1.0
    dinv = lax.rsqrt(deg)
    dinv_ref[...] = jnp.broadcast_to(dinv, (NP, L))
    y_ref[...] = xw_ref[...] * dinv


_tc_scale = pl.pallas_call(
    _tc_scale_body,
    out_shape=(jax.ShapeDtypeStruct((NP, H), jnp.float32),
               jax.ShapeDtypeStruct((NP, L), jnp.float32)),
)


def _tc_mid_body(p_ref, dinv_ref, b1_ref, w2_ref, y2_ref):
    dinv = dinv_ref[:, 0:1]
    h1 = jnp.maximum(p_ref[...] * dinv + b1_ref[...], 0.0)
    y2 = jnp.dot(h1, w2_ref[...], preferred_element_type=jnp.float32) * dinv
    row = lax.broadcasted_iota(jnp.int32, (NP, 1), 0)
    y2_ref[...] = jnp.where(row < N, y2, 0.0)


_tc_mid = pl.pallas_call(
    _tc_mid_body,
    out_shape=jax.ShapeDtypeStruct((NP, H), jnp.float32),
)


def _tc_final_body(q_ref, dinv_ref, b2_ref, cnt_ref, l1w_ref, l1b_ref,
                   l2w_ref, l2b_ref, out_ref):
    dinv = dinv_ref[:, 0:1]
    h2 = jnp.maximum(q_ref[...] * dinv + b2_ref[...], 0.0)
    crow = cnt_ref[0:1, 0:G, 0] + cnt_ref[1:2, 0:G, 0]
    ccol = cnt_ref[0, 0:G, 0:1] + cnt_ref[1, 0:G, 0:1]
    tri = (lax.broadcasted_iota(jnp.int32, (G, G), 0)
           <= lax.broadcasted_iota(jnp.int32, (G, G), 1)).astype(jnp.float32)
    cum = jnp.dot(crow, tri, preferred_element_type=jnp.float32)
    start = cum - crow
    rowi = lax.broadcasted_iota(jnp.int32, (NP, 1), 0).astype(jnp.float32)
    onehot = ((rowi >= start) & (rowi < cum)).astype(jnp.float32)
    dn = (((0,), (0,)), ((), ()))
    psum = lax.dot_general(onehot, h2, dn, preferred_element_type=jnp.float32)
    pooled = psum / jnp.maximum(ccol, 1.0)
    z = jnp.maximum(
        jnp.dot(pooled, l1w_ref[...], preferred_element_type=jnp.float32)
        + l1b_ref[...], 0.0)
    logits = jnp.dot(z, l2w_ref[...], preferred_element_type=jnp.float32) \
        + l2b_ref[...]
    m = jnp.max(logits, axis=1, keepdims=True)
    e = jnp.exp(logits - m)
    out_ref[...] = (logits - m) - jnp.log(jnp.sum(e, axis=1, keepdims=True))


_tc_final = pl.pallas_call(
    _tc_final_body,
    out_shape=jax.ShapeDtypeStruct((G, C), jnp.float32),
)



@jax.jit
def kernel(x, edge_index, batch_index, W1, b1, W2, b2,
           lin1_w, lin1_b, lin2_w, lin2_b):
    i32, f32 = jnp.int32, jnp.float32
    ei = edge_index.astype(i32)
    bidx = jnp.concatenate(
        [batch_index.astype(i32), jnp.full((NBP,), G, i32)])
    z16 = jnp.zeros((NP, L), f32)
    ones_rows = jnp.ones((CH, L), f32)

    xw = _tc_xw(x, W1)
    degp, cntp = _sc_deg(ei, bidx, z16, ones_rows)
    y1, dinv16 = _tc_scale(xw, degp)
    p = _sc_agg(y1, ei)
    y2 = _tc_mid(p, dinv16, b1.reshape(1, H), W2)
    q = _sc_agg(y2, ei)
    return _tc_final(q, dinv16, b2.reshape(1, H), cntp,
                     lin1_w, lin1_b.reshape(1, H // 2),
                     lin2_w, lin2_b.reshape(1, C))

# --- scband reference (transcript-rebuilt; emitter-appended) ---
"""Pipeline reference for scband-gnnclassifier-15075335209588 (READ-ONLY COPY).

The authoritative reference and input builder live on the scoring server;
editing this copy changes nothing except your own understanding.
"""

import jax, jax.numpy as jnp
import numpy as np

N_NODES = 10000
N_EDGES = 320000
D_FEAT = 128
HIDDEN = 64
NUM_CLASSES = 2
NUM_GRAPHS = 64


def setup_inputs(seed: int = 0) -> dict:
    key = jax.random.key(seed)
    ks = [jax.random.fold_in(key, i) for i in range(12)]
    x = jax.random.normal(ks[0], (N_NODES, D_FEAT), dtype=jnp.float32)
    edge_index = jax.random.randint(ks[1], (2, N_EDGES), 0, N_NODES, dtype=jnp.int64)
    batch_index = jnp.sort(jax.random.randint(ks[2], (N_NODES,), 0, NUM_GRAPHS, dtype=jnp.int64))
    s1 = 1.0 / np.sqrt(D_FEAT)
    s2 = 1.0 / np.sqrt(HIDDEN)
    s3 = 1.0 / np.sqrt(HIDDEN // 2)
    W1 = jax.random.uniform(ks[3], (D_FEAT, HIDDEN), jnp.float32, -s1, s1)
    b1 = jnp.zeros((HIDDEN,), jnp.float32)
    W2 = jax.random.uniform(ks[4], (HIDDEN, HIDDEN), jnp.float32, -s2, s2)
    b2 = jnp.zeros((HIDDEN,), jnp.float32)
    lin1_w = jax.random.uniform(ks[5], (HIDDEN, HIDDEN // 2), jnp.float32, -s2, s2)
    lin1_b = jax.random.uniform(ks[6], (HIDDEN // 2,), jnp.float32, -s2, s2)
    lin2_w = jax.random.uniform(ks[7], (HIDDEN // 2, NUM_CLASSES), jnp.float32, -s3, s3)
    lin2_b = jax.random.uniform(ks[8], (NUM_CLASSES,), jnp.float32, -s3, s3)
    return {"x": x, "edge_index": edge_index, "batch_index": batch_index,
            "W1": W1, "b1": b1, "W2": W2, "b2": b2,
            "lin1_w": lin1_w, "lin1_b": lin1_b, "lin2_w": lin2_w, "lin2_b": lin2_b}


def _gcn_conv(x, src, dst, W, b, n_nodes):
    # GCNConv: linear transform, then symmetric-normalized aggregation (self-loops included in src/dst)
    xw = x @ W
    ones = jnp.ones(src.shape, dtype=xw.dtype)
    deg = jax.ops.segment_sum(ones, dst, num_segments=n_nodes)
    dinv = jnp.where(deg > 0, 1.0 / jnp.sqrt(deg), 0.0)
    norm = dinv[src] * dinv[dst]
    out = jax.ops.segment_sum(xw[src] * norm[:, None], dst, num_segments=n_nodes)
    return out + b


def reference(x, edge_index, batch_index, W1, b1, W2, b2, lin1_w, lin1_b, lin2_w, lin2_b):
    n_nodes = x.shape[0]
    loop = jnp.arange(n_nodes, dtype=edge_index.dtype)
    src = jnp.concatenate([edge_index[0], loop])
    dst = jnp.concatenate([edge_index[1], loop])
    h = _gcn_conv(x, src, dst, W1, b1, n_nodes)
    h = jax.nn.relu(h)
    h = _gcn_conv(h, src, dst, W2, b2, n_nodes)
    h = jax.nn.relu(h)
    # global_mean_pool over batch_index
    sums = jax.ops.segment_sum(h, batch_index, num_segments=NUM_GRAPHS)
    counts = jax.ops.segment_sum(jnp.ones((n_nodes,), h.dtype), batch_index, num_segments=NUM_GRAPHS)
    pooled = sums / jnp.clip(counts, 1.0)[:, None]
    z = jax.nn.relu(pooled @ lin1_w + lin1_b)
    # dropout is identity in eval mode
    logits = z @ lin2_w + lin2_b
    return jax.nn.log_softmax(logits, axis=1)

if __name__ == "__main__":
    import jax
    _d = setup_inputs()
    print(jax.jit(kernel)(*tuple(_d.values())))

</pallas_src>

<mosaic_0001>
#map = affine_map<(d0, d1) -> (0, 0)>
module attributes {stable_mosaic.version = 14 : i64} {
  func.func @_sc_agg(%arg0: i32, %arg1: i32, %arg2: memref<10112x64xf32, #tpu.memory_space<hbm>>, %arg3: memref<2x320000xi32, #tpu.memory_space<hbm>>, %arg4: memref<10112x64xf32, #tpu.memory_space<hbm>>, %arg5: memref<10112x32xf32, #tpu.memory_space<vmem_shared>>, %arg6: memref<10112x32xf32, #tpu.memory_space<vmem_shared>>, %arg7: memref<20480xi32, #tpu.memory_space<vmem>>, %arg8: memref<20480xi32, #tpu.memory_space<vmem>>, %arg9: memref<8x128x32xf32, #tpu.memory_space<vmem>>, %arg10: memref<8x!tpu.dma_semaphore, #tpu.memory_space<semaphore_mem>>, %arg11: memref<8x!tpu.dma_semaphore, #tpu.memory_space<semaphore_mem>>) attributes {dimension_semantics = [#tpu.dimension_semantics<core_parallel>, #tpu.dimension_semantics<subcore_parallel>], iteration_bounds = array<i64: 2, 16>, scalar_prefetch = 0 : i64, scratch_operands = 7 : i64, tpu.core_type = #tpu.core_type<sc_vector_subcore>, window_params = [{transform_indices = #map}, {transform_indices = #map}, {transform_indices = #map}]} {
    %mul3A = arith.constant 632 : i32
    %mul3A_0 = arith.muli %arg1, %mul3A : i32
    %mul3A_1 = arith.constant 32 : i32
    %mul3A_2 = arith.muli %arg0, %mul3A_1 : i32
    "tpu.region"() ({
      %run_scoped3A_582 = tpu.sem_alloc : memref<!tpu.dma_semaphore, #tpu.memory_space<semaphore_mem>>
      %dma_start3A_583 = arith.constant 0 : i32
      %dma_start3A_584 = tpu.memref_slice %arg6[%mul3A_0, %dma_start3A_583] : memref<10112x32xf32, #tpu.memory_space<vmem_shared>> -> memref<632x32xf32, #tpu.memory_space<vmem_shared>>
      %dma_start3A_585 = tpu.memref_slice %arg2[%mul3A_0, %mul3A_2] : memref<10112x64xf32, #tpu.memory_space<hbm>> -> memref<632x32xf32, #tpu.memory_space<hbm>>
      tpu.enqueue_dma source(%dma_start3A_585 : memref<632x32xf32, #tpu.memory_space<hbm>>) target(%dma_start3A_584 : memref<632x32xf32, #tpu.memory_space<vmem_shared>>) target_semaphore(%run_scoped3A_582 : memref<!tpu.dma_semaphore, #tpu.memory_space<semaphore_mem>>)
      %dma_wait3A_586 = arith.constant 0 : i32
      %dma_wait3A_587 = tpu.memref_slice %arg6[%mul3A_0, %dma_wait3A_586] : memref<10112x32xf32, #tpu.memory_space<vmem_shared>> -> memref<632x32xf32, #tpu.memory_space<vmem_shared>>
      %dma_wait3A_588 = tpu.memref_slice %arg2[%mul3A_0, %mul3A_2] : memref<10112x64xf32, #tpu.memory_space<hbm>> -> memref<632x32xf32, #tpu.memory_space<hbm>>
      tpu.wait_dma2 semaphore(%run_scoped3A_582 : memref<!tpu.dma_semaphore, #tpu.memory_space<semaphore_mem>>) src(%dma_wait3A_588 : memref<632x32xf32, #tpu.memory_space<hbm>>) dst(%dma_wait3A_587 : memref<632x32xf32, #tpu.memory_space<vmem_shared>>)
      tpu.yield
    }) : () -> ()
    %mul3A_3 = arith.constant 32 : i32
    %mul3A_4 = arith.muli %arg0, %mul3A_3 : i32
    "tpu.region"() ({
      %run_scoped3A_582 = tpu.sem_alloc : memref<!tpu.dma_semaphore, #tpu.memory_space<semaphore_mem>>
      %dma_start3A_583 = arith.constant 0 : i32
      %dma_start3A_584 = tpu.memref_slice %arg5[%mul3A_0, %dma_start3A_583] : memref<10112x32xf32, #tpu.memory_space<vmem_shared>> -> memref<632x32xf32, #tpu.memory_space<vmem_shared>>
      %dma_start3A_585 = tpu.memref_slice %arg2[%mul3A_0, %mul3A_4] : memref<10112x64xf32, #tpu.memory_space<hbm>> -> memref<632x32xf32, #tpu.memory_space<hbm>>
      tpu.enqueue_dma source(%dma_start3A_585 : memref<632x32xf32, #tpu.memory_space<hbm>>) target(%dma_start3A_584 : memref<632x32xf32, #tpu.memory_space<vmem_shared>>) target_semaphore(%run_scoped3A_582 : memref<!tpu.dma_semaphore, #tpu.memory_space<semaphore_mem>>)
      %dma_wait3A_586 = arith.constant 0 : i32
      %dma_wait3A_587 = tpu.memref_slice %arg5[%mul3A_0, %dma_wait3A_586] : memref<10112x32xf32, #tpu.memory_space<vmem_shared>> -> memref<632x32xf32, #tpu.memory_space<vmem_shared>>
      %dma_wait3A_588 = tpu.memref_slice %arg2[%mul3A_0, %mul3A_4] : memref<10112x64xf32, #tpu.memory_space<hbm>> -> memref<632x32xf32, #tpu.memory_space<hbm>>
      tpu.wait_dma2 semaphore(%run_scoped3A_582 : memref<!tpu.dma_semaphore, #tpu.memory_space<semaphore_mem>>) src(%dma_wait3A_588 : memref<632x32xf32, #tpu.memory_space<hbm>>) dst(%dma_wait3A_587 : memref<632x32xf32, #tpu.memory_space<vmem_shared>>)
      tpu.yield
    }) : () -> ()
    %broadcast_in_dim3A = arith.constant 10000 : i32
    %broadcast_in_dim3A_5 = vector.broadcast %broadcast_in_dim3A : i32 to vector<16xi32>
    %swap3A = arith.constant 20000 : index
    %swap3A_6 = tpu.vector_load %arg7[%swap3A] {strides = array<i32>} : memref<20480xi32, #tpu.memory_space<vmem>>, vector<16xi32>,
    %swap3A_7 = vector.shape_cast %swap3A_6 : vector<16xi32> to vector<16xi32>
    %swap3A_8 = vector.shape_cast %broadcast_in_dim3A_5 : vector<16xi32> to vector<16xi32>
    tpu.vector_store %arg7[%swap3A], %swap3A_8 {strides = array<i32>} : memref<20480xi32, #tpu.memory_space<vmem>>, vector<16xi32>,
    %broadcast_in_dim3A_9 = arith.constant 10000 : i32
    %broadcast_in_dim3A_10 = vector.broadcast %broadcast_in_dim3A_9 : i32 to vector<16xi32>
    %swap3A_11 = arith.constant 20016 : index
    %swap3A_12 = tpu.vector_load %arg7[%swap3A_11] {strides = array<i32>} : memref<20480xi32, #tpu.memory_space<vmem>>, vector<16xi32>,
    %swap3A_13 = vector.shape_cast %swap3A_12 : vector<16xi32> to vector<16xi32>
    %swap3A_14 = vector.shape_cast %broadcast_in_dim3A_10 : vector<16xi32> to vector<16xi32>
    tpu.vector_store %arg7[%swap3A_11], %swap3A_14 {strides = array<i32>} : memref<20480xi32, #tpu.memory_space<vmem>>, vector<16xi32>,
    %broadcast_in_dim3A_15 = arith.constant 10000 : i32
    %broadcast_in_dim3A_16 = vector.broadcast %broadcast_in_dim3A_15 : i32 to vector<16xi32>
    %swap3A_17 = arith.constant 20032 : index
    %swap3A_18 = tpu.vector_load %arg7[%swap3A_17] {strides = array<i32>} : memref<20480xi32, #tpu.memory_space<vmem>>, vector<16xi32>,
    %swap3A_19 = vector.shape_cast %swap3A_18 : vector<16xi32> to vector<16xi32>
    %swap3A_20 = vector.shape_cast %broadcast_in_dim3A_16 : vector<16xi32> to vector<16xi32>
    tpu.vector_store %arg7[%swap3A_17], %swap3A_20 {strides = array<i32>} : memref<20480xi32, #tpu.memory_space<vmem>>, vector<16xi32>,
    %broadcast_in_dim3A_21 = arith.constant 10000 : i32
    %broadcast_in_dim3A_22 = vector.broadcast %broadcast_in_dim3A_21 : i32 to vector<16xi32>
    %swap3A_23 = arith.constant 20048 : index
    %swap3A_24 = tpu.vector_load %arg7[%swap3A_23] {strides = array<i32>} : memref<20480xi32, #tpu.memory_space<vmem>>, vector<16xi32>,
    %swap3A_25 = vector.shape_cast %swap3A_24 : vector<16xi32> to vector<16xi32>
    %swap3A_26 = vector.shape_cast %broadcast_in_dim3A_22 : vector<16xi32> to vector<16xi32>
    tpu.vector_store %arg7[%swap3A_23], %swap3A_26 {strides = array<i32>} : memref<20480xi32, #tpu.memory_space<vmem>>, vector<16xi32>,
    %broadcast_in_dim3A_27 = arith.constant 10000 : i32
    %broadcast_in_dim3A_28 = vector.broadcast %broadcast_in_dim3A_27 : i32 to vector<16xi32>
    %swap3A_29 = arith.constant 20064 : index
    %swap3A_30 = tpu.vector_load %arg7[%swap3A_29] {strides = array<i32>} : memref<20480xi32, #tpu.memory_space<vmem>>, vector<16xi32>,
    %swap3A_31 = vector.shape_cast %swap3A_30 : vector<16xi32> to vector<16xi32>
    %swap3A_32 = vector.shape_cast %broadcast_in_dim3A_28 : vector<16xi32> to vector<16xi32>
    tpu.vector_store %arg7[%swap3A_29], %swap3A_32 {strides = array<i32>} : memref<20480xi32, #tpu.memory_space<vmem>>, vector<16xi32>,
    %broadcast_in_dim3A_33 = arith.constant 10000 : i32
    %broadcast_in_dim3A_34 = vector.broadcast %broadcast_in_dim3A_33 : i32 to vector<16xi32>
    %swap3A_35 = arith.constant 20080 : index
    %swap3A_36 = tpu.vector_load %arg7[%swap3A_35] {strides = array<i32>} : memref<20480xi32, #tpu.memory_space<vmem>>, vector<16xi32>,
    %swap3A_37 = vector.shape_cast %swap3A_36 : vector<16xi32> to vector<16xi32>
    %swap3A_38 = vector.shape_cast %broadcast_in_dim3A_34 : vector<16xi32> to vector<16xi32>
    tpu.vector_store %arg7[%swap3A_35], %swap3A_38 {strides = array<i32>} : memref<20480xi32, #tpu.memory_space<vmem>>, vector<16xi32>,
    %broadcast_in_dim3A_39 = arith.constant 10000 : i32
    %broadcast_in_dim3A_40 = vector.broadcast %broadcast_in_dim3A_39 : i32 to vector<16xi32>
    %swap3A_41 = arith.constant 20096 : index
    %swap3A_42 = tpu.vector_load %arg7[%swap3A_41] {strides = array<i32>} : memref<20480xi32, #tpu.memory_space<vmem>>, vector<16xi32>,
    %swap3A_43 = vector.shape_cast %swap3A_42 : vector<16xi32> to vector<16xi32>
    %swap3A_44 = vector.shape_cast %broadcast_in_dim3A_40 : vector<16xi32> to vector<16xi32>
    tpu.vector_store %arg7[%swap3A_41], %swap3A_44 {strides = array<i32>} : memref<20480xi32, #tpu.memory_space<vmem>>, vector<16xi32>,
    %broadcast_in_dim3A_45 = arith.constant 10000 : i32
    %broadcast_in_dim3A_46 = vector.broadcast %broadcast_in_dim3A_45 : i32 to vector<16xi32>
    %swap3A_47 = arith.constant 20112 : index
    %swap3A_48 = tpu.vector_load %arg7[%swap3A_47] {strides = array<i32>} : memref<20480xi32, #tpu.memory_space<vmem>>, vector<16xi32>,
    %swap3A_49 = vector.shape_cast %swap3A_48 : vector<16xi32> to vector<16xi32>
    %swap3A_50 = vector.shape_cast %broadcast_in_dim3A_46 : vector<16xi32> to vector<16xi32>
    tpu.vector_store %arg7[%swap3A_47], %swap3A_50 {strides = array<i32>} : memref<20480xi32, #tpu.memory_space<vmem>>, vector<16xi32>,
    %broadcast_in_dim3A_51 = arith.constant 10000 : i32
    %broadcast_in_dim3A_52 = vector.broadcast %broadcast_in_dim3A_51 : i32 to vector<16xi32>
    %swap3A_53 = arith.constant 20128 : index
    %swap3A_54 = tpu.vector_load %arg7[%swap3A_53] {strides = array<i32>} : memref<20480xi32, #tpu.memory_space<vmem>>, vector<16xi32>,
    %swap3A_55 = vector.shape_cast %swap3A_54 : vector<16xi32> to vector<16xi32>
    %swap3A_56 = vector.shape_cast %broadcast_in_dim3A_52 : vector<16xi32> to vector<16xi32>
    tpu.vector_store %arg7[%swap3A_53], %swap3A_56 {strides = array<i32>} : memref<20480xi32, #tpu.memory_space<vmem>>, vector<16xi32>,
    %broadcast_in_dim3A_57 = arith.constant 10000 : i32
    %broadcast_in_dim3A_58 = vector.broadcast %broadcast_in_dim3A_57 : i32 to vector<16xi32>
    %swap3A_59 = arith.constant 20144 : index
    %swap3A_60 = tpu.vector_load %arg7[%swap3A_59] {strides = array<i32>} : memref<20480xi32, #tpu.memory_space<vmem>>, vector<16xi32>,
    %swap3A_61 = vector.shape_cast %swap3A_60 : vector<16xi32> to vector<16xi32>
    %swap3A_62 = vector.shape_cast %broadcast_in_dim3A_58 : vector<16xi32> to vector<16xi32>
    tpu.vector_store %arg7[%swap3A_59], %swap3A_62 {strides = array<i32>} : memref<20480xi32, #tpu.memory_space<vmem>>, vector<16xi32>,
    %broadcast_in_dim3A_63 = arith.constant 10000 : i32
    %broadcast_in_dim3A_64 = vector.broadcast %broadcast_in_dim3A_63 : i32 to vector<16xi32>
    %swap3A_65 = arith.constant 20160 : index
    %swap3A_66 = tpu.vector_load %arg7[%swap3A_65] {strides = array<i32>} : memref<20480xi32, #tpu.memory_space<vmem>>, vector<16xi32>,
    %swap3A_67 = vector.shape_cast %swap3A_66 : vector<16xi32> to vector<16xi32>
    %swap3A_68 = vector.shape_cast %broadcast_in_dim3A_64 : vector<16xi32> to vector<16xi32>
    tpu.vector_store %arg7[%swap3A_65], %swap3A_68 {strides = array<i32>} : memref<20480xi32, #tpu.memory_space<vmem>>, vector<16xi32>,
    %broadcast_in_dim3A_69 = arith.constant 10000 : i32
    %broadcast_in_dim3A_70 = vector.broadcast %broadcast_in_dim3A_69 : i32 to vector<16xi32>
    %swap3A_71 = arith.constant 20176 : index
    %swap3A_72 = tpu.vector_load %arg7[%swap3A_71] {strides = array<i32>} : memref<20480xi32, #tpu.memory_space<vmem>>, vector<16xi32>,
    %swap3A_73 = vector.shape_cast %swap3A_72 : vector<16xi32> to vector<16xi32>
    %swap3A_74 = vector.shape_cast %broadcast_in_dim3A_70 : vector<16xi32> to vector<16xi32>
    tpu.vector_store %arg7[%swap3A_71], %swap3A_74 {strides = array<i32>} : memref<20480xi32, #tpu.memory_space<vmem>>, vector<16xi32>,
    %broadcast_in_dim3A_75 = arith.constant 10000 : i32
    %broadcast_in_dim3A_76 = vector.broadcast %broadcast_in_dim3A_75 : i32 to vector<16xi32>
    %swap3A_77 = arith.constant 20192 : index
    %swap3A_78 = tpu.vector_load %arg7[%swap3A_77] {strides = array<i32>} : memref<20480xi32, #tpu.memory_space<vmem>>, vector<16xi32>,
    %swap3A_79 = vector.shape_cast %swap3A_78 : vector<16xi32> to vector<16xi32>
    %swap3A_80 = vector.shape_cast %broadcast_in_dim3A_76 : vector<16xi32> to vector<16xi32>
    tpu.vector_store %arg7[%swap3A_77], %swap3A_80 {strides = array<i32>} : memref<20480xi32, #tpu.memory_space<vmem>>, vector<16xi32>,
    %broadcast_in_dim3A_81 = arith.constant 10000 : i32
    %broadcast_in_dim3A_82 = vector.broadcast %broadcast_in_dim3A_81 : i32 to vector<16xi32>
    %swap3A_83 = arith.constant 20208 : index
    %swap3A_84 = tpu.vector_load %arg7[%swap3A_83] {strides = array<i32>} : memref<20480xi32, #tpu.memory_space<vmem>>, vector<16xi32>,
    %swap3A_85 = vector.shape_cast %swap3A_84 : vector<16xi32> to vector<16xi32>
    %swap3A_86 = vector.shape_cast %broadcast_in_dim3A_82 : vector<16xi32> to vector<16xi32>
    tpu.vector_store %arg7[%swap3A_83], %swap3A_86 {strides = array<i32>} : memref<20480xi32, #tpu.memory_space<vmem>>, vector<16xi32>,
    %broadcast_in_dim3A_87 = arith.constant 10000 : i32
    %broadcast_in_dim3A_88 = vector.broadcast %broadcast_in_dim3A_87 : i32 to vector<16xi32>
    %swap3A_89 = arith.constant 20224 : index
    %swap3A_90 = tpu.vector_load %arg7[%swap3A_89] {strides = array<i32>} : memref<20480xi32, #tpu.memory_space<vmem>>, vector<16xi32>,
    %swap3A_91 = vector.shape_cast %swap3A_90 : vector<16xi32> to vector<16xi32>
    %swap3A_92 = vector.shape_cast %broadcast_in_dim3A_88 : vector<16xi32> to vector<16xi32>
    tpu.vector_store %arg7[%swap3A_89], %swap3A_92 {strides = array<i32>} : memref<20480xi32, #tpu.memory_space<vmem>>, vector<16xi32>,
    %broadcast_in_dim3A_93 = arith.constant 10000 : i32
    %broadcast_in_dim3A_94 = vector.broadcast %broadcast_in_dim3A_93 : i32 to vector<16xi32>
    %swap3A_95 = arith.constant 20240 : index
    %swap3A_96 = tpu.vector_load %arg7[%swap3A_95] {strides = array<i32>} : memref<20480xi32, #tpu.memory_space<vmem>>, vector<16xi32>,
    %swap3A_97 = vector.shape_cast %swap3A_96 : vector<16xi32> to vector<16xi32>
    %swap3A_98 = vector.shape_cast %broadcast_in_dim3A_94 : vector<16xi32> to vector<16xi32>
    tpu.vector_store %arg7[%swap3A_95], %swap3A_98 {strides = array<i32>} : memref<20480xi32, #tpu.memory_space<vmem>>, vector<16xi32>,
    %broadcast_in_dim3A_99 = arith.constant 10000 : i32
    %broadcast_in_dim3A_100 = vector.broadcast %broadcast_in_dim3A_99 : i32 to vector<16xi32>
    %swap3A_101 = arith.constant 20256 : index
    %swap3A_102 = tpu.vector_load %arg7[%swap3A_101] {strides = array<i32>} : memref<20480xi32, #tpu.memory_space<vmem>>, vector<16xi32>,
    %swap3A_103 = vector.shape_cast %swap3A_102 : vector<16xi32> to vector<16xi32>
    %swap3A_104 = vector.shape_cast %broadcast_in_dim3A_100 : vector<16xi32> to vector<16xi32>
    tpu.vector_store %arg7[%swap3A_101], %swap3A_104 {strides = array<i32>} : memref<20480xi32, #tpu.memory_space<vmem>>, vector<16xi32>,
    %broadcast_in_dim3A_105 = arith.constant 10000 : i32
    %broadcast_in_dim3A_106 = vector.broadcast %broadcast_in_dim3A_105 : i32 to vector<16xi32>
    %swap3A_107 = arith.constant 20272 : index
    %swap3A_108 = tpu.vector_load %arg7[%swap3A_107] {strides = array<i32>} : memref<20480xi32, #tpu.memory_space<vmem>>, vector<16xi32>,
    %swap3A_109 = vector.shape_cast %swap3A_108 : vector<16xi32> to vector<16xi32>
    %swap3A_110 = vector.shape_cast %broadcast_in_dim3A_106 : vector<16xi32> to vector<16xi32>
    tpu.vector_store %arg7[%swap3A_107], %swap3A_110 {strides = array<i32>} : memref<20480xi32, #tpu.memory_space<vmem>>, vector<16xi32>,
    %broadcast_in_dim3A_111 = arith.constant 10000 : i32
    %broadcast_in_dim3A_112 = vector.broadcast %broadcast_in_dim3A_111 : i32 to vector<16xi32>
    %swap3A_113 = arith.constant 20288 : index
    %swap3A_114 = tpu.vector_load %arg7[%swap3A_113] {strides = array<i32>} : memref<20480xi32, #tpu.memory_space<vmem>>, vector<16xi32>,
    %swap3A_115 = vector.shape_cast %swap3A_114 : vector<16xi32> to vector<16xi32>
    %swap3A_116 = vector.shape_cast %broadcast_in_dim3A_112 : vector<16xi32> to vector<16xi32>
    tpu.vector_store %arg7[%swap3A_113], %swap3A_116 {strides = array<i32>} : memref<20480xi32, #tpu.memory_space<vmem>>, vector<16xi32>,
    %broadcast_in_dim3A_117 = arith.constant 10000 : i32
    %broadcast_in_dim3A_118 = vector.broadcast %broadcast_in_dim3A_117 : i32 to vector<16xi32>
    %swap3A_119 = arith.constant 20304 : index
    %swap3A_120 = tpu.vector_load %arg7[%swap3A_119] {strides = array<i32>} : memref<20480xi32, #tpu.memory_space<vmem>>, vector<16xi32>,
    %swap3A_121 = vector.shape_cast %swap3A_120 : vector<16xi32> to vector<16xi32>
    %swap3A_122 = vector.shape_cast %broadcast_in_dim3A_118 : vector<16xi32> to vector<16xi32>
    tpu.vector_store %arg7[%swap3A_119], %swap3A_122 {strides = array<i32>} : memref<20480xi32, #tpu.memory_space<vmem>>, vector<16xi32>,
    %broadcast_in_dim3A_123 = arith.constant 10000 : i32
    %broadcast_in_dim3A_124 = vector.broadcast %broadcast_in_dim3A_123 : i32 to vector<16xi32>
    %swap3A_125 = arith.constant 20320 : index
    %swap3A_126 = tpu.vector_load %arg7[%swap3A_125] {strides = array<i32>} : memref<20480xi32, #tpu.memory_space<vmem>>, vector<16xi32>,
    %swap3A_127 = vector.shape_cast %swap3A_126 : vector<16xi32> to vector<16xi32>
    %swap3A_128 = vector.shape_cast %broadcast_in_dim3A_124 : vector<16xi32> to vector<16xi32>
    tpu.vector_store %arg7[%swap3A_125], %swap3A_128 {strides = array<i32>} : memref<20480xi32, #tpu.memory_space<vmem>>, vector<16xi32>,
    %broadcast_in_dim3A_129 = arith.constant 10000 : i32
    %broadcast_in_dim3A_130 = vector.broadcast %broadcast_in_dim3A_129 : i32 to vector<16xi32>
    %swap3A_131 = arith.constant 20336 : index
    %swap3A_132 = tpu.vector_load %arg7[%swap3A_131] {strides = array<i32>} : memref<20480xi32, #tpu.memory_space<vmem>>, vector<16xi32>,
    %swap3A_133 = vector.shape_cast %swap3A_132 : vector<16xi32> to vector<16xi32>
    %swap3A_134 = vector.shape_cast %broadcast_in_dim3A_130 : vector<16xi32> to vector<16xi32>
    tpu.vector_store %arg7[%swap3A_131], %swap3A_134 {strides = array<i32>} : memref<20480xi32, #tpu.memory_space<vmem>>, vector<16xi32>,
    %broadcast_in_dim3A_135 = arith.constant 10000 : i32
    %broadcast_in_dim3A_136 = vector.broadcast %broadcast_in_dim3A_135 : i32 to vector<16xi32>
    %swap3A_137 = arith.constant 20352 : index
    %swap3A_138 = tpu.vector_load %arg7[%swap3A_137] {strides = array<i32>} : memref<20480xi32, #tpu.memory_space<vmem>>, vector<16xi32>,
    %swap3A_139 = vector.shape_cast %swap3A_138 : vector<16xi32> to vector<16xi32>
    %swap3A_140 = vector.shape_cast %broadcast_in_dim3A_136 : vector<16xi32> to vector<16xi32>
    tpu.vector_store %arg7[%swap3A_137], %swap3A_140 {strides = array<i32>} : memref<20480xi32, #tpu.memory_space<vmem>>, vector<16xi32>,
    %broadcast_in_dim3A_141 = arith.constant 10000 : i32
    %broadcast_in_dim3A_142 = vector.broadcast %broadcast_in_dim3A_141 : i32 to vector<16xi32>
    %swap3A_143 = arith.constant 20368 : index
    %swap3A_144 = tpu.vector_load %arg7[%swap3A_143] {strides = array<i32>} : memref<20480xi32, #tpu.memory_space<vmem>>, vector<16xi32>,
    %swap3A_145 = vector.shape_cast %swap3A_144 : vector<16xi32> to vector<16xi32>
    %swap3A_146 = vector.shape_cast %broadcast_in_dim3A_142 : vector<16xi32> to vector<16xi32>
    tpu.vector_store %arg7[%swap3A_143], %swap3A_146 {strides = array<i32>} : memref<20480xi32, #tpu.memory_space<vmem>>, vector<16xi32>,
    %broadcast_in_dim3A_147 = arith.constant 10000 : i32
    %broadcast_in_dim3A_148 = vector.broadcast %broadcast_in_dim3A_147 : i32 to vector<16xi32>
    %swap3A_149 = arith.constant 20384 : index
    %swap3A_150 = tpu.vector_load %arg7[%swap3A_149] {strides = array<i32>} : memref<20480xi32, #tpu.memory_space<vmem>>, vector<16xi32>,
    %swap3A_151 = vector.shape_cast %swap3A_150 : vector<16xi32> to vector<16xi32>
    %swap3A_152 = vector.shape_cast %broadcast_in_dim3A_148 : vector<16xi32> to vector<16xi32>
    tpu.vector_store %arg7[%swap3A_149], %swap3A_152 {strides = array<i32>} : memref<20480xi32, #tpu.memory_space<vmem>>, vector<16xi32>,
    %broadcast_in_dim3A_153 = arith.constant 10000 : i32
    %broadcast_in_dim3A_154 = vector.broadcast %broadcast_in_dim3A_153 : i32 to vector<16xi32>
    %swap3A_155 = arith.constant 20400 : index
    %swap3A_156 = tpu.vector_load %arg7[%swap3A_155] {strides = array<i32>} : memref<20480xi32, #tpu.memory_space<vmem>>, vector<16xi32>,
    %swap3A_157 = vector.shape_cast %swap3A_156 : vector<16xi32> to vector<16xi32>
    %swap3A_158 = vector.shape_cast %broadcast_in_dim3A_154 : vector<16xi32> to vector<16xi32>
    tpu.vector_store %arg7[%swap3A_155], %swap3A_158 {strides = array<i32>} : memref<20480xi32, #tpu.memory_space<vmem>>, vector<16xi32>,
    %broadcast_in_dim3A_159 = arith.constant 10000 : i32
    %broadcast_in_dim3A_160 = vector.broadcast %broadcast_in_dim3A_159 : i32 to vector<16xi32>
    %swap3A_161 = arith.constant 20416 : index
    %swap3A_162 = tpu.vector_load %arg7[%swap3A_161] {strides = array<i32>} : memref<20480xi32, #tpu.memory_space<vmem>>, vector<16xi32>,
    %swap3A_163 = vector.shape_cast %swap3A_162 : vector<16xi32> to vector<16xi32>
    %swap3A_164 = vector.shape_cast %broadcast_in_dim3A_160 : vector<16xi32> to vector<16xi32>
    tpu.vector_store %arg7[%swap3A_161], %swap3A_164 {strides = array<i32>} : memref<20480xi32, #tpu.memory_space<vmem>>, vector<16xi32>,
    %broadcast_in_dim3A_165 = arith.constant 10000 : i32
    %broadcast_in_dim3A_166 = vector.broadcast %broadcast_in_dim3A_165 : i32 to vector<16xi32>
    %swap3A_167 = arith.constant 20432 : index
    %swap3A_168 = tpu.vector_load %arg7[%swap3A_167] {strides = array<i32>} : memref<20480xi32, #tpu.memory_space<vmem>>, vector<16xi32>,
    %swap3A_169 = vector.shape_cast %swap3A_168 : vector<16xi32> to vector<16xi32>
    %swap3A_170 = vector.shape_cast %broadcast_in_dim3A_166 : vector<16xi32> to vector<16xi32>
    tpu.vector_store %arg7[%swap3A_167], %swap3A_170 {strides = array<i32>} : memref<20480xi32, #tpu.memory_space<vmem>>, vector<16xi32>,
    %broadcast_in_dim3A_171 = arith.constant 10000 : i32
    %broadcast_in_dim3A_172 = vector.broadcast %broadcast_in_dim3A_171 : i32 to vector<16xi32>
    %swap3A_173 = arith.constant 20448 : index
    %swap3A_174 = tpu.vector_load %arg7[%swap3A_173] {strides = array<i32>} : memref<20480xi32, #tpu.memory_space<vmem>>, vector<16xi32>,
    %swap3A_175 = vector.shape_cast %swap3A_174 : vector<16xi32> to vector<16xi32>
    %swap3A_176 = vector.shape_cast %broadcast_in_dim3A_172 : vector<16xi32> to vector<16xi32>
    tpu.vector_store %arg7[%swap3A_173], %swap3A_176 {strides = array<i32>} : memref<20480xi32, #tpu.memory_space<vmem>>, vector<16xi32>,
    %broadcast_in_dim3A_177 = arith.constant 10000 : i32
    %broadcast_in_dim3A_178 = vector.broadcast %broadcast_in_dim3A_177 : i32 to vector<16xi32>
    %swap3A_179 = arith.constant 20464 : index
    %swap3A_180 = tpu.vector_load %arg7[%swap3A_179] {strides = array<i32>} : memref<20480xi32, #tpu.memory_space<vmem>>, vector<16xi32>,
    %swap3A_181 = vector.shape_cast %swap3A_180 : vector<16xi32> to vector<16xi32>
    %swap3A_182 = vector.shape_cast %broadcast_in_dim3A_178 : vector<16xi32> to vector<16xi32>
    tpu.vector_store %arg7[%swap3A_179], %swap3A_182 {strides = array<i32>} : memref<20480xi32, #tpu.memory_space<vmem>>, vector<16xi32>,
    %broadcast_in_dim3A_183 = arith.constant 10008 : i32
    %broadcast_in_dim3A_184 = vector.broadcast %broadcast_in_dim3A_183 : i32 to vector<16xi32>
    %swap3A_185 = arith.constant 20000 : index
    %swap3A_186 = tpu.vector_load %arg8[%swap3A_185] {strides = array<i32>} : memref<20480xi32, #tpu.memory_space<vmem>>, vector<16xi32>,
    %swap3A_187 = vector.shape_cast %swap3A_186 : vector<16xi32> to vector<16xi32>
    %swap3A_188 = vector.shape_cast %broadcast_in_dim3A_184 : vector<16xi32> to vector<16xi32>
    tpu.vector_store %arg8[%swap3A_185], %swap3A_188 {strides = array<i32>} : memref<20480xi32, #tpu.memory_space<vmem>>, vector<16xi32>,
    %broadcast_in_dim3A_189 = arith.constant 10008 : i32
    %broadcast_in_dim3A_190 = vector.broadcast %broadcast_in_dim3A_189 : i32 to vector<16xi32>
    %swap3A_191 = arith.constant 20016 : index
    %swap3A_192 = tpu.vector_load %arg8[%swap3A_191] {strides = array<i32>} : memref<20480xi32, #tpu.memory_space<vmem>>, vector<16xi32>,
    %swap3A_193 = vector.shape_cast %swap3A_192 : vector<16xi32> to vector<16xi32>
    %swap3A_194 = vector.shape_cast %broadcast_in_dim3A_190 : vector<16xi32> to vector<16xi32>
    tpu.vector_store %arg8[%swap3A_191], %swap3A_194 {strides = array<i32>} : memref<20480xi32, #tpu.memory_space<vmem>>, vector<16xi32>,
    %broadcast_in_dim3A_195 = arith.constant 10008 : i32
    %broadcast_in_dim3A_196 = vector.broadcast %broadcast_in_dim3A_195 : i32 to vector<16xi32>
    %swap3A_197 = arith.constant 20032 : index
    %swap3A_198 = tpu.vector_load %arg8[%swap3A_197] {strides = array<i32>} : memref<20480xi32, #tpu.memory_space<vmem>>, vector<16xi32>,
    %swap3A_199 = vector.shape_cast %swap3A_198 : vector<16xi32> to vector<16xi32>
    %swap3A_200 = vector.shape_cast %broadcast_in_dim3A_196 : vector<16xi32> to vector<16xi32>
    tpu.vector_store %arg8[%swap3A_197], %swap3A_200 {strides = array<i32>} : memref<20480xi32, #tpu.memory_space<vmem>>, vector<16xi32>,
    %broadcast_in_dim3A_201 = arith.constant 10008 : i32
    %broadcast_in_dim3A_202 = vector.broadcast %broadcast_in_dim3A_201 : i32 to vector<16xi32>
    %swap3A_203 = arith.constant 20048 : index
    %swap3A_204 = tpu.vector_load %arg8[%swap3A_203] {strides = array<i32>} : memref<20480xi32, #tpu.memory_space<vmem>>, vector<16xi32>,
    %swap3A_205 = vector.shape_cast %swap3A_204 : vector<16xi32> to vector<16xi32>
    %swap3A_206 = vector.shape_cast %broadcast_in_dim3A_202 : vector<16xi32> to vector<16xi32>
    tpu.vector_store %arg8[%swap3A_203], %swap3A_206 {strides = array<i32>} : memref<20480xi32, #tpu.memory_space<vmem>>, vector<16xi32>,
    %broadcast_in_dim3A_207 = arith.constant 10008 : i32
    %broadcast_in_dim3A_208 = vector.broadcast %broadcast_in_dim3A_207 : i32 to vector<16xi32>
    %swap3A_209 = arith.constant 20064 : index
    %swap3A_210 = tpu.vector_load %arg8[%swap3A_209] {strides = array<i32>} : memref<20480xi32, #tpu.memory_space<vmem>>, vector<16xi32>,
    %swap3A_211 = vector.shape_cast %swap3A_210 : vector<16xi32> to vector<16xi32>
    %swap3A_212 = vector.shape_cast %broadcast_in_dim3A_208 : vector<16xi32> to vector<16xi32>
    tpu.vector_store %arg8[%swap3A_209], %swap3A_212 {strides = array<i32>} : memref<20480xi32, #tpu.memory_space<vmem>>, vector<16xi32>,
    %broadcast_in_dim3A_213 = arith.constant 10008 : i32
    %broadcast_in_dim3A_214 = vector.broadcast %broadcast_in_dim3A_213 : i32 to vector<16xi32>
    %swap3A_215 = arith.constant 20080 : index
    %swap3A_216 = tpu.vector_load %arg8[%swap3A_215] {strides = array<i32>} : memref<20480xi32, #tpu.memory_space<vmem>>, vector<16xi32>,
    %swap3A_217 = vector.shape_cast %swap3A_216 : vector<16xi32> to vector<16xi32>
    %swap3A_218 = vector.shape_cast %broadcast_in_dim3A_214 : vector<16xi32> to vector<16xi32>
    tpu.vector_store %arg8[%swap3A_215], %swap3A_218 {strides = array<i32>} : memref<20480xi32, #tpu.memory_space<vmem>>, vector<16xi32>,
    %broadcast_in_dim3A_219 = arith.constant 10008 : i32
    %broadcast_in_dim3A_220 = vector.broadcast %broadcast_in_dim3A_219 : i32 to vector<16xi32>
    %swap3A_221 = arith.constant 20096 : index
    %swap3A_222 = tpu.vector_load %arg8[%swap3A_221] {strides = array<i32>} : memref<20480xi32, #tpu.memory_space<vmem>>, vector<16xi32>,
    %swap3A_223 = vector.shape_cast %swap3A_222 : vector<16xi32> to vector<16xi32>
    %swap3A_224 = vector.shape_cast %broadcast_in_dim3A_220 : vector<16xi32> to vector<16xi32>
    tpu.vector_store %arg8[%swap3A_221], %swap3A_224 {strides = array<i32>} : memref<20480xi32, #tpu.memory_space<vmem>>, vector<16xi32>,
    %broadcast_in_dim3A_225 = arith.constant 10008 : i32
    %broadcast_in_dim3A_226 = vector.broadcast %broadcast_in_dim3A_225 : i32 to vector<16xi32>
    %swap3A_227 = arith.constant 20112 : index
    %swap3A_228 = tpu.vector_load %arg8[%swap3A_227] {strides = array<i32>} : memref<20480xi32, #tpu.memory_space<vmem>>, vector<16xi32>,
    %swap3A_229 = vector.shape_cast %swap3A_228 : vector<16xi32> to vector<16xi32>
    %swap3A_230 = vector.shape_cast %broadcast_in_dim3A_226 : vector<16xi32> to vector<16xi32>
    tpu.vector_store %arg8[%swap3A_227], %swap3A_230 {strides = array<i32>} : memref<20480xi32, #tpu.memory_space<vmem>>, vector<16xi32>,
    %broadcast_in_dim3A_231 = arith.constant 10008 : i32
    %broadcast_in_dim3A_232 = vector.broadcast %broadcast_in_dim3A_231 : i32 to vector<16xi32>
    %swap3A_233 = arith.constant 20128 : index
    %swap3A_234 = tpu.vector_load %arg8[%swap3A_233] {strides = array<i32>} : memref<20480xi32, #tpu.memory_space<vmem>>, vector<16xi32>,
    %swap3A_235 = vector.shape_cast %swap3A_234 : vector<16xi32> to vector<16xi32>
    %swap3A_236 = vector.shape_cast %broadcast_in_dim3A_232 : vector<16xi32> to vector<16xi32>
    tpu.vector_store %arg8[%swap3A_233], %swap3A_236 {strides = array<i32>} : memref<20480xi32, #tpu.memory_space<vmem>>, vector<16xi32>,
    %broadcast_in_dim3A_237 = arith.constant 10008 : i32
    %broadcast_in_dim3A_238 = vector.broadcast %broadcast_in_dim3A_237 : i32 to vector<16xi32>
    %swap3A_239 = arith.constant 20144 : index
    %swap3A_240 = tpu.vector_load %arg8[%swap3A_239] {strides = array<i32>} : memref<20480xi32, #tpu.memory_space<vmem>>, vector<16xi32>,
    %swap3A_241 = vector.shape_cast %swap3A_240 : vector<16xi32> to vector<16xi32>
    %swap3A_242 = vector.shape_cast %broadcast_in_dim3A_238 : vector<16xi32> to vector<16xi32>
    tpu.vector_store %arg8[%swap3A_239], %swap3A_242 {strides = array<i32>} : memref<20480xi32, #tpu.memory_space<vmem>>, vector<16xi32>,
    %broadcast_in_dim3A_243 = arith.constant 10008 : i32
    %broadcast_in_dim3A_244 = vector.broadcast %broadcast_in_dim3A_243 : i32 to vector<16xi32>
    %swap3A_245 = arith.constant 20160 : index
    %swap3A_246 = tpu.vector_load %arg8[%swap3A_245] {strides = array<i32>} : memref<20480xi32, #tpu.memory_space<vmem>>, vector<16xi32>,
    %swap3A_247 = vector.shape_cast %swap3A_246 : vector<16xi32> to vector<16xi32>
    %swap3A_248 = vector.shape_cast %broadcast_in_dim3A_244 : vector<16xi32> to vector<16xi32>
    tpu.vector_store %arg8[%swap3A_245], %swap3A_248 {strides = array<i32>} : memref<20480xi32, #tpu.memory_space<vmem>>, vector<16xi32>,
    %broadcast_in_dim3A_249 = arith.constant 10008 : i32
    %broadcast_in_dim3A_250 = vector.broadcast %broadcast_in_dim3A_249 : i32 to vector<16xi32>
    %swap3A_251 = arith.constant 20176 : index
    %swap3A_252 = tpu.vector_load %arg8[%swap3A_251] {strides = array<i32>} : memref<20480xi32, #tpu.memory_space<vmem>>, vector<16xi32>,
    %swap3A_253 = vector.shape_cast %swap3A_252 : vector<16xi32> to vector<16xi32>
    %swap3A_254 = vector.shape_cast %broadcast_in_dim3A_250 : vector<16xi32> to vector<16xi32>
    tpu.vector_store %arg8[%swap3A_251], %swap3A_254 {strides = array<i32>} : memref<20480xi32, #tpu.memory_space<vmem>>, vector<16xi32>,
    %broadcast_in_dim3A_255 = arith.constant 10008 : i32
    %broadcast_in_dim3A_256 = vector.broadcast %broadcast_in_dim3A_255 : i32 to vector<16xi32>
    %swap3A_257 = arith.constant 20192 : index
    %swap3A_258 = tpu.vector_load %arg8[%swap3A_257] {strides = array<i32>} : memref<20480xi32, #tpu.memory_space<vmem>>, vector<16xi32>,
    %swap3A_259 = vector.shape_cast %swap3A_258 : vector<16xi32> to vector<16xi32>
    %swap3A_260 = vector.shape_cast %broadcast_in_dim3A_256 : vector<16xi32> to vector<16xi32>
    tpu.vector_store %arg8[%swap3A_257], %swap3A_260 {strides = array<i32>} : memref<20480xi32, #tpu.memory_space<vmem>>, vector<16xi32>,
    %broadcast_in_dim3A_261 = arith.constant 10008 : i32
    %broadcast_in_dim3A_262 = vector.broadcast %broadcast_in_dim3A_261 : i32 to vector<16xi32>
    %swap3A_263 = arith.constant 20208 : index
    %swap3A_264 = tpu.vector_load %arg8[%swap3A_263] {strides = array<i32>} : memref<20480xi32, #tpu.memory_space<vmem>>, vector<16xi32>,
    %swap3A_265 = vector.shape_cast %swap3A_264 : vector<16xi32> to vector<16xi32>
    %swap3A_266 = vector.shape_cast %broadcast_in_dim3A_262 : vector<16xi32> to vector<16xi32>
    tpu.vector_store %arg8[%swap3A_263], %swap3A_266 {strides = array<i32>} : memref<20480xi32, #tpu.memory_space<vmem>>, vector<16xi32>,
    %broadcast_in_dim3A_267 = arith.constant 10008 : i32
    %broadcast_in_dim3A_268 = vector.broadcast %broadcast_in_dim3A_267 : i32 to vector<16xi32>
    %swap3A_269 = arith.constant 20224 : index
    %swap3A_270 = tpu.vector_load %arg8[%swap3A_269] {strides = array<i32>} : memref<20480xi32, #tpu.memory_space<vmem>>, vector<16xi32>,
    %swap3A_271 = vector.shape_cast %swap3A_270 : vector<16xi32> to vector<16xi32>
    %swap3A_272 = vector.shape_cast %broadcast_in_dim3A_268 : vector<16xi32> to vector<16xi32>
    tpu.vector_store %arg8[%swap3A_269], %swap3A_272 {strides = array<i32>} : memref<20480xi32, #tpu.memory_space<vmem>>, vector<16xi32>,
    %broadcast_in_dim3A_273 = arith.constant 10008 : i32
    %broadcast_in_dim3A_274 = vector.broadcast %broadcast_in_dim3A_273 : i32 to vector<16xi32>
    %swap3A_275 = arith.constant 20240 : index
    %swap3A_276 = tpu.vector_load %arg8[%swap3A_275] {strides = array<i32>} : memref<20480xi32, #tpu.memory_space<vmem>>, vector<16xi32>,
    %swap3A_277 = vector.shape_cast %swap3A_276 : vector<16xi32> to vector<16xi32>
    %swap3A_278 = vector.shape_cast %broadcast_in_dim3A_274 : vector<16xi32> to vector<16xi32>
    tpu.vector_store %arg8[%swap3A_275], %swap3A_278 {strides = array<i32>} : memref<20480xi32, #tpu.memory_space<vmem>>, vector<16xi32>,
    %broadcast_in_dim3A_279 = arith.constant 10008 : i32
    %broadcast_in_dim3A_280 = vector.broadcast %broadcast_in_dim3A_279 : i32 to vector<16xi32>
    %swap3A_281 = arith.constant 20256 : index
    %swap3A_282 = tpu.vector_load %arg8[%swap3A_281] {strides = array<i32>} : memref<20480xi32, #tpu.memory_space<vmem>>, vector<16xi32>,
    %swap3A_283 = vector.shape_cast %swap3A_282 : vector<16xi32> to vector<16xi32>
    %swap3A_284 = vector.shape_cast %broadcast_in_dim3A_280 : vector<16xi32> to vector<16xi32>
    tpu.vector_store %arg8[%swap3A_281], %swap3A_284 {strides = array<i32>} : memref<20480xi32, #tpu.memory_space<vmem>>, vector<16xi32>,
    %broadcast_in_dim3A_285 = arith.constant 10008 : i32
    %broadcast_in_dim3A_286 = vector.broadcast %broadcast_in_dim3A_285 : i32 to vector<16xi32>
    %swap3A_287 = arith.constant 20272 : index
    %swap3A_288 = tpu.vector_load %arg8[%swap3A_287] {strides = array<i32>} : memref<20480xi32, #tpu.memory_space<vmem>>, vector<16xi32>,
    %swap3A_289 = vector.shape_cast %swap3A_288 : vector<16xi32> to vector<16xi32>
    %swap3A_290 = vector.shape_cast %broadcast_in_dim3A_286 : vector<16xi32> to vector<16xi32>
    tpu.vector_store %arg8[%swap3A_287], %swap3A_290 {strides = array<i32>} : memref<20480xi32, #tpu.memory_space<vmem>>, vector<16xi32>,
    %broadcast_in_dim3A_291 = arith.constant 10008 : i32
    %broadcast_in_dim3A_292 = vector.broadcast %broadcast_in_dim3A_291 : i32 to vector<16xi32>
    %swap3A_293 = arith.constant 20288 : index
    %swap3A_294 = tpu.vector_load %arg8[%swap3A_293] {strides = array<i32>} : memref<20480xi32, #tpu.memory_space<vmem>>, vector<16xi32>,
    %swap3A_295 = vector.shape_cast %swap3A_294 : vector<16xi32> to vector<16xi32>
    %swap3A_296 = vector.shape_cast %broadcast_in_dim3A_292 : vector<16xi32> to vector<16xi32>
    tpu.vector_store %arg8[%swap3A_293], %swap3A_296 {strides = array<i32>} : memref<20480xi32, #tpu.memory_space<vmem>>, vector<16xi32>,
    %broadcast_in_dim3A_297 = arith.constant 10008 : i32
    %broadcast_in_dim3A_298 = vector.broadcast %broadcast_in_dim3A_297 : i32 to vector<16xi32>
    %swap3A_299 = arith.constant 20304 : index
    %swap3A_300 = tpu.vector_load %arg8[%swap3A_299] {strides = array<i32>} : memref<20480xi32, #tpu.memory_space<vmem>>, vector<16xi32>,
    %swap3A_301 = vector.shape_cast %swap3A_300 : vector<16xi32> to vector<16xi32>
    %swap3A_302 = vector.shape_cast %broadcast_in_dim3A_298 : vector<16xi32> to vector<16xi32>
    tpu.vector_store %arg8[%swap3A_299], %swap3A_302 {strides = array<i32>} : memref<20480xi32, #tpu.memory_space<vmem>>, vector<16xi32>,
    %broadcast_in_dim3A_303 = arith.constant 10008 : i32
    %broadcast_in_dim3A_304 = vector.broadcast %broadcast_in_dim3A_303 : i32 to vector<16xi32>
    %swap3A_305 = arith.constant 20320 : index
    %swap3A_306 = tpu.vector_load %arg8[%swap3A_305] {strides = array<i32>} : memref<20480xi32, #tpu.memory_space<vmem>>, vector<16xi32>,
    %swap3A_307 = vector.shape_cast %swap3A_306 : vector<16xi32> to vector<16xi32>
    %swap3A_308 = vector.shape_cast %broadcast_in_dim3A_304 : vector<16xi32> to vector<16xi32>
    tpu.vector_store %arg8[%swap3A_305], %swap3A_308 {strides = array<i32>} : memref<20480xi32, #tpu.memory_space<vmem>>, vector<16xi32>,
    %broadcast_in_dim3A_309 = arith.constant 10008 : i32
    %broadcast_in_dim3A_310 = vector.broadcast %broadcast_in_dim3A_309 : i32 to vector<16xi32>
    %swap3A_311 = arith.constant 20336 : index
    %swap3A_312 = tpu.vector_load %arg8[%swap3A_311] {strides = array<i32>} : memref<20480xi32, #tpu.memory_space<vmem>>, vector<16xi32>,
    %swap3A_313 = vector.shape_cast %swap3A_312 : vector<16xi32> to vector<16xi32>
    %swap3A_314 = vector.shape_cast %broadcast_in_dim3A_310 : vector<16xi32> to vector<16xi32>
    tpu.vector_store %arg8[%swap3A_311], %swap3A_314 {strides = array<i32>} : memref<20480xi32, #tpu.memory_space<vmem>>, vector<16xi32>,
    %broadcast_in_dim3A_315 = arith.constant 10008 : i32
    %broadcast_in_dim3A_316 = vector.broadcast %broadcast_in_dim3A_315 : i32 to vector<16xi32>
    %swap3A_317 = arith.constant 20352 : index
    %swap3A_318 = tpu.vector_load %arg8[%swap3A_317] {strides = array<i32>} : memref<20480xi32, #tpu.memory_space<vmem>>, vector<16xi32>,
    %swap3A_319 = vector.shape_cast %swap3A_318 : vector<16xi32> to vector<16xi32>
    %swap3A_320 = vector.shape_cast %broadcast_in_dim3A_316 : vector<16xi32> to vector<16xi32>
    tpu.vector_store %arg8[%swap3A_317], %swap3A_320 {strides = array<i32>} : memref<20480xi32, #tpu.memory_space<vmem>>, vector<16xi32>,
    %broadcast_in_dim3A_321 = arith.constant 10008 : i32
    %broadcast_in_dim3A_322 = vector.broadcast %broadcast_in_dim3A_321 : i32 to vector<16xi32>
    %swap3A_323 = arith.constant 20368 : index
    %swap3A_324 = tpu.vector_load %arg8[%swap3A_323] {strides = array<i32>} : memref<20480xi32, #tpu.memory_space<vmem>>, vector<16xi32>,
    %swap3A_325 = vector.shape_cast %swap3A_324 : vector<16xi32> to vector<16xi32>
    %swap3A_326 = vector.shape_cast %broadcast_in_dim3A_322 : vector<16xi32> to vector<16xi32>
    tpu.vector_store %arg8[%swap3A_323], %swap3A_326 {strides = array<i32>} : memref<20480xi32, #tpu.memory_space<vmem>>, vector<16xi32>,
    %broadcast_in_dim3A_327 = arith.constant 10008 : i32
    %broadcast_in_dim3A_328 = vector.broadcast %broadcast_in_dim3A_327 : i32 to vector<16xi32>
    %swap3A_329 = arith.constant 20384 : index
    %swap3A_330 = tpu.vector_load %arg8[%swap3A_329] {strides = array<i32>} : memref<20480xi32, #tpu.memory_space<vmem>>, vector<16xi32>,
    %swap3A_331 = vector.shape_cast %swap3A_330 : vector<16xi32> to vector<16xi32>
    %swap3A_332 = vector.shape_cast %broadcast_in_dim3A_328 : vector<16xi32> to vector<16xi32>
    tpu.vector_store %arg8[%swap3A_329], %swap3A_332 {strides = array<i32>} : memref<20480xi32, #tpu.memory_space<vmem>>, vector<16xi32>,
    %broadcast_in_dim3A_333 = arith.constant 10008 : i32
    %broadcast_in_dim3A_334 = vector.broadcast %broadcast_in_dim3A_333 : i32 to vector<16xi32>
    %swap3A_335 = arith.constant 20400 : index
    %swap3A_336 = tpu.vector_load %arg8[%swap3A_335] {strides = array<i32>} : memref<20480xi32, #tpu.memory_space<vmem>>, vector<16xi32>,
    %swap3A_337 = vector.shape_cast %swap3A_336 : vector<16xi32> to vector<16xi32>
    %swap3A_338 = vector.shape_cast %broadcast_in_dim3A_334 : vector<16xi32> to vector<16xi32>
    tpu.vector_store %arg8[%swap3A_335], %swap3A_338 {strides = array<i32>} : memref<20480xi32, #tpu.memory_space<vmem>>, vector<16xi32>,
    %broadcast_in_dim3A_339 = arith.constant 10008 : i32
    %broadcast_in_dim3A_340 = vector.broadcast %broadcast_in_dim3A_339 : i32 to vector<16xi32>
    %swap3A_341 = arith.constant 20416 : index
    %swap3A_342 = tpu.vector_load %arg8[%swap3A_341] {strides = array<i32>} : memref<20480xi32, #tpu.memory_space<vmem>>, vector<16xi32>,
    %swap3A_343 = vector.shape_cast %swap3A_342 : vector<16xi32> to vector<16xi32>
    %swap3A_344 = vector.shape_cast %broadcast_in_dim3A_340 : vector<16xi32> to vector<16xi32>
    tpu.vector_store %arg8[%swap3A_341], %swap3A_344 {strides = array<i32>} : memref<20480xi32, #tpu.memory_space<vmem>>, vector<16xi32>,
    %broadcast_in_dim3A_345 = arith.constant 10008 : i32
    %broadcast_in_dim3A_346 = vector.broadcast %broadcast_in_dim3A_345 : i32 to vector<16xi32>
    %swap3A_347 = arith.constant 20432 : index
    %swap3A_348 = tpu.vector_load %arg8[%swap3A_347] {strides = array<i32>} : memref<20480xi32, #tpu.memory_space<vmem>>, vector<16xi32>,
    %swap3A_349 = vector.shape_cast %swap3A_348 : vector<16xi32> to vector<16xi32>
    %swap3A_350 = vector.shape_cast %broadcast_in_dim3A_346 : vector<16xi32> to vector<16xi32>
    tpu.vector_store %arg8[%swap3A_347], %swap3A_350 {strides = array<i32>} : memref<20480xi32, #tpu.memory_space<vmem>>, vector<16xi32>,
    %broadcast_in_dim3A_351 = arith.constant 10008 : i32
    %broadcast_in_dim3A_352 = vector.broadcast %broadcast_in_dim3A_351 : i32 to vector<16xi32>
    %swap3A_353 = arith.constant 20448 : index
    %swap3A_354 = tpu.vector_load %arg8[%swap3A_353] {strides = array<i32>} : memref<20480xi32, #tpu.memory_space<vmem>>, vector<16xi32>,
    %swap3A_355 = vector.shape_cast %swap3A_354 : vector<16xi32> to vector<16xi32>
    %swap3A_356 = vector.shape_cast %broadcast_in_dim3A_352 : vector<16xi32> to vector<16xi32>
    tpu.vector_store %arg8[%swap3A_353], %swap3A_356 {strides = array<i32>} : memref<20480xi32, #tpu.memory_space<vmem>>, vector<16xi32>,
    %broadcast_in_dim3A_357 = arith.constant 10008 : i32
    %broadcast_in_dim3A_358 = vector.broadcast %broadcast_in_dim3A_357 : i32 to vector<16xi32>
    %swap3A_359 = arith.constant 20464 : index
    %swap3A_360 = tpu.vector_load %arg8[%swap3A_359] {strides = array<i32>} : memref<20480xi32, #tpu.memory_space<vmem>>, vector<16xi32>,
    %swap3A_361 = vector.shape_cast %swap3A_360 : vector<16xi32> to vector<16xi32>
    %swap3A_362 = vector.shape_cast %broadcast_in_dim3A_358 : vector<16xi32> to vector<16xi32>
    tpu.vector_store %arg8[%swap3A_359], %swap3A_362 {strides = array<i32>} : memref<20480xi32, #tpu.memory_space<vmem>>, vector<16xi32>,
    %mul3A_363 = arith.constant 20000 : i32
    %mul3A_364 = arith.muli %arg1, %mul3A_363 : i32
    %run_scoped3A = arith.constant 0 : i32
    "tpu.region"() ({
      %run_scoped3A_582 = tpu.sem_alloc : memref<!tpu.dma_semaphore, #tpu.memory_space<semaphore_mem>>
      %dma_start3A_583 = arith.constant 0 : i32
      %dma_start3A_584 = tpu.memref_slice %arg7[%dma_start3A_583] : memref<20480xi32, #tpu.memory_space<vmem>> -> memref<20000xi32, #tpu.memory_space<vmem>>
      %dma_start3A_585 = tpu.memref_slice %arg3[%run_scoped3A, %mul3A_364] : memref<2x320000xi32, #tpu.memory_space<hbm>> -> memref<1x20000xi32, #tpu.memory_space<hbm>>
      %dma_start3A_586 = tpu.memref_squeeze %dma_start3A_585 : memref<1x20000xi32, #tpu.memory_space<hbm>> -> memref<20000xi32, #tpu.memory_space<hbm>>
      %dma_start3A_587 = arith.constant 0 : i32
      %dma_start3A_588 = tpu.memref_slice %arg7[%dma_start3A_587] : memref<20480xi32, #tpu.memory_space<vmem>> -> memref<20000xi32, #tpu.memory_space<vmem>>
      %dma_start3A_589 = tpu.memref_slice %arg3[%run_scoped3A, %mul3A_364] : memref<2x320000xi32, #tpu.memory_space<hbm>> -> memref<1x20000xi32, #tpu.memory_space<hbm>>
      %dma_start3A_590 = tpu.memref_squeeze %dma_start3A_589 : memref<1x20000xi32, #tpu.memory_space<hbm>> -> memref<20000xi32, #tpu.memory_space<hbm>>
      tpu.enqueue_dma source(%dma_start3A_590 : memref<20000xi32, #tpu.memory_space<hbm>>) target(%dma_start3A_588 : memref<20000xi32, #tpu.memory_space<vmem>>) target_semaphore(%run_scoped3A_582 : memref<!tpu.dma_semaphore, #tpu.memory_space<semaphore_mem>>)
      %dma_wait3A_591 = arith.constant 0 : i32
      %dma_wait3A_592 = tpu.memref_slice %arg7[%dma_wait3A_591] : memref<20480xi32, #tpu.memory_space<vmem>> -> memref<20000xi32, #tpu.memory_space<vmem>>
      %dma_wait3A_593 = tpu.memref_slice %arg3[%run_scoped3A, %mul3A_364] : memref<2x320000xi32, #tpu.memory_space<hbm>> -> memref<1x20000xi32, #tpu.memory_space<hbm>>
      %dma_wait3A_594 = tpu.memref_squeeze %dma_wait3A_593 : memref<1x20000xi32, #tpu.memory_space<hbm>> -> memref<20000xi32, #tpu.memory_space<hbm>>
      %dma_wait3A_595 = arith.constant 0 : i32
      %dma_wait3A_596 = tpu.memref_slice %arg7[%dma_wait3A_595] : memref<20480xi32, #tpu.memory_space<vmem>> -> memref<20000xi32, #tpu.memory_space<vmem>>
      %dma_wait3A_597 = tpu.memref_slice %arg3[%run_scoped3A, %mul3A_364] : memref<2x320000xi32, #tpu.memory_space<hbm>> -> memref<1x20000xi32, #tpu.memory_space<hbm>>
      %dma_wait3A_598 = tpu.memref_squeeze %dma_wait3A_597 : memref<1x20000xi32, #tpu.memory_space<hbm>> -> memref<20000xi32, #tpu.memory_space<hbm>>
      tpu.wait_dma2 semaphore(%run_scoped3A_582 : memref<!tpu.dma_semaphore, #tpu.memory_space<semaphore_mem>>) src(%dma_wait3A_598 : memref<20000xi32, #tpu.memory_space<hbm>>) dst(%dma_wait3A_596 : memref<20000xi32, #tpu.memory_space<vmem>>)
      tpu.yield
    }) : () -> ()
    %mul3A_365 = arith.constant 20000 : i32
    %mul3A_366 = arith.muli %arg1, %mul3A_365 : i32
    %run_scoped3A_367 = arith.constant 1 : i32
    "tpu.region"() ({
      %run_scoped3A_582 = tpu.sem_alloc : memref<!tpu.dma_semaphore, #tpu.memory_space<semaphore_mem>>
      %dma_start3A_583 = arith.constant 0 : i32
      %dma_start3A_584 = tpu.memref_slice %arg8[%dma_start3A_583] : memref<20480xi32, #tpu.memory_space<vmem>> -> memref<20000xi32, #tpu.memory_space<vmem>>
      %dma_start3A_585 = tpu.memref_slice %arg3[%run_scoped3A_367, %mul3A_366] : memref<2x320000xi32, #tpu.memory_space<hbm>> -> memref<1x20000xi32, #tpu.memory_space<hbm>>
      %dma_start3A_586 = tpu.memref_squeeze %dma_start3A_585 : memref<1x20000xi32, #tpu.memory_space<hbm>> -> memref<20000xi32, #tpu.memory_space<hbm>>
      %dma_start3A_587 = arith.constant 0 : i32
      %dma_start3A_588 = tpu.memref_slice %arg8[%dma_start3A_587] : memref<20480xi32, #tpu.memory_space<vmem>> -> memref<20000xi32, #tpu.memory_space<vmem>>
      %dma_start3A_589 = tpu.memref_slice %arg3[%run_scoped3A_367, %mul3A_366] : memref<2x320000xi32, #tpu.memory_space<hbm>> -> memref<1x20000xi32, #tpu.memory_space<hbm>>
      %dma_start3A_590 = tpu.memref_squeeze %dma_start3A_589 : memref<1x20000xi32, #tpu.memory_space<hbm>> -> memref<20000xi32, #tpu.memory_space<hbm>>
      tpu.enqueue_dma source(%dma_start3A_590 : memref<20000xi32, #tpu.memory_space<hbm>>) target(%dma_start3A_588 : memref<20000xi32, #tpu.memory_space<vmem>>) target_semaphore(%run_scoped3A_582 : memref<!tpu.dma_semaphore, #tpu.memory_space<semaphore_mem>>)
      %dma_wait3A_591 = arith.constant 0 : i32
      %dma_wait3A_592 = tpu.memref_slice %arg8[%dma_wait3A_591] : memref<20480xi32, #tpu.memory_space<vmem>> -> memref<20000xi32, #tpu.memory_space<vmem>>
      %dma_wait3A_593 = tpu.memref_slice %arg3[%run_scoped3A_367, %mul3A_366] : memref<2x320000xi32, #tpu.memory_space<hbm>> -> memref<1x20000xi32, #tpu.memory_space<hbm>>
      %dma_wait3A_594 = tpu.memref_squeeze %dma_wait3A_593 : memref<1x20000xi32, #tpu.memory_space<hbm>> -> memref<20000xi32, #tpu.memory_space<hbm>>
      %dma_wait3A_595 = arith.constant 0 : i32
      %dma_wait3A_596 = tpu.memref_slice %arg8[%dma_wait3A_595] : memref<20480xi32, #tpu.memory_space<vmem>> -> memref<20000xi32, #tpu.memory_space<vmem>>
      %dma_wait3A_597 = tpu.memref_slice %arg3[%run_scoped3A_367, %mul3A_366] : memref<2x320000xi32, #tpu.memory_space<hbm>> -> memref<1x20000xi32, #tpu.memory_space<hbm>>
      %dma_wait3A_598 = tpu.memref_squeeze %dma_wait3A_597 : memref<1x20000xi32, #tpu.memory_space<hbm>> -> memref<20000xi32, #tpu.memory_space<hbm>>
      tpu.wait_dma2 semaphore(%run_scoped3A_582 : memref<!tpu.dma_semaphore, #tpu.memory_space<semaphore_mem>>) src(%dma_wait3A_598 : memref<20000xi32, #tpu.memory_space<hbm>>) dst(%dma_wait3A_596 : memref<20000xi32, #tpu.memory_space<vmem>>)
      tpu.yield
    }) : () -> ()
    %barrier3A = arith.constant 0 : index
    tpu.barrier barrier_id(%barrier3A)
    %dma_start3A = arith.constant 0 : i32
    %dma_start3A_368 = arith.constant 0 : i32
    %dma_start3A_369 = arith.constant 0 : i32
    %dma_start3A_370 = arith.constant 0 : i32
    %dma_start3A_371 = tpu.memref_slice %arg9[%dma_start3A, %dma_start3A_369, %dma_start3A_370] : memref<8x128x32xf32, #tpu.memory_space<vmem>> -> memref<1x128x32xf32, #tpu.memory_space<vmem>>
    %dma_start3A_372 = tpu.memref_squeeze %dma_start3A_371 : memref<1x128x32xf32, #tpu.memory_space<vmem>> -> memref<128x32xf32, #tpu.memory_space<vmem>>
    %dma_start3A_373 = arith.constant 0 : i32
    %dma_start3A_374 = tpu.memref_slice %arg7[%dma_start3A_373] : memref<20480xi32, #tpu.memory_space<vmem>> -> memref<128xi32, #tpu.memory_space<vmem>>
    %dma_start3A_375 = arith.constant 0 : i32
    %dma_start3A_376 = arith.constant 0 : i32
    %dma_start3A_377 = tpu.memref_slice %arg6[%dma_start3A_375, %dma_start3A_376] : memref<10112x32xf32, #tpu.memory_space<vmem_shared>> -> memref<10112x32xf32, #tpu.memory_space<vmem_shared>>
    %dma_start3A_378 = tpu.memref_slice %arg10[%dma_start3A_368] : memref<8x!tpu.dma_semaphore, #tpu.memory_space<semaphore_mem>> -> memref<1x!tpu.dma_semaphore, #tpu.memory_space<semaphore_mem>>
    %dma_start3A_379 = tpu.memref_squeeze %dma_start3A_378 : memref<1x!tpu.dma_semaphore, #tpu.memory_space<semaphore_mem>> -> memref<!tpu.dma_semaphore, #tpu.memory_space<semaphore_mem>>
    tpu.enqueue_indirect_dma source(%dma_start3A_377 : memref<10112x32xf32, #tpu.memory_space<vmem_shared>>) target(%dma_start3A_372 : memref<128x32xf32, #tpu.memory_space<vmem>>) offsets(%dma_start3A_374 : memref<128xi32, #tpu.memory_space<vmem>>) semaphore(%dma_start3A_379 : memref<!tpu.dma_semaphore, #tpu.memory_space<semaphore_mem>>)
    %dma_start3A_380 = arith.constant 1 : i32
    %dma_start3A_381 = arith.constant 1 : i32
    %dma_start3A_382 = arith.constant 0 : i32
    %dma_start3A_383 = arith.constant 0 : i32
    %dma_start3A_384 = tpu.memref_slice %arg9[%dma_start3A_380, %dma_start3A_382, %dma_start3A_383] : memref<8x128x32xf32, #tpu.memory_space<vmem>> -> memref<1x128x32xf32, #tpu.memory_space<vmem>>
    %dma_start3A_385 = tpu.memref_squeeze %dma_start3A_384 : memref<1x128x32xf32, #tpu.memory_space<vmem>> -> memref<128x32xf32, #tpu.memory_space<vmem>>
    %dma_start3A_386 = arith.constant 128 : i32
    %dma_start3A_387 = tpu.memref_slice %arg7[%dma_start3A_386] : memref<20480xi32, #tpu.memory_space<vmem>> -> memref<128xi32, #tpu.memory_space<vmem>>
    %dma_start3A_388 = arith.constant 0 : i32
    %dma_start3A_389 = arith.constant 0 : i32
    %dma_start3A_390 = tpu.memref_slice %arg6[%dma_start3A_388, %dma_start3A_389] : memref<10112x32xf32, #tpu.memory_space<vmem_shared>> -> memref<10112x32xf32, #tpu.memory_space<vmem_shared>>
    %dma_start3A_391 = tpu.memref_slice %arg10[%dma_start3A_381] : memref<8x!tpu.dma_semaphore, #tpu.memory_space<semaphore_mem>> -> memref<1x!tpu.dma_semaphore, #tpu.memory_space<semaphore_mem>>
    %dma_start3A_392 = tpu.memref_squeeze %dma_start3A_391 : memref<1x!tpu.dma_semaphore, #tpu.memory_space<semaphore_mem>> -> memref<!tpu.dma_semaphore, #tpu.memory_space<semaphore_mem>>
    tpu.enqueue_indirect_dma source(%dma_start3A_390 : memref<10112x32xf32, #tpu.memory_space<vmem_shared>>) target(%dma_start3A_385 : memref<128x32xf32, #tpu.memory_space<vmem>>) offsets(%dma_start3A_387 : memref<128xi32, #tpu.memory_space<vmem>>) semaphore(%dma_start3A_392 : memref<!tpu.dma_semaphore, #tpu.memory_space<semaphore_mem>>)
    %dma_start3A_393 = arith.constant 2 : i32
    %dma_start3A_394 = arith.constant 2 : i32
    %dma_start3A_395 = arith.constant 0 : i32
    %dma_start3A_396 = arith.constant 0 : i32
    %dma_start3A_397 = tpu.memref_slice %arg9[%dma_start3A_393, %dma_start3A_395, %dma_start3A_396] : memref<8x128x32xf32, #tpu.memory_space<vmem>> -> memref<1x128x32xf32, #tpu.memory_space<vmem>>
    %dma_start3A_398 = tpu.memref_squeeze %dma_start3A_397 : memref<1x128x32xf32, #tpu.memory_space<vmem>> -> memref<128x32xf32, #tpu.memory_space<vmem>>
    %dma_start3A_399 = arith.constant 256 : i32
    %dma_start3A_400 = tpu.memref_slice %arg7[%dma_start3A_399] : memref<20480xi32, #tpu.memory_space<vmem>> -> memref<128xi32, #tpu.memory_space<vmem>>
    %dma_start3A_401 = arith.constant 0 : i32
    %dma_start3A_402 = arith.constant 0 : i32
    %dma_start3A_403 = tpu.memref_slice %arg6[%dma_start3A_401, %dma_start3A_402] : memref<10112x32xf32, #tpu.memory_space<vmem_shared>> -> memref<10112x32xf32, #tpu.memory_space<vmem_shared>>
    %dma_start3A_404 = tpu.memref_slice %arg10[%dma_start3A_394] : memref<8x!tpu.dma_semaphore, #tpu.memory_space<semaphore_mem>> -> memref<1x!tpu.dma_semaphore, #tpu.memory_space<semaphore_mem>>
    %dma_start3A_405 = tpu.memref_squeeze %dma_start3A_404 : memref<1x!tpu.dma_semaphore, #tpu.memory_space<semaphore_mem>> -> memref<!tpu.dma_semaphore, #tpu.memory_space<semaphore_mem>>
    tpu.enqueue_indirect_dma source(%dma_start3A_403 : memref<10112x32xf32, #tpu.memory_space<vmem_shared>>) target(%dma_start3A_398 : memref<128x32xf32, #tpu.memory_space<vmem>>) offsets(%dma_start3A_400 : memref<128xi32, #tpu.memory_space<vmem>>) semaphore(%dma_start3A_405 : memref<!tpu.dma_semaphore, #tpu.memory_space<semaphore_mem>>)
    %dma_start3A_406 = arith.constant 3 : i32
    %dma_start3A_407 = arith.constant 3 : i32
    %dma_start3A_408 = arith.constant 0 : i32
    %dma_start3A_409 = arith.constant 0 : i32
    %dma_start3A_410 = tpu.memref_slice %arg9[%dma_start3A_406, %dma_start3A_408, %dma_start3A_409] : memref<8x128x32xf32, #tpu.memory_space<vmem>> -> memref<1x128x32xf32, #tpu.memory_space<vmem>>
    %dma_start3A_411 = tpu.memref_squeeze %dma_start3A_410 : memref<1x128x32xf32, #tpu.memory_space<vmem>> -> memref<128x32xf32, #tpu.memory_space<vmem>>
    %dma_start3A_412 = arith.constant 384 : i32
    %dma_start3A_413 = tpu.memref_slice %arg7[%dma_start3A_412] : memref<20480xi32, #tpu.memory_space<vmem>> -> memref<128xi32, #tpu.memory_space<vmem>>
    %dma_start3A_414 = arith.constant 0 : i32
    %dma_start3A_415 = arith.constant 0 : i32
    %dma_start3A_416 = tpu.memref_slice %arg6[%dma_start3A_414, %dma_start3A_415] : memref<10112x32xf32, #tpu.memory_space<vmem_shared>> -> memref<10112x32xf32, #tpu.memory_space<vmem_shared>>
    %dma_start3A_417 = tpu.memref_slice %arg10[%dma_start3A_407] : memref<8x!tpu.dma_semaphore, #tpu.memory_space<semaphore_mem>> -> memref<1x!tpu.dma_semaphore, #tpu.memory_space<semaphore_mem>>
    %dma_start3A_418 = tpu.memref_squeeze %dma_start3A_417 : memref<1x!tpu.dma_semaphore, #tpu.memory_space<semaphore_mem>> -> memref<!tpu.dma_semaphore, #tpu.memory_space<semaphore_mem>>
    tpu.enqueue_indirect_dma source(%dma_start3A_416 : memref<10112x32xf32, #tpu.memory_space<vmem_shared>>) target(%dma_start3A_411 : memref<128x32xf32, #tpu.memory_space<vmem>>) offsets(%dma_start3A_413 : memref<128xi32, #tpu.memory_space<vmem>>) semaphore(%dma_start3A_418 : memref<!tpu.dma_semaphore, #tpu.memory_space<semaphore_mem>>)
    %dma_start3A_419 = arith.constant 4 : i32
    %dma_start3A_420 = arith.constant 4 : i32
    %dma_start3A_421 = arith.constant 0 : i32
    %dma_start3A_422 = arith.constant 0 : i32
    %dma_start3A_423 = tpu.memref_slice %arg9[%dma_start3A_419, %dma_start3A_421, %dma_start3A_422] : memref<8x128x32xf32, #tpu.memory_space<vmem>> -> memref<1x128x32xf32, #tpu.memory_space<vmem>>
    %dma_start3A_424 = tpu.memref_squeeze %dma_start3A_423 : memref<1x128x32xf32, #tpu.memory_space<vmem>> -> memref<128x32xf32, #tpu.memory_space<vmem>>
    %dma_start3A_425 = arith.constant 512 : i32
    %dma_start3A_426 = tpu.memref_slice %arg7[%dma_start3A_425] : memref<20480xi32, #tpu.memory_space<vmem>> -> memref<128xi32, #tpu.memory_space<vmem>>
    %dma_start3A_427 = arith.constant 0 : i32
    %dma_start3A_428 = arith.constant 0 : i32
    %dma_start3A_429 = tpu.memref_slice %arg6[%dma_start3A_427, %dma_start3A_428] : memref<10112x32xf32, #tpu.memory_space<vmem_shared>> -> memref<10112x32xf32, #tpu.memory_space<vmem_shared>>
    %dma_start3A_430 = tpu.memref_slice %arg10[%dma_start3A_420] : memref<8x!tpu.dma_semaphore, #tpu.memory_space<semaphore_mem>> -> memref<1x!tpu.dma_semaphore, #tpu.memory_space<semaphore_mem>>
    %dma_start3A_431 = tpu.memref_squeeze %dma_start3A_430 : memref<1x!tpu.dma_semaphore, #tpu.memory_space<semaphore_mem>> -> memref<!tpu.dma_semaphore, #tpu.memory_space<semaphore_mem>>
    tpu.enqueue_indirect_dma source(%dma_start3A_429 : memref<10112x32xf32, #tpu.memory_space<vmem_shared>>) target(%dma_start3A_424 : memref<128x32xf32, #tpu.memory_space<vmem>>) offsets(%dma_start3A_426 : memref<128xi32, #tpu.memory_space<vmem>>) semaphore(%dma_start3A_431 : memref<!tpu.dma_semaphore, #tpu.memory_space<semaphore_mem>>)
    %dma_start3A_432 = arith.constant 5 : i32
    %dma_start3A_433 = arith.constant 5 : i32
    %dma_start3A_434 = arith.constant 0 : i32
    %dma_start3A_435 = arith.constant 0 : i32
    %dma_start3A_436 = tpu.memref_slice %arg9[%dma_start3A_432, %dma_start3A_434, %dma_start3A_435] : memref<8x128x32xf32, #tpu.memory_space<vmem>> -> memref<1x128x32xf32, #tpu.memory_space<vmem>>
    %dma_start3A_437 = tpu.memref_squeeze %dma_start3A_436 : memref<1x128x32xf32, #tpu.memory_space<vmem>> -> memref<128x32xf32, #tpu.memory_space<vmem>>
    %dma_start3A_438 = arith.constant 640 : i32
    %dma_start3A_439 = tpu.memref_slice %arg7[%dma_start3A_438] : memref<20480xi32, #tpu.memory_space<vmem>> -> memref<128xi32, #tpu.memory_space<vmem>>
    %dma_start3A_440 = arith.constant 0 : i32
    %dma_start3A_441 = arith.constant 0 : i32
    %dma_start3A_442 = tpu.memref_slice %arg6[%dma_start3A_440, %dma_start3A_441] : memref<10112x32xf32, #tpu.memory_space<vmem_shared>> -> memref<10112x32xf32, #tpu.memory_space<vmem_shared>>
    %dma_start3A_443 = tpu.memref_slice %arg10[%dma_start3A_433] : memref<8x!tpu.dma_semaphore, #tpu.memory_space<semaphore_mem>> -> memref<1x!tpu.dma_semaphore, #tpu.memory_space<semaphore_mem>>
    %dma_start3A_444 = tpu.memref_squeeze %dma_start3A_443 : memref<1x!tpu.dma_semaphore, #tpu.memory_space<semaphore_mem>> -> memref<!tpu.dma_semaphore, #tpu.memory_space<semaphore_mem>>
    tpu.enqueue_indirect_dma source(%dma_start3A_442 : memref<10112x32xf32, #tpu.memory_space<vmem_shared>>) target(%dma_start3A_437 : memref<128x32xf32, #tpu.memory_space<vmem>>) offsets(%dma_start3A_439 : memref<128xi32, #tpu.memory_space<vmem>>) semaphore(%dma_start3A_444 : memref<!tpu.dma_semaphore, #tpu.memory_space<semaphore_mem>>)
    %dma_start3A_445 = arith.constant 6 : i32
    %dma_start3A_446 = arith.constant 6 : i32
    %dma_start3A_447 = arith.constant 0 : i32
    %dma_start3A_448 = arith.constant 0 : i32
    %dma_start3A_449 = tpu.memref_slice %arg9[%dma_start3A_445, %dma_start3A_447, %dma_start3A_448] : memref<8x128x32xf32, #tpu.memory_space<vmem>> -> memref<1x128x32xf32, #tpu.memory_space<vmem>>
    %dma_start3A_450 = tpu.memref_squeeze %dma_start3A_449 : memref<1x128x32xf32, #tpu.memory_space<vmem>> -> memref<128x32xf32, #tpu.memory_space<vmem>>
    %dma_start3A_451 = arith.constant 768 : i32
    %dma_start3A_452 = tpu.memref_slice %arg7[%dma_start3A_451] : memref<20480xi32, #tpu.memory_space<vmem>> -> memref<128xi32, #tpu.memory_space<vmem>>
    %dma_start3A_453 = arith.constant 0 : i32
    %dma_start3A_454 = arith.constant 0 : i32
    %dma_start3A_455 = tpu.memref_slice %arg6[%dma_start3A_453, %dma_start3A_454] : memref<10112x32xf32, #tpu.memory_space<vmem_shared>> -> memref<10112x32xf32, #tpu.memory_space<vmem_shared>>
    %dma_start3A_456 = tpu.memref_slice %arg10[%dma_start3A_446] : memref<8x!tpu.dma_semaphore, #tpu.memory_space<semaphore_mem>> -> memref<1x!tpu.dma_semaphore, #tpu.memory_space<semaphore_mem>>
    %dma_start3A_457 = tpu.memref_squeeze %dma_start3A_456 : memref<1x!tpu.dma_semaphore, #tpu.memory_space<semaphore_mem>> -> memref<!tpu.dma_semaphore, #tpu.memory_space<semaphore_mem>>
    tpu.enqueue_indirect_dma source(%dma_start3A_455 : memref<10112x32xf32, #tpu.memory_space<vmem_shared>>) target(%dma_start3A_450 : memref<128x32xf32, #tpu.memory_space<vmem>>) offsets(%dma_start3A_452 : memref<128xi32, #tpu.memory_space<vmem>>) semaphore(%dma_start3A_457 : memref<!tpu.dma_semaphore, #tpu.memory_space<semaphore_mem>>)
    %dma_start3A_458 = arith.constant 7 : i32
    %dma_start3A_459 = arith.constant 7 : i32
    %dma_start3A_460 = arith.constant 0 : i32
    %dma_start3A_461 = arith.constant 0 : i32
    %dma_start3A_462 = tpu.memref_slice %arg9[%dma_start3A_458, %dma_start3A_460, %dma_start3A_461] : memref<8x128x32xf32, #tpu.memory_space<vmem>> -> memref<1x128x32xf32, #tpu.memory_space<vmem>>
    %dma_start3A_463 = tpu.memref_squeeze %dma_start3A_462 : memref<1x128x32xf32, #tpu.memory_space<vmem>> -> memref<128x32xf32, #tpu.memory_space<vmem>>
    %dma_start3A_464 = arith.constant 896 : i32
    %dma_start3A_465 = tpu.memref_slice %arg7[%dma_start3A_464] : memref<20480xi32, #tpu.memory_space<vmem>> -> memref<128xi32, #tpu.memory_space<vmem>>
    %dma_start3A_466 = arith.constant 0 : i32
    %dma_start3A_467 = arith.constant 0 : i32
    %dma_start3A_468 = tpu.memref_slice %arg6[%dma_start3A_466, %dma_start3A_467] : memref<10112x32xf32, #tpu.memory_space<vmem_shared>> -> memref<10112x32xf32, #tpu.memory_space<vmem_shared>>
    %dma_start3A_469 = tpu.memref_slice %arg10[%dma_start3A_459] : memref<8x!tpu.dma_semaphore, #tpu.memory_space<semaphore_mem>> -> memref<1x!tpu.dma_semaphore, #tpu.memory_space<semaphore_mem>>
    %dma_start3A_470 = tpu.memref_squeeze %dma_start3A_469 : memref<1x!tpu.dma_semaphore, #tpu.memory_space<semaphore_mem>> -> memref<!tpu.dma_semaphore, #tpu.memory_space<semaphore_mem>>
    tpu.enqueue_indirect_dma source(%dma_start3A_468 : memref<10112x32xf32, #tpu.memory_space<vmem_shared>>) target(%dma_start3A_463 : memref<128x32xf32, #tpu.memory_space<vmem>>) offsets(%dma_start3A_465 : memref<128xi32, #tpu.memory_space<vmem>>) semaphore(%dma_start3A_470 : memref<!tpu.dma_semaphore, #tpu.memory_space<semaphore_mem>>)
    %scan3A = arith.constant 0 : i32
    %scan3A_471 = arith.constant 0 : i32
    %scan3A_472 = arith.constant 20 : i32
    %scan3A_473 = arith.addi %scan3A_471, %scan3A_472 : i32
    %scan3A_474 = arith.constant 1 : i32
    scf.for %scan3A_582 = %scan3A_471 to %scan3A_473 step %scan3A_474  : i32 {
      %mul3A_583 = arith.constant 8 : i32
      %mul3A_584 = arith.muli %scan3A_582, %mul3A_583 : i32
      %add3A = arith.constant 0 : i32
      %add3A_585 = arith.addi %mul3A_584, %add3A : i32
      %mul3A_586 = arith.constant 128 : i32
      %mul3A_587 = arith.muli %add3A_585, %mul3A_586 : i32
      %dma_wait3A_588 = arith.constant 0 : i32
      %dma_wait3A_589 = arith.constant 0 : i32
      %dma_wait3A_590 = arith.constant 0 : i32
      %dma_wait3A_591 = arith.constant 0 : i32
      %dma_wait3A_592 = tpu.memref_slice %arg9[%dma_wait3A_588, %dma_wait3A_590, %dma_wait3A_591] : memref<8x128x32xf32, #tpu.memory_space<vmem>> -> memref<1x128x32xf32, #tpu.memory_space<vmem>>
      %dma_wait3A_593 = tpu.memref_squeeze %dma_wait3A_592 : memref<1x128x32xf32, #tpu.memory_space<vmem>> -> memref<128x32xf32, #tpu.memory_space<vmem>>
      %dma_wait3A_594 = tpu.memref_slice %arg7[%mul3A_587] : memref<20480xi32, #tpu.memory_space<vmem>> -> memref<128xi32, #tpu.memory_space<vmem>>
      %dma_wait3A_595 = arith.constant 0 : i32
      %dma_wait3A_596 = arith.constant 0 : i32
      %dma_wait3A_597 = tpu.memref_slice %arg6[%dma_wait3A_595, %dma_wait3A_596] : memref<10112x32xf32, #tpu.memory_space<vmem_shared>> -> memref<10112x32xf32, #tpu.memory_space<vmem_shared>>
      %dma_wait3A_598 = tpu.memref_slice %arg10[%dma_wait3A_589] : memref<8x!tpu.dma_semaphore, #tpu.memory_space<semaphore_mem>> -> memref<1x!tpu.dma_semaphore, #tpu.memory_space<semaphore_mem>>
      %dma_wait3A_599 = tpu.memref_squeeze %dma_wait3A_598 : memref<1x!tpu.dma_semaphore, #tpu.memory_space<semaphore_mem>> -> memref<!tpu.dma_semaphore, #tpu.memory_space<semaphore_mem>>
      tpu.wait_indirect_dma semaphore(%dma_wait3A_599 : memref<!tpu.dma_semaphore, #tpu.memory_space<semaphore_mem>>) src(%dma_wait3A_597 : memref<10112x32xf32, #tpu.memory_space<vmem_shared>>) dst(%dma_wait3A_593 : memref<128x32xf32, #tpu.memory_space<vmem>>)
      %mul3A_600 = arith.constant 128 : i32
      %mul3A_601 = arith.muli %add3A_585, %mul3A_600 : i32
      %dma_start3A_602 = arith.constant 0 : i32
      %dma_start3A_603 = arith.constant 0 : i32
      %dma_start3A_604 = arith.constant 0 : i32
      %dma_start3A_605 = arith.constant 0 : i32
      %dma_start3A_606 = tpu.memref_slice %arg9[%dma_start3A_602, %dma_start3A_604, %dma_start3A_605] : memref<8x128x32xf32, #tpu.memory_space<vmem>> -> memref<1x128x32xf32, #tpu.memory_space<vmem>>
      %dma_start3A_607 = tpu.memref_squeeze %dma_start3A_606 : memref<1x128x32xf32, #tpu.memory_space<vmem>> -> memref<128x32xf32, #tpu.memory_space<vmem>>
      %dma_start3A_608 = tpu.memref_slice %arg8[%mul3A_601] : memref<20480xi32, #tpu.memory_space<vmem>> -> memref<128xi32, #tpu.memory_space<vmem>>
      %dma_start3A_609 = arith.constant 0 : i32
      %dma_start3A_610 = arith.constant 0 : i32
      %dma_start3A_611 = tpu.memref_slice %arg5[%dma_start3A_609, %dma_start3A_610] : memref<10112x32xf32, #tpu.memory_space<vmem_shared>> -> memref<10112x32xf32, #tpu.memory_space<vmem_shared>>
      %dma_start3A_612 = tpu.memref_slice %arg11[%dma_start3A_603] : memref<8x!tpu.dma_semaphore, #tpu.memory_space<semaphore_mem>> -> memref<1x!tpu.dma_semaphore, #tpu.memory_space<semaphore_mem>>
      %dma_start3A_613 = tpu.memref_squeeze %dma_start3A_612 : memref<1x!tpu.dma_semaphore, #tpu.memory_space<semaphore_mem>> -> memref<!tpu.dma_semaphore, #tpu.memory_space<semaphore_mem>>
      tpu.enqueue_indirect_dma source(%dma_start3A_607 : memref<128x32xf32, #tpu.memory_space<vmem>>) target(%dma_start3A_611 : memref<10112x32xf32, #tpu.memory_space<vmem_shared>>) offsets(%dma_start3A_608 : memref<128xi32, #tpu.memory_space<vmem>>) semaphore(%dma_start3A_613 : memref<!tpu.dma_semaphore, #tpu.memory_space<semaphore_mem>>) {add = true}
      %lt3A = arith.constant 19 : i32
      %lt3A_614 = arith.cmpi slt, %scan3A_582, %lt3A : i32
      %convert_element_type3A = arith.extui %lt3A_614 : i1 to i32
      %cond3A = arith.constant 0 : i32
      %cond3A_615 = arith.cmpi ne, %convert_element_type3A, %cond3A : i32
      scf.if %cond3A_615 {
        %mul3A_875 = arith.constant 128 : i32
        %mul3A_876 = arith.muli %add3A_585, %mul3A_875 : i32
        %dma_wait3A_877 = arith.constant 0 : i32
        %dma_wait3A_878 = arith.constant 0 : i32
        %dma_wait3A_879 = arith.constant 0 : i32
        %dma_wait3A_880 = arith.constant 0 : i32
        %dma_wait3A_881 = tpu.memref_slice %arg9[%dma_wait3A_877, %dma_wait3A_879, %dma_wait3A_880] : memref<8x128x32xf32, #tpu.memory_space<vmem>> -> memref<1x128x32xf32, #tpu.memory_space<vmem>>
        %dma_wait3A_882 = tpu.memref_squeeze %dma_wait3A_881 : memref<1x128x32xf32, #tpu.memory_space<vmem>> -> memref<128x32xf32, #tpu.memory_space<vmem>>
        %dma_wait3A_883 = tpu.memref_slice %arg8[%mul3A_876] : memref<20480xi32, #tpu.memory_space<vmem>> -> memref<128xi32, #tpu.memory_space<vmem>>
        %dma_wait3A_884 = arith.constant 0 : i32
        %dma_wait3A_885 = arith.constant 0 : i32
        %dma_wait3A_886 = tpu.memref_slice %arg5[%dma_wait3A_884, %dma_wait3A_885] : memref<10112x32xf32, #tpu.memory_space<vmem_shared>> -> memref<10112x32xf32, #tpu.memory_space<vmem_shared>>
        %dma_wait3A_887 = tpu.memref_slice %arg11[%dma_wait3A_878] : memref<8x!tpu.dma_semaphore, #tpu.memory_space<semaphore_mem>> -> memref<1x!tpu.dma_semaphore, #tpu.memory_space<semaphore_mem>>
        %dma_wait3A_888 = tpu.memref_squeeze %dma_wait3A_887 : memref<1x!tpu.dma_semaphore, #tpu.memory_space<semaphore_mem>> -> memref<!tpu.dma_semaphore, #tpu.memory_space<semaphore_mem>>
        tpu.wait_indirect_dma semaphore(%dma_wait3A_888 : memref<!tpu.dma_semaphore, #tpu.memory_space<semaphore_mem>>) src(%dma_wait3A_882 : memref<128x32xf32, #tpu.memory_space<vmem>>) dst(%dma_wait3A_886 : memref<10112x32xf32, #tpu.memory_space<vmem_shared>>)
        %add3A_889 = arith.constant 8 : i32
        %add3A_890 = arith.addi %add3A_585, %add3A_889 : i32
        %mul3A_891 = arith.constant 128 : i32
        %mul3A_892 = arith.muli %add3A_890, %mul3A_891 : i32
        %dma_start3A_893 = arith.constant 0 : i32
        %dma_start3A_894 = arith.constant 0 : i32
        %dma_start3A_895 = arith.constant 0 : i32
        %dma_start3A_896 = arith.constant 0 : i32
        %dma_start3A_897 = tpu.memref_slice %arg9[%dma_start3A_893, %dma_start3A_895, %dma_start3A_896] : memref<8x128x32xf32, #tpu.memory_space<vmem>> -> memref<1x128x32xf32, #tpu.memory_space<vmem>>
        %dma_start3A_898 = tpu.memref_squeeze %dma_start3A_897 : memref<1x128x32xf32, #tpu.memory_space<vmem>> -> memref<128x32xf32, #tpu.memory_space<vmem>>
        %dma_start3A_899 = tpu.memref_slice %arg7[%mul3A_892] : memref<20480xi32, #tpu.memory_space<vmem>> -> memref<128xi32, #tpu.memory_space<vmem>>
        %dma_start3A_900 = arith.constant 0 : i32
        %dma_start3A_901 = arith.constant 0 : i32
        %dma_start3A_902 = tpu.memref_slice %arg6[%dma_start3A_900, %dma_start3A_901] : memref<10112x32xf32, #tpu.memory_space<vmem_shared>> -> memref<10112x32xf32, #tpu.memory_space<vmem_shared>>
        %dma_start3A_903 = tpu.memref_slice %arg10[%dma_start3A_894] : memref<8x!tpu.dma_semaphore, #tpu.memory_space<semaphore_mem>> -> memref<1x!tpu.dma_semaphore, #tpu.memory_space<semaphore_mem>>
        %dma_start3A_904 = tpu.memref_squeeze %dma_start3A_903 : memref<1x!tpu.dma_semaphore, #tpu.memory_space<semaphore_mem>> -> memref<!tpu.dma_semaphore, #tpu.memory_space<semaphore_mem>>
        tpu.enqueue_indirect_dma source(%dma_start3A_902 : memref<10112x32xf32, #tpu.memory_space<vmem_shared>>) target(%dma_start3A_898 : memref<128x32xf32, #tpu.memory_space<vmem>>) offsets(%dma_start3A_899 : memref<128xi32, #tpu.memory_space<vmem>>) semaphore(%dma_start3A_904 : memref<!tpu.dma_semaphore, #tpu.memory_space<semaphore_mem>>)
      } else {
      }
      %mul3A_616 = arith.constant 8 : i32
      %mul3A_617 = arith.muli %scan3A_582, %mul3A_616 : i32
      %add3A_618 = arith.constant 1 : i32
      %add3A_619 = arith.addi %mul3A_617, %add3A_618 : i32
      %mul3A_620 = arith.constant 128 : i32
      %mul3A_621 = arith.muli %add3A_619, %mul3A_620 : i32
      %dma_wait3A_622 = arith.constant 1 : i32
      %dma_wait3A_623 = arith.constant 1 : i32
      %dma_wait3A_624 = arith.constant 0 : i32
      %dma_wait3A_625 = arith.constant 0 : i32
      %dma_wait3A_626 = tpu.memref_slice %arg9[%dma_wait3A_622, %dma_wait3A_624, %dma_wait3A_625] : memref<8x128x32xf32, #tpu.memory_space<vmem>> -> memref<1x128x32xf32, #tpu.memory_space<vmem>>
      %dma_wait3A_627 = tpu.memref_squeeze %dma_wait3A_626 : memref<1x128x32xf32, #tpu.memory_space<vmem>> -> memref<128x32xf32, #tpu.memory_space<vmem>>
      %dma_wait3A_628 = tpu.memref_slice %arg7[%mul3A_621] : memref<20480xi32, #tpu.memory_space<vmem>> -> memref<128xi32, #tpu.memory_space<vmem>>
      %dma_wait3A_629 = arith.constant 0 : i32
      %dma_wait3A_630 = arith.constant 0 : i32
      %dma_wait3A_631 = tpu.memref_slice %arg6[%dma_wait3A_629, %dma_wait3A_630] : memref<10112x32xf32, #tpu.memory_space<vmem_shared>> -> memref<10112x32xf32, #tpu.memory_space<vmem_shared>>
      %dma_wait3A_632 = tpu.memref_slice %arg10[%dma_wait3A_623] : memref<8x!tpu.dma_semaphore, #tpu.memory_space<semaphore_mem>> -> memref<1x!tpu.dma_semaphore, #tpu.memory_space<semaphore_mem>>
      %dma_wait3A_633 = tpu.memref_squeeze %dma_wait3A_632 : memref<1x!tpu.dma_semaphore, #tpu.memory_space<semaphore_mem>> -> memref<!tpu.dma_semaphore, #tpu.memory_space<semaphore_mem>>
      tpu.wait_indirect_dma semaphore(%dma_wait3A_633 : memref<!tpu.dma_semaphore, #tpu.memory_space<semaphore_mem>>) src(%dma_wait3A_631 : memref<10112x32xf32, #tpu.memory_space<vmem_shared>>) dst(%dma_wait3A_627 : memref<128x32xf32, #tpu.memory_space<vmem>>)
      %mul3A_634 = arith.constant 128 : i32
      %mul3A_635 = arith.muli %add3A_619, %mul3A_634 : i32
      %dma_start3A_636 = arith.constant 1 : i32
      %dma_start3A_637 = arith.constant 1 : i32
      %dma_start3A_638 = arith.constant 0 : i32
      %dma_start3A_639 = arith.constant 0 : i32
      %dma_start3A_640 = tpu.memref_slice %arg9[%dma_start3A_636, %dma_start3A_638, %dma_start3A_639] : memref<8x128x32xf32, #tpu.memory_space<vmem>> -> memref<1x128x32xf32, #tpu.memory_space<vmem>>
      %dma_start3A_641 = tpu.memref_squeeze %dma_start3A_640 : memref<1x128x32xf32, #tpu.memory_space<vmem>> -> memref<128x32xf32, #tpu.memory_space<vmem>>
      %dma_start3A_642 = tpu.memref_slice %arg8[%mul3A_635] : memref<20480xi32, #tpu.memory_space<vmem>> -> memref<128xi32, #tpu.memory_space<vmem>>
      %dma_start3A_643 = arith.constant 0 : i32
      %dma_start3A_644 = arith.constant 0 : i32
      %dma_start3A_645 = tpu.memref_slice %arg5[%dma_start3A_643, %dma_start3A_644] : memref<10112x32xf32, #tpu.memory_space<vmem_shared>> -> memref<10112x32xf32, #tpu.memory_space<vmem_shared>>
      %dma_start3A_646 = tpu.memref_slice %arg11[%dma_start3A_637] : memref<8x!tpu.dma_semaphore, #tpu.memory_space<semaphore_mem>> -> memref<1x!tpu.dma_semaphore, #tpu.memory_space<semaphore_mem>>
      %dma_start3A_647 = tpu.memref_squeeze %dma_start3A_646 : memref<1x!tpu.dma_semaphore, #tpu.memory_space<semaphore_mem>> -> memref<!tpu.dma_semaphore, #tpu.memory_space<semaphore_mem>>
      tpu.enqueue_indirect_dma source(%dma_start3A_641 : memref<128x32xf32, #tpu.memory_space<vmem>>) target(%dma_start3A_645 : memref<10112x32xf32, #tpu.memory_space<vmem_shared>>) offsets(%dma_start3A_642 : memref<128xi32, #tpu.memory_space<vmem>>) semaphore(%dma_start3A_647 : memref<!tpu.dma_semaphore, #tpu.memory_space<semaphore_mem>>) {add = true}
      %lt3A_648 = arith.constant 19 : i32
      %lt3A_649 = arith.cmpi slt, %scan3A_582, %lt3A_648 : i32
      %convert_element_type3A_650 = arith.extui %lt3A_649 : i1 to i32
      %cond3A_651 = arith.constant 0 : i32
      %cond3A_652 = arith.cmpi ne, %convert_element_type3A_650, %cond3A_651 : i32
      scf.if %cond3A_652 {
        %mul3A_875 = arith.constant 128 : i32
        %mul3A_876 = arith.muli %add3A_619, %mul3A_875 : i32
        %dma_wait3A_877 = arith.constant 1 : i32
        %dma_wait3A_878 = arith.constant 1 : i32
        %dma_wait3A_879 = arith.constant 0 : i32
        %dma_wait3A_880 = arith.constant 0 : i32
        %dma_wait3A_881 = tpu.memref_slice %arg9[%dma_wait3A_877, %dma_wait3A_879, %dma_wait3A_880] : memref<8x128x32xf32, #tpu.memory_space<vmem>> -> memref<1x128x32xf32, #tpu.memory_space<vmem>>
        %dma_wait3A_882 = tpu.memref_squeeze %dma_wait3A_881 : memref<1x128x32xf32, #tpu.memory_space<vmem>> -> memref<128x32xf32, #tpu.memory_space<vmem>>
        %dma_wait3A_883 = tpu.memref_slice %arg8[%mul3A_876] : memref<20480xi32, #tpu.memory_space<vmem>> -> memref<128xi32, #tpu.memory_space<vmem>>
        %dma_wait3A_884 = arith.constant 0 : i32
        %dma_wait3A_885 = arith.constant 0 : i32
        %dma_wait3A_886 = tpu.memref_slice %arg5[%dma_wait3A_884, %dma_wait3A_885] : memref<10112x32xf32, #tpu.memory_space<vmem_shared>> -> memref<10112x32xf32, #tpu.memory_space<vmem_shared>>
        %dma_wait3A_887 = tpu.memref_slice %arg11[%dma_wait3A_878] : memref<8x!tpu.dma_semaphore, #tpu.memory_space<semaphore_mem>> -> memref<1x!tpu.dma_semaphore, #tpu.memory_space<semaphore_mem>>
        %dma_wait3A_888 = tpu.memref_squeeze %dma_wait3A_887 : memref<1x!tpu.dma_semaphore, #tpu.memory_space<semaphore_mem>> -> memref<!tpu.dma_semaphore, #tpu.memory_space<semaphore_mem>>
        tpu.wait_indirect_dma semaphore(%dma_wait3A_888 : memref<!tpu.dma_semaphore, #tpu.memory_space<semaphore_mem>>) src(%dma_wait3A_882 : memref<128x32xf32, #tpu.memory_space<vmem>>) dst(%dma_wait3A_886 : memref<10112x32xf32, #tpu.memory_space<vmem_shared>>)
        %add3A_889 = arith.constant 8 : i32
        %add3A_890 = arith.addi %add3A_619, %add3A_889 : i32
        %mul3A_891 = arith.constant 128 : i32
        %mul3A_892 = arith.muli %add3A_890, %mul3A_891 : i32
        %dma_start3A_893 = arith.constant 1 : i32
        %dma_start3A_894 = arith.constant 1 : i32
        %dma_start3A_895 = arith.constant 0 : i32
        %dma_start3A_896 = arith.constant 0 : i32
        %dma_start3A_897 = tpu.memref_slice %arg9[%dma_start3A_893, %dma_start3A_895, %dma_start3A_896] : memref<8x128x32xf32, #tpu.memory_space<vmem>> -> memref<1x128x32xf32, #tpu.memory_space<vmem>>
        %dma_start3A_898 = tpu.memref_squeeze %dma_start3A_897 : memref<1x128x32xf32, #tpu.memory_space<vmem>> -> memref<128x32xf32, #tpu.memory_space<vmem>>
        %dma_start3A_899 = tpu.memref_slice %arg7[%mul3A_892] : memref<20480xi32, #tpu.memory_space<vmem>> -> memref<128xi32, #tpu.memory_space<vmem>>
        %dma_start3A_900 = arith.constant 0 : i32
        %dma_start3A_901 = arith.constant 0 : i32
        %dma_start3A_902 = tpu.memref_slice %arg6[%dma_start3A_900, %dma_start3A_901] : memref<10112x32xf32, #tpu.memory_space<vmem_shared>> -> memref<10112x32xf32, #tpu.memory_space<vmem_shared>>
        %dma_start3A_903 = tpu.memref_slice %arg10[%dma_start3A_894] : memref<8x!tpu.dma_semaphore, #tpu.memory_space<semaphore_mem>> -> memref<1x!tpu.dma_semaphore, #tpu.memory_space<semaphore_mem>>
        %dma_start3A_904 = tpu.memref_squeeze %dma_start3A_903 : memref<1x!tpu.dma_semaphore, #tpu.memory_space<semaphore_mem>> -> memref<!tpu.dma_semaphore, #tpu.memory_space<semaphore_mem>>
        tpu.enqueue_indirect_dma source(%dma_start3A_902 : memref<10112x32xf32, #tpu.memory_space<vmem_shared>>) target(%dma_start3A_898 : memref<128x32xf32, #tpu.memory_space<vmem>>) offsets(%dma_start3A_899 : memref<128xi32, #tpu.memory_space<vmem>>) semaphore(%dma_start3A_904 : memref<!tpu.dma_semaphore, #tpu.memory_space<semaphore_mem>>)
      } else {
      }
      %mul3A_653 = arith.constant 8 : i32
      %mul3A_654 = arith.muli %scan3A_582, %mul3A_653 : i32
      %add3A_655 = arith.constant 2 : i32
      %add3A_656 = arith.addi %mul3A_654, %add3A_655 : i32
      %mul3A_657 = arith.constant 128 : i32
      %mul3A_658 = arith.muli %add3A_656, %mul3A_657 : i32
      %dma_wait3A_659 = arith.constant 2 : i32
      %dma_wait3A_660 = arith.constant 2 : i32
      %dma_wait3A_661 = arith.constant 0 : i32
      %dma_wait3A_662 = arith.constant 0 : i32
      %dma_wait3A_663 = tpu.memref_slice %arg9[%dma_wait3A_659, %dma_wait3A_661, %dma_wait3A_662] : memref<8x128x32xf32, #tpu.memory_space<vmem>> -> memref<1x128x32xf32, #tpu.memory_space<vmem>>
      %dma_wait3A_664 = tpu.memref_squeeze %dma_wait3A_663 : memref<1x128x32xf32, #tpu.memory_space<vmem>> -> memref<128x32xf32, #tpu.memory_space<vmem>>
      %dma_wait3A_665 = tpu.memref_slice %arg7[%mul3A_658] : memref<20480xi32, #tpu.memory_space<vmem>> -> memref<128xi32, #tpu.memory_space<vmem>>
      %dma_wait3A_666 = arith.constant 0 : i32
      %dma_wait3A_667 = arith.constant 0 : i32
      %dma_wait3A_668 = tpu.memref_slice %arg6[%dma_wait3A_666, %dma_wait3A_667] : memref<10112x32xf32, #tpu.memory_space<vmem_shared>> -> memref<10112x32xf32, #tpu.memory_space<vmem_shared>>
      %dma_wait3A_669 = tpu.memref_slice %arg10[%dma_wait3A_660] : memref<8x!tpu.dma_semaphore, #tpu.memory_space<semaphore_mem>> -> memref<1x!tpu.dma_semaphore, #tpu.memory_space<semaphore_mem>>
      %dma_wait3A_670 = tpu.memref_squeeze %dma_wait3A_669 : memref<1x!tpu.dma_semaphore, #tpu.memory_space<semaphore_mem>> -> memref<!tpu.dma_semaphore, #tpu.memory_space<semaphore_mem>>
      tpu.wait_indirect_dma semaphore(%dma_wait3A_670 : memref<!tpu.dma_semaphore, #tpu.memory_space<semaphore_mem>>) src(%dma_wait3A_668 : memref<10112x32xf32, #tpu.memory_space<vmem_shared>>) dst(%dma_wait3A_664 : memref<128x32xf32, #tpu.memory_space<vmem>>)
      %mul3A_671 = arith.constant 128 : i32
      %mul3A_672 = arith.muli %add3A_656, %mul3A_671 : i32
      %dma_start3A_673 = arith.constant 2 : i32
      %dma_start3A_674 = arith.constant 2 : i32
      %dma_start3A_675 = arith.constant 0 : i32
      %dma_start3A_676 = arith.constant 0 : i32
      %dma_start3A_677 = tpu.memref_slice %arg9[%dma_start3A_673, %dma_start3A_675, %dma_start3A_676] : memref<8x128x32xf32, #tpu.memory_space<vmem>> -> memref<1x128x32xf32, #tpu.memory_space<vmem>>
      %dma_start3A_678 = tpu.memref_squeeze %dma_start3A_677 : memref<1x128x32xf32, #tpu.memory_space<vmem>> -> memref<128x32xf32, #tpu.memory_space<vmem>>
      %dma_start3A_679 = tpu.memref_slice %arg8[%mul3A_672] : memref<20480xi32, #tpu.memory_space<vmem>> -> memref<128xi32, #tpu.memory_space<vmem>>
      %dma_start3A_680 = arith.constant 0 : i32
      %dma_start3A_681 = arith.constant 0 : i32
      %dma_start3A_682 = tpu.memref_slice %arg5[%dma_start3A_680, %dma_start3A_681] : memref<10112x32xf32, #tpu.memory_space<vmem_shared>> -> memref<10112x32xf32, #tpu.memory_space<vmem_shared>>
      %dma_start3A_683 = tpu.memref_slice %arg11[%dma_start3A_674] : memref<8x!tpu.dma_semaphore, #tpu.memory_space<semaphore_mem>> -> memref<1x!tpu.dma_semaphore, #tpu.memory_space<semaphore_mem>>
      %dma_start3A_684 = tpu.memref_squeeze %dma_start3A_683 : memref<1x!tpu.dma_semaphore, #tpu.memory_space<semaphore_mem>> -> memref<!tpu.dma_semaphore, #tpu.memory_space<semaphore_mem>>
      tpu.enqueue_indirect_dma source(%dma_start3A_678 : memref<128x32xf32, #tpu.memory_space<vmem>>) target(%dma_start3A_682 : memref<10112x32xf32, #tpu.memory_space<vmem_shared>>) offsets(%dma_start3A_679 : memref<128xi32, #tpu.memory_space<vmem>>) semaphore(%dma_start3A_684 : memref<!tpu.dma_semaphore, #tpu.memory_space<semaphore_mem>>) {add = true}
      %lt3A_685 = arith.constant 19 : i32
      %lt3A_686 = arith.cmpi slt, %scan3A_582, %lt3A_685 : i32
      %convert_element_type3A_687 = arith.extui %lt3A_686 : i1 to i32
      %cond3A_688 = arith.constant 0 : i32
      %cond3A_689 = arith.cmpi ne, %convert_element_type3A_687, %cond3A_688 : i32
      scf.if %cond3A_689 {
        %mul3A_875 = arith.constant 128 : i32
        %mul3A_876 = arith.muli %add3A_656, %mul3A_875 : i32
        %dma_wait3A_877 = arith.constant 2 : i32
        %dma_wait3A_878 = arith.constant 2 : i32
        %dma_wait3A_879 = arith.constant 0 : i32
        %dma_wait3A_880 = arith.constant 0 : i32
        %dma_wait3A_881 = tpu.memref_slice %arg9[%dma_wait3A_877, %dma_wait3A_879, %dma_wait3A_880] : memref<8x128x32xf32, #tpu.memory_space<vmem>> -> memref<1x128x32xf32, #tpu.memory_space<vmem>>
        %dma_wait3A_882 = tpu.memref_squeeze %dma_wait3A_881 : memref<1x128x32xf32, #tpu.memory_space<vmem>> -> memref<128x32xf32, #tpu.memory_space<vmem>>
        %dma_wait3A_883 = tpu.memref_slice %arg8[%mul3A_876] : memref<20480xi32, #tpu.memory_space<vmem>> -> memref<128xi32, #tpu.memory_space<vmem>>
        %dma_wait3A_884 = arith.constant 0 : i32
        %dma_wait3A_885 = arith.constant 0 : i32
        %dma_wait3A_886 = tpu.memref_slice %arg5[%dma_wait3A_884, %dma_wait3A_885] : memref<10112x32xf32, #tpu.memory_space<vmem_shared>> -> memref<10112x32xf32, #tpu.memory_space<vmem_shared>>
        %dma_wait3A_887 = tpu.memref_slice %arg11[%dma_wait3A_878] : memref<8x!tpu.dma_semaphore, #tpu.memory_space<semaphore_mem>> -> memref<1x!tpu.dma_semaphore, #tpu.memory_space<semaphore_mem>>
        %dma_wait3A_888 = tpu.memref_squeeze %dma_wait3A_887 : memref<1x!tpu.dma_semaphore, #tpu.memory_space<semaphore_mem>> -> memref<!tpu.dma_semaphore, #tpu.memory_space<semaphore_mem>>
        tpu.wait_indirect_dma semaphore(%dma_wait3A_888 : memref<!tpu.dma_semaphore, #tpu.memory_space<semaphore_mem>>) src(%dma_wait3A_882 : memref<128x32xf32, #tpu.memory_space<vmem>>) dst(%dma_wait3A_886 : memref<10112x32xf32, #tpu.memory_space<vmem_shared>>)
        %add3A_889 = arith.constant 8 : i32
        %add3A_890 = arith.addi %add3A_656, %add3A_889 : i32
        %mul3A_891 = arith.constant 128 : i32
        %mul3A_892 = arith.muli %add3A_890, %mul3A_891 : i32
        %dma_start3A_893 = arith.constant 2 : i32
        %dma_start3A_894 = arith.constant 2 : i32
        %dma_start3A_895 = arith.constant 0 : i32
        %dma_start3A_896 = arith.constant 0 : i32
        %dma_start3A_897 = tpu.memref_slice %arg9[%dma_start3A_893, %dma_start3A_895, %dma_start3A_896] : memref<8x128x32xf32, #tpu.memory_space<vmem>> -> memref<1x128x32xf32, #tpu.memory_space<vmem>>
        %dma_start3A_898 = tpu.memref_squeeze %dma_start3A_897 : memref<1x128x32xf32, #tpu.memory_space<vmem>> -> memref<128x32xf32, #tpu.memory_space<vmem>>
        %dma_start3A_899 = tpu.memref_slice %arg7[%mul3A_892] : memref<20480xi32, #tpu.memory_space<vmem>> -> memref<128xi32, #tpu.memory_space<vmem>>
        %dma_start3A_900 = arith.constant 0 : i32
        %dma_start3A_901 = arith.constant 0 : i32
        %dma_start3A_902 = tpu.memref_slice %arg6[%dma_start3A_900, %dma_start3A_901] : memref<10112x32xf32, #tpu.memory_space<vmem_shared>> -> memref<10112x32xf32, #tpu.memory_space<vmem_shared>>
        %dma_start3A_903 = tpu.memref_slice %arg10[%dma_start3A_894] : memref<8x!tpu.dma_semaphore, #tpu.memory_space<semaphore_mem>> -> memref<1x!tpu.dma_semaphore, #tpu.memory_space<semaphore_mem>>
        %dma_start3A_904 = tpu.memref_squeeze %dma_start3A_903 : memref<1x!tpu.dma_semaphore, #tpu.memory_space<semaphore_mem>> -> memref<!tpu.dma_semaphore, #tpu.memory_space<semaphore_mem>>
        tpu.enqueue_indirect_dma source(%dma_start3A_902 : memref<10112x32xf32, #tpu.memory_space<vmem_shared>>) target(%dma_start3A_898 : memref<128x32xf32, #tpu.memory_space<vmem>>) offsets(%dma_start3A_899 : memref<128xi32, #tpu.memory_space<vmem>>) semaphore(%dma_start3A_904 : memref<!tpu.dma_semaphore, #tpu.memory_space<semaphore_mem>>)
      } else {
      }
      %mul3A_690 = arith.constant 8 : i32
      %mul3A_691 = arith.muli %scan3A_582, %mul3A_690 : i32
      %add3A_692 = arith.constant 3 : i32
      %add3A_693 = arith.addi %mul3A_691, %add3A_692 : i32
      %mul3A_694 = arith.constant 128 : i32
      %mul3A_695 = arith.muli %add3A_693, %mul3A_694 : i32
      %dma_wait3A_696 = arith.constant 3 : i32
      %dma_wait3A_697 = arith.constant 3 : i32
      %dma_wait3A_698 = arith.constant 0 : i32
      %dma_wait3A_699 = arith.constant 0 : i32
      %dma_wait3A_700 = tpu.memref_slice %arg9[%dma_wait3A_696, %dma_wait3A_698, %dma_wait3A_699] : memref<8x128x32xf32, #tpu.memory_space<vmem>> -> memref<1x128x32xf32, #tpu.memory_space<vmem>>
      %dma_wait3A_701 = tpu.memref_squeeze %dma_wait3A_700 : memref<1x128x32xf32, #tpu.memory_space<vmem>> -> memref<128x32xf32, #tpu.memory_space<vmem>>
      %dma_wait3A_702 = tpu.memref_slice %arg7[%mul3A_695] : memref<20480xi32, #tpu.memory_space<vmem>> -> memref<128xi32, #tpu.memory_space<vmem>>
      %dma_wait3A_703 = arith.constant 0 : i32
      %dma_wait3A_704 = arith.constant 0 : i32
      %dma_wait3A_705 = tpu.memref_slice %arg6[%dma_wait3A_703, %dma_wait3A_704] : memref<10112x32xf32, #tpu.memory_space<vmem_shared>> -> memref<10112x32xf32, #tpu.memory_space<vmem_shared>>
      %dma_wait3A_706 = tpu.memref_slice %arg10[%dma_wait3A_697] : memref<8x!tpu.dma_semaphore, #tpu.memory_space<semaphore_mem>> -> memref<1x!tpu.dma_semaphore, #tpu.memory_space<semaphore_mem>>
      %dma_wait3A_707 = tpu.memref_squeeze %dma_wait3A_706 : memref<1x!tpu.dma_semaphore, #tpu.memory_space<semaphore_mem>> -> memref<!tpu.dma_semaphore, #tpu.memory_space<semaphore_mem>>
      tpu.wait_indirect_dma semaphore(%dma_wait3A_707 : memref<!tpu.dma_semaphore, #tpu.memory_space<semaphore_mem>>) src(%dma_wait3A_705 : memref<10112x32xf32, #tpu.memory_space<vmem_shared>>) dst(%dma_wait3A_701 : memref<128x32xf32, #tpu.memory_space<vmem>>)
      %mul3A_708 = arith.constant 128 : i32
      %mul3A_709 = arith.muli %add3A_693, %mul3A_708 : i32
      %dma_start3A_710 = arith.constant 3 : i32
      %dma_start3A_711 = arith.constant 3 : i32
      %dma_start3A_712 = arith.constant 0 : i32
      %dma_start3A_713 = arith.constant 0 : i32
      %dma_start3A_714 = tpu.memref_slice %arg9[%dma_start3A_710, %dma_start3A_712, %dma_start3A_713] : memref<8x128x32xf32, #tpu.memory_space<vmem>> -> memref<1x128x32xf32, #tpu.memory_space<vmem>>
      %dma_start3A_715 = tpu.memref_squeeze %dma_start3A_714 : memref<1x128x32xf32, #tpu.memory_space<vmem>> -> memref<128x32xf32, #tpu.memory_space<vmem>>
      %dma_start3A_716 = tpu.memref_slice %arg8[%mul3A_709] : memref<20480xi32, #tpu.memory_space<vmem>> -> memref<128xi32, #tpu.memory_space<vmem>>
      %dma_start3A_717 = arith.constant 0 : i32
      %dma_start3A_718 = arith.constant 0 : i32
      %dma_start3A_719 = tpu.memref_slice %arg5[%dma_start3A_717, %dma_start3A_718] : memref<10112x32xf32, #tpu.memory_space<vmem_shared>> -> memref<10112x32xf32, #tpu.memory_space<vmem_shared>>
      %dma_start3A_720 = tpu.memref_slice %arg11[%dma_start3A_711] : memref<8x!tpu.dma_semaphore, #tpu.memory_space<semaphore_mem>> -> memref<1x!tpu.dma_semaphore, #tpu.memory_space<semaphore_mem>>
      %dma_start3A_721 = tpu.memref_squeeze %dma_start3A_720 : memref<1x!tpu.dma_semaphore, #tpu.memory_space<semaphore_mem>> -> memref<!tpu.dma_semaphore, #tpu.memory_space<semaphore_mem>>
      tpu.enqueue_indirect_dma source(%dma_start3A_715 : memref<128x32xf32, #tpu.memory_space<vmem>>) target(%dma_start3A_719 : memref<10112x32xf32, #tpu.memory_space<vmem_shared>>) offsets(%dma_start3A_716 : memref<128xi32, #tpu.memory_space<vmem>>) semaphore(%dma_start3A_721 : memref<!tpu.dma_semaphore, #tpu.memory_space<semaphore_mem>>) {add = true}
      %lt3A_722 = arith.constant 19 : i32
      %lt3A_723 = arith.cmpi slt, %scan3A_582, %lt3A_722 : i32
      %convert_element_type3A_724 = arith.extui %lt3A_723 : i1 to i32
      %cond3A_725 = arith.constant 0 : i32
      %cond3A_726 = arith.cmpi ne, %convert_element_type3A_724, %cond3A_725 : i32
      scf.if %cond3A_726 {
        %mul3A_875 = arith.constant 128 : i32
        %mul3A_876 = arith.muli %add3A_693, %mul3A_875 : i32
        %dma_wait3A_877 = arith.constant 3 : i32
        %dma_wait3A_878 = arith.constant 3 : i32
        %dma_wait3A_879 = arith.constant 0 : i32
        %dma_wait3A_880 = arith.constant 0 : i32
        %dma_wait3A_881 = tpu.memref_slice %arg9[%dma_wait3A_877, %dma_wait3A_879, %dma_wait3A_880] : memref<8x128x32xf32, #tpu.memory_space<vmem>> -> memref<1x128x32xf32, #tpu.memory_space<vmem>>
        %dma_wait3A_882 = tpu.memref_squeeze %dma_wait3A_881 : memref<1x128x32xf32, #tpu.memory_space<vmem>> -> memref<128x32xf32, #tpu.memory_space<vmem>>
        %dma_wait3A_883 = tpu.memref_slice %arg8[%mul3A_876] : memref<20480xi32, #tpu.memory_space<vmem>> -> memref<128xi32, #tpu.memory_space<vmem>>
        %dma_wait3A_884 = arith.constant 0 : i32
        %dma_wait3A_885 = arith.constant 0 : i32
        %dma_wait3A_886 = tpu.memref_slice %arg5[%dma_wait3A_884, %dma_wait3A_885] : memref<10112x32xf32, #tpu.memory_space<vmem_shared>> -> memref<10112x32xf32, #tpu.memory_space<vmem_shared>>
        %dma_wait3A_887 = tpu.memref_slice %arg11[%dma_wait3A_878] : memref<8x!tpu.dma_semaphore, #tpu.memory_space<semaphore_mem>> -> memref<1x!tpu.dma_semaphore, #tpu.memory_space<semaphore_mem>>
        %dma_wait3A_888 = tpu.memref_squeeze %dma_wait3A_887 : memref<1x!tpu.dma_semaphore, #tpu.memory_space<semaphore_mem>> -> memref<!tpu.dma_semaphore, #tpu.memory_space<semaphore_mem>>
        tpu.wait_indirect_dma semaphore(%dma_wait3A_888 : memref<!tpu.dma_semaphore, #tpu.memory_space<semaphore_mem>>) src(%dma_wait3A_882 : memref<128x32xf32, #tpu.memory_space<vmem>>) dst(%dma_wait3A_886 : memref<10112x32xf32, #tpu.memory_space<vmem_shared>>)
        %add3A_889 = arith.constant 8 : i32
        %add3A_890 = arith.addi %add3A_693, %add3A_889 : i32
        %mul3A_891 = arith.constant 128 : i32
        %mul3A_892 = arith.muli %add3A_890, %mul3A_891 : i32
        %dma_start3A_893 = arith.constant 3 : i32
        %dma_start3A_894 = arith.constant 3 : i32
        %dma_start3A_895 = arith.constant 0 : i32
        %dma_start3A_896 = arith.constant 0 : i32
        %dma_start3A_897 = tpu.memref_slice %arg9[%dma_start3A_893, %dma_start3A_895, %dma_start3A_896] : memref<8x128x32xf32, #tpu.memory_space<vmem>> -> memref<1x128x32xf32, #tpu.memory_space<vmem>>
        %dma_start3A_898 = tpu.memref_squeeze %dma_start3A_897 : memref<1x128x32xf32, #tpu.memory_space<vmem>> -> memref<128x32xf32, #tpu.memory_space<vmem>>
        %dma_start3A_899 = tpu.memref_slice %arg7[%mul3A_892] : memref<20480xi32, #tpu.memory_space<vmem>> -> memref<128xi32, #tpu.memory_space<vmem>>
        %dma_start3A_900 = arith.constant 0 : i32
        %dma_start3A_901 = arith.constant 0 : i32
        %dma_start3A_902 = tpu.memref_slice %arg6[%dma_start3A_900, %dma_start3A_901] : memref<10112x32xf32, #tpu.memory_space<vmem_shared>> -> memref<10112x32xf32, #tpu.memory_space<vmem_shared>>
        %dma_start3A_903 = tpu.memref_slice %arg10[%dma_start3A_894] : memref<8x!tpu.dma_semaphore, #tpu.memory_space<semaphore_mem>> -> memref<1x!tpu.dma_semaphore, #tpu.memory_space<semaphore_mem>>
        %dma_start3A_904 = tpu.memref_squeeze %dma_start3A_903 : memref<1x!tpu.dma_semaphore, #tpu.memory_space<semaphore_mem>> -> memref<!tpu.dma_semaphore, #tpu.memory_space<semaphore_mem>>
        tpu.enqueue_indirect_dma source(%dma_start3A_902 : memref<10112x32xf32, #tpu.memory_space<vmem_shared>>) target(%dma_start3A_898 : memref<128x32xf32, #tpu.memory_space<vmem>>) offsets(%dma_start3A_899 : memref<128xi32, #tpu.memory_space<vmem>>) semaphore(%dma_start3A_904 : memref<!tpu.dma_semaphore, #tpu.memory_space<semaphore_mem>>)
      } else {
      }
      %mul3A_727 = arith.constant 8 : i32
      %mul3A_728 = arith.muli %scan3A_582, %mul3A_727 : i32
      %add3A_729 = arith.constant 4 : i32
      %add3A_730 = arith.addi %mul3A_728, %add3A_729 : i32
      %mul3A_731 = arith.constant 128 : i32
      %mul3A_732 = arith.muli %add3A_730, %mul3A_731 : i32
      %dma_wait3A_733 = arith.constant 4 : i32
      %dma_wait3A_734 = arith.constant 4 : i32
      %dma_wait3A_735 = arith.constant 0 : i32
      %dma_wait3A_736 = arith.constant 0 : i32
      %dma_wait3A_737 = tpu.memref_slice %arg9[%dma_wait3A_733, %dma_wait3A_735, %dma_wait3A_736] : memref<8x128x32xf32, #tpu.memory_space<vmem>> -> memref<1x128x32xf32, #tpu.memory_space<vmem>>
      %dma_wait3A_738 = tpu.memref_squeeze %dma_wait3A_737 : memref<1x128x32xf32, #tpu.memory_space<vmem>> -> memref<128x32xf32, #tpu.memory_space<vmem>>
      %dma_wait3A_739 = tpu.memref_slice %arg7[%mul3A_732] : memref<20480xi32, #tpu.memory_space<vmem>> -> memref<128xi32, #tpu.memory_space<vmem>>
      %dma_wait3A_740 = arith.constant 0 : i32
      %dma_wait3A_741 = arith.constant 0 : i32
      %dma_wait3A_742 = tpu.memref_slice %arg6[%dma_wait3A_740, %dma_wait3A_741] : memref<10112x32xf32, #tpu.memory_space<vmem_shared>> -> memref<10112x32xf32, #tpu.memory_space<vmem_shared>>
      %dma_wait3A_743 = tpu.memref_slice %arg10[%dma_wait3A_734] : memref<8x!tpu.dma_semaphore, #tpu.memory_space<semaphore_mem>> -> memref<1x!tpu.dma_semaphore, #tpu.memory_space<semaphore_mem>>
      %dma_wait3A_744 = tpu.memref_squeeze %dma_wait3A_743 : memref<1x!tpu.dma_semaphore, #tpu.memory_space<semaphore_mem>> -> memref<!tpu.dma_semaphore, #tpu.memory_space<semaphore_mem>>
      tpu.wait_indirect_dma semaphore(%dma_wait3A_744 : memref<!tpu.dma_semaphore, #tpu.memory_space<semaphore_mem>>) src(%dma_wait3A_742 : memref<10112x32xf32, #tpu.memory_space<vmem_shared>>) dst(%dma_wait3A_738 : memref<128x32xf32, #tpu.memory_space<vmem>>)
      %mul3A_745 = arith.constant 128 : i32
      %mul3A_746 = arith.muli %add3A_730, %mul3A_745 : i32
      %dma_start3A_747 = arith.constant 4 : i32
      %dma_start3A_748 = arith.constant 4 : i32
      %dma_start3A_749 = arith.constant 0 : i32
      %dma_start3A_750 = arith.constant 0 : i32
      %dma_start3A_751 = tpu.memref_slice %arg9[%dma_start3A_747, %dma_start3A_749, %dma_start3A_750] : memref<8x128x32xf32, #tpu.memory_space<vmem>> -> memref<1x128x32xf32, #tpu.memory_space<vmem>>
      %dma_start3A_752 = tpu.memref_squeeze %dma_start3A_751 : memref<1x128x32xf32, #tpu.memory_space<vmem>> -> memref<128x32xf32, #tpu.memory_space<vmem>>
      %dma_start3A_753 = tpu.memref_slice %arg8[%mul3A_746] : memref<20480xi32, #tpu.memory_space<vmem>> -> memref<128xi32, #tpu.memory_space<vmem>>
      %dma_start3A_754 = arith.constant 0 : i32
      %dma_start3A_755 = arith.constant 0 : i32
      %dma_start3A_756 = tpu.memref_slice %arg5[%dma_start3A_754, %dma_start3A_755] : memref<10112x32xf32, #tpu.memory_space<vmem_shared>> -> memref<10112x32xf32, #tpu.memory_space<vmem_shared>>
      %dma_start3A_757 = tpu.memref_slice %arg11[%dma_start3A_748] : memref<8x!tpu.dma_semaphore, #tpu.memory_space<semaphore_mem>> -> memref<1x!tpu.dma_semaphore, #tpu.memory_space<semaphore_mem>>
      %dma_start3A_758 = tpu.memref_squeeze %dma_start3A_757 : memref<1x!tpu.dma_semaphore, #tpu.memory_space<semaphore_mem>> -> memref<!tpu.dma_semaphore, #tpu.memory_space<semaphore_mem>>
      tpu.enqueue_indirect_dma source(%dma_start3A_752 : memref<128x32xf32, #tpu.memory_space<vmem>>) target(%dma_start3A_756 : memref<10112x32xf32, #tpu.memory_space<vmem_shared>>) offsets(%dma_start3A_753 : memref<128xi32, #tpu.memory_space<vmem>>) semaphore(%dma_start3A_758 : memref<!tpu.dma_semaphore, #tpu.memory_space<semaphore_mem>>) {add = true}
      %lt3A_759 = arith.constant 19 : i32
      %lt3A_760 = arith.cmpi slt, %scan3A_582, %lt3A_759 : i32
      %convert_element_type3A_761 = arith.extui %lt3A_760 : i1 to i32
      %cond3A_762 = arith.constant 0 : i32
      %cond3A_763 = arith.cmpi ne, %convert_element_type3A_761, %cond3A_762 : i32
      scf.if %cond3A_763 {
        %mul3A_875 = arith.constant 128 : i32
        %mul3A_876 = arith.muli %add3A_730, %mul3A_875 : i32
        %dma_wait3A_877 = arith.constant 4 : i32
        %dma_wait3A_878 = arith.constant 4 : i32
        %dma_wait3A_879 = arith.constant 0 : i32
        %dma_wait3A_880 = arith.constant 0 : i32
        %dma_wait3A_881 = tpu.memref_slice %arg9[%dma_wait3A_877, %dma_wait3A_879, %dma_wait3A_880] : memref<8x128x32xf32, #tpu.memory_space<vmem>> -> memref<1x128x32xf32, #tpu.memory_space<vmem>>
        %dma_wait3A_882 = tpu.memref_squeeze %dma_wait3A_881 : memref<1x128x32xf32, #tpu.memory_space<vmem>> -> memref<128x32xf32, #tpu.memory_space<vmem>>
        %dma_wait3A_883 = tpu.memref_slice %arg8[%mul3A_876] : memref<20480xi32, #tpu.memory_space<vmem>> -> memref<128xi32, #tpu.memory_space<vmem>>
        %dma_wait3A_884 = arith.constant 0 : i32
        %dma_wait3A_885 = arith.constant 0 : i32
        %dma_wait3A_886 = tpu.memref_slice %arg5[%dma_wait3A_884, %dma_wait3A_885] : memref<10112x32xf32, #tpu.memory_space<vmem_shared>> -> memref<10112x32xf32, #tpu.memory_space<vmem_shared>>
        %dma_wait3A_887 = tpu.memref_slice %arg11[%dma_wait3A_878] : memref<8x!tpu.dma_semaphore, #tpu.memory_space<semaphore_mem>> -> memref<1x!tpu.dma_semaphore, #tpu.memory_space<semaphore_mem>>
        %dma_wait3A_888 = tpu.memref_squeeze %dma_wait3A_887 : memref<1x!tpu.dma_semaphore, #tpu.memory_space<semaphore_mem>> -> memref<!tpu.dma_semaphore, #tpu.memory_space<semaphore_mem>>
        tpu.wait_indirect_dma semaphore(%dma_wait3A_888 : memref<!tpu.dma_semaphore, #tpu.memory_space<semaphore_mem>>) src(%dma_wait3A_882 : memref<128x32xf32, #tpu.memory_space<vmem>>) dst(%dma_wait3A_886 : memref<10112x32xf32, #tpu.memory_space<vmem_shared>>)
        %add3A_889 = arith.constant 8 : i32
        %add3A_890 = arith.addi %add3A_730, %add3A_889 : i32
        %mul3A_891 = arith.constant 128 : i32
        %mul3A_892 = arith.muli %add3A_890, %mul3A_891 : i32
        %dma_start3A_893 = arith.constant 4 : i32
        %dma_start3A_894 = arith.constant 4 : i32
        %dma_start3A_895 = arith.constant 0 : i32
        %dma_start3A_896 = arith.constant 0 : i32
        %dma_start3A_897 = tpu.memref_slice %arg9[%dma_start3A_893, %dma_start3A_895, %dma_start3A_896] : memref<8x128x32xf32, #tpu.memory_space<vmem>> -> memref<1x128x32xf32, #tpu.memory_space<vmem>>
        %dma_start3A_898 = tpu.memref_squeeze %dma_start3A_897 : memref<1x128x32xf32, #tpu.memory_space<vmem>> -> memref<128x32xf32, #tpu.memory_space<vmem>>
        %dma_start3A_899 = tpu.memref_slice %arg7[%mul3A_892] : memref<20480xi32, #tpu.memory_space<vmem>> -> memref<128xi32, #tpu.memory_space<vmem>>
        %dma_start3A_900 = arith.constant 0 : i32
        %dma_start3A_901 = arith.constant 0 : i32
        %dma_start3A_902 = tpu.memref_slice %arg6[%dma_start3A_900, %dma_start3A_901] : memref<10112x32xf32, #tpu.memory_space<vmem_shared>> -> memref<10112x32xf32, #tpu.memory_space<vmem_shared>>
        %dma_start3A_903 = tpu.memref_slice %arg10[%dma_start3A_894] : memref<8x!tpu.dma_semaphore, #tpu.memory_space<semaphore_mem>> -> memref<1x!tpu.dma_semaphore, #tpu.memory_space<semaphore_mem>>
        %dma_start3A_904 = tpu.memref_squeeze %dma_start3A_903 : memref<1x!tpu.dma_semaphore, #tpu.memory_space<semaphore_mem>> -> memref<!tpu.dma_semaphore, #tpu.memory_space<semaphore_mem>>
        tpu.enqueue_indirect_dma source(%dma_start3A_902 : memref<10112x32xf32, #tpu.memory_space<vmem_shared>>) target(%dma_start3A_898 : memref<128x32xf32, #tpu.memory_space<vmem>>) offsets(%dma_start3A_899 : memref<128xi32, #tpu.memory_space<vmem>>) semaphore(%dma_start3A_904 : memref<!tpu.dma_semaphore, #tpu.memory_space<semaphore_mem>>)
      } else {
      }
      %mul3A_764 = arith.constant 8 : i32
      %mul3A_765 = arith.muli %scan3A_582, %mul3A_764 : i32
      %add3A_766 = arith.constant 5 : i32
      %add3A_767 = arith.addi %mul3A_765, %add3A_766 : i32
      %mul3A_768 = arith.constant 128 : i32
      %mul3A_769 = arith.muli %add3A_767, %mul3A_768 : i32
      %dma_wait3A_770 = arith.constant 5 : i32
      %dma_wait3A_771 = arith.constant 5 : i32
      %dma_wait3A_772 = arith.constant 0 : i32
      %dma_wait3A_773 = arith.constant 0 : i32
      %dma_wait3A_774 = tpu.memref_slice %arg9[%dma_wait3A_770, %dma_wait3A_772, %dma_wait3A_773] : memref<8x128x32xf32, #tpu.memory_space<vmem>> -> memref<1x128x32xf32, #tpu.memory_space<vmem>>
      %dma_wait3A_775 = tpu.memref_squeeze %dma_wait3A_774 : memref<1x128x32xf32, #tpu.memory_space<vmem>> -> memref<128x32xf32, #tpu.memory_space<vmem>>
      %dma_wait3A_776 = tpu.memref_slice %arg7[%mul3A_769] : memref<20480xi32, #tpu.memory_space<vmem>> -> memref<128xi32, #tpu.memory_space<vmem>>
      %dma_wait3A_777 = arith.constant 0 : i32
      %dma_wait3A_778 = arith.constant 0 : i32
      %dma_wait3A_779 = tpu.memref_slice %arg6[%dma_wait3A_777, %dma_wait3A_778] : memref<10112x32xf32, #tpu.memory_space<vmem_shared>> -> memref<10112x32xf32, #tpu.memory_space<vmem_shared>>
      %dma_wait3A_780 = tpu.memref_slice %arg10[%dma_wait3A_771] : memref<8x!tpu.dma_semaphore, #tpu.memory_space<semaphore_mem>> -> memref<1x!tpu.dma_semaphore, #tpu.memory_space<semaphore_mem>>
      %dma_wait3A_781 = tpu.memref_squeeze %dma_wait3A_780 : memref<1x!tpu.dma_semaphore, #tpu.memory_space<semaphore_mem>> -> memref<!tpu.dma_semaphore, #tpu.memory_space<semaphore_mem>>
      tpu.wait_indirect_dma semaphore(%dma_wait3A_781 : memref<!tpu.dma_semaphore, #tpu.memory_space<semaphore_mem>>) src(%dma_wait3A_779 : memref<10112x32xf32, #tpu.memory_space<vmem_shared>>) dst(%dma_wait3A_775 : memref<128x32xf32, #tpu.memory_space<vmem>>)
      %mul3A_782 = arith.constant 128 : i32
      %mul3A_783 = arith.muli %add3A_767, %mul3A_782 : i32
      %dma_start3A_784 = arith.constant 5 : i32
      %dma_start3A_785 = arith.constant 5 : i32
      %dma_start3A_786 = arith.constant 0 : i32
      %dma_start3A_787 = arith.constant 0 : i32
      %dma_start3A_788 = tpu.memref_slice %arg9[%dma_start3A_784, %dma_start3A_786, %dma_start3A_787] : memref<8x128x32xf32, #tpu.memory_space<vmem>> -> memref<1x128x32xf32, #tpu.memory_space<vmem>>
      %dma_start3A_789 = tpu.memref_squeeze %dma_start3A_788 : memref<1x128x32xf32, #tpu.memory_space<vmem>> -> memref<128x32xf32, #tpu.memory_space<vmem>>
      %dma_start3A_790 = tpu.memref_slice %arg8[%mul3A_783] : memref<20480xi32, #tpu.memory_space<vmem>> -> memref<128xi32, #tpu.memory_space<vmem>>
      %dma_start3A_791 = arith.constant 0 : i32
      %dma_start3A_792 = arith.constant 0 : i32
      %dma_start3A_793 = tpu.memref_slice %arg5[%dma_start3A_791, %dma_start3A_792] : memref<10112x32xf32, #tpu.memory_space<vmem_shared>> -> memref<10112x32xf32, #tpu.memory_space<vmem_shared>>
      %dma_start3A_794 = tpu.memref_slice %arg11[%dma_start3A_785] : memref<8x!tpu.dma_semaphore, #tpu.memory_space<semaphore_mem>> -> memref<1x!tpu.dma_semaphore, #tpu.memory_space<semaphore_mem>>
      %dma_start3A_795 = tpu.memref_squeeze %dma_start3A_794 : memref<1x!tpu.dma_semaphore, #tpu.memory_space<semaphore_mem>> -> memref<!tpu.dma_semaphore, #tpu.memory_space<semaphore_mem>>
      tpu.enqueue_indirect_dma source(%dma_start3A_789 : memref<128x32xf32, #tpu.memory_space<vmem>>) target(%dma_start3A_793 : memref<10112x32xf32, #tpu.memory_space<vmem_shared>>) offsets(%dma_start3A_790 : memref<128xi32, #tpu.memory_space<vmem>>) semaphore(%dma_start3A_795 : memref<!tpu.dma_semaphore, #tpu.memory_space<semaphore_mem>>) {add = true}
      %lt3A_796 = arith.constant 19 : i32
      %lt3A_797 = arith.cmpi slt, %scan3A_582, %lt3A_796 : i32
      %convert_element_type3A_798 = arith.extui %lt3A_797 : i1 to i32
      %cond3A_799 = arith.constant 0 : i32
      %cond3A_800 = arith.cmpi ne, %convert_element_type3A_798, %cond3A_799 : i32
      scf.if %cond3A_800 {
        %mul3A_875 = arith.constant 128 : i32
        %mul3A_876 = arith.muli %add3A_767, %mul3A_875 : i32
        %dma_wait3A_877 = arith.constant 5 : i32
        %dma_wait3A_878 = arith.constant 5 : i32
        %dma_wait3A_879 = arith.constant 0 : i32
        %dma_wait3A_880 = arith.constant 0 : i32
        %dma_wait3A_881 = tpu.memref_slice %arg9[%dma_wait3A_877, %dma_wait3A_879, %dma_wait3A_880] : memref<8x128x32xf32, #tpu.memory_space<vmem>> -> memref<1x128x32xf32, #tpu.memory_space<vmem>>
        %dma_wait3A_882 = tpu.memref_squeeze %dma_wait3A_881 : memref<1x128x32xf32, #tpu.memory_space<vmem>> -> memref<128x32xf32, #tpu.memory_space<vmem>>
        %dma_wait3A_883 = tpu.memref_slice %arg8[%mul3A_876] : memref<20480xi32, #tpu.memory_space<vmem>> -> memref<128xi32, #tpu.memory_space<vmem>>
        %dma_wait3A_884 = arith.constant 0 : i32
        %dma_wait3A_885 = arith.constant 0 : i32
        %dma_wait3A_886 = tpu.memref_slice %arg5[%dma_wait3A_884, %dma_wait3A_885] : memref<10112x32xf32, #tpu.memory_space<vmem_shared>> -> memref<10112x32xf32, #tpu.memory_space<vmem_shared>>
        %dma_wait3A_887 = tpu.memref_slice %arg11[%dma_wait3A_878] : memref<8x!tpu.dma_semaphore, #tpu.memory_space<semaphore_mem>> -> memref<1x!tpu.dma_semaphore, #tpu.memory_space<semaphore_mem>>
        %dma_wait3A_888 = tpu.memref_squeeze %dma_wait3A_887 : memref<1x!tpu.dma_semaphore, #tpu.memory_space<semaphore_mem>> -> memref<!tpu.dma_semaphore, #tpu.memory_space<semaphore_mem>>
        tpu.wait_indirect_dma semaphore(%dma_wait3A_888 : memref<!tpu.dma_semaphore, #tpu.memory_space<semaphore_mem>>) src(%dma_wait3A_882 : memref<128x32xf32, #tpu.memory_space<vmem>>) dst(%dma_wait3A_886 : memref<10112x32xf32, #tpu.memory_space<vmem_shared>>)
        %add3A_889 = arith.constant 8 : i32
        %add3A_890 = arith.addi %add3A_767, %add3A_889 : i32
        %mul3A_891 = arith.constant 128 : i32
        %mul3A_892 = arith.muli %add3A_890, %mul3A_891 : i32
        %dma_start3A_893 = arith.constant 5 : i32
        %dma_start3A_894 = arith.constant 5 : i32
        %dma_start3A_895 = arith.constant 0 : i32
        %dma_start3A_896 = arith.constant 0 : i32
        %dma_start3A_897 = tpu.memref_slice %arg9[%dma_start3A_893, %dma_start3A_895, %dma_start3A_896] : memref<8x128x32xf32, #tpu.memory_space<vmem>> -> memref<1x128x32xf32, #tpu.memory_space<vmem>>
        %dma_start3A_898 = tpu.memref_squeeze %dma_start3A_897 : memref<1x128x32xf32, #tpu.memory_space<vmem>> -> memref<128x32xf32, #tpu.memory_space<vmem>>
        %dma_start3A_899 = tpu.memref_slice %arg7[%mul3A_892] : memref<20480xi32, #tpu.memory_space<vmem>> -> memref<128xi32, #tpu.memory_space<vmem>>
        %dma_start3A_900 = arith.constant 0 : i32
        %dma_start3A_901 = arith.constant 0 : i32
        %dma_start3A_902 = tpu.memref_slice %arg6[%dma_start3A_900, %dma_start3A_901] : memref<10112x32xf32, #tpu.memory_space<vmem_shared>> -> memref<10112x32xf32, #tpu.memory_space<vmem_shared>>
        %dma_start3A_903 = tpu.memref_slice %arg10[%dma_start3A_894] : memref<8x!tpu.dma_semaphore, #tpu.memory_space<semaphore_mem>> -> memref<1x!tpu.dma_semaphore, #tpu.memory_space<semaphore_mem>>
        %dma_start3A_904 = tpu.memref_squeeze %dma_start3A_903 : memref<1x!tpu.dma_semaphore, #tpu.memory_space<semaphore_mem>> -> memref<!tpu.dma_semaphore, #tpu.memory_space<semaphore_mem>>
        tpu.enqueue_indirect_dma source(%dma_start3A_902 : memref<10112x32xf32, #tpu.memory_space<vmem_shared>>) target(%dma_start3A_898 : memref<128x32xf32, #tpu.memory_space<vmem>>) offsets(%dma_start3A_899 : memref<128xi32, #tpu.memory_space<vmem>>) semaphore(%dma_start3A_904 : memref<!tpu.dma_semaphore, #tpu.memory_space<semaphore_mem>>)
      } else {
      }
      %mul3A_801 = arith.constant 8 : i32
      %mul3A_802 = arith.muli %scan3A_582, %mul3A_801 : i32
      %add3A_803 = arith.constant 6 : i32
      %add3A_804 = arith.addi %mul3A_802, %add3A_803 : i32
      %mul3A_805 = arith.constant 128 : i32
      %mul3A_806 = arith.muli %add3A_804, %mul3A_805 : i32
      %dma_wait3A_807 = arith.constant 6 : i32
      %dma_wait3A_808 = arith.constant 6 : i32
      %dma_wait3A_809 = arith.constant 0 : i32
      %dma_wait3A_810 = arith.constant 0 : i32
      %dma_wait3A_811 = tpu.memref_slice %arg9[%dma_wait3A_807, %dma_wait3A_809, %dma_wait3A_810] : memref<8x128x32xf32, #tpu.memory_space<vmem>> -> memref<1x128x32xf32, #tpu.memory_space<vmem>>
      %dma_wait3A_812 = tpu.memref_squeeze %dma_wait3A_811 : memref<1x128x32xf32, #tpu.memory_space<vmem>> -> memref<128x32xf32, #tpu.memory_space<vmem>>
      %dma_wait3A_813 = tpu.memref_slice %arg7[%mul3A_806] : memref<20480xi32, #tpu.memory_space<vmem>> -> memref<128xi32, #tpu.memory_space<vmem>>
      %dma_wait3A_814 = arith.constant 0 : i32
      %dma_wait3A_815 = arith.constant 0 : i32
      %dma_wait3A_816 = tpu.memref_slice %arg6[%dma_wait3A_814, %dma_wait3A_815] : memref<10112x32xf32, #tpu.memory_space<vmem_shared>> -> memref<10112x32xf32, #tpu.memory_space<vmem_shared>>
      %dma_wait3A_817 = tpu.memref_slice %arg10[%dma_wait3A_808] : memref<8x!tpu.dma_semaphore, #tpu.memory_space<semaphore_mem>> -> memref<1x!tpu.dma_semaphore, #tpu.memory_space<semaphore_mem>>
      %dma_wait3A_818 = tpu.memref_squeeze %dma_wait3A_817 : memref<1x!tpu.dma_semaphore, #tpu.memory_space<semaphore_mem>> -> memref<!tpu.dma_semaphore, #tpu.memory_space<semaphore_mem>>
      tpu.wait_indirect_dma semaphore(%dma_wait3A_818 : memref<!tpu.dma_semaphore, #tpu.memory_space<semaphore_mem>>) src(%dma_wait3A_816 : memref<10112x32xf32, #tpu.memory_space<vmem_shared>>) dst(%dma_wait3A_812 : memref<128x32xf32, #tpu.memory_space<vmem>>)
      %mul3A_819 = arith.constant 128 : i32
      %mul3A_820 = arith.muli %add3A_804, %mul3A_819 : i32
      %dma_start3A_821 = arith.constant 6 : i32
      %dma_start3A_822 = arith.constant 6 : i32
      %dma_start3A_823 = arith.constant 0 : i32
      %dma_start3A_824 = arith.constant 0 : i32
      %dma_start3A_825 = tpu.memref_slice %arg9[%dma_start3A_821, %dma_start3A_823, %dma_start3A_824] : memref<8x128x32xf32, #tpu.memory_space<vmem>> -> memref<1x128x32xf32, #tpu.memory_space<vmem>>
      %dma_start3A_826 = tpu.memref_squeeze %dma_start3A_825 : memref<1x128x32xf32, #tpu.memory_space<vmem>> -> memref<128x32xf32, #tpu.memory_space<vmem>>
      %dma_start3A_827 = tpu.memref_slice %arg8[%mul3A_820] : memref<20480xi32, #tpu.memory_space<vmem>> -> memref<128xi32, #tpu.memory_space<vmem>>
      %dma_start3A_828 = arith.constant 0 : i32
      %dma_start3A_829 = arith.constant 0 : i32
      %dma_start3A_830 = tpu.memref_slice %arg5[%dma_start3A_828, %dma_start3A_829] : memref<10112x32xf32, #tpu.memory_space<vmem_shared>> -> memref<10112x32xf32, #tpu.memory_space<vmem_shared>>
      %dma_start3A_831 = tpu.memref_slice %arg11[%dma_start3A_822] : memref<8x!tpu.dma_semaphore, #tpu.memory_space<semaphore_mem>> -> memref<1x!tpu.dma_semaphore, #tpu.memory_space<semaphore_mem>>
      %dma_start3A_832 = tpu.memref_squeeze %dma_start3A_831 : memref<1x!tpu.dma_semaphore, #tpu.memory_space<semaphore_mem>> -> memref<!tpu.dma_semaphore, #tpu.memory_space<semaphore_mem>>
      tpu.enqueue_indirect_dma source(%dma_start3A_826 : memref<128x32xf32, #tpu.memory_space<vmem>>) target(%dma_start3A_830 : memref<10112x32xf32, #tpu.memory_space<vmem_shared>>) offsets(%dma_start3A_827 : memref<128xi32, #tpu.memory_space<vmem>>) semaphore(%dma_start3A_832 : memref<!tpu.dma_semaphore, #tpu.memory_space<semaphore_mem>>) {add = true}
      %lt3A_833 = arith.constant 19 : i32
      %lt3A_834 = arith.cmpi slt, %scan3A_582, %lt3A_833 : i32
      %convert_element_type3A_835 = arith.extui %lt3A_834 : i1 to i32
      %cond3A_836 = arith.constant 0 : i32
      %cond3A_837 = arith.cmpi ne, %convert_element_type3A_835, %cond3A_836 : i32
      scf.if %cond3A_837 {
        %mul3A_875 = arith.constant 128 : i32
        %mul3A_876 = arith.muli %add3A_804, %mul3A_875 : i32
        %dma_wait3A_877 = arith.constant 6 : i32
        %dma_wait3A_878 = arith.constant 6 : i32
        %dma_wait3A_879 = arith.constant 0 : i32
        %dma_wait3A_880 = arith.constant 0 : i32
        %dma_wait3A_881 = tpu.memref_slice %arg9[%dma_wait3A_877, %dma_wait3A_879, %dma_wait3A_880] : memref<8x128x32xf32, #tpu.memory_space<vmem>> -> memref<1x128x32xf32, #tpu.memory_space<vmem>>
        %dma_wait3A_882 = tpu.memref_squeeze %dma_wait3A_881 : memref<1x128x32xf32, #tpu.memory_space<vmem>> -> memref<128x32xf32, #tpu.memory_space<vmem>>
        %dma_wait3A_883 = tpu.memref_slice %arg8[%mul3A_876] : memref<20480xi32, #tpu.memory_space<vmem>> -> memref<128xi32, #tpu.memory_space<vmem>>
        %dma_wait3A_884 = arith.constant 0 : i32
        %dma_wait3A_885 = arith.constant 0 : i32
        %dma_wait3A_886 = tpu.memref_slice %arg5[%dma_wait3A_884, %dma_wait3A_885] : memref<10112x32xf32, #tpu.memory_space<vmem_shared>> -> memref<10112x32xf32, #tpu.memory_space<vmem_shared>>
        %dma_wait3A_887 = tpu.memref_slice %arg11[%dma_wait3A_878] : memref<8x!tpu.dma_semaphore, #tpu.memory_space<semaphore_mem>> -> memref<1x!tpu.dma_semaphore, #tpu.memory_space<semaphore_mem>>
        %dma_wait3A_888 = tpu.memref_squeeze %dma_wait3A_887 : memref<1x!tpu.dma_semaphore, #tpu.memory_space<semaphore_mem>> -> memref<!tpu.dma_semaphore, #tpu.memory_space<semaphore_mem>>
        tpu.wait_indirect_dma semaphore(%dma_wait3A_888 : memref<!tpu.dma_semaphore, #tpu.memory_space<semaphore_mem>>) src(%dma_wait3A_882 : memref<128x32xf32, #tpu.memory_space<vmem>>) dst(%dma_wait3A_886 : memref<10112x32xf32, #tpu.memory_space<vmem_shared>>)
        %add3A_889 = arith.constant 8 : i32
        %add3A_890 = arith.addi %add3A_804, %add3A_889 : i32
        %mul3A_891 = arith.constant 128 : i32
        %mul3A_892 = arith.muli %add3A_890, %mul3A_891 : i32
        %dma_start3A_893 = arith.constant 6 : i32
        %dma_start3A_894 = arith.constant 6 : i32
        %dma_start3A_895 = arith.constant 0 : i32
        %dma_start3A_896 = arith.constant 0 : i32
        %dma_start3A_897 = tpu.memref_slice %arg9[%dma_start3A_893, %dma_start3A_895, %dma_start3A_896] : memref<8x128x32xf32, #tpu.memory_space<vmem>> -> memref<1x128x32xf32, #tpu.memory_space<vmem>>
        %dma_start3A_898 = tpu.memref_squeeze %dma_start3A_897 : memref<1x128x32xf32, #tpu.memory_space<vmem>> -> memref<128x32xf32, #tpu.memory_space<vmem>>
        %dma_start3A_899 = tpu.memref_slice %arg7[%mul3A_892] : memref<20480xi32, #tpu.memory_space<vmem>> -> memref<128xi32, #tpu.memory_space<vmem>>
        %dma_start3A_900 = arith.constant 0 : i32
        %dma_start3A_901 = arith.constant 0 : i32
        %dma_start3A_902 = tpu.memref_slice %arg6[%dma_start3A_900, %dma_start3A_901] : memref<10112x32xf32, #tpu.memory_space<vmem_shared>> -> memref<10112x32xf32, #tpu.memory_space<vmem_shared>>
        %dma_start3A_903 = tpu.memref_slice %arg10[%dma_start3A_894] : memref<8x!tpu.dma_semaphore, #tpu.memory_space<semaphore_mem>> -> memref<1x!tpu.dma_semaphore, #tpu.memory_space<semaphore_mem>>
        %dma_start3A_904 = tpu.memref_squeeze %dma_start3A_903 : memref<1x!tpu.dma_semaphore, #tpu.memory_space<semaphore_mem>> -> memref<!tpu.dma_semaphore, #tpu.memory_space<semaphore_mem>>
        tpu.enqueue_indirect_dma source(%dma_start3A_902 : memref<10112x32xf32, #tpu.memory_space<vmem_shared>>) target(%dma_start3A_898 : memref<128x32xf32, #tpu.memory_space<vmem>>) offsets(%dma_start3A_899 : memref<128xi32, #tpu.memory_space<vmem>>) semaphore(%dma_start3A_904 : memref<!tpu.dma_semaphore, #tpu.memory_space<semaphore_mem>>)
      } else {
      }
      %mul3A_838 = arith.constant 8 : i32
      %mul3A_839 = arith.muli %scan3A_582, %mul3A_838 : i32
      %add3A_840 = arith.constant 7 : i32
      %add3A_841 = arith.addi %mul3A_839, %add3A_840 : i32
      %mul3A_842 = arith.constant 128 : i32
      %mul3A_843 = arith.muli %add3A_841, %mul3A_842 : i32
      %dma_wait3A_844 = arith.constant 7 : i32
      %dma_wait3A_845 = arith.constant 7 : i32
      %dma_wait3A_846 = arith.constant 0 : i32
      %dma_wait3A_847 = arith.constant 0 : i32
      %dma_wait3A_848 = tpu.memref_slice %arg9[%dma_wait3A_844, %dma_wait3A_846, %dma_wait3A_847] : memref<8x128x32xf32, #tpu.memory_space<vmem>> -> memref<1x128x32xf32, #tpu.memory_space<vmem>>
      %dma_wait3A_849 = tpu.memref_squeeze %dma_wait3A_848 : memref<1x128x32xf32, #tpu.memory_space<vmem>> -> memref<128x32xf32, #tpu.memory_space<vmem>>
      %dma_wait3A_850 = tpu.memref_slice %arg7[%mul3A_843] : memref<20480xi32, #tpu.memory_space<vmem>> -> memref<128xi32, #tpu.memory_space<vmem>>
      %dma_wait3A_851 = arith.constant 0 : i32
      %dma_wait3A_852 = arith.constant 0 : i32
      %dma_wait3A_853 = tpu.memref_slice %arg6[%dma_wait3A_851, %dma_wait3A_852] : memref<10112x32xf32, #tpu.memory_space<vmem_shared>> -> memref<10112x32xf32, #tpu.memory_space<vmem_shared>>
      %dma_wait3A_854 = tpu.memref_slice %arg10[%dma_wait3A_845] : memref<8x!tpu.dma_semaphore, #tpu.memory_space<semaphore_mem>> -> memref<1x!tpu.dma_semaphore, #tpu.memory_space<semaphore_mem>>
      %dma_wait3A_855 = tpu.memref_squeeze %dma_wait3A_854 : memref<1x!tpu.dma_semaphore, #tpu.memory_space<semaphore_mem>> -> memref<!tpu.dma_semaphore, #tpu.memory_space<semaphore_mem>>
      tpu.wait_indirect_dma semaphore(%dma_wait3A_855 : memref<!tpu.dma_semaphore, #tpu.memory_space<semaphore_mem>>) src(%dma_wait3A_853 : memref<10112x32xf32, #tpu.memory_space<vmem_shared>>) dst(%dma_wait3A_849 : memref<128x32xf32, #tpu.memory_space<vmem>>)
      %mul3A_856 = arith.constant 128 : i32
      %mul3A_857 = arith.muli %add3A_841, %mul3A_856 : i32
      %dma_start3A_858 = arith.constant 7 : i32
      %dma_start3A_859 = arith.constant 7 : i32
      %dma_start3A_860 = arith.constant 0 : i32
      %dma_start3A_861 = arith.constant 0 : i32
      %dma_start3A_862 = tpu.memref_slice %arg9[%dma_start3A_858, %dma_start3A_860, %dma_start3A_861] : memref<8x128x32xf32, #tpu.memory_space<vmem>> -> memref<1x128x32xf32, #tpu.memory_space<vmem>>
      %dma_start3A_863 = tpu.memref_squeeze %dma_start3A_862 : memref<1x128x32xf32, #tpu.memory_space<vmem>> -> memref<128x32xf32, #tpu.memory_space<vmem>>
      %dma_start3A_864 = tpu.memref_slice %arg8[%mul3A_857] : memref<20480xi32, #tpu.memory_space<vmem>> -> memref<128xi32, #tpu.memory_space<vmem>>
      %dma_start3A_865 = arith.constant 0 : i32
      %dma_start3A_866 = arith.constant 0 : i32
      %dma_start3A_867 = tpu.memref_slice %arg5[%dma_start3A_865, %dma_start3A_866] : memref<10112x32xf32, #tpu.memory_space<vmem_shared>> -> memref<10112x32xf32, #tpu.memory_space<vmem_shared>>
      %dma_start3A_868 = tpu.memref_slice %arg11[%dma_start3A_859] : memref<8x!tpu.dma_semaphore, #tpu.memory_space<semaphore_mem>> -> memref<1x!tpu.dma_semaphore, #tpu.memory_space<semaphore_mem>>
      %dma_start3A_869 = tpu.memref_squeeze %dma_start3A_868 : memref<1x!tpu.dma_semaphore, #tpu.memory_space<semaphore_mem>> -> memref<!tpu.dma_semaphore, #tpu.memory_space<semaphore_mem>>
      tpu.enqueue_indirect_dma source(%dma_start3A_863 : memref<128x32xf32, #tpu.memory_space<vmem>>) target(%dma_start3A_867 : memref<10112x32xf32, #tpu.memory_space<vmem_shared>>) offsets(%dma_start3A_864 : memref<128xi32, #tpu.memory_space<vmem>>) semaphore(%dma_start3A_869 : memref<!tpu.dma_semaphore, #tpu.memory_space<semaphore_mem>>) {add = true}
      %lt3A_870 = arith.constant 19 : i32
      %lt3A_871 = arith.cmpi slt, %scan3A_582, %lt3A_870 : i32
      %convert_element_type3A_872 = arith.extui %lt3A_871 : i1 to i32
      %cond3A_873 = arith.constant 0 : i32
      %cond3A_874 = arith.cmpi ne, %convert_element_type3A_872, %cond3A_873 : i32
      scf.if %cond3A_874 {
        %mul3A_875 = arith.constant 128 : i32
        %mul3A_876 = arith.muli %add3A_841, %mul3A_875 : i32
        %dma_wait3A_877 = arith.constant 7 : i32
        %dma_wait3A_878 = arith.constant 7 : i32
        %dma_wait3A_879 = arith.constant 0 : i32
        %dma_wait3A_880 = arith.constant 0 : i32
        %dma_wait3A_881 = tpu.memref_slice %arg9[%dma_wait3A_877, %dma_wait3A_879, %dma_wait3A_880] : memref<8x128x32xf32, #tpu.memory_space<vmem>> -> memref<1x128x32xf32, #tpu.memory_space<vmem>>
        %dma_wait3A_882 = tpu.memref_squeeze %dma_wait3A_881 : memref<1x128x32xf32, #tpu.memory_space<vmem>> -> memref<128x32xf32, #tpu.memory_space<vmem>>
        %dma_wait3A_883 = tpu.memref_slice %arg8[%mul3A_876] : memref<20480xi32, #tpu.memory_space<vmem>> -> memref<128xi32, #tpu.memory_space<vmem>>
        %dma_wait3A_884 = arith.constant 0 : i32
        %dma_wait3A_885 = arith.constant 0 : i32
        %dma_wait3A_886 = tpu.memref_slice %arg5[%dma_wait3A_884, %dma_wait3A_885] : memref<10112x32xf32, #tpu.memory_space<vmem_shared>> -> memref<10112x32xf32, #tpu.memory_space<vmem_shared>>
        %dma_wait3A_887 = tpu.memref_slice %arg11[%dma_wait3A_878] : memref<8x!tpu.dma_semaphore, #tpu.memory_space<semaphore_mem>> -> memref<1x!tpu.dma_semaphore, #tpu.memory_space<semaphore_mem>>
        %dma_wait3A_888 = tpu.memref_squeeze %dma_wait3A_887 : memref<1x!tpu.dma_semaphore, #tpu.memory_space<semaphore_mem>> -> memref<!tpu.dma_semaphore, #tpu.memory_space<semaphore_mem>>
        tpu.wait_indirect_dma semaphore(%dma_wait3A_888 : memref<!tpu.dma_semaphore, #tpu.memory_space<semaphore_mem>>) src(%dma_wait3A_882 : memref<128x32xf32, #tpu.memory_space<vmem>>) dst(%dma_wait3A_886 : memref<10112x32xf32, #tpu.memory_space<vmem_shared>>)
        %add3A_889 = arith.constant 8 : i32
        %add3A_890 = arith.addi %add3A_841, %add3A_889 : i32
        %mul3A_891 = arith.constant 128 : i32
        %mul3A_892 = arith.muli %add3A_890, %mul3A_891 : i32
        %dma_start3A_893 = arith.constant 7 : i32
        %dma_start3A_894 = arith.constant 7 : i32
        %dma_start3A_895 = arith.constant 0 : i32
        %dma_start3A_896 = arith.constant 0 : i32
        %dma_start3A_897 = tpu.memref_slice %arg9[%dma_start3A_893, %dma_start3A_895, %dma_start3A_896] : memref<8x128x32xf32, #tpu.memory_space<vmem>> -> memref<1x128x32xf32, #tpu.memory_space<vmem>>
        %dma_start3A_898 = tpu.memref_squeeze %dma_start3A_897 : memref<1x128x32xf32, #tpu.memory_space<vmem>> -> memref<128x32xf32, #tpu.memory_space<vmem>>
        %dma_start3A_899 = tpu.memref_slice %arg7[%mul3A_892] : memref<20480xi32, #tpu.memory_space<vmem>> -> memref<128xi32, #tpu.memory_space<vmem>>
        %dma_start3A_900 = arith.constant 0 : i32
        %dma_start3A_901 = arith.constant 0 : i32
        %dma_start3A_902 = tpu.memref_slice %arg6[%dma_start3A_900, %dma_start3A_901] : memref<10112x32xf32, #tpu.memory_space<vmem_shared>> -> memref<10112x32xf32, #tpu.memory_space<vmem_shared>>
        %dma_start3A_903 = tpu.memref_slice %arg10[%dma_start3A_894] : memref<8x!tpu.dma_semaphore, #tpu.memory_space<semaphore_mem>> -> memref<1x!tpu.dma_semaphore, #tpu.memory_space<semaphore_mem>>
        %dma_start3A_904 = tpu.memref_squeeze %dma_start3A_903 : memref<1x!tpu.dma_semaphore, #tpu.memory_space<semaphore_mem>> -> memref<!tpu.dma_semaphore, #tpu.memory_space<semaphore_mem>>
        tpu.enqueue_indirect_dma source(%dma_start3A_902 : memref<10112x32xf32, #tpu.memory_space<vmem_shared>>) target(%dma_start3A_898 : memref<128x32xf32, #tpu.memory_space<vmem>>) offsets(%dma_start3A_899 : memref<128xi32, #tpu.memory_space<vmem>>) semaphore(%dma_start3A_904 : memref<!tpu.dma_semaphore, #tpu.memory_space<semaphore_mem>>)
      } else {
      }
    }
    %scan3A_475 = arith.constant 20 : i32
    %dma_wait3A = arith.constant 0 : i32
    %dma_wait3A_476 = arith.constant 0 : i32
    %dma_wait3A_477 = arith.constant 0 : i32
    %dma_wait3A_478 = arith.constant 0 : i32
    %dma_wait3A_479 = tpu.memref_slice %arg9[%dma_wait3A, %dma_wait3A_477, %dma_wait3A_478] : memref<8x128x32xf32, #tpu.memory_space<vmem>> -> memref<1x128x32xf32, #tpu.memory_space<vmem>>
    %dma_wait3A_480 = tpu.memref_squeeze %dma_wait3A_479 : memref<1x128x32xf32, #tpu.memory_space<vmem>> -> memref<128x32xf32, #tpu.memory_space<vmem>>
    %dma_wait3A_481 = arith.constant 19456 : i32
    %dma_wait3A_482 = tpu.memref_slice %arg8[%dma_wait3A_481] : memref<20480xi32, #tpu.memory_space<vmem>> -> memref<128xi32, #tpu.memory_space<vmem>>
    %dma_wait3A_483 = arith.constant 0 : i32
    %dma_wait3A_484 = arith.constant 0 : i32
    %dma_wait3A_485 = tpu.memref_slice %arg5[%dma_wait3A_483, %dma_wait3A_484] : memref<10112x32xf32, #tpu.memory_space<vmem_shared>> -> memref<10112x32xf32, #tpu.memory_space<vmem_shared>>
    %dma_wait3A_486 = tpu.memref_slice %arg11[%dma_wait3A_476] : memref<8x!tpu.dma_semaphore, #tpu.memory_space<semaphore_mem>> -> memref<1x!tpu.dma_semaphore, #tpu.memory_space<semaphore_mem>>
    %dma_wait3A_487 = tpu.memref_squeeze %dma_wait3A_486 : memref<1x!tpu.dma_semaphore, #tpu.memory_space<semaphore_mem>> -> memref<!tpu.dma_semaphore, #tpu.memory_space<semaphore_mem>>
    tpu.wait_indirect_dma semaphore(%dma_wait3A_487 : memref<!tpu.dma_semaphore, #tpu.memory_space<semaphore_mem>>) src(%dma_wait3A_480 : memref<128x32xf32, #tpu.memory_space<vmem>>) dst(%dma_wait3A_485 : memref<10112x32xf32, #tpu.memory_space<vmem_shared>>)
    %dma_wait3A_488 = arith.constant 1 : i32
    %dma_wait3A_489 = arith.constant 1 : i32
    %dma_wait3A_490 = arith.constant 0 : i32
    %dma_wait3A_491 = arith.constant 0 : i32
    %dma_wait3A_492 = tpu.memref_slice %arg9[%dma_wait3A_488, %dma_wait3A_490, %dma_wait3A_491] : memref<8x128x32xf32, #tpu.memory_space<vmem>> -> memref<1x128x32xf32, #tpu.memory_space<vmem>>
    %dma_wait3A_493 = tpu.memref_squeeze %dma_wait3A_492 : memref<1x128x32xf32, #tpu.memory_space<vmem>> -> memref<128x32xf32, #tpu.memory_space<vmem>>
    %dma_wait3A_494 = arith.constant 19584 : i32
    %dma_wait3A_495 = tpu.memref_slice %arg8[%dma_wait3A_494] : memref<20480xi32, #tpu.memory_space<vmem>> -> memref<128xi32, #tpu.memory_space<vmem>>
    %dma_wait3A_496 = arith.constant 0 : i32
    %dma_wait3A_497 = arith.constant 0 : i32
    %dma_wait3A_498 = tpu.memref_slice %arg5[%dma_wait3A_496, %dma_wait3A_497] : memref<10112x32xf32, #tpu.memory_space<vmem_shared>> -> memref<10112x32xf32, #tpu.memory_space<vmem_shared>>
    %dma_wait3A_499 = tpu.memref_slice %arg11[%dma_wait3A_489] : memref<8x!tpu.dma_semaphore, #tpu.memory_space<semaphore_mem>> -> memref<1x!tpu.dma_semaphore, #tpu.memory_space<semaphore_mem>>
    %dma_wait3A_500 = tpu.memref_squeeze %dma_wait3A_499 : memref<1x!tpu.dma_semaphore, #tpu.memory_space<semaphore_mem>> -> memref<!tpu.dma_semaphore, #tpu.memory_space<semaphore_mem>>
    tpu.wait_indirect_dma semaphore(%dma_wait3A_500 : memref<!tpu.dma_semaphore, #tpu.memory_space<semaphore_mem>>) src(%dma_wait3A_493 : memref<128x32xf32, #tpu.memory_space<vmem>>) dst(%dma_wait3A_498 : memref<10112x32xf32, #tpu.memory_space<vmem_shared>>)
    %dma_wait3A_501 = arith.constant 2 : i32
    %dma_wait3A_502 = arith.constant 2 : i32
    %dma_wait3A_503 = arith.constant 0 : i32
    %dma_wait3A_504 = arith.constant 0 : i32
    %dma_wait3A_505 = tpu.memref_slice %arg9[%dma_wait3A_501, %dma_wait3A_503, %dma_wait3A_504] : memref<8x128x32xf32, #tpu.memory_space<vmem>> -> memref<1x128x32xf32, #tpu.memory_space<vmem>>
    %dma_wait3A_506 = tpu.memref_squeeze %dma_wait3A_505 : memref<1x128x32xf32, #tpu.memory_space<vmem>> -> memref<128x32xf32, #tpu.memory_space<vmem>>
    %dma_wait3A_507 = arith.constant 19712 : i32
    %dma_wait3A_508 = tpu.memref_slice %arg8[%dma_wait3A_507] : memref<20480xi32, #tpu.memory_space<vmem>> -> memref<128xi32, #tpu.memory_space<vmem>>
    %dma_wait3A_509 = arith.constant 0 : i32
    %dma_wait3A_510 = arith.constant 0 : i32
    %dma_wait3A_511 = tpu.memref_slice %arg5[%dma_wait3A_509, %dma_wait3A_510] : memref<10112x32xf32, #tpu.memory_space<vmem_shared>> -> memref<10112x32xf32, #tpu.memory_space<vmem_shared>>
    %dma_wait3A_512 = tpu.memref_slice %arg11[%dma_wait3A_502] : memref<8x!tpu.dma_semaphore, #tpu.memory_space<semaphore_mem>> -> memref<1x!tpu.dma_semaphore, #tpu.memory_space<semaphore_mem>>
    %dma_wait3A_513 = tpu.memref_squeeze %dma_wait3A_512 : memref<1x!tpu.dma_semaphore, #tpu.memory_space<semaphore_mem>> -> memref<!tpu.dma_semaphore, #tpu.memory_space<semaphore_mem>>
    tpu.wait_indirect_dma semaphore(%dma_wait3A_513 : memref<!tpu.dma_semaphore, #tpu.memory_space<semaphore_mem>>) src(%dma_wait3A_506 : memref<128x32xf32, #tpu.memory_space<vmem>>) dst(%dma_wait3A_511 : memref<10112x32xf32, #tpu.memory_space<vmem_shared>>)
    %dma_wait3A_514 = arith.constant 3 : i32
    %dma_wait3A_515 = arith.constant 3 : i32
    %dma_wait3A_516 = arith.constant 0 : i32
    %dma_wait3A_517 = arith.constant 0 : i32
    %dma_wait3A_518 = tpu.memref_slice %arg9[%dma_wait3A_514, %dma_wait3A_516, %dma_wait3A_517] : memref<8x128x32xf32, #tpu.memory_space<vmem>> -> memref<1x128x32xf32, #tpu.memory_space<vmem>>
    %dma_wait3A_519 = tpu.memref_squeeze %dma_wait3A_518 : memref<1x128x32xf32, #tpu.memory_space<vmem>> -> memref<128x32xf32, #tpu.memory_space<vmem>>
    %dma_wait3A_520 = arith.constant 19840 : i32
    %dma_wait3A_521 = tpu.memref_slice %arg8[%dma_wait3A_520] : memref<20480xi32, #tpu.memory_space<vmem>> -> memref<128xi32, #tpu.memory_space<vmem>>
    %dma_wait3A_522 = arith.constant 0 : i32
    %dma_wait3A_523 = arith.constant 0 : i32
    %dma_wait3A_524 = tpu.memref_slice %arg5[%dma_wait3A_522, %dma_wait3A_523] : memref<10112x32xf32, #tpu.memory_space<vmem_shared>> -> memref<10112x32xf32, #tpu.memory_space<vmem_shared>>
    %dma_wait3A_525 = tpu.memref_slice %arg11[%dma_wait3A_515] : memref<8x!tpu.dma_semaphore, #tpu.memory_space<semaphore_mem>> -> memref<1x!tpu.dma_semaphore, #tpu.memory_space<semaphore_mem>>
    %dma_wait3A_526 = tpu.memref_squeeze %dma_wait3A_525 : memref<1x!tpu.dma_semaphore, #tpu.memory_space<semaphore_mem>> -> memref<!tpu.dma_semaphore, #tpu.memory_space<semaphore_mem>>
    tpu.wait_indirect_dma semaphore(%dma_wait3A_526 : memref<!tpu.dma_semaphore, #tpu.memory_space<semaphore_mem>>) src(%dma_wait3A_519 : memref<128x32xf32, #tpu.memory_space<vmem>>) dst(%dma_wait3A_524 : memref<10112x32xf32, #tpu.memory_space<vmem_shared>>)
    %dma_wait3A_527 = arith.constant 4 : i32
    %dma_wait3A_528 = arith.constant 4 : i32
    %dma_wait3A_529 = arith.constant 0 : i32
    %dma_wait3A_530 = arith.constant 0 : i32
    %dma_wait3A_531 = tpu.memref_slice %arg9[%dma_wait3A_527, %dma_wait3A_529, %dma_wait3A_530] : memref<8x128x32xf32, #tpu.memory_space<vmem>> -> memref<1x128x32xf32, #tpu.memory_space<vmem>>
    %dma_wait3A_532 = tpu.memref_squeeze %dma_wait3A_531 : memref<1x128x32xf32, #tpu.memory_space<vmem>> -> memref<128x32xf32, #tpu.memory_space<vmem>>
    %dma_wait3A_533 = arith.constant 19968 : i32
    %dma_wait3A_534 = tpu.memref_slice %arg8[%dma_wait3A_533] : memref<20480xi32, #tpu.memory_space<vmem>> -> memref<128xi32, #tpu.memory_space<vmem>>
    %dma_wait3A_535 = arith.constant 0 : i32
    %dma_wait3A_536 = arith.constant 0 : i32
    %dma_wait3A_537 = tpu.memref_slice %arg5[%dma_wait3A_535, %dma_wait3A_536] : memref<10112x32xf32, #tpu.memory_space<vmem_shared>> -> memref<10112x32xf32, #tpu.memory_space<vmem_shared>>
    %dma_wait3A_538 = tpu.memref_slice %arg11[%dma_wait3A_528] : memref<8x!tpu.dma_semaphore, #tpu.memory_space<semaphore_mem>> -> memref<1x!tpu.dma_semaphore, #tpu.memory_space<semaphore_mem>>
    %dma_wait3A_539 = tpu.memref_squeeze %dma_wait3A_538 : memref<1x!tpu.dma_semaphore, #tpu.memory_space<semaphore_mem>> -> memref<!tpu.dma_semaphore, #tpu.memory_space<semaphore_mem>>
    tpu.wait_indirect_dma semaphore(%dma_wait3A_539 : memref<!tpu.dma_semaphore, #tpu.memory_space<semaphore_mem>>) src(%dma_wait3A_532 : memref<128x32xf32, #tpu.memory_space<vmem>>) dst(%dma_wait3A_537 : memref<10112x32xf32, #tpu.memory_space<vmem_shared>>)
    %dma_wait3A_540 = arith.constant 5 : i32
    %dma_wait3A_541 = arith.constant 5 : i32
    %dma_wait3A_542 = arith.constant 0 : i32
    %dma_wait3A_543 = arith.constant 0 : i32
    %dma_wait3A_544 = tpu.memref_slice %arg9[%dma_wait3A_540, %dma_wait3A_542, %dma_wait3A_543] : memref<8x128x32xf32, #tpu.memory_space<vmem>> -> memref<1x128x32xf32, #tpu.memory_space<vmem>>
    %dma_wait3A_545 = tpu.memref_squeeze %dma_wait3A_544 : memref<1x128x32xf32, #tpu.memory_space<vmem>> -> memref<128x32xf32, #tpu.memory_space<vmem>>
    %dma_wait3A_546 = arith.constant 20096 : i32
    %dma_wait3A_547 = tpu.memref_slice %arg8[%dma_wait3A_546] : memref<20480xi32, #tpu.memory_space<vmem>> -> memref<128xi32, #tpu.memory_space<vmem>>
    %dma_wait3A_548 = arith.constant 0 : i32
    %dma_wait3A_549 = arith.constant 0 : i32
    %dma_wait3A_550 = tpu.memref_slice %arg5[%dma_wait3A_548, %dma_wait3A_549] : memref<10112x32xf32, #tpu.memory_space<vmem_shared>> -> memref<10112x32xf32, #tpu.memory_space<vmem_shared>>
    %dma_wait3A_551 = tpu.memref_slice %arg11[%dma_wait3A_541] : memref<8x!tpu.dma_semaphore, #tpu.memory_space<semaphore_mem>> -> memref<1x!tpu.dma_semaphore, #tpu.memory_space<semaphore_mem>>
    %dma_wait3A_552 = tpu.memref_squeeze %dma_wait3A_551 : memref<1x!tpu.dma_semaphore, #tpu.memory_space<semaphore_mem>> -> memref<!tpu.dma_semaphore, #tpu.memory_space<semaphore_mem>>
    tpu.wait_indirect_dma semaphore(%dma_wait3A_552 : memref<!tpu.dma_semaphore, #tpu.memory_space<semaphore_mem>>) src(%dma_wait3A_545 : memref<128x32xf32, #tpu.memory_space<vmem>>) dst(%dma_wait3A_550 : memref<10112x32xf32, #tpu.memory_space<vmem_shared>>)
    %dma_wait3A_553 = arith.constant 6 : i32
    %dma_wait3A_554 = arith.constant 6 : i32
    %dma_wait3A_555 = arith.constant 0 : i32
    %dma_wait3A_556 = arith.constant 0 : i32
    %dma_wait3A_557 = tpu.memref_slice %arg9[%dma_wait3A_553, %dma_wait3A_555, %dma_wait3A_556] : memref<8x128x32xf32, #tpu.memory_space<vmem>> -> memref<1x128x32xf32, #tpu.memory_space<vmem>>
    %dma_wait3A_558 = tpu.memref_squeeze %dma_wait3A_557 : memref<1x128x32xf32, #tpu.memory_space<vmem>> -> memref<128x32xf32, #tpu.memory_space<vmem>>
    %dma_wait3A_559 = arith.constant 20224 : i32
    %dma_wait3A_560 = tpu.memref_slice %arg8[%dma_wait3A_559] : memref<20480xi32, #tpu.memory_space<vmem>> -> memref<128xi32, #tpu.memory_space<vmem>>
    %dma_wait3A_561 = arith.constant 0 : i32
    %dma_wait3A_562 = arith.constant 0 : i32
    %dma_wait3A_563 = tpu.memref_slice %arg5[%dma_wait3A_561, %dma_wait3A_562] : memref<10112x32xf32, #tpu.memory_space<vmem_shared>> -> memref<10112x32xf32, #tpu.memory_space<vmem_shared>>
    %dma_wait3A_564 = tpu.memref_slice %arg11[%dma_wait3A_554] : memref<8x!tpu.dma_semaphore, #tpu.memory_space<semaphore_mem>> -> memref<1x!tpu.dma_semaphore, #tpu.memory_space<semaphore_mem>>
    %dma_wait3A_565 = tpu.memref_squeeze %dma_wait3A_564 : memref<1x!tpu.dma_semaphore, #tpu.memory_space<semaphore_mem>> -> memref<!tpu.dma_semaphore, #tpu.memory_space<semaphore_mem>>
    tpu.wait_indirect_dma semaphore(%dma_wait3A_565 : memref<!tpu.dma_semaphore, #tpu.memory_space<semaphore_mem>>) src(%dma_wait3A_558 : memref<128x32xf32, #tpu.memory_space<vmem>>) dst(%dma_wait3A_563 : memref<10112x32xf32, #tpu.memory_space<vmem_shared>>)
    %dma_wait3A_566 = arith.constant 7 : i32
    %dma_wait3A_567 = arith.constant 7 : i32
    %dma_wait3A_568 = arith.constant 0 : i32
    %dma_wait3A_569 = arith.constant 0 : i32
    %dma_wait3A_570 = tpu.memref_slice %arg9[%dma_wait3A_566, %dma_wait3A_568, %dma_wait3A_569] : memref<8x128x32xf32, #tpu.memory_space<vmem>> -> memref<1x128x32xf32, #tpu.memory_space<vmem>>
    %dma_wait3A_571 = tpu.memref_squeeze %dma_wait3A_570 : memref<1x128x32xf32, #tpu.memory_space<vmem>> -> memref<128x32xf32, #tpu.memory_space<vmem>>
    %dma_wait3A_572 = arith.constant 20352 : i32
    %dma_wait3A_573 = tpu.memref_slice %arg8[%dma_wait3A_572] : memref<20480xi32, #tpu.memory_space<vmem>> -> memref<128xi32, #tpu.memory_space<vmem>>
    %dma_wait3A_574 = arith.constant 0 : i32
    %dma_wait3A_575 = arith.constant 0 : i32
    %dma_wait3A_576 = tpu.memref_slice %arg5[%dma_wait3A_574, %dma_wait3A_575] : memref<10112x32xf32, #tpu.memory_space<vmem_shared>> -> memref<10112x32xf32, #tpu.memory_space<vmem_shared>>
    %dma_wait3A_577 = tpu.memref_slice %arg11[%dma_wait3A_567] : memref<8x!tpu.dma_semaphore, #tpu.memory_space<semaphore_mem>> -> memref<1x!tpu.dma_semaphore, #tpu.memory_space<semaphore_mem>>
    %dma_wait3A_578 = tpu.memref_squeeze %dma_wait3A_577 : memref<1x!tpu.dma_semaphore, #tpu.memory_space<semaphore_mem>> -> memref<!tpu.dma_semaphore, #tpu.memory_space<semaphore_mem>>
    tpu.wait_indirect_dma semaphore(%dma_wait3A_578 : memref<!tpu.dma_semaphore, #tpu.memory_space<semaphore_mem>>) src(%dma_wait3A_571 : memref<128x32xf32, #tpu.memory_space<vmem>>) dst(%dma_wait3A_576 : memref<10112x32xf32, #tpu.memory_space<vmem_shared>>)
    %barrier3A_579 = arith.constant 0 : index
    tpu.barrier barrier_id(%barrier3A_579)
    %mul3A_580 = arith.constant 32 : i32
    %mul3A_581 = arith.muli %arg0, %mul3A_580 : i32
    "tpu.region"() ({
      %run_scoped3A_582 = tpu.sem_alloc : memref<!tpu.dma_semaphore, #tpu.memory_space<semaphore_mem>>
      %dma_start3A_583 = tpu.memref_slice %arg4[%mul3A_0, %mul3A_581] : memref<10112x64xf32, #tpu.memory_space<hbm>> -> memref<632x32xf32, #tpu.memory_space<hbm>>
      %dma_start3A_584 = arith.constant 0 : i32
      %dma_start3A_585 = tpu.memref_slice %arg5[%mul3A_0, %dma_start3A_584] : memref<10112x32xf32, #tpu.memory_space<vmem_shared>> -> memref<632x32xf32, #tpu.memory_space<vmem_shared>>
      tpu.enqueue_dma source(%dma_start3A_585 : memref<632x32xf32, #tpu.memory_space<vmem_shared>>) target(%dma_start3A_583 : memref<632x32xf32, #tpu.memory_space<hbm>>) target_semaphore(%run_scoped3A_582 : memref<!tpu.dma_semaphore, #tpu.memory_space<semaphore_mem>>)
      %dma_wait3A_586 = tpu.memref_slice %arg4[%mul3A_0, %mul3A_581] : memref<10112x64xf32, #tpu.memory_space<hbm>> -> memref<632x32xf32, #tpu.memory_space<hbm>>
      %dma_wait3A_587 = arith.constant 0 : i32
      %dma_wait3A_588 = tpu.memref_slice %arg5[%mul3A_0, %dma_wait3A_587] : memref<10112x32xf32, #tpu.memory_space<vmem_shared>> -> memref<632x32xf32, #tpu.memory_space<vmem_shared>>
      tpu.wait_dma2 semaphore(%run_scoped3A_582 : memref<!tpu.dma_semaphore, #tpu.memory_space<semaphore_mem>>) src(%dma_wait3A_588 : memref<632x32xf32, #tpu.memory_space<vmem_shared>>) dst(%dma_wait3A_586 : memref<632x32xf32, #tpu.memory_space<hbm>>)
      tpu.yield
    }) : () -> ()
    return
  }
}

#map = affine_map<(d0, d1) -> (0, 0)>
#map1 = affine_map<(d0, d1) -> (0)>
#map2 = affine_map<(d0, d1) -> (0, 0, 0)>
module attributes {stable_mosaic.version = 14 : i64} {
  func.func @_sc_deg(%arg0: i32, %arg1: i32, %arg2: memref<2x320000xi32, #tpu.memory_space<hbm>>, %arg3: memref<10112xi32, #tpu.memory_space<hbm>>, %arg4: memref<10112x16xf32, #tpu.memory_space<hbm>>, %arg5: memref<128x16xf32, #tpu.memory_space<hbm>>, %arg6: memref<2x10112xf32, #tpu.memory_space<hbm>>, %arg7: memref<2x72x16xf32, #tpu.memory_space<hbm>>, %arg8: memref<10112x16xf32, #tpu.memory_space<vmem_shared>>, %arg9: memref<72x16xf32, #tpu.memory_space<vmem_shared>>, %arg10: memref<10368xi32, #tpu.memory_space<vmem>>, %arg11: memref<640xi32, #tpu.memory_space<vmem>>, %arg12: memref<128x16xf32, #tpu.memory_space<vmem>>, %arg13: memref<640x16xf32, #tpu.memory_space<vmem>>, %arg14: memref<640xf32, #tpu.memory_space<vmem>>, %arg15: memref<3x!tpu.dma_semaphore, #tpu.memory_space<semaphore_mem>>) attributes {dimension_semantics = [#tpu.dimension_semantics<core_parallel>, #tpu.dimension_semantics<subcore_parallel>], iteration_bounds = array<i64: 2, 16>, scalar_prefetch = 0 : i64, scratch_operands = 8 : i64, tpu.core_type = #tpu.core_type<sc_vector_subcore>, window_params = [{transform_indices = #map}, {transform_indices = #map1}, {transform_indices = #map}, {transform_indices = #map}, {transform_indices = #map}, {transform_indices = #map2}]} {
    %mul3A = arith.constant 2 : i32
    %mul3A_0 = arith.muli %arg1, %mul3A : i32
    %add3A = arith.addi %mul3A_0, %arg0 : i32
    %mul3A_1 = arith.constant 632 : i32
    %mul3A_2 = arith.muli %arg1, %mul3A_1 : i32
    "tpu.region"() ({
      %run_scoped3A_149 = tpu.sem_alloc : memref<!tpu.dma_semaphore, #tpu.memory_space<semaphore_mem>>
      %dma_start3A_150 = arith.constant 0 : i32
      %dma_start3A_151 = tpu.memref_slice %arg8[%mul3A_2, %dma_start3A_150] : memref<10112x16xf32, #tpu.memory_space<vmem_shared>> -> memref<632x16xf32, #tpu.memory_space<vmem_shared>>
      %dma_start3A_152 = arith.constant 0 : i32
      %dma_start3A_153 = tpu.memref_slice %arg4[%mul3A_2, %dma_start3A_152] : memref<10112x16xf32, #tpu.memory_space<hbm>> -> memref<632x16xf32, #tpu.memory_space<hbm>>
      tpu.enqueue_dma source(%dma_start3A_153 : memref<632x16xf32, #tpu.memory_space<hbm>>) target(%dma_start3A_151 : memref<632x16xf32, #tpu.memory_space<vmem_shared>>) target_semaphore(%run_scoped3A_149 : memref<!tpu.dma_semaphore, #tpu.memory_space<semaphore_mem>>)
      %dma_wait3A = arith.constant 0 : i32
      %dma_wait3A_154 = tpu.memref_slice %arg8[%mul3A_2, %dma_wait3A] : memref<10112x16xf32, #tpu.memory_space<vmem_shared>> -> memref<632x16xf32, #tpu.memory_space<vmem_shared>>
      %dma_wait3A_155 = arith.constant 0 : i32
      %dma_wait3A_156 = tpu.memref_slice %arg4[%mul3A_2, %dma_wait3A_155] : memref<10112x16xf32, #tpu.memory_space<hbm>> -> memref<632x16xf32, #tpu.memory_space<hbm>>
      tpu.wait_dma2 semaphore(%run_scoped3A_149 : memref<!tpu.dma_semaphore, #tpu.memory_space<semaphore_mem>>) src(%dma_wait3A_156 : memref<632x16xf32, #tpu.memory_space<hbm>>) dst(%dma_wait3A_154 : memref<632x16xf32, #tpu.memory_space<vmem_shared>>)
      tpu.yield
    }) : () -> ()
    %eq3A = arith.constant 0 : i32
    %eq3A_3 = arith.cmpi eq, %arg1, %eq3A : i32
    %convert_element_type3A = arith.extui %eq3A_3 : i1 to i32
    %cond3A = arith.constant 0 : i32
    %cond3A_4 = arith.cmpi ne, %convert_element_type3A, %cond3A : i32
    scf.if %cond3A_4 {
      "tpu.region"() ({
        %run_scoped3A_149 = tpu.sem_alloc : memref<!tpu.dma_semaphore, #tpu.memory_space<semaphore_mem>>
        %dma_start3A_150 = arith.constant 0 : i32
        %dma_start3A_151 = arith.constant 0 : i32
        %dma_start3A_152 = tpu.memref_slice %arg4[%dma_start3A_150, %dma_start3A_151] : memref<10112x16xf32, #tpu.memory_space<hbm>> -> memref<72x16xf32, #tpu.memory_space<hbm>>
        tpu.enqueue_dma source(%dma_start3A_152 : memref<72x16xf32, #tpu.memory_space<hbm>>) target(%arg9 : memref<72x16xf32, #tpu.memory_space<vmem_shared>>) target_semaphore(%run_scoped3A_149 : memref<!tpu.dma_semaphore, #tpu.memory_space<semaphore_mem>>)
        %dma_wait3A = arith.constant 0 : i32
        %dma_wait3A_153 = arith.constant 0 : i32
        %dma_wait3A_154 = tpu.memref_slice %arg4[%dma_wait3A, %dma_wait3A_153] : memref<10112x16xf32, #tpu.memory_space<hbm>> -> memref<72x16xf32, #tpu.memory_space<hbm>>
        tpu.wait_dma2 semaphore(%run_scoped3A_149 : memref<!tpu.dma_semaphore, #tpu.memory_space<semaphore_mem>>) src(%dma_wait3A_154 : memref<72x16xf32, #tpu.memory_space<hbm>>) dst(%arg9 : memref<72x16xf32, #tpu.memory_space<vmem_shared>>)
        tpu.yield
      }) : () -> ()
    } else {
    }
    %broadcast_in_dim3A = arith.constant 10008 : i32
    %broadcast_in_dim3A_5 = vector.broadcast %broadcast_in_dim3A : i32 to vector<16xi32>
    %swap3A = arith.constant 10000 : index
    %swap3A_6 = tpu.vector_load %arg10[%swap3A] {strides = array<i32>} : memref<10368xi32, #tpu.memory_space<vmem>>, vector<16xi32>,
    tpu.vector_store %arg10[%swap3A], %broadcast_in_dim3A_5 {strides = array<i32>} : memref<10368xi32, #tpu.memory_space<vmem>>, vector<16xi32>,
    %broadcast_in_dim3A_7 = arith.constant 10008 : i32
    %broadcast_in_dim3A_8 = vector.broadcast %broadcast_in_dim3A_7 : i32 to vector<16xi32>
    %swap3A_9 = arith.constant 10016 : index
    %swap3A_10 = tpu.vector_load %arg10[%swap3A_9] {strides = array<i32>} : memref<10368xi32, #tpu.memory_space<vmem>>, vector<16xi32>,
    tpu.vector_store %arg10[%swap3A_9], %broadcast_in_dim3A_8 {strides = array<i32>} : memref<10368xi32, #tpu.memory_space<vmem>>, vector<16xi32>,
    %broadcast_in_dim3A_11 = arith.constant 10008 : i32
    %broadcast_in_dim3A_12 = vector.broadcast %broadcast_in_dim3A_11 : i32 to vector<16xi32>
    %swap3A_13 = arith.constant 10032 : index
    %swap3A_14 = tpu.vector_load %arg10[%swap3A_13] {strides = array<i32>} : memref<10368xi32, #tpu.memory_space<vmem>>, vector<16xi32>,
    tpu.vector_store %arg10[%swap3A_13], %broadcast_in_dim3A_12 {strides = array<i32>} : memref<10368xi32, #tpu.memory_space<vmem>>, vector<16xi32>,
    %broadcast_in_dim3A_15 = arith.constant 10008 : i32
    %broadcast_in_dim3A_16 = vector.broadcast %broadcast_in_dim3A_15 : i32 to vector<16xi32>
    %swap3A_17 = arith.constant 10048 : index
    %swap3A_18 = tpu.vector_load %arg10[%swap3A_17] {strides = array<i32>} : memref<10368xi32, #tpu.memory_space<vmem>>, vector<16xi32>,
    tpu.vector_store %arg10[%swap3A_17], %broadcast_in_dim3A_16 {strides = array<i32>} : memref<10368xi32, #tpu.memory_space<vmem>>, vector<16xi32>,
    %broadcast_in_dim3A_19 = arith.constant 10008 : i32
    %broadcast_in_dim3A_20 = vector.broadcast %broadcast_in_dim3A_19 : i32 to vector<16xi32>
    %swap3A_21 = arith.constant 10064 : index
    %swap3A_22 = tpu.vector_load %arg10[%swap3A_21] {strides = array<i32>} : memref<10368xi32, #tpu.memory_space<vmem>>, vector<16xi32>,
    tpu.vector_store %arg10[%swap3A_21], %broadcast_in_dim3A_20 {strides = array<i32>} : memref<10368xi32, #tpu.memory_space<vmem>>, vector<16xi32>,
    %broadcast_in_dim3A_23 = arith.constant 10008 : i32
    %broadcast_in_dim3A_24 = vector.broadcast %broadcast_in_dim3A_23 : i32 to vector<16xi32>
    %swap3A_25 = arith.constant 10080 : index
    %swap3A_26 = tpu.vector_load %arg10[%swap3A_25] {strides = array<i32>} : memref<10368xi32, #tpu.memory_space<vmem>>, vector<16xi32>,
    tpu.vector_store %arg10[%swap3A_25], %broadcast_in_dim3A_24 {strides = array<i32>} : memref<10368xi32, #tpu.memory_space<vmem>>, vector<16xi32>,
    %broadcast_in_dim3A_27 = arith.constant 10008 : i32
    %broadcast_in_dim3A_28 = vector.broadcast %broadcast_in_dim3A_27 : i32 to vector<16xi32>
    %swap3A_29 = arith.constant 10096 : index
    %swap3A_30 = tpu.vector_load %arg10[%swap3A_29] {strides = array<i32>} : memref<10368xi32, #tpu.memory_space<vmem>>, vector<16xi32>,
    tpu.vector_store %arg10[%swap3A_29], %broadcast_in_dim3A_28 {strides = array<i32>} : memref<10368xi32, #tpu.memory_space<vmem>>, vector<16xi32>,
    %broadcast_in_dim3A_31 = arith.constant 10008 : i32
    %broadcast_in_dim3A_32 = vector.broadcast %broadcast_in_dim3A_31 : i32 to vector<16xi32>
    %swap3A_33 = arith.constant 10112 : index
    %swap3A_34 = tpu.vector_load %arg10[%swap3A_33] {strides = array<i32>} : memref<10368xi32, #tpu.memory_space<vmem>>, vector<16xi32>,
    tpu.vector_store %arg10[%swap3A_33], %broadcast_in_dim3A_32 {strides = array<i32>} : memref<10368xi32, #tpu.memory_space<vmem>>, vector<16xi32>,
    %broadcast_in_dim3A_35 = arith.constant 10008 : i32
    %broadcast_in_dim3A_36 = vector.broadcast %broadcast_in_dim3A_35 : i32 to vector<16xi32>
    %swap3A_37 = arith.constant 10128 : index
    %swap3A_38 = tpu.vector_load %arg10[%swap3A_37] {strides = array<i32>} : memref<10368xi32, #tpu.memory_space<vmem>>, vector<16xi32>,
    tpu.vector_store %arg10[%swap3A_37], %broadcast_in_dim3A_36 {strides = array<i32>} : memref<10368xi32, #tpu.memory_space<vmem>>, vector<16xi32>,
    %broadcast_in_dim3A_39 = arith.constant 10008 : i32
    %broadcast_in_dim3A_40 = vector.broadcast %broadcast_in_dim3A_39 : i32 to vector<16xi32>
    %swap3A_41 = arith.constant 10144 : index
    %swap3A_42 = tpu.vector_load %arg10[%swap3A_41] {strides = array<i32>} : memref<10368xi32, #tpu.memory_space<vmem>>, vector<16xi32>,
    tpu.vector_store %arg10[%swap3A_41], %broadcast_in_dim3A_40 {strides = array<i32>} : memref<10368xi32, #tpu.memory_space<vmem>>, vector<16xi32>,
    %broadcast_in_dim3A_43 = arith.constant 10008 : i32
    %broadcast_in_dim3A_44 = vector.broadcast %broadcast_in_dim3A_43 : i32 to vector<16xi32>
    %swap3A_45 = arith.constant 10160 : index
    %swap3A_46 = tpu.vector_load %arg10[%swap3A_45] {strides = array<i32>} : memref<10368xi32, #tpu.memory_space<vmem>>, vector<16xi32>,
    tpu.vector_store %arg10[%swap3A_45], %broadcast_in_dim3A_44 {strides = array<i32>} : memref<10368xi32, #tpu.memory_space<vmem>>, vector<16xi32>,
    %broadcast_in_dim3A_47 = arith.constant 10008 : i32
    %broadcast_in_dim3A_48 = vector.broadcast %broadcast_in_dim3A_47 : i32 to vector<16xi32>
    %swap3A_49 = arith.constant 10176 : index
    %swap3A_50 = tpu.vector_load %arg10[%swap3A_49] {strides = array<i32>} : memref<10368xi32, #tpu.memory_space<vmem>>, vector<16xi32>,
    tpu.vector_store %arg10[%swap3A_49], %broadcast_in_dim3A_48 {strides = array<i32>} : memref<10368xi32, #tpu.memory_space<vmem>>, vector<16xi32>,
    %broadcast_in_dim3A_51 = arith.constant 10008 : i32
    %broadcast_in_dim3A_52 = vector.broadcast %broadcast_in_dim3A_51 : i32 to vector<16xi32>
    %swap3A_53 = arith.constant 10192 : index
    %swap3A_54 = tpu.vector_load %arg10[%swap3A_53] {strides = array<i32>} : memref<10368xi32, #tpu.memory_space<vmem>>, vector<16xi32>,
    tpu.vector_store %arg10[%swap3A_53], %broadcast_in_dim3A_52 {strides = array<i32>} : memref<10368xi32, #tpu.memory_space<vmem>>, vector<16xi32>,
    %broadcast_in_dim3A_55 = arith.constant 10008 : i32
    %broadcast_in_dim3A_56 = vector.broadcast %broadcast_in_dim3A_55 : i32 to vector<16xi32>
    %swap3A_57 = arith.constant 10208 : index
    %swap3A_58 = tpu.vector_load %arg10[%swap3A_57] {strides = array<i32>} : memref<10368xi32, #tpu.memory_space<vmem>>, vector<16xi32>,
    tpu.vector_store %arg10[%swap3A_57], %broadcast_in_dim3A_56 {strides = array<i32>} : memref<10368xi32, #tpu.memory_space<vmem>>, vector<16xi32>,
    %broadcast_in_dim3A_59 = arith.constant 10008 : i32
    %broadcast_in_dim3A_60 = vector.broadcast %broadcast_in_dim3A_59 : i32 to vector<16xi32>
    %swap3A_61 = arith.constant 10224 : index
    %swap3A_62 = tpu.vector_load %arg10[%swap3A_61] {strides = array<i32>} : memref<10368xi32, #tpu.memory_space<vmem>>, vector<16xi32>,
    tpu.vector_store %arg10[%swap3A_61], %broadcast_in_dim3A_60 {strides = array<i32>} : memref<10368xi32, #tpu.memory_space<vmem>>, vector<16xi32>,
    %broadcast_in_dim3A_63 = arith.constant 10008 : i32
    %broadcast_in_dim3A_64 = vector.broadcast %broadcast_in_dim3A_63 : i32 to vector<16xi32>
    %swap3A_65 = arith.constant 10240 : index
    %swap3A_66 = tpu.vector_load %arg10[%swap3A_65] {strides = array<i32>} : memref<10368xi32, #tpu.memory_space<vmem>>, vector<16xi32>,
    tpu.vector_store %arg10[%swap3A_65], %broadcast_in_dim3A_64 {strides = array<i32>} : memref<10368xi32, #tpu.memory_space<vmem>>, vector<16xi32>,
    %broadcast_in_dim3A_67 = arith.constant 10008 : i32
    %broadcast_in_dim3A_68 = vector.broadcast %broadcast_in_dim3A_67 : i32 to vector<16xi32>
    %swap3A_69 = arith.constant 10256 : index
    %swap3A_70 = tpu.vector_load %arg10[%swap3A_69] {strides = array<i32>} : memref<10368xi32, #tpu.memory_space<vmem>>, vector<16xi32>,
    tpu.vector_store %arg10[%swap3A_69], %broadcast_in_dim3A_68 {strides = array<i32>} : memref<10368xi32, #tpu.memory_space<vmem>>, vector<16xi32>,
    %broadcast_in_dim3A_71 = arith.constant 10008 : i32
    %broadcast_in_dim3A_72 = vector.broadcast %broadcast_in_dim3A_71 : i32 to vector<16xi32>
    %swap3A_73 = arith.constant 10272 : index
    %swap3A_74 = tpu.vector_load %arg10[%swap3A_73] {strides = array<i32>} : memref<10368xi32, #tpu.memory_space<vmem>>, vector<16xi32>,
    tpu.vector_store %arg10[%swap3A_73], %broadcast_in_dim3A_72 {strides = array<i32>} : memref<10368xi32, #tpu.memory_space<vmem>>, vector<16xi32>,
    %broadcast_in_dim3A_75 = arith.constant 10008 : i32
    %broadcast_in_dim3A_76 = vector.broadcast %broadcast_in_dim3A_75 : i32 to vector<16xi32>
    %swap3A_77 = arith.constant 10288 : index
    %swap3A_78 = tpu.vector_load %arg10[%swap3A_77] {strides = array<i32>} : memref<10368xi32, #tpu.memory_space<vmem>>, vector<16xi32>,
    tpu.vector_store %arg10[%swap3A_77], %broadcast_in_dim3A_76 {strides = array<i32>} : memref<10368xi32, #tpu.memory_space<vmem>>, vector<16xi32>,
    %broadcast_in_dim3A_79 = arith.constant 10008 : i32
    %broadcast_in_dim3A_80 = vector.broadcast %broadcast_in_dim3A_79 : i32 to vector<16xi32>
    %swap3A_81 = arith.constant 10304 : index
    %swap3A_82 = tpu.vector_load %arg10[%swap3A_81] {strides = array<i32>} : memref<10368xi32, #tpu.memory_space<vmem>>, vector<16xi32>,
    tpu.vector_store %arg10[%swap3A_81], %broadcast_in_dim3A_80 {strides = array<i32>} : memref<10368xi32, #tpu.memory_space<vmem>>, vector<16xi32>,
    %broadcast_in_dim3A_83 = arith.constant 10008 : i32
    %broadcast_in_dim3A_84 = vector.broadcast %broadcast_in_dim3A_83 : i32 to vector<16xi32>
    %swap3A_85 = arith.constant 10320 : index
    %swap3A_86 = tpu.vector_load %arg10[%swap3A_85] {strides = array<i32>} : memref<10368xi32, #tpu.memory_space<vmem>>, vector<16xi32>,
    tpu.vector_store %arg10[%swap3A_85], %broadcast_in_dim3A_84 {strides = array<i32>} : memref<10368xi32, #tpu.memory_space<vmem>>, vector<16xi32>,
    %broadcast_in_dim3A_87 = arith.constant 10008 : i32
    %broadcast_in_dim3A_88 = vector.broadcast %broadcast_in_dim3A_87 : i32 to vector<16xi32>
    %swap3A_89 = arith.constant 10336 : index
    %swap3A_90 = tpu.vector_load %arg10[%swap3A_89] {strides = array<i32>} : memref<10368xi32, #tpu.memory_space<vmem>>, vector<16xi32>,
    tpu.vector_store %arg10[%swap3A_89], %broadcast_in_dim3A_88 {strides = array<i32>} : memref<10368xi32, #tpu.memory_space<vmem>>, vector<16xi32>,
    %broadcast_in_dim3A_91 = arith.constant 10008 : i32
    %broadcast_in_dim3A_92 = vector.broadcast %broadcast_in_dim3A_91 : i32 to vector<16xi32>
    %swap3A_93 = arith.constant 10352 : index
    %swap3A_94 = tpu.vector_load %arg10[%swap3A_93] {strides = array<i32>} : memref<10368xi32, #tpu.memory_space<vmem>>, vector<16xi32>,
    tpu.vector_store %arg10[%swap3A_93], %broadcast_in_dim3A_92 {strides = array<i32>} : memref<10368xi32, #tpu.memory_space<vmem>>, vector<16xi32>,
    %mul3A_95 = arith.constant 10000 : i32
    %mul3A_96 = arith.muli %add3A, %mul3A_95 : i32
    %run_scoped3A = arith.constant 1 : i32
    "tpu.region"() ({
      %run_scoped3A_149 = tpu.sem_alloc : memref<!tpu.dma_semaphore, #tpu.memory_space<semaphore_mem>>
      %dma_start3A_150 = arith.constant 0 : i32
      %dma_start3A_151 = tpu.memref_slice %arg10[%dma_start3A_150] : memref<10368xi32, #tpu.memory_space<vmem>> -> memref<10000xi32, #tpu.memory_space<vmem>>
      %dma_start3A_152 = tpu.memref_slice %arg2[%run_scoped3A, %mul3A_96] : memref<2x320000xi32, #tpu.memory_space<hbm>> -> memref<1x10000xi32, #tpu.memory_space<hbm>>
      %dma_start3A_153 = tpu.memref_squeeze %dma_start3A_152 : memref<1x10000xi32, #tpu.memory_space<hbm>> -> memref<10000xi32, #tpu.memory_space<hbm>>
      %dma_start3A_154 = arith.constant 0 : i32
      %dma_start3A_155 = tpu.memref_slice %arg10[%dma_start3A_154] : memref<10368xi32, #tpu.memory_space<vmem>> -> memref<10000xi32, #tpu.memory_space<vmem>>
      %dma_start3A_156 = tpu.memref_slice %arg2[%run_scoped3A, %mul3A_96] : memref<2x320000xi32, #tpu.memory_space<hbm>> -> memref<1x10000xi32, #tpu.memory_space<hbm>>
      %dma_start3A_157 = tpu.memref_squeeze %dma_start3A_156 : memref<1x10000xi32, #tpu.memory_space<hbm>> -> memref<10000xi32, #tpu.memory_space<hbm>>
      tpu.enqueue_dma source(%dma_start3A_157 : memref<10000xi32, #tpu.memory_space<hbm>>) target(%dma_start3A_155 : memref<10000xi32, #tpu.memory_space<vmem>>) target_semaphore(%run_scoped3A_149 : memref<!tpu.dma_semaphore, #tpu.memory_space<semaphore_mem>>)
      %dma_wait3A = arith.constant 0 : i32
      %dma_wait3A_158 = tpu.memref_slice %arg10[%dma_wait3A] : memref<10368xi32, #tpu.memory_space<vmem>> -> memref<10000xi32, #tpu.memory_space<vmem>>
      %dma_wait3A_159 = tpu.memref_slice %arg2[%run_scoped3A, %mul3A_96] : memref<2x320000xi32, #tpu.memory_space<hbm>> -> memref<1x10000xi32, #tpu.memory_space<hbm>>
      %dma_wait3A_160 = tpu.memref_squeeze %dma_wait3A_159 : memref<1x10000xi32, #tpu.memory_space<hbm>> -> memref<10000xi32, #tpu.memory_space<hbm>>
      %dma_wait3A_161 = arith.constant 0 : i32
      %dma_wait3A_162 = tpu.memref_slice %arg10[%dma_wait3A_161] : memref<10368xi32, #tpu.memory_space<vmem>> -> memref<10000xi32, #tpu.memory_space<vmem>>
      %dma_wait3A_163 = tpu.memref_slice %arg2[%run_scoped3A, %mul3A_96] : memref<2x320000xi32, #tpu.memory_space<hbm>> -> memref<1x10000xi32, #tpu.memory_space<hbm>>
      %dma_wait3A_164 = tpu.memref_squeeze %dma_wait3A_163 : memref<1x10000xi32, #tpu.memory_space<hbm>> -> memref<10000xi32, #tpu.memory_space<hbm>>
      tpu.wait_dma2 semaphore(%run_scoped3A_149 : memref<!tpu.dma_semaphore, #tpu.memory_space<semaphore_mem>>) src(%dma_wait3A_164 : memref<10000xi32, #tpu.memory_space<hbm>>) dst(%dma_wait3A_162 : memref<10000xi32, #tpu.memory_space<vmem>>)
      tpu.yield
    }) : () -> ()
    "tpu.region"() ({
      %run_scoped3A_149 = tpu.sem_alloc : memref<!tpu.dma_semaphore, #tpu.memory_space<semaphore_mem>>
      tpu.enqueue_dma source(%arg5 : memref<128x16xf32, #tpu.memory_space<hbm>>) target(%arg12 : memref<128x16xf32, #tpu.memory_space<vmem>>) target_semaphore(%run_scoped3A_149 : memref<!tpu.dma_semaphore, #tpu.memory_space<semaphore_mem>>)
      tpu.wait_dma2 semaphore(%run_scoped3A_149 : memref<!tpu.dma_semaphore, #tpu.memory_space<semaphore_mem>>) src(%arg5 : memref<128x16xf32, #tpu.memory_space<hbm>>) dst(%arg12 : memref<128x16xf32, #tpu.memory_space<vmem>>)
      tpu.yield
    }) : () -> ()
    %eq3A_97 = arith.constant 0 : i32
    %eq3A_98 = arith.cmpi eq, %arg0, %eq3A_97 : i32
    %convert_element_type3A_99 = arith.extui %eq3A_98 : i1 to i32
    %cond3A_100 = arith.constant 0 : i32
    %cond3A_101 = arith.cmpi ne, %convert_element_type3A_99, %cond3A_100 : i32
    scf.if %cond3A_101 {
      %broadcast_in_dim3A_149 = arith.constant 64 : i32
      %broadcast_in_dim3A_150 = vector.broadcast %broadcast_in_dim3A_149 : i32 to vector<16xi32>
      %swap3A_151 = arith.constant 512 : index
      %swap3A_152 = tpu.vector_load %arg11[%swap3A_151] {strides = array<i32>} : memref<640xi32, #tpu.memory_space<vmem>>, vector<16xi32>,
      tpu.vector_store %arg11[%swap3A_151], %broadcast_in_dim3A_150 {strides = array<i32>} : memref<640xi32, #tpu.memory_space<vmem>>, vector<16xi32>,
      %broadcast_in_dim3A_153 = arith.constant 64 : i32
      %broadcast_in_dim3A_154 = vector.broadcast %broadcast_in_dim3A_153 : i32 to vector<16xi32>
      %swap3A_155 = arith.constant 528 : index
      %swap3A_156 = tpu.vector_load %arg11[%swap3A_155] {strides = array<i32>} : memref<640xi32, #tpu.memory_space<vmem>>, vector<16xi32>,
      tpu.vector_store %arg11[%swap3A_155], %broadcast_in_dim3A_154 {strides = array<i32>} : memref<640xi32, #tpu.memory_space<vmem>>, vector<16xi32>,
      %broadcast_in_dim3A_157 = arith.constant 64 : i32
      %broadcast_in_dim3A_158 = vector.broadcast %broadcast_in_dim3A_157 : i32 to vector<16xi32>
      %swap3A_159 = arith.constant 544 : index
      %swap3A_160 = tpu.vector_load %arg11[%swap3A_159] {strides = array<i32>} : memref<640xi32, #tpu.memory_space<vmem>>, vector<16xi32>,
      tpu.vector_store %arg11[%swap3A_159], %broadcast_in_dim3A_158 {strides = array<i32>} : memref<640xi32, #tpu.memory_space<vmem>>, vector<16xi32>,
      %broadcast_in_dim3A_161 = arith.constant 64 : i32
      %broadcast_in_dim3A_162 = vector.broadcast %broadcast_in_dim3A_161 : i32 to vector<16xi32>
      %swap3A_163 = arith.constant 560 : index
      %swap3A_164 = tpu.vector_load %arg11[%swap3A_163] {strides = array<i32>} : memref<640xi32, #tpu.memory_space<vmem>>, vector<16xi32>,
      tpu.vector_store %arg11[%swap3A_163], %broadcast_in_dim3A_162 {strides = array<i32>} : memref<640xi32, #tpu.memory_space<vmem>>, vector<16xi32>,
      %broadcast_in_dim3A_165 = arith.constant 64 : i32
      %broadcast_in_dim3A_166 = vector.broadcast %broadcast_in_dim3A_165 : i32 to vector<16xi32>
      %swap3A_167 = arith.constant 576 : index
      %swap3A_168 = tpu.vector_load %arg11[%swap3A_167] {strides = array<i32>} : memref<640xi32, #tpu.memory_space<vmem>>, vector<16xi32>,
      tpu.vector_store %arg11[%swap3A_167], %broadcast_in_dim3A_166 {strides = array<i32>} : memref<640xi32, #tpu.memory_space<vmem>>, vector<16xi32>,
      %broadcast_in_dim3A_169 = arith.constant 64 : i32
      %broadcast_in_dim3A_170 = vector.broadcast %broadcast_in_dim3A_169 : i32 to vector<16xi32>
      %swap3A_171 = arith.constant 592 : index
      %swap3A_172 = tpu.vector_load %arg11[%swap3A_171] {strides = array<i32>} : memref<640xi32, #tpu.memory_space<vmem>>, vector<16xi32>,
      tpu.vector_store %arg11[%swap3A_171], %broadcast_in_dim3A_170 {strides = array<i32>} : memref<640xi32, #tpu.memory_space<vmem>>, vector<16xi32>,
      %broadcast_in_dim3A_173 = arith.constant 64 : i32
      %broadcast_in_dim3A_174 = vector.broadcast %broadcast_in_dim3A_173 : i32 to vector<16xi32>
      %swap3A_175 = arith.constant 608 : index
      %swap3A_176 = tpu.vector_load %arg11[%swap3A_175] {strides = array<i32>} : memref<640xi32, #tpu.memory_space<vmem>>, vector<16xi32>,
      tpu.vector_store %arg11[%swap3A_175], %broadcast_in_dim3A_174 {strides = array<i32>} : memref<640xi32, #tpu.memory_space<vmem>>, vector<16xi32>,
      %broadcast_in_dim3A_177 = arith.constant 64 : i32
      %broadcast_in_dim3A_178 = vector.broadcast %broadcast_in_dim3A_177 : i32 to vector<16xi32>
      %swap3A_179 = arith.constant 624 : index
      %swap3A_180 = tpu.vector_load %arg11[%swap3A_179] {strides = array<i32>} : memref<640xi32, #tpu.memory_space<vmem>>, vector<16xi32>,
      tpu.vector_store %arg11[%swap3A_179], %broadcast_in_dim3A_178 {strides = array<i32>} : memref<640xi32, #tpu.memory_space<vmem>>, vector<16xi32>,
      %mul3A_181 = arith.constant 632 : i32
      %mul3A_182 = arith.muli %arg1, %mul3A_181 : i32
      "tpu.region"() ({
        %run_scoped3A_183 = tpu.sem_alloc : memref<!tpu.dma_semaphore, #tpu.memory_space<semaphore_mem>>
        %dma_start3A_184 = arith.constant 0 : i32
        %dma_start3A_185 = tpu.memref_slice %arg11[%dma_start3A_184] : memref<640xi32, #tpu.memory_space<vmem>> -> memref<632xi32, #tpu.memory_space<vmem>>
        %dma_start3A_186 = tpu.memref_slice %arg3[%mul3A_182] : memref<10112xi32, #tpu.memory_space<hbm>> -> memref<632xi32, #tpu.memory_space<hbm>>
        %dma_start3A_187 = arith.constant 0 : i32
        %dma_start3A_188 = tpu.memref_slice %arg11[%dma_start3A_187] : memref<640xi32, #tpu.memory_space<vmem>> -> memref<632xi32, #tpu.memory_space<vmem>>
        %dma_start3A_189 = tpu.memref_slice %arg3[%mul3A_182] : memref<10112xi32, #tpu.memory_space<hbm>> -> memref<632xi32, #tpu.memory_space<hbm>>
        tpu.enqueue_dma source(%dma_start3A_189 : memref<632xi32, #tpu.memory_space<hbm>>) target(%dma_start3A_188 : memref<632xi32, #tpu.memory_space<vmem>>) target_semaphore(%run_scoped3A_183 : memref<!tpu.dma_semaphore, #tpu.memory_space<semaphore_mem>>)
        %dma_wait3A = arith.constant 0 : i32
        %dma_wait3A_190 = tpu.memref_slice %arg11[%dma_wait3A] : memref<640xi32, #tpu.memory_space<vmem>> -> memref<632xi32, #tpu.memory_space<vmem>>
        %dma_wait3A_191 = tpu.memref_slice %arg3[%mul3A_182] : memref<10112xi32, #tpu.memory_space<hbm>> -> memref<632xi32, #tpu.memory_space<hbm>>
        %dma_wait3A_192 = arith.constant 0 : i32
        %dma_wait3A_193 = tpu.memref_slice %arg11[%dma_wait3A_192] : memref<640xi32, #tpu.memory_space<vmem>> -> memref<632xi32, #tpu.memory_space<vmem>>
        %dma_wait3A_194 = tpu.memref_slice %arg3[%mul3A_182] : memref<10112xi32, #tpu.memory_space<hbm>> -> memref<632xi32, #tpu.memory_space<hbm>>
        tpu.wait_dma2 semaphore(%run_scoped3A_183 : memref<!tpu.dma_semaphore, #tpu.memory_space<semaphore_mem>>) src(%dma_wait3A_194 : memref<632xi32, #tpu.memory_space<hbm>>) dst(%dma_wait3A_193 : memref<632xi32, #tpu.memory_space<vmem>>)
        tpu.yield
      }) : () -> ()
    } else {
    }
    %barrier3A = arith.constant 0 : index
    tpu.barrier barrier_id(%barrier3A)
    %dma_start3A = arith.constant 0 : i32
    %dma_start3A_102 = arith.constant 0 : i32
    %dma_start3A_103 = tpu.memref_slice %arg10[%dma_start3A_102] : memref<10368xi32, #tpu.memory_space<vmem>> -> memref<128xi32, #tpu.memory_space<vmem>>
    %dma_start3A_104 = arith.constant 0 : i32
    %dma_start3A_105 = arith.constant 0 : i32
    %dma_start3A_106 = tpu.memref_slice %arg8[%dma_start3A_104, %dma_start3A_105] : memref<10112x16xf32, #tpu.memory_space<vmem_shared>> -> memref<10112x16xf32, #tpu.memory_space<vmem_shared>>
    %dma_start3A_107 = tpu.memref_slice %arg15[%dma_start3A] : memref<3x!tpu.dma_semaphore, #tpu.memory_space<semaphore_mem>> -> memref<1x!tpu.dma_semaphore, #tpu.memory_space<semaphore_mem>>
    %dma_start3A_108 = tpu.memref_squeeze %dma_start3A_107 : memref<1x!tpu.dma_semaphore, #tpu.memory_space<semaphore_mem>> -> memref<!tpu.dma_semaphore, #tpu.memory_space<semaphore_mem>>
    tpu.enqueue_indirect_dma source(%arg12 : memref<128x16xf32, #tpu.memory_space<vmem>>) target(%dma_start3A_106 : memref<10112x16xf32, #tpu.memory_space<vmem_shared>>) offsets(%dma_start3A_103 : memref<128xi32, #tpu.memory_space<vmem>>) semaphore(%dma_start3A_108 : memref<!tpu.dma_semaphore, #tpu.memory_space<semaphore_mem>>) {add = true}
    %dma_start3A_109 = arith.constant 1 : i32
    %dma_start3A_110 = arith.constant 128 : i32
    %dma_start3A_111 = tpu.memref_slice %arg10[%dma_start3A_110] : memref<10368xi32, #tpu.memory_space<vmem>> -> memref<128xi32, #tpu.memory_space<vmem>>
    %dma_start3A_112 = arith.constant 0 : i32
    %dma_start3A_113 = arith.constant 0 : i32
    %dma_start3A_114 = tpu.memref_slice %arg8[%dma_start3A_112, %dma_start3A_113] : memref<10112x16xf32, #tpu.memory_space<vmem_shared>> -> memref<10112x16xf32, #tpu.memory_space<vmem_shared>>
    %dma_start3A_115 = tpu.memref_slice %arg15[%dma_start3A_109] : memref<3x!tpu.dma_semaphore, #tpu.memory_space<semaphore_mem>> -> memref<1x!tpu.dma_semaphore, #tpu.memory_space<semaphore_mem>>
    %dma_start3A_116 = tpu.memref_squeeze %dma_start3A_115 : memref<1x!tpu.dma_semaphore, #tpu.memory_space<semaphore_mem>> -> memref<!tpu.dma_semaphore, #tpu.memory_space<semaphore_mem>>
    tpu.enqueue_indirect_dma source(%arg12 : memref<128x16xf32, #tpu.memory_space<vmem>>) target(%dma_start3A_114 : memref<10112x16xf32, #tpu.memory_space<vmem_shared>>) offsets(%dma_start3A_111 : memref<128xi32, #tpu.memory_space<vmem>>) semaphore(%dma_start3A_116 : memref<!tpu.dma_semaphore, #tpu.memory_space<semaphore_mem>>) {add = true}
    %dma_start3A_117 = arith.constant 2 : i32
    %dma_start3A_118 = arith.constant 256 : i32
    %dma_start3A_119 = tpu.memref_slice %arg10[%dma_start3A_118] : memref<10368xi32, #tpu.memory_space<vmem>> -> memref<128xi32, #tpu.memory_space<vmem>>
    %dma_start3A_120 = arith.constant 0 : i32
    %dma_start3A_121 = arith.constant 0 : i32
    %dma_start3A_122 = tpu.memref_slice %arg8[%dma_start3A_120, %dma_start3A_121] : memref<10112x16xf32, #tpu.memory_space<vmem_shared>> -> memref<10112x16xf32, #tpu.memory_space<vmem_shared>>
    %dma_start3A_123 = tpu.memref_slice %arg15[%dma_start3A_117] : memref<3x!tpu.dma_semaphore, #tpu.memory_space<semaphore_mem>> -> memref<1x!tpu.dma_semaphore, #tpu.memory_space<semaphore_mem>>
    %dma_start3A_124 = tpu.memref_squeeze %dma_start3A_123 : memref<1x!tpu.dma_semaphore, #tpu.memory_space<semaphore_mem>> -> memref<!tpu.dma_semaphore, #tpu.memory_space<semaphore_mem>>
    tpu.enqueue_indirect_dma source(%arg12 : memref<128x16xf32, #tpu.memory_space<vmem>>) target(%dma_start3A_122 : memref<10112x16xf32, #tpu.memory_space<vmem_shared>>) offsets(%dma_start3A_119 : memref<128xi32, #tpu.memory_space<vmem>>) semaphore(%dma_start3A_124 : memref<!tpu.dma_semaphore, #tpu.memory_space<semaphore_mem>>) {add = true}
    %scan3A = arith.constant 0 : i32
    %scan3A_125 = arith.constant 0 : i32
    %scan3A_126 = arith.constant 27 : i32
    %scan3A_127 = arith.addi %scan3A_125, %scan3A_126 : i32
    %scan3A_128 = arith.constant 1 : i32
    scf.for %scan3A_149 = %scan3A_125 to %scan3A_127 step %scan3A_128  : i32 {
      %mul3A_150 = arith.constant 3 : i32
      %mul3A_151 = arith.muli %scan3A_149, %mul3A_150 : i32
      %add3A_152 = arith.constant 0 : i32
      %add3A_153 = arith.addi %mul3A_151, %add3A_152 : i32
      %mul3A_154 = arith.constant 128 : i32
      %mul3A_155 = arith.muli %add3A_153, %mul3A_154 : i32
      %dma_wait3A = arith.constant 0 : i32
      %dma_wait3A_156 = tpu.memref_slice %arg10[%mul3A_155] : memref<10368xi32, #tpu.memory_space<vmem>> -> memref<128xi32, #tpu.memory_space<vmem>>
      %dma_wait3A_157 = arith.constant 0 : i32
      %dma_wait3A_158 = arith.constant 0 : i32
      %dma_wait3A_159 = tpu.memref_slice %arg8[%dma_wait3A_157, %dma_wait3A_158] : memref<10112x16xf32, #tpu.memory_space<vmem_shared>> -> memref<10112x16xf32, #tpu.memory_space<vmem_shared>>
      %dma_wait3A_160 = tpu.memref_slice %arg15[%dma_wait3A] : memref<3x!tpu.dma_semaphore, #tpu.memory_space<semaphore_mem>> -> memref<1x!tpu.dma_semaphore, #tpu.memory_space<semaphore_mem>>
      %dma_wait3A_161 = tpu.memref_squeeze %dma_wait3A_160 : memref<1x!tpu.dma_semaphore, #tpu.memory_space<semaphore_mem>> -> memref<!tpu.dma_semaphore, #tpu.memory_space<semaphore_mem>>
      tpu.wait_indirect_dma semaphore(%dma_wait3A_161 : memref<!tpu.dma_semaphore, #tpu.memory_space<semaphore_mem>>) src(%arg12 : memref<128x16xf32, #tpu.memory_space<vmem>>) dst(%dma_wait3A_159 : memref<10112x16xf32, #tpu.memory_space<vmem_shared>>)
      %lt3A = arith.constant 26 : i32
      %lt3A_162 = arith.cmpi slt, %scan3A_149, %lt3A : i32
      %convert_element_type3A_163 = arith.extui %lt3A_162 : i1 to i32
      %cond3A_164 = arith.constant 0 : i32
      %cond3A_165 = arith.cmpi ne, %convert_element_type3A_163, %cond3A_164 : i32
      scf.if %cond3A_165 {
        %add3A_202 = arith.constant 3 : i32
        %add3A_203 = arith.addi %add3A_153, %add3A_202 : i32
        %mul3A_204 = arith.constant 128 : i32
        %mul3A_205 = arith.muli %add3A_203, %mul3A_204 : i32
        %dma_start3A_206 = arith.constant 0 : i32
        %dma_start3A_207 = tpu.memref_slice %arg10[%mul3A_205] : memref<10368xi32, #tpu.memory_space<vmem>> -> memref<128xi32, #tpu.memory_space<vmem>>
        %dma_start3A_208 = arith.constant 0 : i32
        %dma_start3A_209 = arith.constant 0 : i32
        %dma_start3A_210 = tpu.memref_slice %arg8[%dma_start3A_208, %dma_start3A_209] : memref<10112x16xf32, #tpu.memory_space<vmem_shared>> -> memref<10112x16xf32, #tpu.memory_space<vmem_shared>>
        %dma_start3A_211 = tpu.memref_slice %arg15[%dma_start3A_206] : memref<3x!tpu.dma_semaphore, #tpu.memory_space<semaphore_mem>> -> memref<1x!tpu.dma_semaphore, #tpu.memory_space<semaphore_mem>>
        %dma_start3A_212 = tpu.memref_squeeze %dma_start3A_211 : memref<1x!tpu.dma_semaphore, #tpu.memory_space<semaphore_mem>> -> memref<!tpu.dma_semaphore, #tpu.memory_space<semaphore_mem>>
        tpu.enqueue_indirect_dma source(%arg12 : memref<128x16xf32, #tpu.memory_space<vmem>>) target(%dma_start3A_210 : memref<10112x16xf32, #tpu.memory_space<vmem_shared>>) offsets(%dma_start3A_207 : memref<128xi32, #tpu.memory_space<vmem>>) semaphore(%dma_start3A_212 : memref<!tpu.dma_semaphore, #tpu.memory_space<semaphore_mem>>) {add = true}
      } else {
      }
      %mul3A_166 = arith.constant 3 : i32
      %mul3A_167 = arith.muli %scan3A_149, %mul3A_166 : i32
      %add3A_168 = arith.constant 1 : i32
      %add3A_169 = arith.addi %mul3A_167, %add3A_168 : i32
      %mul3A_170 = arith.constant 128 : i32
      %mul3A_171 = arith.muli %add3A_169, %mul3A_170 : i32
      %dma_wait3A_172 = arith.constant 1 : i32
      %dma_wait3A_173 = tpu.memref_slice %arg10[%mul3A_171] : memref<10368xi32, #tpu.memory_space<vmem>> -> memref<128xi32, #tpu.memory_space<vmem>>
      %dma_wait3A_174 = arith.constant 0 : i32
      %dma_wait3A_175 = arith.constant 0 : i32
      %dma_wait3A_176 = tpu.memref_slice %arg8[%dma_wait3A_174, %dma_wait3A_175] : memref<10112x16xf32, #tpu.memory_space<vmem_shared>> -> memref<10112x16xf32, #tpu.memory_space<vmem_shared>>
      %dma_wait3A_177 = tpu.memref_slice %arg15[%dma_wait3A_172] : memref<3x!tpu.dma_semaphore, #tpu.memory_space<semaphore_mem>> -> memref<1x!tpu.dma_semaphore, #tpu.memory_space<semaphore_mem>>
      %dma_wait3A_178 = tpu.memref_squeeze %dma_wait3A_177 : memref<1x!tpu.dma_semaphore, #tpu.memory_space<semaphore_mem>> -> memref<!tpu.dma_semaphore, #tpu.memory_space<semaphore_mem>>
      tpu.wait_indirect_dma semaphore(%dma_wait3A_178 : memref<!tpu.dma_semaphore, #tpu.memory_space<semaphore_mem>>) src(%arg12 : memref<128x16xf32, #tpu.memory_space<vmem>>) dst(%dma_wait3A_176 : memref<10112x16xf32, #tpu.memory_space<vmem_shared>>)
      %lt3A_179 = arith.constant 26 : i32
      %lt3A_180 = arith.cmpi slt, %scan3A_149, %lt3A_179 : i32
      %convert_element_type3A_181 = arith.extui %lt3A_180 : i1 to i32
      %cond3A_182 = arith.constant 0 : i32
      %cond3A_183 = arith.cmpi ne, %convert_element_type3A_181, %cond3A_182 : i32
      scf.if %cond3A_183 {
        %add3A_202 = arith.constant 3 : i32
        %add3A_203 = arith.addi %add3A_169, %add3A_202 : i32
        %mul3A_204 = arith.constant 128 : i32
        %mul3A_205 = arith.muli %add3A_203, %mul3A_204 : i32
        %dma_start3A_206 = arith.constant 1 : i32
        %dma_start3A_207 = tpu.memref_slice %arg10[%mul3A_205] : memref<10368xi32, #tpu.memory_space<vmem>> -> memref<128xi32, #tpu.memory_space<vmem>>
        %dma_start3A_208 = arith.constant 0 : i32
        %dma_start3A_209 = arith.constant 0 : i32
        %dma_start3A_210 = tpu.memref_slice %arg8[%dma_start3A_208, %dma_start3A_209] : memref<10112x16xf32, #tpu.memory_space<vmem_shared>> -> memref<10112x16xf32, #tpu.memory_space<vmem_shared>>
        %dma_start3A_211 = tpu.memref_slice %arg15[%dma_start3A_206] : memref<3x!tpu.dma_semaphore, #tpu.memory_space<semaphore_mem>> -> memref<1x!tpu.dma_semaphore, #tpu.memory_space<semaphore_mem>>
        %dma_start3A_212 = tpu.memref_squeeze %dma_start3A_211 : memref<1x!tpu.dma_semaphore, #tpu.memory_space<semaphore_mem>> -> memref<!tpu.dma_semaphore, #tpu.memory_space<semaphore_mem>>
        tpu.enqueue_indirect_dma source(%arg12 : memref<128x16xf32, #tpu.memory_space<vmem>>) target(%dma_start3A_210 : memref<10112x16xf32, #tpu.memory_space<vmem_shared>>) offsets(%dma_start3A_207 : memref<128xi32, #tpu.memory_space<vmem>>) semaphore(%dma_start3A_212 : memref<!tpu.dma_semaphore, #tpu.memory_space<semaphore_mem>>) {add = true}
      } else {
      }
      %mul3A_184 = arith.constant 3 : i32
      %mul3A_185 = arith.muli %scan3A_149, %mul3A_184 : i32
      %add3A_186 = arith.constant 2 : i32
      %add3A_187 = arith.addi %mul3A_185, %add3A_186 : i32
      %mul3A_188 = arith.constant 128 : i32
      %mul3A_189 = arith.muli %add3A_187, %mul3A_188 : i32
      %dma_wait3A_190 = arith.constant 2 : i32
      %dma_wait3A_191 = tpu.memref_slice %arg10[%mul3A_189] : memref<10368xi32, #tpu.memory_space<vmem>> -> memref<128xi32, #tpu.memory_space<vmem>>
      %dma_wait3A_192 = arith.constant 0 : i32
      %dma_wait3A_193 = arith.constant 0 : i32
      %dma_wait3A_194 = tpu.memref_slice %arg8[%dma_wait3A_192, %dma_wait3A_193] : memref<10112x16xf32, #tpu.memory_space<vmem_shared>> -> memref<10112x16xf32, #tpu.memory_space<vmem_shared>>
      %dma_wait3A_195 = tpu.memref_slice %arg15[%dma_wait3A_190] : memref<3x!tpu.dma_semaphore, #tpu.memory_space<semaphore_mem>> -> memref<1x!tpu.dma_semaphore, #tpu.memory_space<semaphore_mem>>
      %dma_wait3A_196 = tpu.memref_squeeze %dma_wait3A_195 : memref<1x!tpu.dma_semaphore, #tpu.memory_space<semaphore_mem>> -> memref<!tpu.dma_semaphore, #tpu.memory_space<semaphore_mem>>
      tpu.wait_indirect_dma semaphore(%dma_wait3A_196 : memref<!tpu.dma_semaphore, #tpu.memory_space<semaphore_mem>>) src(%arg12 : memref<128x16xf32, #tpu.memory_space<vmem>>) dst(%dma_wait3A_194 : memref<10112x16xf32, #tpu.memory_space<vmem_shared>>)
      %lt3A_197 = arith.constant 26 : i32
      %lt3A_198 = arith.cmpi slt, %scan3A_149, %lt3A_197 : i32
      %convert_element_type3A_199 = arith.extui %lt3A_198 : i1 to i32
      %cond3A_200 = arith.constant 0 : i32
      %cond3A_201 = arith.cmpi ne, %convert_element_type3A_199, %cond3A_200 : i32
      scf.if %cond3A_201 {
        %add3A_202 = arith.constant 3 : i32
        %add3A_203 = arith.addi %add3A_187, %add3A_202 : i32
        %mul3A_204 = arith.constant 128 : i32
        %mul3A_205 = arith.muli %add3A_203, %mul3A_204 : i32
        %dma_start3A_206 = arith.constant 2 : i32
        %dma_start3A_207 = tpu.memref_slice %arg10[%mul3A_205] : memref<10368xi32, #tpu.memory_space<vmem>> -> memref<128xi32, #tpu.memory_space<vmem>>
        %dma_start3A_208 = arith.constant 0 : i32
        %dma_start3A_209 = arith.constant 0 : i32
        %dma_start3A_210 = tpu.memref_slice %arg8[%dma_start3A_208, %dma_start3A_209] : memref<10112x16xf32, #tpu.memory_space<vmem_shared>> -> memref<10112x16xf32, #tpu.memory_space<vmem_shared>>
        %dma_start3A_211 = tpu.memref_slice %arg15[%dma_start3A_206] : memref<3x!tpu.dma_semaphore, #tpu.memory_space<semaphore_mem>> -> memref<1x!tpu.dma_semaphore, #tpu.memory_space<semaphore_mem>>
        %dma_start3A_212 = tpu.memref_squeeze %dma_start3A_211 : memref<1x!tpu.dma_semaphore, #tpu.memory_space<semaphore_mem>> -> memref<!tpu.dma_semaphore, #tpu.memory_space<semaphore_mem>>
        tpu.enqueue_indirect_dma source(%arg12 : memref<128x16xf32, #tpu.memory_space<vmem>>) target(%dma_start3A_210 : memref<10112x16xf32, #tpu.memory_space<vmem_shared>>) offsets(%dma_start3A_207 : memref<128xi32, #tpu.memory_space<vmem>>) semaphore(%dma_start3A_212 : memref<!tpu.dma_semaphore, #tpu.memory_space<semaphore_mem>>) {add = true}
      } else {
      }
    }
    %scan3A_129 = arith.constant 27 : i32
    %eq3A_130 = arith.constant 0 : i32
    %eq3A_131 = arith.cmpi eq, %arg0, %eq3A_130 : i32
    %convert_element_type3A_132 = arith.extui %eq3A_131 : i1 to i32
    %cond3A_133 = arith.constant 0 : i32
    %cond3A_134 = arith.cmpi ne, %convert_element_type3A_132, %cond3A_133 : i32
    scf.if %cond3A_134 {
      "tpu.region"() ({
        %run_scoped3A_149 = tpu.sem_alloc : memref<!tpu.dma_semaphore, #tpu.memory_space<semaphore_mem>>
        %dma_start3A_150 = arith.constant 0 : i32
        %dma_start3A_151 = tpu.memref_slice %arg11[%dma_start3A_150] : memref<640xi32, #tpu.memory_space<vmem>> -> memref<128xi32, #tpu.memory_space<vmem>>
        %dma_start3A_152 = arith.constant 0 : i32
        %dma_start3A_153 = arith.constant 0 : i32
        %dma_start3A_154 = tpu.memref_slice %arg9[%dma_start3A_152, %dma_start3A_153] : memref<72x16xf32, #tpu.memory_space<vmem_shared>> -> memref<72x16xf32, #tpu.memory_space<vmem_shared>>
        tpu.enqueue_indirect_dma source(%arg12 : memref<128x16xf32, #tpu.memory_space<vmem>>) target(%dma_start3A_154 : memref<72x16xf32, #tpu.memory_space<vmem_shared>>) offsets(%dma_start3A_151 : memref<128xi32, #tpu.memory_space<vmem>>) semaphore(%run_scoped3A_149 : memref<!tpu.dma_semaphore, #tpu.memory_space<semaphore_mem>>) {add = true}
        %dma_wait3A = arith.constant 0 : i32
        %dma_wait3A_155 = tpu.memref_slice %arg11[%dma_wait3A] : memref<640xi32, #tpu.memory_space<vmem>> -> memref<128xi32, #tpu.memory_space<vmem>>
        %dma_wait3A_156 = arith.constant 0 : i32
        %dma_wait3A_157 = arith.constant 0 : i32
        %dma_wait3A_158 = tpu.memref_slice %arg9[%dma_wait3A_156, %dma_wait3A_157] : memref<72x16xf32, #tpu.memory_space<vmem_shared>> -> memref<72x16xf32, #tpu.memory_space<vmem_shared>>
        tpu.wait_indirect_dma semaphore(%run_scoped3A_149 : memref<!tpu.dma_semaphore, #tpu.memory_space<semaphore_mem>>) src(%arg12 : memref<128x16xf32, #tpu.memory_space<vmem>>) dst(%dma_wait3A_158 : memref<72x16xf32, #tpu.memory_space<vmem_shared>>)
        tpu.yield
      }) : () -> ()
      "tpu.region"() ({
        %run_scoped3A_149 = tpu.sem_alloc : memref<!tpu.dma_semaphore, #tpu.memory_space<semaphore_mem>>
        %dma_start3A_150 = arith.constant 128 : i32
        %dma_start3A_151 = tpu.memref_slice %arg11[%dma_start3A_150] : memref<640xi32, #tpu.memory_space<vmem>> -> memref<128xi32, #tpu.memory_space<vmem>>
        %dma_start3A_152 = arith.constant 0 : i32
        %dma_start3A_153 = arith.constant 0 : i32
        %dma_start3A_154 = tpu.memref_slice %arg9[%dma_start3A_152, %dma_start3A_153] : memref<72x16xf32, #tpu.memory_space<vmem_shared>> -> memref<72x16xf32, #tpu.memory_space<vmem_shared>>
        tpu.enqueue_indirect_dma source(%arg12 : memref<128x16xf32, #tpu.memory_space<vmem>>) target(%dma_start3A_154 : memref<72x16xf32, #tpu.memory_space<vmem_shared>>) offsets(%dma_start3A_151 : memref<128xi32, #tpu.memory_space<vmem>>) semaphore(%run_scoped3A_149 : memref<!tpu.dma_semaphore, #tpu.memory_space<semaphore_mem>>) {add = true}
        %dma_wait3A = arith.constant 128 : i32
        %dma_wait3A_155 = tpu.memref_slice %arg11[%dma_wait3A] : memref<640xi32, #tpu.memory_space<vmem>> -> memref<128xi32, #tpu.memory_space<vmem>>
        %dma_wait3A_156 = arith.constant 0 : i32
        %dma_wait3A_157 = arith.constant 0 : i32
        %dma_wait3A_158 = tpu.memref_slice %arg9[%dma_wait3A_156, %dma_wait3A_157] : memref<72x16xf32, #tpu.memory_space<vmem_shared>> -> memref<72x16xf32, #tpu.memory_space<vmem_shared>>
        tpu.wait_indirect_dma semaphore(%run_scoped3A_149 : memref<!tpu.dma_semaphore, #tpu.memory_space<semaphore_mem>>) src(%arg12 : memref<128x16xf32, #tpu.memory_space<vmem>>) dst(%dma_wait3A_158 : memref<72x16xf32, #tpu.memory_space<vmem_shared>>)
        tpu.yield
      }) : () -> ()
      "tpu.region"() ({
        %run_scoped3A_149 = tpu.sem_alloc : memref<!tpu.dma_semaphore, #tpu.memory_space<semaphore_mem>>
        %dma_start3A_150 = arith.constant 256 : i32
        %dma_start3A_151 = tpu.memref_slice %arg11[%dma_start3A_150] : memref<640xi32, #tpu.memory_space<vmem>> -> memref<128xi32, #tpu.memory_space<vmem>>
        %dma_start3A_152 = arith.constant 0 : i32
        %dma_start3A_153 = arith.constant 0 : i32
        %dma_start3A_154 = tpu.memref_slice %arg9[%dma_start3A_152, %dma_start3A_153] : memref<72x16xf32, #tpu.memory_space<vmem_shared>> -> memref<72x16xf32, #tpu.memory_space<vmem_shared>>
        tpu.enqueue_indirect_dma source(%arg12 : memref<128x16xf32, #tpu.memory_space<vmem>>) target(%dma_start3A_154 : memref<72x16xf32, #tpu.memory_space<vmem_shared>>) offsets(%dma_start3A_151 : memref<128xi32, #tpu.memory_space<vmem>>) semaphore(%run_scoped3A_149 : memref<!tpu.dma_semaphore, #tpu.memory_space<semaphore_mem>>) {add = true}
        %dma_wait3A = arith.constant 256 : i32
        %dma_wait3A_155 = tpu.memref_slice %arg11[%dma_wait3A] : memref<640xi32, #tpu.memory_space<vmem>> -> memref<128xi32, #tpu.memory_space<vmem>>
        %dma_wait3A_156 = arith.constant 0 : i32
        %dma_wait3A_157 = arith.constant 0 : i32
        %dma_wait3A_158 = tpu.memref_slice %arg9[%dma_wait3A_156, %dma_wait3A_157] : memref<72x16xf32, #tpu.memory_space<vmem_shared>> -> memref<72x16xf32, #tpu.memory_space<vmem_shared>>
        tpu.wait_indirect_dma semaphore(%run_scoped3A_149 : memref<!tpu.dma_semaphore, #tpu.memory_space<semaphore_mem>>) src(%arg12 : memref<128x16xf32, #tpu.memory_space<vmem>>) dst(%dma_wait3A_158 : memref<72x16xf32, #tpu.memory_space<vmem_shared>>)
        tpu.yield
      }) : () -> ()
      "tpu.region"() ({
        %run_scoped3A_149 = tpu.sem_alloc : memref<!tpu.dma_semaphore, #tpu.memory_space<semaphore_mem>>
        %dma_start3A_150 = arith.constant 384 : i32
        %dma_start3A_151 = tpu.memref_slice %arg11[%dma_start3A_150] : memref<640xi32, #tpu.memory_space<vmem>> -> memref<128xi32, #tpu.memory_space<vmem>>
        %dma_start3A_152 = arith.constant 0 : i32
        %dma_start3A_153 = arith.constant 0 : i32
        %dma_start3A_154 = tpu.memref_slice %arg9[%dma_start3A_152, %dma_start3A_153] : memref<72x16xf32, #tpu.memory_space<vmem_shared>> -> memref<72x16xf32, #tpu.memory_space<vmem_shared>>
        tpu.enqueue_indirect_dma source(%arg12 : memref<128x16xf32, #tpu.memory_space<vmem>>) target(%dma_start3A_154 : memref<72x16xf32, #tpu.memory_space<vmem_shared>>) offsets(%dma_start3A_151 : memref<128xi32, #tpu.memory_space<vmem>>) semaphore(%run_scoped3A_149 : memref<!tpu.dma_semaphore, #tpu.memory_space<semaphore_mem>>) {add = true}
        %dma_wait3A = arith.constant 384 : i32
        %dma_wait3A_155 = tpu.memref_slice %arg11[%dma_wait3A] : memref<640xi32, #tpu.memory_space<vmem>> -> memref<128xi32, #tpu.memory_space<vmem>>
        %dma_wait3A_156 = arith.constant 0 : i32
        %dma_wait3A_157 = arith.constant 0 : i32
        %dma_wait3A_158 = tpu.memref_slice %arg9[%dma_wait3A_156, %dma_wait3A_157] : memref<72x16xf32, #tpu.memory_space<vmem_shared>> -> memref<72x16xf32, #tpu.memory_space<vmem_shared>>
        tpu.wait_indirect_dma semaphore(%run_scoped3A_149 : memref<!tpu.dma_semaphore, #tpu.memory_space<semaphore_mem>>) src(%arg12 : memref<128x16xf32, #tpu.memory_space<vmem>>) dst(%dma_wait3A_158 : memref<72x16xf32, #tpu.memory_space<vmem_shared>>)
        tpu.yield
      }) : () -> ()
      "tpu.region"() ({
        %run_scoped3A_149 = tpu.sem_alloc : memref<!tpu.dma_semaphore, #tpu.memory_space<semaphore_mem>>
        %dma_start3A_150 = arith.constant 512 : i32
        %dma_start3A_151 = tpu.memref_slice %arg11[%dma_start3A_150] : memref<640xi32, #tpu.memory_space<vmem>> -> memref<128xi32, #tpu.memory_space<vmem>>
        %dma_start3A_152 = arith.constant 0 : i32
        %dma_start3A_153 = arith.constant 0 : i32
        %dma_start3A_154 = tpu.memref_slice %arg9[%dma_start3A_152, %dma_start3A_153] : memref<72x16xf32, #tpu.memory_space<vmem_shared>> -> memref<72x16xf32, #tpu.memory_space<vmem_shared>>
        tpu.enqueue_indirect_dma source(%arg12 : memref<128x16xf32, #tpu.memory_space<vmem>>) target(%dma_start3A_154 : memref<72x16xf32, #tpu.memory_space<vmem_shared>>) offsets(%dma_start3A_151 : memref<128xi32, #tpu.memory_space<vmem>>) semaphore(%run_scoped3A_149 : memref<!tpu.dma_semaphore, #tpu.memory_space<semaphore_mem>>) {add = true}
        %dma_wait3A = arith.constant 512 : i32
        %dma_wait3A_155 = tpu.memref_slice %arg11[%dma_wait3A] : memref<640xi32, #tpu.memory_space<vmem>> -> memref<128xi32, #tpu.memory_space<vmem>>
        %dma_wait3A_156 = arith.constant 0 : i32
        %dma_wait3A_157 = arith.constant 0 : i32
        %dma_wait3A_158 = tpu.memref_slice %arg9[%dma_wait3A_156, %dma_wait3A_157] : memref<72x16xf32, #tpu.memory_space<vmem_shared>> -> memref<72x16xf32, #tpu.memory_space<vmem_shared>>
        tpu.wait_indirect_dma semaphore(%run_scoped3A_149 : memref<!tpu.dma_semaphore, #tpu.memory_space<semaphore_mem>>) src(%arg12 : memref<128x16xf32, #tpu.memory_space<vmem>>) dst(%dma_wait3A_158 : memref<72x16xf32, #tpu.memory_space<vmem_shared>>)
        tpu.yield
      }) : () -> ()
    } else {
    }
    %barrier3A_135 = arith.constant 0 : index
    tpu.barrier barrier_id(%barrier3A_135)
    "tpu.region"() ({
      %run_scoped3A_149 = tpu.sem_alloc : memref<!tpu.dma_semaphore, #tpu.memory_space<semaphore_mem>>
      %dma_start3A_150 = arith.constant 0 : i32
      %dma_start3A_151 = arith.constant 0 : i32
      %dma_start3A_152 = tpu.memref_slice %arg13[%dma_start3A_150, %dma_start3A_151] : memref<640x16xf32, #tpu.memory_space<vmem>> -> memref<632x16xf32, #tpu.memory_space<vmem>>
      %dma_start3A_153 = arith.constant 0 : i32
      %dma_start3A_154 = tpu.memref_slice %arg8[%mul3A_2, %dma_start3A_153] : memref<10112x16xf32, #tpu.memory_space<vmem_shared>> -> memref<632x16xf32, #tpu.memory_space<vmem_shared>>
      %dma_start3A_155 = arith.constant 0 : i32
      %dma_start3A_156 = arith.constant 0 : i32
      %dma_start3A_157 = tpu.memref_slice %arg13[%dma_start3A_155, %dma_start3A_156] : memref<640x16xf32, #tpu.memory_space<vmem>> -> memref<632x16xf32, #tpu.memory_space<vmem>>
      %dma_start3A_158 = arith.constant 0 : i32
      %dma_start3A_159 = tpu.memref_slice %arg8[%mul3A_2, %dma_start3A_158] : memref<10112x16xf32, #tpu.memory_space<vmem_shared>> -> memref<632x16xf32, #tpu.memory_space<vmem_shared>>
      tpu.enqueue_dma source(%dma_start3A_159 : memref<632x16xf32, #tpu.memory_space<vmem_shared>>) target(%dma_start3A_157 : memref<632x16xf32, #tpu.memory_space<vmem>>) target_semaphore(%run_scoped3A_149 : memref<!tpu.dma_semaphore, #tpu.memory_space<semaphore_mem>>)
      %dma_wait3A = arith.constant 0 : i32
      %dma_wait3A_160 = arith.constant 0 : i32
      %dma_wait3A_161 = tpu.memref_slice %arg13[%dma_wait3A, %dma_wait3A_160] : memref<640x16xf32, #tpu.memory_space<vmem>> -> memref<632x16xf32, #tpu.memory_space<vmem>>
      %dma_wait3A_162 = arith.constant 0 : i32
      %dma_wait3A_163 = tpu.memref_slice %arg8[%mul3A_2, %dma_wait3A_162] : memref<10112x16xf32, #tpu.memory_space<vmem_shared>> -> memref<632x16xf32, #tpu.memory_space<vmem_shared>>
      %dma_wait3A_164 = arith.constant 0 : i32
      %dma_wait3A_165 = arith.constant 0 : i32
      %dma_wait3A_166 = tpu.memref_slice %arg13[%dma_wait3A_164, %dma_wait3A_165] : memref<640x16xf32, #tpu.memory_space<vmem>> -> memref<632x16xf32, #tpu.memory_space<vmem>>
      %dma_wait3A_167 = arith.constant 0 : i32
      %dma_wait3A_168 = tpu.memref_slice %arg8[%mul3A_2, %dma_wait3A_167] : memref<10112x16xf32, #tpu.memory_space<vmem_shared>> -> memref<632x16xf32, #tpu.memory_space<vmem_shared>>
      tpu.wait_dma2 semaphore(%run_scoped3A_149 : memref<!tpu.dma_semaphore, #tpu.memory_space<semaphore_mem>>) src(%dma_wait3A_168 : memref<632x16xf32, #tpu.memory_space<vmem_shared>>) dst(%dma_wait3A_166 : memref<632x16xf32, #tpu.memory_space<vmem>>)
      tpu.yield
    }) : () -> ()
    %broadcast_in_dim3A_136 = arith.constant 0 : i32
    %broadcast_in_dim3A_137 = vector.broadcast %broadcast_in_dim3A_136 : i32 to vector<16xi32>
    %iota3A = tpu.iota {dimensions = array<i32: 0>} : vector<16xi32>
    %scan3A_138 = arith.constant 0 : i32
    %scan3A_139 = arith.constant 0 : i32
    %scan3A_140 = arith.constant 40 : i32
    %scan3A_141 = arith.addi %scan3A_139, %scan3A_140 : i32
    %scan3A_142 = arith.constant 1 : i32
    scf.for %scan3A_149 = %scan3A_139 to %scan3A_141 step %scan3A_142  : i32 {
      %mul3A_150 = arith.constant 16 : i32
      %mul3A_151 = arith.muli %scan3A_149, %mul3A_150 : i32
      %add3A_152 = vector.broadcast %mul3A_151 : i32 to vector<16xi32>
      %add3A_153 = arith.addi %iota3A, %add3A_152 : vector<16xi32>
      %gather3A = tpu.vector_load_idx %arg13[%add3A_153, %broadcast_in_dim3A_137] : memref<640x16xf32, #tpu.memory_space<vmem>>[vector<16xi32>, vector<16xi32>], vector<16xf32>,
      %mul3A_154 = arith.constant 16 : i32
      %mul3A_155 = arith.muli %scan3A_149, %mul3A_154 : i32
      %swap3A_156 = arith.index_cast %mul3A_155 : i32 to index
      %swap3A_157 = tpu.vector_load %arg14[%swap3A_156] {strides = array<i32>} : memref<640xf32, #tpu.memory_space<vmem>>, vector<16xf32>,
      tpu.vector_store %arg14[%swap3A_156], %gather3A {strides = array<i32>} : memref<640xf32, #tpu.memory_space<vmem>>, vector<16xf32>,
    }
    %scan3A_143 = arith.constant 40 : i32
    "tpu.region"() ({
      %run_scoped3A_149 = tpu.sem_alloc : memref<!tpu.dma_semaphore, #tpu.memory_space<semaphore_mem>>
      %dma_start3A_150 = arith.constant 0 : i32
      %dma_start3A_151 = tpu.memref_slice %arg14[%dma_start3A_150] : memref<640xf32, #tpu.memory_space<vmem>> -> memref<632xf32, #tpu.memory_space<vmem>>
      %dma_start3A_152 = arith.constant 0 : i32
      %dma_start3A_153 = tpu.memref_slice %arg6[%arg0, %dma_start3A_152] : memref<2x10112xf32, #tpu.memory_space<hbm>> -> memref<1x10112xf32, #tpu.memory_space<hbm>>
      %dma_start3A_154 = tpu.memref_squeeze %dma_start3A_153 : memref<1x10112xf32, #tpu.memory_space<hbm>> -> memref<10112xf32, #tpu.memory_space<hbm>>
      %dma_start3A_155 = tpu.memref_slice %dma_start3A_154[%mul3A_2] : memref<10112xf32, #tpu.memory_space<hbm>> -> memref<632xf32, #tpu.memory_space<hbm>>
      %dma_start3A_156 = arith.constant 0 : i32
      %dma_start3A_157 = tpu.memref_slice %arg6[%arg0, %dma_start3A_156] : memref<2x10112xf32, #tpu.memory_space<hbm>> -> memref<1x10112xf32, #tpu.memory_space<hbm>>
      %dma_start3A_158 = tpu.memref_squeeze %dma_start3A_157 : memref<1x10112xf32, #tpu.memory_space<hbm>> -> memref<10112xf32, #tpu.memory_space<hbm>>
      %dma_start3A_159 = tpu.memref_slice %dma_start3A_158[%mul3A_2] : memref<10112xf32, #tpu.memory_space<hbm>> -> memref<632xf32, #tpu.memory_space<hbm>>
      %dma_start3A_160 = arith.constant 0 : i32
      %dma_start3A_161 = tpu.memref_slice %arg14[%dma_start3A_160] : memref<640xf32, #tpu.memory_space<vmem>> -> memref<632xf32, #tpu.memory_space<vmem>>
      tpu.enqueue_dma source(%dma_start3A_161 : memref<632xf32, #tpu.memory_space<vmem>>) target(%dma_start3A_159 : memref<632xf32, #tpu.memory_space<hbm>>) target_semaphore(%run_scoped3A_149 : memref<!tpu.dma_semaphore, #tpu.memory_space<semaphore_mem>>)
      %dma_wait3A = arith.constant 0 : i32
      %dma_wait3A_162 = tpu.memref_slice %arg14[%dma_wait3A] : memref<640xf32, #tpu.memory_space<vmem>> -> memref<632xf32, #tpu.memory_space<vmem>>
      %dma_wait3A_163 = arith.constant 0 : i32
      %dma_wait3A_164 = tpu.memref_slice %arg6[%arg0, %dma_wait3A_163] : memref<2x10112xf32, #tpu.memory_space<hbm>> -> memref<1x10112xf32, #tpu.memory_space<hbm>>
      %dma_wait3A_165 = tpu.memref_squeeze %dma_wait3A_164 : memref<1x10112xf32, #tpu.memory_space<hbm>> -> memref<10112xf32, #tpu.memory_space<hbm>>
      %dma_wait3A_166 = tpu.memref_slice %dma_wait3A_165[%mul3A_2] : memref<10112xf32, #tpu.memory_space<hbm>> -> memref<632xf32, #tpu.memory_space<hbm>>
      %dma_wait3A_167 = arith.constant 0 : i32
      %dma_wait3A_168 = tpu.memref_slice %arg6[%arg0, %dma_wait3A_167] : memref<2x10112xf32, #tpu.memory_space<hbm>> -> memref<1x10112xf32, #tpu.memory_space<hbm>>
      %dma_wait3A_169 = tpu.memref_squeeze %dma_wait3A_168 : memref<1x10112xf32, #tpu.memory_space<hbm>> -> memref<10112xf32, #tpu.memory_space<hbm>>
      %dma_wait3A_170 = tpu.memref_slice %dma_wait3A_169[%mul3A_2] : memref<10112xf32, #tpu.memory_space<hbm>> -> memref<632xf32, #tpu.memory_space<hbm>>
      %dma_wait3A_171 = arith.constant 0 : i32
      %dma_wait3A_172 = tpu.memref_slice %arg14[%dma_wait3A_171] : memref<640xf32, #tpu.memory_space<vmem>> -> memref<632xf32, #tpu.memory_space<vmem>>
      tpu.wait_dma2 semaphore(%run_scoped3A_149 : memref<!tpu.dma_semaphore, #tpu.memory_space<semaphore_mem>>) src(%dma_wait3A_172 : memref<632xf32, #tpu.memory_space<vmem>>) dst(%dma_wait3A_170 : memref<632xf32, #tpu.memory_space<hbm>>)
      tpu.yield
    }) : () -> ()
    %eq3A_144 = arith.constant 0 : i32
    %eq3A_145 = arith.cmpi eq, %arg1, %eq3A_144 : i32
    %convert_element_type3A_146 = arith.extui %eq3A_145 : i1 to i32
    %cond3A_147 = arith.constant 0 : i32
    %cond3A_148 = arith.cmpi ne, %convert_element_type3A_146, %cond3A_147 : i32
    scf.if %cond3A_148 {
      "tpu.region"() ({
        %run_scoped3A_149 = tpu.sem_alloc : memref<!tpu.dma_semaphore, #tpu.memory_space<semaphore_mem>>
        %dma_start3A_150 = arith.constant 0 : i32
        %dma_start3A_151 = arith.constant 0 : i32
        %dma_start3A_152 = tpu.memref_slice %arg7[%arg0, %dma_start3A_150, %dma_start3A_151] : memref<2x72x16xf32, #tpu.memory_space<hbm>> -> memref<1x72x16xf32, #tpu.memory_space<hbm>>
        %dma_start3A_153 = tpu.memref_squeeze %dma_start3A_152 : memref<1x72x16xf32, #tpu.memory_space<hbm>> -> memref<72x16xf32, #tpu.memory_space<hbm>>
        tpu.enqueue_dma source(%arg9 : memref<72x16xf32, #tpu.memory_space<vmem_shared>>) target(%dma_start3A_153 : memref<72x16xf32, #tpu.memory_space<hbm>>) target_semaphore(%run_scoped3A_149 : memref<!tpu.dma_semaphore, #tpu.memory_space<semaphore_mem>>)
        %dma_wait3A = arith.constant 0 : i32
        %dma_wait3A_154 = arith.constant 0 : i32
        %dma_wait3A_155 = tpu.memref_slice %arg7[%arg0, %dma_wait3A, %dma_wait3A_154] : memref<2x72x16xf32, #tpu.memory_space<hbm>> -> memref<1x72x16xf32, #tpu.memory_space<hbm>>
        %dma_wait3A_156 = tpu.memref_squeeze %dma_wait3A_155 : memref<1x72x16xf32, #tpu.memory_space<hbm>> -> memref<72x16xf32, #tpu.memory_space<hbm>>
        tpu.wait_dma2 semaphore(%run_scoped3A_149 : memref<!tpu.dma_semaphore, #tpu.memory_space<semaphore_mem>>) src(%arg9 : memref<72x16xf32, #tpu.memory_space<vmem_shared>>) dst(%dma_wait3A_156 : memref<72x16xf32, #tpu.memory_space<hbm>>)
        tpu.yield
      }) : () -> ()
    } else {
    }
    return
  }
}

#map = affine_map<(d0, d1) -> (0, 0)>
module attributes {stable_mosaic.version = 14 : i64} {
  func.func @_sc_agg(%arg0: i32, %arg1: i32, %arg2: memref<10112x64xf32, #tpu.memory_space<hbm>>, %arg3: memref<2x320000xi32, #tpu.memory_space<hbm>>, %arg4: memref<10112x64xf32, #tpu.memory_space<hbm>>, %arg5: memref<10112x32xf32, #tpu.memory_space<vmem_shared>>, %arg6: memref<10112x32xf32, #tpu.memory_space<vmem_shared>>, %arg7: memref<20480xi32, #tpu.memory_space<vmem>>, %arg8: memref<20480xi32, #tpu.memory_space<vmem>>, %arg9: memref<8x128x32xf32, #tpu.memory_space<vmem>>, %arg10: memref<8x!tpu.dma_semaphore, #tpu.memory_space<semaphore_mem>>, %arg11: memref<8x!tpu.dma_semaphore, #tpu.memory_space<semaphore_mem>>) attributes {dimension_semantics = [#tpu.dimension_semantics<core_parallel>, #tpu.dimension_semantics<subcore_parallel>], iteration_bounds = array<i64: 2, 16>, scalar_prefetch = 0 : i64, scratch_operands = 7 : i64, tpu.core_type = #tpu.core_type<sc_vector_subcore>, window_params = [{transform_indices = #map}, {transform_indices = #map}, {transform_indices = #map}]} {
    %mul3A = arith.constant 632 : i32
    %mul3A_0 = arith.muli %arg1, %mul3A : i32
    %mul3A_1 = arith.constant 32 : i32
    %mul3A_2 = arith.muli %arg0, %mul3A_1 : i32
    "tpu.region"() ({
      %run_scoped3A_582 = tpu.sem_alloc : memref<!tpu.dma_semaphore, #tpu.memory_space<semaphore_mem>>
      %dma_start3A_583 = arith.constant 0 : i32
      %dma_start3A_584 = tpu.memref_slice %arg6[%mul3A_0, %dma_start3A_583] : memref<10112x32xf32, #tpu.memory_space<vmem_shared>> -> memref<632x32xf32, #tpu.memory_space<vmem_shared>>
      %dma_start3A_585 = tpu.memref_slice %arg2[%mul3A_0, %mul3A_2] : memref<10112x64xf32, #tpu.memory_space<hbm>> -> memref<632x32xf32, #tpu.memory_space<hbm>>
      tpu.enqueue_dma source(%dma_start3A_585 : memref<632x32xf32, #tpu.memory_space<hbm>>) target(%dma_start3A_584 : memref<632x32xf32, #tpu.memory_space<vmem_shared>>) target_semaphore(%run_scoped3A_582 : memref<!tpu.dma_semaphore, #tpu.memory_space<semaphore_mem>>)
      %dma_wait3A_586 = arith.constant 0 : i32
      %dma_wait3A_587 = tpu.memref_slice %arg6[%mul3A_0, %dma_wait3A_586] : memref<10112x32xf32, #tpu.memory_space<vmem_shared>> -> memref<632x32xf32, #tpu.memory_space<vmem_shared>>
      %dma_wait3A_588 = tpu.memref_slice %arg2[%mul3A_0, %mul3A_2] : memref<10112x64xf32, #tpu.memory_space<hbm>> -> memref<632x32xf32, #tpu.memory_space<hbm>>
      tpu.wait_dma2 semaphore(%run_scoped3A_582 : memref<!tpu.dma_semaphore, #tpu.memory_space<semaphore_mem>>) src(%dma_wait3A_588 : memref<632x32xf32, #tpu.memory_space<hbm>>) dst(%dma_wait3A_587 : memref<632x32xf32, #tpu.memory_space<vmem_shared>>)
      tpu.yield
    }) : () -> ()
    %mul3A_3 = arith.constant 32 : i32
    %mul3A_4 = arith.muli %arg0, %mul3A_3 : i32
    "tpu.region"() ({
      %run_scoped3A_582 = tpu.sem_alloc : memref<!tpu.dma_semaphore, #tpu.memory_space<semaphore_mem>>
      %dma_start3A_583 = arith.constant 0 : i32
      %dma_start3A_584 = tpu.memref_slice %arg5[%mul3A_0, %dma_start3A_583] : memref<10112x32xf32, #tpu.memory_space<vmem_shared>> -> memref<632x32xf32, #tpu.memory_space<vmem_shared>>
      %dma_start3A_585 = tpu.memref_slice %arg2[%mul3A_0, %mul3A_4] : memref<10112x64xf32, #tpu.memory_space<hbm>> -> memref<632x32xf32, #tpu.memory_space<hbm>>
      tpu.enqueue_dma source(%dma_start3A_585 : memref<632x32xf32, #tpu.memory_space<hbm>>) target(%dma_start3A_584 : memref<632x32xf32, #tpu.memory_space<vmem_shared>>) target_semaphore(%run_scoped3A_582 : memref<!tpu.dma_semaphore, #tpu.memory_space<semaphore_mem>>)
      %dma_wait3A_586 = arith.constant 0 : i32
      %dma_wait3A_587 = tpu.memref_slice %arg5[%mul3A_0, %dma_wait3A_586] : memref<10112x32xf32, #tpu.memory_space<vmem_shared>> -> memref<632x32xf32, #tpu.memory_space<vmem_shared>>
      %dma_wait3A_588 = tpu.memref_slice %arg2[%mul3A_0, %mul3A_4] : memref<10112x64xf32, #tpu.memory_space<hbm>> -> memref<632x32xf32, #tpu.memory_space<hbm>>
      tpu.wait_dma2 semaphore(%run_scoped3A_582 : memref<!tpu.dma_semaphore, #tpu.memory_space<semaphore_mem>>) src(%dma_wait3A_588 : memref<632x32xf32, #tpu.memory_space<hbm>>) dst(%dma_wait3A_587 : memref<632x32xf32, #tpu.memory_space<vmem_shared>>)
      tpu.yield
    }) : () -> ()
    %broadcast_in_dim3A = arith.constant 10000 : i32
    %broadcast_in_dim3A_5 = vector.broadcast %broadcast_in_dim3A : i32 to vector<16xi32>
    %swap3A = arith.constant 20000 : index
    %swap3A_6 = tpu.vector_load %arg7[%swap3A] {strides = array<i32>} : memref<20480xi32, #tpu.memory_space<vmem>>, vector<16xi32>,
    %swap3A_7 = vector.shape_cast %swap3A_6 : vector<16xi32> to vector<16xi32>
    %swap3A_8 = vector.shape_cast %broadcast_in_dim3A_5 : vector<16xi32> to vector<16xi32>
    tpu.vector_store %arg7[%swap3A], %swap3A_8 {strides = array<i32>} : memref<20480xi32, #tpu.memory_space<vmem>>, vector<16xi32>,
    %broadcast_in_dim3A_9 = arith.constant 10000 : i32
    %broadcast_in_dim3A_10 = vector.broadcast %broadcast_in_dim3A_9 : i32 to vector<16xi32>
    %swap3A_11 = arith.constant 20016 : index
    %swap3A_12 = tpu.vector_load %arg7[%swap3A_11] {strides = array<i32>} : memref<20480xi32, #tpu.memory_space<vmem>>, vector<16xi32>,
    %swap3A_13 = vector.shape_cast %swap3A_12 : vector<16xi32> to vector<16xi32>
    %swap3A_14 = vector.shape_cast %broadcast_in_dim3A_10 : vector<16xi32> to vector<16xi32>
    tpu.vector_store %arg7[%swap3A_11], %swap3A_14 {strides = array<i32>} : memref<20480xi32, #tpu.memory_space<vmem>>, vector<16xi32>,
    %broadcast_in_dim3A_15 = arith.constant 10000 : i32
    %broadcast_in_dim3A_16 = vector.broadcast %broadcast_in_dim3A_15 : i32 to vector<16xi32>
    %swap3A_17 = arith.constant 20032 : index
    %swap3A_18 = tpu.vector_load %arg7[%swap3A_17] {strides = array<i32>} : memref<20480xi32, #tpu.memory_space<vmem>>, vector<16xi32>,
    %swap3A_19 = vector.shape_cast %swap3A_18 : vector<16xi32> to vector<16xi32>
    %swap3A_20 = vector.shape_cast %broadcast_in_dim3A_16 : vector<16xi32> to vector<16xi32>
    tpu.vector_store %arg7[%swap3A_17], %swap3A_20 {strides = array<i32>} : memref<20480xi32, #tpu.memory_space<vmem>>, vector<16xi32>,
    %broadcast_in_dim3A_21 = arith.constant 10000 : i32
    %broadcast_in_dim3A_22 = vector.broadcast %broadcast_in_dim3A_21 : i32 to vector<16xi32>
    %swap3A_23 = arith.constant 20048 : index
    %swap3A_24 = tpu.vector_load %arg7[%swap3A_23] {strides = array<i32>} : memref<20480xi32, #tpu.memory_space<vmem>>, vector<16xi32>,
    %swap3A_25 = vector.shape_cast %swap3A_24 : vector<16xi32> to vector<16xi32>
    %swap3A_26 = vector.shape_cast %broadcast_in_dim3A_22 : vector<16xi32> to vector<16xi32>
    tpu.vector_store %arg7[%swap3A_23], %swap3A_26 {strides = array<i32>} : memref<20480xi32, #tpu.memory_space<vmem>>, vector<16xi32>,
    %broadcast_in_dim3A_27 = arith.constant 10000 : i32
    %broadcast_in_dim3A_28 = vector.broadcast %broadcast_in_dim3A_27 : i32 to vector<16xi32>
    %swap3A_29 = arith.constant 20064 : index
    %swap3A_30 = tpu.vector_load %arg7[%swap3A_29] {strides = array<i32>} : memref<20480xi32, #tpu.memory_space<vmem>>, vector<16xi32>,
    %swap3A_31 = vector.shape_cast %swap3A_30 : vector<16xi32> to vector<16xi32>
    %swap3A_32 = vector.shape_cast %broadcast_in_dim3A_28 : vector<16xi32> to vector<16xi32>
    tpu.vector_store %arg7[%swap3A_29], %swap3A_32 {strides = array<i32>} : memref<20480xi32, #tpu.memory_space<vmem>>, vector<16xi32>,
    %broadcast_in_dim3A_33 = arith.constant 10000 : i32
    %broadcast_in_dim3A_34 = vector.broadcast %broadcast_in_dim3A_33 : i32 to vector<16xi32>
    %swap3A_35 = arith.constant 20080 : index
    %swap3A_36 = tpu.vector_load %arg7[%swap3A_35] {strides = array<i32>} : memref<20480xi32, #tpu.memory_space<vmem>>, vector<16xi32>,
    %swap3A_37 = vector.shape_cast %swap3A_36 : vector<16xi32> to vector<16xi32>
    %swap3A_38 = vector.shape_cast %broadcast_in_dim3A_34 : vector<16xi32> to vector<16xi32>
    tpu.vector_store %arg7[%swap3A_35], %swap3A_38 {strides = array<i32>} : memref<20480xi32, #tpu.memory_space<vmem>>, vector<16xi32>,
    %broadcast_in_dim3A_39 = arith.constant 10000 : i32
    %broadcast_in_dim3A_40 = vector.broadcast %broadcast_in_dim3A_39 : i32 to vector<16xi32>
    %swap3A_41 = arith.constant 20096 : index
    %swap3A_42 = tpu.vector_load %arg7[%swap3A_41] {strides = array<i32>} : memref<20480xi32, #tpu.memory_space<vmem>>, vector<16xi32>,
    %swap3A_43 = vector.shape_cast %swap3A_42 : vector<16xi32> to vector<16xi32>
    %swap3A_44 = vector.shape_cast %broadcast_in_dim3A_40 : vector<16xi32> to vector<16xi32>
    tpu.vector_store %arg7[%swap3A_41], %swap3A_44 {strides = array<i32>} : memref<20480xi32, #tpu.memory_space<vmem>>, vector<16xi32>,
    %broadcast_in_dim3A_45 = arith.constant 10000 : i32
    %broadcast_in_dim3A_46 = vector.broadcast %broadcast_in_dim3A_45 : i32 to vector<16xi32>
    %swap3A_47 = arith.constant 20112 : index
    %swap3A_48 = tpu.vector_load %arg7[%swap3A_47] {strides = array<i32>} : memref<20480xi32, #tpu.memory_space<vmem>>, vector<16xi32>,
    %swap3A_49 = vector.shape_cast %swap3A_48 : vector<16xi32> to vector<16xi32>
    %swap3A_50 = vector.shape_cast %broadcast_in_dim3A_46 : vector<16xi32> to vector<16xi32>
    tpu.vector_store %arg7[%swap3A_47], %swap3A_50 {strides = array<i32>} : memref<20480xi32, #tpu.memory_space<vmem>>, vector<16xi32>,
    %broadcast_in_dim3A_51 = arith.constant 10000 : i32
    %broadcast_in_dim3A_52 = vector.broadcast %broadcast_in_dim3A_51 : i32 to vector<16xi32>
    %swap3A_53 = arith.constant 20128 : index
    %swap3A_54 = tpu.vector_load %arg7[%swap3A_53] {strides = array<i32>} : memref<20480xi32, #tpu.memory_space<vmem>>, vector<16xi32>,
    %swap3A_55 = vector.shape_cast %swap3A_54 : vector<16xi32> to vector<16xi32>
    %swap3A_56 = vector.shape_cast %broadcast_in_dim3A_52 : vector<16xi32> to vector<16xi32>
    tpu.vector_store %arg7[%swap3A_53], %swap3A_56 {strides = array<i32>} : memref<20480xi32, #tpu.memory_space<vmem>>, vector<16xi32>,
    %broadcast_in_dim3A_57 = arith.constant 10000 : i32
    %broadcast_in_dim3A_58 = vector.broadcast %broadcast_in_dim3A_57 : i32 to vector<16xi32>
    %swap3A_59 = arith.constant 20144 : index
    %swap3A_60 = tpu.vector_load %arg7[%swap3A_59] {strides = array<i32>} : memref<20480xi32, #tpu.memory_space<vmem>>, vector<16xi32>,
    %swap3A_61 = vector.shape_cast %swap3A_60 : vector<16xi32> to vector<16xi32>
    %swap3A_62 = vector.shape_cast %broadcast_in_dim3A_58 : vector<16xi32> to vector<16xi32>
    tpu.vector_store %arg7[%swap3A_59], %swap3A_62 {strides = array<i32>} : memref<20480xi32, #tpu.memory_space<vmem>>, vector<16xi32>,
    %broadcast_in_dim3A_63 = arith.constant 10000 : i32
    %broadcast_in_dim3A_64 = vector.broadcast %broadcast_in_dim3A_63 : i32 to vector<16xi32>
    %swap3A_65 = arith.constant 20160 : index
    %swap3A_66 = tpu.vector_load %arg7[%swap3A_65] {strides = array<i32>} : memref<20480xi32, #tpu.memory_space<vmem>>, vector<16xi32>,
    %swap3A_67 = vector.shape_cast %swap3A_66 : vector<16xi32> to vector<16xi32>
    %swap3A_68 = vector.shape_cast %broadcast_in_dim3A_64 : vector<16xi32> to vector<16xi32>
    tpu.vector_store %arg7[%swap3A_65], %swap3A_68 {strides = array<i32>} : memref<20480xi32, #tpu.memory_space<vmem>>, vector<16xi32>,
    %broadcast_in_dim3A_69 = arith.constant 10000 : i32
    %broadcast_in_dim3A_70 = vector.broadcast %broadcast_in_dim3A_69 : i32 to vector<16xi32>
    %swap3A_71 = arith.constant 20176 : index
    %swap3A_72 = tpu.vector_load %arg7[%swap3A_71] {strides = array<i32>} : memref<20480xi32, #tpu.memory_space<vmem>>, vector<16xi32>,
    %swap3A_73 = vector.shape_cast %swap3A_72 : vector<16xi32> to vector<16xi32>
    %swap3A_74 = vector.shape_cast %broadcast_in_dim3A_70 : vector<16xi32> to vector<16xi32>
    tpu.vector_store %arg7[%swap3A_71], %swap3A_74 {strides = array<i32>} : memref<20480xi32, #tpu.memory_space<vmem>>, vector<16xi32>,
    %broadcast_in_dim3A_75 = arith.constant 10000 : i32
    %broadcast_in_dim3A_76 = vector.broadcast %broadcast_in_dim3A_75 : i32 to vector<16xi32>
    %swap3A_77 = arith.constant 20192 : index
    %swap3A_78 = tpu.vector_load %arg7[%swap3A_77] {strides = array<i32>} : memref<20480xi32, #tpu.memory_space<vmem>>, vector<16xi32>,
    %swap3A_79 = vector.shape_cast %swap3A_78 : vector<16xi32> to vector<16xi32>
    %swap3A_80 = vector.shape_cast %broadcast_in_dim3A_76 : vector<16xi32> to vector<16xi32>
    tpu.vector_store %arg7[%swap3A_77], %swap3A_80 {strides = array<i32>} : memref<20480xi32, #tpu.memory_space<vmem>>, vector<16xi32>,
    %broadcast_in_dim3A_81 = arith.constant 10000 : i32
    %broadcast_in_dim3A_82 = vector.broadcast %broadcast_in_dim3A_81 : i32 to vector<16xi32>
    %swap3A_83 = arith.constant 20208 : index
    %swap3A_84 = tpu.vector_load %arg7[%swap3A_83] {strides = array<i32>} : memref<20480xi32, #tpu.memory_space<vmem>>, vector<16xi32>,
    %swap3A_85 = vector.shape_cast %swap3A_84 : vector<16xi32> to vector<16xi32>
    %swap3A_86 = vector.shape_cast %broadcast_in_dim3A_82 : vector<16xi32> to vector<16xi32>
    tpu.vector_store %arg7[%swap3A_83], %swap3A_86 {strides = array<i32>} : memref<20480xi32, #tpu.memory_space<vmem>>, vector<16xi32>,
    %broadcast_in_dim3A_87 = arith.constant 10000 : i32
    %broadcast_in_dim3A_88 = vector.broadcast %broadcast_in_dim3A_87 : i32 to vector<16xi32>
    %swap3A_89 = arith.constant 20224 : index
    %swap3A_90 = tpu.vector_load %arg7[%swap3A_89] {strides = array<i32>} : memref<20480xi32, #tpu.memory_space<vmem>>, vector<16xi32>,
    %swap3A_91 = vector.shape_cast %swap3A_90 : vector<16xi32> to vector<16xi32>
    %swap3A_92 = vector.shape_cast %broadcast_in_dim3A_88 : vector<16xi32> to vector<16xi32>
    tpu.vector_store %arg7[%swap3A_89], %swap3A_92 {strides = array<i32>} : memref<20480xi32, #tpu.memory_space<vmem>>, vector<16xi32>,
    %broadcast_in_dim3A_93 = arith.constant 10000 : i32
    %broadcast_in_dim3A_94 = vector.broadcast %broadcast_in_dim3A_93 : i32 to vector<16xi32>
    %swap3A_95 = arith.constant 20240 : index
    %swap3A_96 = tpu.vector_load %arg7[%swap3A_95] {strides = array<i32>} : memref<20480xi32, #tpu.memory_space<vmem>>, vector<16xi32>,
    %swap3A_97 = vector.shape_cast %swap3A_96 : vector<16xi32> to vector<16xi32>
    %swap3A_98 = vector.shape_cast %broadcast_in_dim3A_94 : vector<16xi32> to vector<16xi32>
    tpu.vector_store %arg7[%swap3A_95], %swap3A_98 {strides = array<i32>} : memref<20480xi32, #tpu.memory_space<vmem>>, vector<16xi32>,
    %broadcast_in_dim3A_99 = arith.constant 10000 : i32
    %broadcast_in_dim3A_100 = vector.broadcast %broadcast_in_dim3A_99 : i32 to vector<16xi32>
    %swap3A_101 = arith.constant 20256 : index
    %swap3A_102 = tpu.vector_load %arg7[%swap3A_101] {strides = array<i32>} : memref<20480xi32, #tpu.memory_space<vmem>>, vector<16xi32>,
    %swap3A_103 = vector.shape_cast %swap3A_102 : vector<16xi32> to vector<16xi32>
    %swap3A_104 = vector.shape_cast %broadcast_in_dim3A_100 : vector<16xi32> to vector<16xi32>
    tpu.vector_store %arg7[%swap3A_101], %swap3A_104 {strides = array<i32>} : memref<20480xi32, #tpu.memory_space<vmem>>, vector<16xi32>,
    %broadcast_in_dim3A_105 = arith.constant 10000 : i32
    %broadcast_in_dim3A_106 = vector.broadcast %broadcast_in_dim3A_105 : i32 to vector<16xi32>
    %swap3A_107 = arith.constant 20272 : index
    %swap3A_108 = tpu.vector_load %arg7[%swap3A_107] {strides = array<i32>} : memref<20480xi32, #tpu.memory_space<vmem>>, vector<16xi32>,
    %swap3A_109 = vector.shape_cast %swap3A_108 : vector<16xi32> to vector<16xi32>
    %swap3A_110 = vector.shape_cast %broadcast_in_dim3A_106 : vector<16xi32> to vector<16xi32>
    tpu.vector_store %arg7[%swap3A_107], %swap3A_110 {strides = array<i32>} : memref<20480xi32, #tpu.memory_space<vmem>>, vector<16xi32>,
    %broadcast_in_dim3A_111 = arith.constant 10000 : i32
    %broadcast_in_dim3A_112 = vector.broadcast %broadcast_in_dim3A_111 : i32 to vector<16xi32>
    %swap3A_113 = arith.constant 20288 : index
    %swap3A_114 = tpu.vector_load %arg7[%swap3A_113] {strides = array<i32>} : memref<20480xi32, #tpu.memory_space<vmem>>, vector<16xi32>,
    %swap3A_115 = vector.shape_cast %swap3A_114 : vector<16xi32> to vector<16xi32>
    %swap3A_116 = vector.shape_cast %broadcast_in_dim3A_112 : vector<16xi32> to vector<16xi32>
    tpu.vector_store %arg7[%swap3A_113], %swap3A_116 {strides = array<i32>} : memref<20480xi32, #tpu.memory_space<vmem>>, vector<16xi32>,
    %broadcast_in_dim3A_117 = arith.constant 10000 : i32
    %broadcast_in_dim3A_118 = vector.broadcast %broadcast_in_dim3A_117 : i32 to vector<16xi32>
    %swap3A_119 = arith.constant 20304 : index
    %swap3A_120 = tpu.vector_load %arg7[%swap3A_119] {strides = array<i32>} : memref<20480xi32, #tpu.memory_space<vmem>>, vector<16xi32>,
    %swap3A_121 = vector.shape_cast %swap3A_120 : vector<16xi32> to vector<16xi32>
    %swap3A_122 = vector.shape_cast %broadcast_in_dim3A_118 : vector<16xi32> to vector<16xi32>
    tpu.vector_store %arg7[%swap3A_119], %swap3A_122 {strides = array<i32>} : memref<20480xi32, #tpu.memory_space<vmem>>, vector<16xi32>,
    %broadcast_in_dim3A_123 = arith.constant 10000 : i32
    %broadcast_in_dim3A_124 = vector.broadcast %broadcast_in_dim3A_123 : i32 to vector<16xi32>
    %swap3A_125 = arith.constant 20320 : index
    %swap3A_126 = tpu.vector_load %arg7[%swap3A_125] {strides = array<i32>} : memref<20480xi32, #tpu.memory_space<vmem>>, vector<16xi32>,
    %swap3A_127 = vector.shape_cast %swap3A_126 : vector<16xi32> to vector<16xi32>
    %swap3A_128 = vector.shape_cast %broadcast_in_dim3A_124 : vector<16xi32> to vector<16xi32>
    tpu.vector_store %arg7[%swap3A_125], %swap3A_128 {strides = array<i32>} : memref<20480xi32, #tpu.memory_space<vmem>>, vector<16xi32>,
    %broadcast_in_dim3A_129 = arith.constant 10000 : i32
    %broadcast_in_dim3A_130 = vector.broadcast %broadcast_in_dim3A_129 : i32 to vector<16xi32>
    %swap3A_131 = arith.constant 20336 : index
    %swap3A_132 = tpu.vector_load %arg7[%swap3A_131] {strides = array<i32>} : memref<20480xi32, #tpu.memory_space<vmem>>, vector<16xi32>,
    %swap3A_133 = vector.shape_cast %swap3A_132 : vector<16xi32> to vector<16xi32>
    %swap3A_134 = vector.shape_cast %broadcast_in_dim3A_130 : vector<16xi32> to vector<16xi32>
    tpu.vector_store %arg7[%swap3A_131], %swap3A_134 {strides = array<i32>} : memref<20480xi32, #tpu.memory_space<vmem>>, vector<16xi32>,
    %broadcast_in_dim3A_135 = arith.constant 10000 : i32
    %broadcast_in_dim3A_136 = vector.broadcast %broadcast_in_dim3A_135 : i32 to vector<16xi32>
    %swap3A_137 = arith.constant 20352 : index
    %swap3A_138 = tpu.vector_load %arg7[%swap3A_137] {strides = array<i32>} : memref<20480xi32, #tpu.memory_space<vmem>>, vector<16xi32>,
    %swap3A_139 = vector.shape_cast %swap3A_138 : vector<16xi32> to vector<16xi32>
    %swap3A_140 = vector.shape_cast %broadcast_in_dim3A_136 : vector<16xi32> to vector<16xi32>
    tpu.vector_store %arg7[%swap3A_137], %swap3A_140 {strides = array<i32>} : memref<20480xi32, #tpu.memory_space<vmem>>, vector<16xi32>,
    %broadcast_in_dim3A_141 = arith.constant 10000 : i32
    %broadcast_in_dim3A_142 = vector.broadcast %broadcast_in_dim3A_141 : i32 to vector<16xi32>
    %swap3A_143 = arith.constant 20368 : index
    %swap3A_144 = tpu.vector_load %arg7[%swap3A_143] {strides = array<i32>} : memref<20480xi32, #tpu.memory_space<vmem>>, vector<16xi32>,
    %swap3A_145 = vector.shape_cast %swap3A_144 : vector<16xi32> to vector<16xi32>
    %swap3A_146 = vector.shape_cast %broadcast_in_dim3A_142 : vector<16xi32> to vector<16xi32>
    tpu.vector_store %arg7[%swap3A_143], %swap3A_146 {strides = array<i32>} : memref<20480xi32, #tpu.memory_space<vmem>>, vector<16xi32>,
    %broadcast_in_dim3A_147 = arith.constant 10000 : i32
    %broadcast_in_dim3A_148 = vector.broadcast %broadcast_in_dim3A_147 : i32 to vector<16xi32>
    %swap3A_149 = arith.constant 20384 : index
    %swap3A_150 = tpu.vector_load %arg7[%swap3A_149] {strides = array<i32>} : memref<20480xi32, #tpu.memory_space<vmem>>, vector<16xi32>,
    %swap3A_151 = vector.shape_cast %swap3A_150 : vector<16xi32> to vector<16xi32>
    %swap3A_152 = vector.shape_cast %broadcast_in_dim3A_148 : vector<16xi32> to vector<16xi32>
    tpu.vector_store %arg7[%swap3A_149], %swap3A_152 {strides = array<i32>} : memref<20480xi32, #tpu.memory_space<vmem>>, vector<16xi32>,
    %broadcast_in_dim3A_153 = arith.constant 10000 : i32
    %broadcast_in_dim3A_154 = vector.broadcast %broadcast_in_dim3A_153 : i32 to vector<16xi32>
    %swap3A_155 = arith.constant 20400 : index
    %swap3A_156 = tpu.vector_load %arg7[%swap3A_155] {strides = array<i32>} : memref<20480xi32, #tpu.memory_space<vmem>>, vector<16xi32>,
    %swap3A_157 = vector.shape_cast %swap3A_156 : vector<16xi32> to vector<16xi32>
    %swap3A_158 = vector.shape_cast %broadcast_in_dim3A_154 : vector<16xi32> to vector<16xi32>
    tpu.vector_store %arg7[%swap3A_155], %swap3A_158 {strides = array<i32>} : memref<20480xi32, #tpu.memory_space<vmem>>, vector<16xi32>,
    %broadcast_in_dim3A_159 = arith.constant 10000 : i32
    %broadcast_in_dim3A_160 = vector.broadcast %broadcast_in_dim3A_159 : i32 to vector<16xi32>
    %swap3A_161 = arith.constant 20416 : index
    %swap3A_162 = tpu.vector_load %arg7[%swap3A_161] {strides = array<i32>} : memref<20480xi32, #tpu.memory_space<vmem>>, vector<16xi32>,
    %swap3A_163 = vector.shape_cast %swap3A_162 : vector<16xi32> to vector<16xi32>
    %swap3A_164 = vector.shape_cast %broadcast_in_dim3A_160 : vector<16xi32> to vector<16xi32>
    tpu.vector_store %arg7[%swap3A_161], %swap3A_164 {strides = array<i32>} : memref<20480xi32, #tpu.memory_space<vmem>>, vector<16xi32>,
    %broadcast_in_dim3A_165 = arith.constant 10000 : i32
    %broadcast_in_dim3A_166 = vector.broadcast %broadcast_in_dim3A_165 : i32 to vector<16xi32>
    %swap3A_167 = arith.constant 20432 : index
    %swap3A_168 = tpu.vector_load %arg7[%swap3A_167] {strides = array<i32>} : memref<20480xi32, #tpu.memory_space<vmem>>, vector<16xi32>,
    %swap3A_169 = vector.shape_cast %swap3A_168 : vector<16xi32> to vector<16xi32>
    %swap3A_170 = vector.shape_cast %broadcast_in_dim3A_166 : vector<16xi32> to vector<16xi32>
    tpu.vector_store %arg7[%swap3A_167], %swap3A_170 {strides = array<i32>} : memref<20480xi32, #tpu.memory_space<vmem>>, vector<16xi32>,
    %broadcast_in_dim3A_171 = arith.constant 10000 : i32
    %broadcast_in_dim3A_172 = vector.broadcast %broadcast_in_dim3A_171 : i32 to vector<16xi32>
    %swap3A_173 = arith.constant 20448 : index
    %swap3A_174 = tpu.vector_load %arg7[%swap3A_173] {strides = array<i32>} : memref<20480xi32, #tpu.memory_space<vmem>>, vector<16xi32>,
    %swap3A_175 = vector.shape_cast %swap3A_174 : vector<16xi32> to vector<16xi32>
    %swap3A_176 = vector.shape_cast %broadcast_in_dim3A_172 : vector<16xi32> to vector<16xi32>
    tpu.vector_store %arg7[%swap3A_173], %swap3A_176 {strides = array<i32>} : memref<20480xi32, #tpu.memory_space<vmem>>, vector<16xi32>,
    %broadcast_in_dim3A_177 = arith.constant 10000 : i32
    %broadcast_in_dim3A_178 = vector.broadcast %broadcast_in_dim3A_177 : i32 to vector<16xi32>
    %swap3A_179 = arith.constant 20464 : index
    %swap3A_180 = tpu.vector_load %arg7[%swap3A_179] {strides = array<i32>} : memref<20480xi32, #tpu.memory_space<vmem>>, vector<16xi32>,
    %swap3A_181 = vector.shape_cast %swap3A_180 : vector<16xi32> to vector<16xi32>
    %swap3A_182 = vector.shape_cast %broadcast_in_dim3A_178 : vector<16xi32> to vector<16xi32>
    tpu.vector_store %arg7[%swap3A_179], %swap3A_182 {strides = array<i32>} : memref<20480xi32, #tpu.memory_space<vmem>>, vector<16xi32>,
    %broadcast_in_dim3A_183 = arith.constant 10008 : i32
    %broadcast_in_dim3A_184 = vector.broadcast %broadcast_in_dim3A_183 : i32 to vector<16xi32>
    %swap3A_185 = arith.constant 20000 : index
    %swap3A_186 = tpu.vector_load %arg8[%swap3A_185] {strides = array<i32>} : memref<20480xi32, #tpu.memory_space<vmem>>, vector<16xi32>,
    %swap3A_187 = vector.shape_cast %swap3A_186 : vector<16xi32> to vector<16xi32>
    %swap3A_188 = vector.shape_cast %broadcast_in_dim3A_184 : vector<16xi32> to vector<16xi32>
    tpu.vector_store %arg8[%swap3A_185], %swap3A_188 {strides = array<i32>} : memref<20480xi32, #tpu.memory_space<vmem>>, vector<16xi32>,
    %broadcast_in_dim3A_189 = arith.constant 10008 : i32
    %broadcast_in_dim3A_190 = vector.broadcast %broadcast_in_dim3A_189 : i32 to vector<16xi32>
    %swap3A_191 = arith.constant 20016 : index
    %swap3A_192 = tpu.vector_load %arg8[%swap3A_191] {strides = array<i32>} : memref<20480xi32, #tpu.memory_space<vmem>>, vector<16xi32>,
    %swap3A_193 = vector.shape_cast %swap3A_192 : vector<16xi32> to vector<16xi32>
    %swap3A_194 = vector.shape_cast %broadcast_in_dim3A_190 : vector<16xi32> to vector<16xi32>
    tpu.vector_store %arg8[%swap3A_191], %swap3A_194 {strides = array<i32>} : memref<20480xi32, #tpu.memory_space<vmem>>, vector<16xi32>,
    %broadcast_in_dim3A_195 = arith.constant 10008 : i32
    %broadcast_in_dim3A_196 = vector.broadcast %broadcast_in_dim3A_195 : i32 to vector<16xi32>
    %swap3A_197 = arith.constant 20032 : index
    %swap3A_198 = tpu.vector_load %arg8[%swap3A_197] {strides = array<i32>} : memref<20480xi32, #tpu.memory_space<vmem>>, vector<16xi32>,
    %swap3A_199 = vector.shape_cast %swap3A_198 : vector<16xi32> to vector<16xi32>
    %swap3A_200 = vector.shape_cast %broadcast_in_dim3A_196 : vector<16xi32> to vector<16xi32>
    tpu.vector_store %arg8[%swap3A_197], %swap3A_200 {strides = array<i32>} : memref<20480xi32, #tpu.memory_space<vmem>>, vector<16xi32>,
    %broadcast_in_dim3A_201 = arith.constant 10008 : i32
    %broadcast_in_dim3A_202 = vector.broadcast %broadcast_in_dim3A_201 : i32 to vector<16xi32>
    %swap3A_203 = arith.constant 20048 : index
    %swap3A_204 = tpu.vector_load %arg8[%swap3A_203] {strides = array<i32>} : memref<20480xi32, #tpu.memory_space<vmem>>, vector<16xi32>,
    %swap3A_205 = vector.shape_cast %swap3A_204 : vector<16xi32> to vector<16xi32>
    %swap3A_206 = vector.shape_cast %broadcast_in_dim3A_202 : vector<16xi32> to vector<16xi32>
    tpu.vector_store %arg8[%swap3A_203], %swap3A_206 {strides = array<i32>} : memref<20480xi32, #tpu.memory_space<vmem>>, vector<16xi32>,
    %broadcast_in_dim3A_207 = arith.constant 10008 : i32
    %broadcast_in_dim3A_208 = vector.broadcast %broadcast_in_dim3A_207 : i32 to vector<16xi32>
    %swap3A_209 = arith.constant 20064 : index
    %swap3A_210 = tpu.vector_load %arg8[%swap3A_209] {strides = array<i32>} : memref<20480xi32, #tpu.memory_space<vmem>>, vector<16xi32>,
    %swap3A_211 = vector.shape_cast %swap3A_210 : vector<16xi32> to vector<16xi32>
    %swap3A_212 = vector.shape_cast %broadcast_in_dim3A_208 : vector<16xi32> to vector<16xi32>
    tpu.vector_store %arg8[%swap3A_209], %swap3A_212 {strides = array<i32>} : memref<20480xi32, #tpu.memory_space<vmem>>, vector<16xi32>,
    %broadcast_in_dim3A_213 = arith.constant 10008 : i32
    %broadcast_in_dim3A_214 = vector.broadcast %broadcast_in_dim3A_213 : i32 to vector<16xi32>
    %swap3A_215 = arith.constant 20080 : index
    %swap3A_216 = tpu.vector_load %arg8[%swap3A_215] {strides = array<i32>} : memref<20480xi32, #tpu.memory_space<vmem>>, vector<16xi32>,
    %swap3A_217 = vector.shape_cast %swap3A_216 : vector<16xi32> to vector<16xi32>
    %swap3A_218 = vector.shape_cast %broadcast_in_dim3A_214 : vector<16xi32> to vector<16xi32>
    tpu.vector_store %arg8[%swap3A_215], %swap3A_218 {strides = array<i32>} : memref<20480xi32, #tpu.memory_space<vmem>>, vector<16xi32>,
    %broadcast_in_dim3A_219 = arith.constant 10008 : i32
    %broadcast_in_dim3A_220 = vector.broadcast %broadcast_in_dim3A_219 : i32 to vector<16xi32>
    %swap3A_221 = arith.constant 20096 : index
    %swap3A_222 = tpu.vector_load %arg8[%swap3A_221] {strides = array<i32>} : memref<20480xi32, #tpu.memory_space<vmem>>, vector<16xi32>,
    %swap3A_223 = vector.shape_cast %swap3A_222 : vector<16xi32> to vector<16xi32>
    %swap3A_224 = vector.shape_cast %broadcast_in_dim3A_220 : vector<16xi32> to vector<16xi32>
    tpu.vector_store %arg8[%swap3A_221], %swap3A_224 {strides = array<i32>} : memref<20480xi32, #tpu.memory_space<vmem>>, vector<16xi32>,
    %broadcast_in_dim3A_225 = arith.constant 10008 : i32
    %broadcast_in_dim3A_226 = vector.broadcast %broadcast_in_dim3A_225 : i32 to vector<16xi32>
    %swap3A_227 = arith.constant 20112 : index
    %swap3A_228 = tpu.vector_load %arg8[%swap3A_227] {strides = array<i32>} : memref<20480xi32, #tpu.memory_space<vmem>>, vector<16xi32>,
    %swap3A_229 = vector.shape_cast %swap3A_228 : vector<16xi32> to vector<16xi32>
    %swap3A_230 = vector.shape_cast %broadcast_in_dim3A_226 : vector<16xi32> to vector<16xi32>
    tpu.vector_store %arg8[%swap3A_227], %swap3A_230 {strides = array<i32>} : memref<20480xi32, #tpu.memory_space<vmem>>, vector<16xi32>,
    %broadcast_in_dim3A_231 = arith.constant 10008 : i32
    %broadcast_in_dim3A_232 = vector.broadcast %broadcast_in_dim3A_231 : i32 to vector<16xi32>
    %swap3A_233 = arith.constant 20128 : index
    %swap3A_234 = tpu.vector_load %arg8[%swap3A_233] {strides = array<i32>} : memref<20480xi32, #tpu.memory_space<vmem>>, vector<16xi32>,
    %swap3A_235 = vector.shape_cast %swap3A_234 : vector<16xi32> to vector<16xi32>
    %swap3A_236 = vector.shape_cast %broadcast_in_dim3A_232 : vector<16xi32> to vector<16xi32>
    tpu.vector_store %arg8[%swap3A_233], %swap3A_236 {strides = array<i32>} : memref<20480xi32, #tpu.memory_space<vmem>>, vector<16xi32>,
    %broadcast_in_dim3A_237 = arith.constant 10008 : i32
    %broadcast_in_dim3A_238 = vector.broadcast %broadcast_in_dim3A_237 : i32 to vector<16xi32>
    %swap3A_239 = arith.constant 20144 : index
    %swap3A_240 = tpu.vector_load %arg8[%swap3A_239] {strides = array<i32>} : memref<20480xi32, #tpu.memory_space<vmem>>, vector<16xi32>,
    %swap3A_241 = vector.shape_cast %swap3A_240 : vector<16xi32> to vector<16xi32>
    %swap3A_242 = vector.shape_cast %broadcast_in_dim3A_238 : vector<16xi32> to vector<16xi32>
    tpu.vector_store %arg8[%swap3A_239], %swap3A_242 {strides = array<i32>} : memref<20480xi32, #tpu.memory_space<vmem>>, vector<16xi32>,
    %broadcast_in_dim3A_243 = arith.constant 10008 : i32
    %broadcast_in_dim3A_244 = vector.broadcast %broadcast_in_dim3A_243 : i32 to vector<16xi32>
    %swap3A_245 = arith.constant 20160 : index
    %swap3A_246 = tpu.vector_load %arg8[%swap3A_245] {strides = array<i32>} : memref<20480xi32, #tpu.memory_space<vmem>>, vector<16xi32>,
    %swap3A_247 = vector.shape_cast %swap3A_246 : vector<16xi32> to vector<16xi32>
    %swap3A_248 = vector.shape_cast %broadcast_in_dim3A_244 : vector<16xi32> to vector<16xi32>
    tpu.vector_store %arg8[%swap3A_245], %swap3A_248 {strides = array<i32>} : memref<20480xi32, #tpu.memory_space<vmem>>, vector<16xi32>,
    %broadcast_in_dim3A_249 = arith.constant 10008 : i32
    %broadcast_in_dim3A_250 = vector.broadcast %broadcast_in_dim3A_249 : i32 to vector<16xi32>
    %swap3A_251 = arith.constant 20176 : index
    %swap3A_252 = tpu.vector_load %arg8[%swap3A_251] {strides = array<i32>} : memref<20480xi32, #tpu.memory_space<vmem>>, vector<16xi32>,
    %swap3A_253 = vector.shape_cast %swap3A_252 : vector<16xi32> to vector<16xi32>
    %swap3A_254 = vector.shape_cast %broadcast_in_dim3A_250 : vector<16xi32> to vector<16xi32>
    tpu.vector_store %arg8[%swap3A_251], %swap3A_254 {strides = array<i32>} : memref<20480xi32, #tpu.memory_space<vmem>>, vector<16xi32>,
    %broadcast_in_dim3A_255 = arith.constant 10008 : i32
    %broadcast_in_dim3A_256 = vector.broadcast %broadcast_in_dim3A_255 : i32 to vector<16xi32>
    %swap3A_257 = arith.constant 20192 : index
    %swap3A_258 = tpu.vector_load %arg8[%swap3A_257] {strides = array<i32>} : memref<20480xi32, #tpu.memory_space<vmem>>, vector<16xi32>,
    %swap3A_259 = vector.shape_cast %swap3A_258 : vector<16xi32> to vector<16xi32>
    %swap3A_260 = vector.shape_cast %broadcast_in_dim3A_256 : vector<16xi32> to vector<16xi32>
    tpu.vector_store %arg8[%swap3A_257], %swap3A_260 {strides = array<i32>} : memref<20480xi32, #tpu.memory_space<vmem>>, vector<16xi32>,
    %broadcast_in_dim3A_261 = arith.constant 10008 : i32
    %broadcast_in_dim3A_262 = vector.broadcast %broadcast_in_dim3A_261 : i32 to vector<16xi32>
    %swap3A_263 = arith.constant 20208 : index
    %swap3A_264 = tpu.vector_load %arg8[%swap3A_263] {strides = array<i32>} : memref<20480xi32, #tpu.memory_space<vmem>>, vector<16xi32>,
    %swap3A_265 = vector.shape_cast %swap3A_264 : vector<16xi32> to vector<16xi32>
    %swap3A_266 = vector.shape_cast %broadcast_in_dim3A_262 : vector<16xi32> to vector<16xi32>
    tpu.vector_store %arg8[%swap3A_263], %swap3A_266 {strides = array<i32>} : memref<20480xi32, #tpu.memory_space<vmem>>, vector<16xi32>,
    %broadcast_in_dim3A_267 = arith.constant 10008 : i32
    %broadcast_in_dim3A_268 = vector.broadcast %broadcast_in_dim3A_267 : i32 to vector<16xi32>
    %swap3A_269 = arith.constant 20224 : index
    %swap3A_270 = tpu.vector_load %arg8[%swap3A_269] {strides = array<i32>} : memref<20480xi32, #tpu.memory_space<vmem>>, vector<16xi32>,
    %swap3A_271 = vector.shape_cast %swap3A_270 : vector<16xi32> to vector<16xi32>
    %swap3A_272 = vector.shape_cast %broadcast_in_dim3A_268 : vector<16xi32> to vector<16xi32>
    tpu.vector_store %arg8[%swap3A_269], %swap3A_272 {strides = array<i32>} : memref<20480xi32, #tpu.memory_space<vmem>>, vector<16xi32>,
    %broadcast_in_dim3A_273 = arith.constant 10008 : i32
    %broadcast_in_dim3A_274 = vector.broadcast %broadcast_in_dim3A_273 : i32 to vector<16xi32>
    %swap3A_275 = arith.constant 20240 : index
    %swap3A_276 = tpu.vector_load %arg8[%swap3A_275] {strides = array<i32>} : memref<20480xi32, #tpu.memory_space<vmem>>, vector<16xi32>,
    %swap3A_277 = vector.shape_cast %swap3A_276 : vector<16xi32> to vector<16xi32>
    %swap3A_278 = vector.shape_cast %broadcast_in_dim3A_274 : vector<16xi32> to vector<16xi32>
    tpu.vector_store %arg8[%swap3A_275], %swap3A_278 {strides = array<i32>} : memref<20480xi32, #tpu.memory_space<vmem>>, vector<16xi32>,
    %broadcast_in_dim3A_279 = arith.constant 10008 : i32
    %broadcast_in_dim3A_280 = vector.broadcast %broadcast_in_dim3A_279 : i32 to vector<16xi32>
    %swap3A_281 = arith.constant 20256 : index
    %swap3A_282 = tpu.vector_load %arg8[%swap3A_281] {strides = array<i32>} : memref<20480xi32, #tpu.memory_space<vmem>>, vector<16xi32>,
    %swap3A_283 = vector.shape_cast %swap3A_282 : vector<16xi32> to vector<16xi32>
    %swap3A_284 = vector.shape_cast %broadcast_in_dim3A_280 : vector<16xi32> to vector<16xi32>
    tpu.vector_store %arg8[%swap3A_281], %swap3A_284 {strides = array<i32>} : memref<20480xi32, #tpu.memory_space<vmem>>, vector<16xi32>,
    %broadcast_in_dim3A_285 = arith.constant 10008 : i32
    %broadcast_in_dim3A_286 = vector.broadcast %broadcast_in_dim3A_285 : i32 to vector<16xi32>
    %swap3A_287 = arith.constant 20272 : index
    %swap3A_288 = tpu.vector_load %arg8[%swap3A_287] {strides = array<i32>} : memref<20480xi32, #tpu.memory_space<vmem>>, vector<16xi32>,
    %swap3A_289 = vector.shape_cast %swap3A_288 : vector<16xi32> to vector<16xi32>
    %swap3A_290 = vector.shape_cast %broadcast_in_dim3A_286 : vector<16xi32> to vector<16xi32>
    tpu.vector_store %arg8[%swap3A_287], %swap3A_290 {strides = array<i32>} : memref<20480xi32, #tpu.memory_space<vmem>>, vector<16xi32>,
    %broadcast_in_dim3A_291 = arith.constant 10008 : i32
    %broadcast_in_dim3A_292 = vector.broadcast %broadcast_in_dim3A_291 : i32 to vector<16xi32>
    %swap3A_293 = arith.constant 20288 : index
    %swap3A_294 = tpu.vector_load %arg8[%swap3A_293] {strides = array<i32>} : memref<20480xi32, #tpu.memory_space<vmem>>, vector<16xi32>,
    %swap3A_295 = vector.shape_cast %swap3A_294 : vector<16xi32> to vector<16xi32>
    %swap3A_296 = vector.shape_cast %broadcast_in_dim3A_292 : vector<16xi32> to vector<16xi32>
    tpu.vector_store %arg8[%swap3A_293], %swap3A_296 {strides = array<i32>} : memref<20480xi32, #tpu.memory_space<vmem>>, vector<16xi32>,
    %broadcast_in_dim3A_297 = arith.constant 10008 : i32
    %broadcast_in_dim3A_298 = vector.broadcast %broadcast_in_dim3A_297 : i32 to vector<16xi32>
    %swap3A_299 = arith.constant 20304 : index
    %swap3A_300 = tpu.vector_load %arg8[%swap3A_299] {strides = array<i32>} : memref<20480xi32, #tpu.memory_space<vmem>>, vector<16xi32>,
    %swap3A_301 = vector.shape_cast %swap3A_300 : vector<16xi32> to vector<16xi32>
    %swap3A_302 = vector.shape_cast %broadcast_in_dim3A_298 : vector<16xi32> to vector<16xi32>
    tpu.vector_store %arg8[%swap3A_299], %swap3A_302 {strides = array<i32>} : memref<20480xi32, #tpu.memory_space<vmem>>, vector<16xi32>,
    %broadcast_in_dim3A_303 = arith.constant 10008 : i32
    %broadcast_in_dim3A_304 = vector.broadcast %broadcast_in_dim3A_303 : i32 to vector<16xi32>
    %swap3A_305 = arith.constant 20320 : index
    %swap3A_306 = tpu.vector_load %arg8[%swap3A_305] {strides = array<i32>} : memref<20480xi32, #tpu.memory_space<vmem>>, vector<16xi32>,
    %swap3A_307 = vector.shape_cast %swap3A_306 : vector<16xi32> to vector<16xi32>
    %swap3A_308 = vector.shape_cast %broadcast_in_dim3A_304 : vector<16xi32> to vector<16xi32>
    tpu.vector_store %arg8[%swap3A_305], %swap3A_308 {strides = array<i32>} : memref<20480xi32, #tpu.memory_space<vmem>>, vector<16xi32>,
    %broadcast_in_dim3A_309 = arith.constant 10008 : i32
    %broadcast_in_dim3A_310 = vector.broadcast %broadcast_in_dim3A_309 : i32 to vector<16xi32>
    %swap3A_311 = arith.constant 20336 : index
    %swap3A_312 = tpu.vector_load %arg8[%swap3A_311] {strides = array<i32>} : memref<20480xi32, #tpu.memory_space<vmem>>, vector<16xi32>,
    %swap3A_313 = vector.shape_cast %swap3A_312 : vector<16xi32> to vector<16xi32>
    %swap3A_314 = vector.shape_cast %broadcast_in_dim3A_310 : vector<16xi32> to vector<16xi32>
    tpu.vector_store %arg8[%swap3A_311], %swap3A_314 {strides = array<i32>} : memref<20480xi32, #tpu.memory_space<vmem>>, vector<16xi32>,
    %broadcast_in_dim3A_315 = arith.constant 10008 : i32
    %broadcast_in_dim3A_316 = vector.broadcast %broadcast_in_dim3A_315 : i32 to vector<16xi32>
    %swap3A_317 = arith.constant 20352 : index
    %swap3A_318 = tpu.vector_load %arg8[%swap3A_317] {strides = array<i32>} : memref<20480xi32, #tpu.memory_space<vmem>>, vector<16xi32>,
    %swap3A_319 = vector.shape_cast %swap3A_318 : vector<16xi32> to vector<16xi32>
    %swap3A_320 = vector.shape_cast %broadcast_in_dim3A_316 : vector<16xi32> to vector<16xi32>
    tpu.vector_store %arg8[%swap3A_317], %swap3A_320 {strides = array<i32>} : memref<20480xi32, #tpu.memory_space<vmem>>, vector<16xi32>,
    %broadcast_in_dim3A_321 = arith.constant 10008 : i32
    %broadcast_in_dim3A_322 = vector.broadcast %broadcast_in_dim3A_321 : i32 to vector<16xi32>
    %swap3A_323 = arith.constant 20368 : index
    %swap3A_324 = tpu.vector_load %arg8[%swap3A_323] {strides = array<i32>} : memref<20480xi32, #tpu.memory_space<vmem>>, vector<16xi32>,
    %swap3A_325 = vector.shape_cast %swap3A_324 : vector<16xi32> to vector<16xi32>
    %swap3A_326 = vector.shape_cast %broadcast_in_dim3A_322 : vector<16xi32> to vector<16xi32>
    tpu.vector_store %arg8[%swap3A_323], %swap3A_326 {strides = array<i32>} : memref<20480xi32, #tpu.memory_space<vmem>>, vector<16xi32>,
    %broadcast_in_dim3A_327 = arith.constant 10008 : i32
    %broadcast_in_dim3A_328 = vector.broadcast %broadcast_in_dim3A_327 : i32 to vector<16xi32>
    %swap3A_329 = arith.constant 20384 : index
    %swap3A_330 = tpu.vector_load %arg8[%swap3A_329] {strides = array<i32>} : memref<20480xi32, #tpu.memory_space<vmem>>, vector<16xi32>,
    %swap3A_331 = vector.shape_cast %swap3A_330 : vector<16xi32> to vector<16xi32>
    %swap3A_332 = vector.shape_cast %broadcast_in_dim3A_328 : vector<16xi32> to vector<16xi32>
    tpu.vector_store %arg8[%swap3A_329], %swap3A_332 {strides = array<i32>} : memref<20480xi32, #tpu.memory_space<vmem>>, vector<16xi32>,
    %broadcast_in_dim3A_333 = arith.constant 10008 : i32
    %broadcast_in_dim3A_334 = vector.broadcast %broadcast_in_dim3A_333 : i32 to vector<16xi32>
    %swap3A_335 = arith.constant 20400 : index
    %swap3A_336 = tpu.vector_load %arg8[%swap3A_335] {strides = array<i32>} : memref<20480xi32, #tpu.memory_space<vmem>>, vector<16xi32>,
    %swap3A_337 = vector.shape_cast %swap3A_336 : vector<16xi32> to vector<16xi32>
    %swap3A_338 = vector.shape_cast %broadcast_in_dim3A_334 : vector<16xi32> to vector<16xi32>
    tpu.vector_store %arg8[%swap3A_335], %swap3A_338 {strides = array<i32>} : memref<20480xi32, #tpu.memory_space<vmem>>, vector<16xi32>,
    %broadcast_in_dim3A_339 = arith.constant 10008 : i32
    %broadcast_in_dim3A_340 = vector.broadcast %broadcast_in_dim3A_339 : i32 to vector<16xi32>
    %swap3A_341 = arith.constant 20416 : index
    %swap3A_342 = tpu.vector_load %arg8[%swap3A_341] {strides = array<i32>} : memref<20480xi32, #tpu.memory_space<vmem>>, vector<16xi32>,
    %swap3A_343 = vector.shape_cast %swap3A_342 : vector<16xi32> to vector<16xi32>
    %swap3A_344 = vector.shape_cast %broadcast_in_dim3A_340 : vector<16xi32> to vector<16xi32>
    tpu.vector_store %arg8[%swap3A_341], %swap3A_344 {strides = array<i32>} : memref<20480xi32, #tpu.memory_space<vmem>>, vector<16xi32>,
    %broadcast_in_dim3A_345 = arith.constant 10008 : i32
    %broadcast_in_dim3A_346 = vector.broadcast %broadcast_in_dim3A_345 : i32 to vector<16xi32>
    %swap3A_347 = arith.constant 20432 : index
    %swap3A_348 = tpu.vector_load %arg8[%swap3A_347] {strides = array<i32>} : memref<20480xi32, #tpu.memory_space<vmem>>, vector<16xi32>,
    %swap3A_349 = vector.shape_cast %swap3A_348 : vector<16xi32> to vector<16xi32>
    %swap3A_350 = vector.shape_cast %broadcast_in_dim3A_346 : vector<16xi32> to vector<16xi32>
    tpu.vector_store %arg8[%swap3A_347], %swap3A_350 {strides = array<i32>} : memref<20480xi32, #tpu.memory_space<vmem>>, vector<16xi32>,
    %broadcast_in_dim3A_351 = arith.constant 10008 : i32
    %broadcast_in_dim3A_352 = vector.broadcast %broadcast_in_dim3A_351 : i32 to vector<16xi32>
    %swap3A_353 = arith.constant 20448 : index
    %swap3A_354 = tpu.vector_load %arg8[%swap3A_353] {strides = array<i32>} : memref<20480xi32, #tpu.memory_space<vmem>>, vector<16xi32>,
    %swap3A_355 = vector.shape_cast %swap3A_354 : vector<16xi32> to vector<16xi32>
    %swap3A_356 = vector.shape_cast %broadcast_in_dim3A_352 : vector<16xi32> to vector<16xi32>
    tpu.vector_store %arg8[%swap3A_353], %swap3A_356 {strides = array<i32>} : memref<20480xi32, #tpu.memory_space<vmem>>, vector<16xi32>,
    %broadcast_in_dim3A_357 = arith.constant 10008 : i32
    %broadcast_in_dim3A_358 = vector.broadcast %broadcast_in_dim3A_357 : i32 to vector<16xi32>
    %swap3A_359 = arith.constant 20464 : index
    %swap3A_360 = tpu.vector_load %arg8[%swap3A_359] {strides = array<i32>} : memref<20480xi32, #tpu.memory_space<vmem>>, vector<16xi32>,
    %swap3A_361 = vector.shape_cast %swap3A_360 : vector<16xi32> to vector<16xi32>
    %swap3A_362 = vector.shape_cast %broadcast_in_dim3A_358 : vector<16xi32> to vector<16xi32>
    tpu.vector_store %arg8[%swap3A_359], %swap3A_362 {strides = array<i32>} : memref<20480xi32, #tpu.memory_space<vmem>>, vector<16xi32>,
    %mul3A_363 = arith.constant 20000 : i32
    %mul3A_364 = arith.muli %arg1, %mul3A_363 : i32
    %run_scoped3A = arith.constant 0 : i32
    "tpu.region"() ({
      %run_scoped3A_582 = tpu.sem_alloc : memref<!tpu.dma_semaphore, #tpu.memory_space<semaphore_mem>>
      %dma_start3A_583 = arith.constant 0 : i32
      %dma_start3A_584 = tpu.memref_slice %arg7[%dma_start3A_583] : memref<20480xi32, #tpu.memory_space<vmem>> -> memref<20000xi32, #tpu.memory_space<vmem>>
      %dma_start3A_585 = tpu.memref_slice %arg3[%run_scoped3A, %mul3A_364] : memref<2x320000xi32, #tpu.memory_space<hbm>> -> memref<1x20000xi32, #tpu.memory_space<hbm>>
      %dma_start3A_586 = tpu.memref_squeeze %dma_start3A_585 : memref<1x20000xi32, #tpu.memory_space<hbm>> -> memref<20000xi32, #tpu.memory_space<hbm>>
      %dma_start3A_587 = arith.constant 0 : i32
      %dma_start3A_588 = tpu.memref_slice %arg7[%dma_start3A_587] : memref<20480xi32, #tpu.memory_space<vmem>> -> memref<20000xi32, #tpu.memory_space<vmem>>
      %dma_start3A_589 = tpu.memref_slice %arg3[%run_scoped3A, %mul3A_364] : memref<2x320000xi32, #tpu.memory_space<hbm>> -> memref<1x20000xi32, #tpu.memory_space<hbm>>
      %dma_start3A_590 = tpu.memref_squeeze %dma_start3A_589 : memref<1x20000xi32, #tpu.memory_space<hbm>> -> memref<20000xi32, #tpu.memory_space<hbm>>
      tpu.enqueue_dma source(%dma_start3A_590 : memref<20000xi32, #tpu.memory_space<hbm>>) target(%dma_start3A_588 : memref<20000xi32, #tpu.memory_space<vmem>>) target_semaphore(%run_scoped3A_582 : memref<!tpu.dma_semaphore, #tpu.memory_space<semaphore_mem>>)
      %dma_wait3A_591 = arith.constant 0 : i32
      %dma_wait3A_592 = tpu.memref_slice %arg7[%dma_wait3A_591] : memref<20480xi32, #tpu.memory_space<vmem>> -> memref<20000xi32, #tpu.memory_space<vmem>>
      %dma_wait3A_593 = tpu.memref_slice %arg3[%run_scoped3A, %mul3A_364] : memref<2x320000xi32, #tpu.memory_space<hbm>> -> memref<1x20000xi32, #tpu.memory_space<hbm>>
      %dma_wait3A_594 = tpu.memref_squeeze %dma_wait3A_593 : memref<1x20000xi32, #tpu.memory_space<hbm>> -> memref<20000xi32, #tpu.memory_space<hbm>>
      %dma_wait3A_595 = arith.constant 0 : i32
      %dma_wait3A_596 = tpu.memref_slice %arg7[%dma_wait3A_595] : memref<20480xi32, #tpu.memory_space<vmem>> -> memref<20000xi32, #tpu.memory_space<vmem>>
      %dma_wait3A_597 = tpu.memref_slice %arg3[%run_scoped3A, %mul3A_364] : memref<2x320000xi32, #tpu.memory_space<hbm>> -> memref<1x20000xi32, #tpu.memory_space<hbm>>
      %dma_wait3A_598 = tpu.memref_squeeze %dma_wait3A_597 : memref<1x20000xi32, #tpu.memory_space<hbm>> -> memref<20000xi32, #tpu.memory_space<hbm>>
      tpu.wait_dma2 semaphore(%run_scoped3A_582 : memref<!tpu.dma_semaphore, #tpu.memory_space<semaphore_mem>>) src(%dma_wait3A_598 : memref<20000xi32, #tpu.memory_space<hbm>>) dst(%dma_wait3A_596 : memref<20000xi32, #tpu.memory_space<vmem>>)
      tpu.yield
    }) : () -> ()
    %mul3A_365 = arith.constant 20000 : i32
    %mul3A_366 = arith.muli %arg1, %mul3A_365 : i32
    %run_scoped3A_367 = arith.constant 1 : i32
    "tpu.region"() ({
      %run_scoped3A_582 = tpu.sem_alloc : memref<!tpu.dma_semaphore, #tpu.memory_space<semaphore_mem>>
      %dma_start3A_583 = arith.constant 0 : i32
      %dma_start3A_584 = tpu.memref_slice %arg8[%dma_start3A_583] : memref<20480xi32, #tpu.memory_space<vmem>> -> memref<20000xi32, #tpu.memory_space<vmem>>
      %dma_start3A_585 = tpu.memref_slice %arg3[%run_scoped3A_367, %mul3A_366] : memref<2x320000xi32, #tpu.memory_space<hbm>> -> memref<1x20000xi32, #tpu.memory_space<hbm>>
      %dma_start3A_586 = tpu.memref_squeeze %dma_start3A_585 : memref<1x20000xi32, #tpu.memory_space<hbm>> -> memref<20000xi32, #tpu.memory_space<hbm>>
      %dma_start3A_587 = arith.constant 0 : i32
      %dma_start3A_588 = tpu.memref_slice %arg8[%dma_start3A_587] : memref<20480xi32, #tpu.memory_space<vmem>> -> memref<20000xi32, #tpu.memory_space<vmem>>
      %dma_start3A_589 = tpu.memref_slice %arg3[%run_scoped3A_367, %mul3A_366] : memref<2x320000xi32, #tpu.memory_space<hbm>> -> memref<1x20000xi32, #tpu.memory_space<hbm>>
      %dma_start3A_590 = tpu.memref_squeeze %dma_start3A_589 : memref<1x20000xi32, #tpu.memory_space<hbm>> -> memref<20000xi32, #tpu.memory_space<hbm>>
      tpu.enqueue_dma source(%dma_start3A_590 : memref<20000xi32, #tpu.memory_space<hbm>>) target(%dma_start3A_588 : memref<20000xi32, #tpu.memory_space<vmem>>) target_semaphore(%run_scoped3A_582 : memref<!tpu.dma_semaphore, #tpu.memory_space<semaphore_mem>>)
      %dma_wait3A_591 = arith.constant 0 : i32
      %dma_wait3A_592 = tpu.memref_slice %arg8[%dma_wait3A_591] : memref<20480xi32, #tpu.memory_space<vmem>> -> memref<20000xi32, #tpu.memory_space<vmem>>
      %dma_wait3A_593 = tpu.memref_slice %arg3[%run_scoped3A_367, %mul3A_366] : memref<2x320000xi32, #tpu.memory_space<hbm>> -> memref<1x20000xi32, #tpu.memory_space<hbm>>
      %dma_wait3A_594 = tpu.memref_squeeze %dma_wait3A_593 : memref<1x20000xi32, #tpu.memory_space<hbm>> -> memref<20000xi32, #tpu.memory_space<hbm>>
      %dma_wait3A_595 = arith.constant 0 : i32
      %dma_wait3A_596 = tpu.memref_slice %arg8[%dma_wait3A_595] : memref<20480xi32, #tpu.memory_space<vmem>> -> memref<20000xi32, #tpu.memory_space<vmem>>
      %dma_wait3A_597 = tpu.memref_slice %arg3[%run_scoped3A_367, %mul3A_366] : memref<2x320000xi32, #tpu.memory_space<hbm>> -> memref<1x20000xi32, #tpu.memory_space<hbm>>
      %dma_wait3A_598 = tpu.memref_squeeze %dma_wait3A_597 : memref<1x20000xi32, #tpu.memory_space<hbm>> -> memref<20000xi32, #tpu.memory_space<hbm>>
      tpu.wait_dma2 semaphore(%run_scoped3A_582 : memref<!tpu.dma_semaphore, #tpu.memory_space<semaphore_mem>>) src(%dma_wait3A_598 : memref<20000xi32, #tpu.memory_space<hbm>>) dst(%dma_wait3A_596 : memref<20000xi32, #tpu.memory_space<vmem>>)
      tpu.yield
    }) : () -> ()
    %barrier3A = arith.constant 0 : index
    tpu.barrier barrier_id(%barrier3A)
    %dma_start3A = arith.constant 0 : i32
    %dma_start3A_368 = arith.constant 0 : i32
    %dma_start3A_369 = arith.constant 0 : i32
    %dma_start3A_370 = arith.constant 0 : i32
    %dma_start3A_371 = tpu.memref_slice %arg9[%dma_start3A, %dma_start3A_369, %dma_start3A_370] : memref<8x128x32xf32, #tpu.memory_space<vmem>> -> memref<1x128x32xf32, #tpu.memory_space<vmem>>
    %dma_start3A_372 = tpu.memref_squeeze %dma_start3A_371 : memref<1x128x32xf32, #tpu.memory_space<vmem>> -> memref<128x32xf32, #tpu.memory_space<vmem>>
    %dma_start3A_373 = arith.constant 0 : i32
    %dma_start3A_374 = tpu.memref_slice %arg7[%dma_start3A_373] : memref<20480xi32, #tpu.memory_space<vmem>> -> memref<128xi32, #tpu.memory_space<vmem>>
    %dma_start3A_375 = arith.constant 0 : i32
    %dma_start3A_376 = arith.constant 0 : i32
    %dma_start3A_377 = tpu.memref_slice %arg6[%dma_start3A_375, %dma_start3A_376] : memref<10112x32xf32, #tpu.memory_space<vmem_shared>> -> memref<10112x32xf32, #tpu.memory_space<vmem_shared>>
    %dma_start3A_378 = tpu.memref_slice %arg10[%dma_start3A_368] : memref<8x!tpu.dma_semaphore, #tpu.memory_space<semaphore_mem>> -> memref<1x!tpu.dma_semaphore, #tpu.memory_space<semaphore_mem>>
    %dma_start3A_379 = tpu.memref_squeeze %dma_start3A_378 : memref<1x!tpu.dma_semaphore, #tpu.memory_space<semaphore_mem>> -> memref<!tpu.dma_semaphore, #tpu.memory_space<semaphore_mem>>
    tpu.enqueue_indirect_dma source(%dma_start3A_377 : memref<10112x32xf32, #tpu.memory_space<vmem_shared>>) target(%dma_start3A_372 : memref<128x32xf32, #tpu.memory_space<vmem>>) offsets(%dma_start3A_374 : memref<128xi32, #tpu.memory_space<vmem>>) semaphore(%dma_start3A_379 : memref<!tpu.dma_semaphore, #tpu.memory_space<semaphore_mem>>)
    %dma_start3A_380 = arith.constant 1 : i32
    %dma_start3A_381 = arith.constant 1 : i32
    %dma_start3A_382 = arith.constant 0 : i32
    %dma_start3A_383 = arith.constant 0 : i32
    %dma_start3A_384 = tpu.memref_slice %arg9[%dma_start3A_380, %dma_start3A_382, %dma_start3A_383] : memref<8x128x32xf32, #tpu.memory_space<vmem>> -> memref<1x128x32xf32, #tpu.memory_space<vmem>>
    %dma_start3A_385 = tpu.memref_squeeze %dma_start3A_384 : memref<1x128x32xf32, #tpu.memory_space<vmem>> -> memref<128x32xf32, #tpu.memory_space<vmem>>
    %dma_start3A_386 = arith.constant 128 : i32
    %dma_start3A_387 = tpu.memref_slice %arg7[%dma_start3A_386] : memref<20480xi32, #tpu.memory_space<vmem>> -> memref<128xi32, #tpu.memory_space<vmem>>
    %dma_start3A_388 = arith.constant 0 : i32
    %dma_start3A_389 = arith.constant 0 : i32
    %dma_start3A_390 = tpu.memref_slice %arg6[%dma_start3A_388, %dma_start3A_389] : memref<10112x32xf32, #tpu.memory_space<vmem_shared>> -> memref<10112x32xf32, #tpu.memory_space<vmem_shared>>
    %dma_start3A_391 = tpu.memref_slice %arg10[%dma_start3A_381] : memref<8x!tpu.dma_semaphore, #tpu.memory_space<semaphore_mem>> -> memref<1x!tpu.dma_semaphore, #tpu.memory_space<semaphore_mem>>
    %dma_start3A_392 = tpu.memref_squeeze %dma_start3A_391 : memref<1x!tpu.dma_semaphore, #tpu.memory_space<semaphore_mem>> -> memref<!tpu.dma_semaphore, #tpu.memory_space<semaphore_mem>>
    tpu.enqueue_indirect_dma source(%dma_start3A_390 : memref<10112x32xf32, #tpu.memory_space<vmem_shared>>) target(%dma_start3A_385 : memref<128x32xf32, #tpu.memory_space<vmem>>) offsets(%dma_start3A_387 : memref<128xi32, #tpu.memory_space<vmem>>) semaphore(%dma_start3A_392 : memref<!tpu.dma_semaphore, #tpu.memory_space<semaphore_mem>>)
    %dma_start3A_393 = arith.constant 2 : i32
    %dma_start3A_394 = arith.constant 2 : i32
    %dma_start3A_395 = arith.constant 0 : i32
    %dma_start3A_396 = arith.constant 0 : i32
    %dma_start3A_397 = tpu.memref_slice %arg9[%dma_start3A_393, %dma_start3A_395, %dma_start3A_396] : memref<8x128x32xf32, #tpu.memory_space<vmem>> -> memref<1x128x32xf32, #tpu.memory_space<vmem>>
    %dma_start3A_398 = tpu.memref_squeeze %dma_start3A_397 : memref<1x128x32xf32, #tpu.memory_space<vmem>> -> memref<128x32xf32, #tpu.memory_space<vmem>>
    %dma_start3A_399 = arith.constant 256 : i32
    %dma_start3A_400 = tpu.memref_slice %arg7[%dma_start3A_399] : memref<20480xi32, #tpu.memory_space<vmem>> -> memref<128xi32, #tpu.memory_space<vmem>>
    %dma_start3A_401 = arith.constant 0 : i32
    %dma_start3A_402 = arith.constant 0 : i32
    %dma_start3A_403 = tpu.memref_slice %arg6[%dma_start3A_401, %dma_start3A_402] : memref<10112x32xf32, #tpu.memory_space<vmem_shared>> -> memref<10112x32xf32, #tpu.memory_space<vmem_shared>>
    %dma_start3A_404 = tpu.memref_slice %arg10[%dma_start3A_394] : memref<8x!tpu.dma_semaphore, #tpu.memory_space<semaphore_mem>> -> memref<1x!tpu.dma_semaphore, #tpu.memory_space<semaphore_mem>>
    %dma_start3A_405 = tpu.memref_squeeze %dma_start3A_404 : memref<1x!tpu.dma_semaphore, #tpu.memory_space<semaphore_mem>> -> memref<!tpu.dma_semaphore, #tpu.memory_space<semaphore_mem>>
    tpu.enqueue_indirect_dma source(%dma_start3A_403 : memref<10112x32xf32, #tpu.memory_space<vmem_shared>>) target(%dma_start3A_398 : memref<128x32xf32, #tpu.memory_space<vmem>>) offsets(%dma_start3A_400 : memref<128xi32, #tpu.memory_space<vmem>>) semaphore(%dma_start3A_405 : memref<!tpu.dma_semaphore, #tpu.memory_space<semaphore_mem>>)
    %dma_start3A_406 = arith.constant 3 : i32
    %dma_start3A_407 = arith.constant 3 : i32
    %dma_start3A_408 = arith.constant 0 : i32
    %dma_start3A_409 = arith.constant 0 : i32
    %dma_start3A_410 = tpu.memref_slice %arg9[%dma_start3A_406, %dma_start3A_408, %dma_start3A_409] : memref<8x128x32xf32, #tpu.memory_space<vmem>> -> memref<1x128x32xf32, #tpu.memory_space<vmem>>
    %dma_start3A_411 = tpu.memref_squeeze %dma_start3A_410 : memref<1x128x32xf32, #tpu.memory_space<vmem>> -> memref<128x32xf32, #tpu.memory_space<vmem>>
    %dma_start3A_412 = arith.constant 384 : i32
    %dma_start3A_413 = tpu.memref_slice %arg7[%dma_start3A_412] : memref<20480xi32, #tpu.memory_space<vmem>> -> memref<128xi32, #tpu.memory_space<vmem>>
    %dma_start3A_414 = arith.constant 0 : i32
    %dma_start3A_415 = arith.constant 0 : i32
    %dma_start3A_416 = tpu.memref_slice %arg6[%dma_start3A_414, %dma_start3A_415] : memref<10112x32xf32, #tpu.memory_space<vmem_shared>> -> memref<10112x32xf32, #tpu.memory_space<vmem_shared>>
    %dma_start3A_417 = tpu.memref_slice %arg10[%dma_start3A_407] : memref<8x!tpu.dma_semaphore, #tpu.memory_space<semaphore_mem>> -> memref<1x!tpu.dma_semaphore, #tpu.memory_space<semaphore_mem>>
    %dma_start3A_418 = tpu.memref_squeeze %dma_start3A_417 : memref<1x!tpu.dma_semaphore, #tpu.memory_space<semaphore_mem>> -> memref<!tpu.dma_semaphore, #tpu.memory_space<semaphore_mem>>
    tpu.enqueue_indirect_dma source(%dma_start3A_416 : memref<10112x32xf32, #tpu.memory_space<vmem_shared>>) target(%dma_start3A_411 : memref<128x32xf32, #tpu.memory_space<vmem>>) offsets(%dma_start3A_413 : memref<128xi32, #tpu.memory_space<vmem>>) semaphore(%dma_start3A_418 : memref<!tpu.dma_semaphore, #tpu.memory_space<semaphore_mem>>)
    %dma_start3A_419 = arith.constant 4 : i32
    %dma_start3A_420 = arith.constant 4 : i32
    %dma_start3A_421 = arith.constant 0 : i32
    %dma_start3A_422 = arith.constant 0 : i32
    %dma_start3A_423 = tpu.memref_slice %arg9[%dma_start3A_419, %dma_start3A_421, %dma_start3A_422] : memref<8x128x32xf32, #tpu.memory_space<vmem>> -> memref<1x128x32xf32, #tpu.memory_space<vmem>>
    %dma_start3A_424 = tpu.memref_squeeze %dma_start3A_423 : memref<1x128x32xf32, #tpu.memory_space<vmem>> -> memref<128x32xf32, #tpu.memory_space<vmem>>
    %dma_start3A_425 = arith.constant 512 : i32
    %dma_start3A_426 = tpu.memref_slice %arg7[%dma_start3A_425] : memref<20480xi32, #tpu.memory_space<vmem>> -> memref<128xi32, #tpu.memory_space<vmem>>
    %dma_start3A_427 = arith.constant 0 : i32
    %dma_start3A_428 = arith.constant 0 : i32
    %dma_start3A_429 = tpu.memref_slice %arg6[%dma_start3A_427, %dma_start3A_428] : memref<10112x32xf32, #tpu.memory_space<vmem_shared>> -> memref<10112x32xf32, #tpu.memory_space<vmem_shared>>
    %dma_start3A_430 = tpu.memref_slice %arg10[%dma_start3A_420] : memref<8x!tpu.dma_semaphore, #tpu.memory_space<semaphore_mem>> -> memref<1x!tpu.dma_semaphore, #tpu.memory_space<semaphore_mem>>
    %dma_start3A_431 = tpu.memref_squeeze %dma_start3A_430 : memref<1x!tpu.dma_semaphore, #tpu.memory_space<semaphore_mem>> -> memref<!tpu.dma_semaphore, #tpu.memory_space<semaphore_mem>>
    tpu.enqueue_indirect_dma source(%dma_start3A_429 : memref<10112x32xf32, #tpu.memory_space<vmem_shared>>) target(%dma_start3A_424 : memref<128x32xf32, #tpu.memory_space<vmem>>) offsets(%dma_start3A_426 : memref<128xi32, #tpu.memory_space<vmem>>) semaphore(%dma_start3A_431 : memref<!tpu.dma_semaphore, #tpu.memory_space<semaphore_mem>>)
    %dma_start3A_432 = arith.constant 5 : i32
    %dma_start3A_433 = arith.constant 5 : i32
    %dma_start3A_434 = arith.constant 0 : i32
    %dma_start3A_435 = arith.constant 0 : i32
    %dma_start3A_436 = tpu.memref_slice %arg9[%dma_start3A_432, %dma_start3A_434, %dma_start3A_435] : memref<8x128x32xf32, #tpu.memory_space<vmem>> -> memref<1x128x32xf32, #tpu.memory_space<vmem>>
    %dma_start3A_437 = tpu.memref_squeeze %dma_start3A_436 : memref<1x128x32xf32, #tpu.memory_space<vmem>> -> memref<128x32xf32, #tpu.memory_space<vmem>>
    %dma_start3A_438 = arith.constant 640 : i32
    %dma_start3A_439 = tpu.memref_slice %arg7[%dma_start3A_438] : memref<20480xi32, #tpu.memory_space<vmem>> -> memref<128xi32, #tpu.memory_space<vmem>>
    %dma_start3A_440 = arith.constant 0 : i32
    %dma_start3A_441 = arith.constant 0 : i32
    %dma_start3A_442 = tpu.memref_slice %arg6[%dma_start3A_440, %dma_start3A_441] : memref<10112x32xf32, #tpu.memory_space<vmem_shared>> -> memref<10112x32xf32, #tpu.memory_space<vmem_shared>>
    %dma_start3A_443 = tpu.memref_slice %arg10[%dma_start3A_433] : memref<8x!tpu.dma_semaphore, #tpu.memory_space<semaphore_mem>> -> memref<1x!tpu.dma_semaphore, #tpu.memory_space<semaphore_mem>>
    %dma_start3A_444 = tpu.memref_squeeze %dma_start3A_443 : memref<1x!tpu.dma_semaphore, #tpu.memory_space<semaphore_mem>> -> memref<!tpu.dma_semaphore, #tpu.memory_space<semaphore_mem>>
    tpu.enqueue_indirect_dma source(%dma_start3A_442 : memref<10112x32xf32, #tpu.memory_space<vmem_shared>>) target(%dma_start3A_437 : memref<128x32xf32, #tpu.memory_space<vmem>>) offsets(%dma_start3A_439 : memref<128xi32, #tpu.memory_space<vmem>>) semaphore(%dma_start3A_444 : memref<!tpu.dma_semaphore, #tpu.memory_space<semaphore_mem>>)
    %dma_start3A_445 = arith.constant 6 : i32
    %dma_start3A_446 = arith.constant 6 : i32
    %dma_start3A_447 = arith.constant 0 : i32
    %dma_start3A_448 = arith.constant 0 : i32
    %dma_start3A_449 = tpu.memref_slice %arg9[%dma_start3A_445, %dma_start3A_447, %dma_start3A_448] : memref<8x128x32xf32, #tpu.memory_space<vmem>> -> memref<1x128x32xf32, #tpu.memory_space<vmem>>
    %dma_start3A_450 = tpu.memref_squeeze %dma_start3A_449 : memref<1x128x32xf32, #tpu.memory_space<vmem>> -> memref<128x32xf32, #tpu.memory_space<vmem>>
    %dma_start3A_451 = arith.constant 768 : i32
    %dma_start3A_452 = tpu.memref_slice %arg7[%dma_start3A_451] : memref<20480xi32, #tpu.memory_space<vmem>> -> memref<128xi32, #tpu.memory_space<vmem>>
    %dma_start3A_453 = arith.constant 0 : i32
    %dma_start3A_454 = arith.constant 0 : i32
    %dma_start3A_455 = tpu.memref_slice %arg6[%dma_start3A_453, %dma_start3A_454] : memref<10112x32xf32, #tpu.memory_space<vmem_shared>> -> memref<10112x32xf32, #tpu.memory_space<vmem_shared>>
    %dma_start3A_456 = tpu.memref_slice %arg10[%dma_start3A_446] : memref<8x!tpu.dma_semaphore, #tpu.memory_space<semaphore_mem>> -> memref<1x!tpu.dma_semaphore, #tpu.memory_space<semaphore_mem>>
    %dma_start3A_457 = tpu.memref_squeeze %dma_start3A_456 : memref<1x!tpu.dma_semaphore, #tpu.memory_space<semaphore_mem>> -> memref<!tpu.dma_semaphore, #tpu.memory_space<semaphore_mem>>
    tpu.enqueue_indirect_dma source(%dma_start3A_455 : memref<10112x32xf32, #tpu.memory_space<vmem_shared>>) target(%dma_start3A_450 : memref<128x32xf32, #tpu.memory_space<vmem>>) offsets(%dma_start3A_452 : memref<128xi32, #tpu.memory_space<vmem>>) semaphore(%dma_start3A_457 : memref<!tpu.dma_semaphore, #tpu.memory_space<semaphore_mem>>)
    %dma_start3A_458 = arith.constant 7 : i32
    %dma_start3A_459 = arith.constant 7 : i32
    %dma_start3A_460 = arith.constant 0 : i32
    %dma_start3A_461 = arith.constant 0 : i32
    %dma_start3A_462 = tpu.memref_slice %arg9[%dma_start3A_458, %dma_start3A_460, %dma_start3A_461] : memref<8x128x32xf32, #tpu.memory_space<vmem>> -> memref<1x128x32xf32, #tpu.memory_space<vmem>>
    %dma_start3A_463 = tpu.memref_squeeze %dma_start3A_462 : memref<1x128x32xf32, #tpu.memory_space<vmem>> -> memref<128x32xf32, #tpu.memory_space<vmem>>
    %dma_start3A_464 = arith.constant 896 : i32
    %dma_start3A_465 = tpu.memref_slice %arg7[%dma_start3A_464] : memref<20480xi32, #tpu.memory_space<vmem>> -> memref<128xi32, #tpu.memory_space<vmem>>
    %dma_start3A_466 = arith.constant 0 : i32
    %dma_start3A_467 = arith.constant 0 : i32
    %dma_start3A_468 = tpu.memref_slice %arg6[%dma_start3A_466, %dma_start3A_467] : memref<10112x32xf32, #tpu.memory_space<vmem_shared>> -> memref<10112x32xf32, #tpu.memory_space<vmem_shared>>
    %dma_start3A_469 = tpu.memref_slice %arg10[%dma_start3A_459] : memref<8x!tpu.dma_semaphore, #tpu.memory_space<semaphore_mem>> -> memref<1x!tpu.dma_semaphore, #tpu.memory_space<semaphore_mem>>
    %dma_start3A_470 = tpu.memref_squeeze %dma_start3A_469 : memref<1x!tpu.dma_semaphore, #tpu.memory_space<semaphore_mem>> -> memref<!tpu.dma_semaphore, #tpu.memory_space<semaphore_mem>>
    tpu.enqueue_indirect_dma source(%dma_start3A_468 : memref<10112x32xf32, #tpu.memory_space<vmem_shared>>) target(%dma_start3A_463 : memref<128x32xf32, #tpu.memory_space<vmem>>) offsets(%dma_start3A_465 : memref<128xi32, #tpu.memory_space<vmem>>) semaphore(%dma_start3A_470 : memref<!tpu.dma_semaphore, #tpu.memory_space<semaphore_mem>>)
    %scan3A = arith.constant 0 : i32
    %scan3A_471 = arith.constant 0 : i32
    %scan3A_472 = arith.constant 20 : i32
    %scan3A_473 = arith.addi %scan3A_471, %scan3A_472 : i32
    %scan3A_474 = arith.constant 1 : i32
    scf.for %scan3A_582 = %scan3A_471 to %scan3A_473 step %scan3A_474  : i32 {
      %mul3A_583 = arith.constant 8 : i32
      %mul3A_584 = arith.muli %scan3A_582, %mul3A_583 : i32
      %add3A = arith.constant 0 : i32
      %add3A_585 = arith.addi %mul3A_584, %add3A : i32
      %mul3A_586 = arith.constant 128 : i32
      %mul3A_587 = arith.muli %add3A_585, %mul3A_586 : i32
      %dma_wait3A_588 = arith.constant 0 : i32
      %dma_wait3A_589 = arith.constant 0 : i32
      %dma_wait3A_590 = arith.constant 0 : i32
      %dma_wait3A_591 = arith.constant 0 : i32
      %dma_wait3A_592 = tpu.memref_slice %arg9[%dma_wait3A_588, %dma_wait3A_590, %dma_wait3A_591] : memref<8x128x32xf32, #tpu.memory_space<vmem>> -> memref<1x128x32xf32, #tpu.memory_space<vmem>>
      %dma_wait3A_593 = tpu.memref_squeeze %dma_wait3A_592 : memref<1x128x32xf32, #tpu.memory_space<vmem>> -> memref<128x32xf32, #tpu.memory_space<vmem>>
      %dma_wait3A_594 = tpu.memref_slice %arg7[%mul3A_587] : memref<20480xi32, #tpu.memory_space<vmem>> -> memref<128xi32, #tpu.memory_space<vmem>>
      %dma_wait3A_595 = arith.constant 0 : i32
      %dma_wait3A_596 = arith.constant 0 : i32
      %dma_wait3A_597 = tpu.memref_slice %arg6[%dma_wait3A_595, %dma_wait3A_596] : memref<10112x32xf32, #tpu.memory_space<vmem_shared>> -> memref<10112x32xf32, #tpu.memory_space<vmem_shared>>
      %dma_wait3A_598 = tpu.memref_slice %arg10[%dma_wait3A_589] : memref<8x!tpu.dma_semaphore, #tpu.memory_space<semaphore_mem>> -> memref<1x!tpu.dma_semaphore, #tpu.memory_space<semaphore_mem>>
      %dma_wait3A_599 = tpu.memref_squeeze %dma_wait3A_598 : memref<1x!tpu.dma_semaphore, #tpu.memory_space<semaphore_mem>> -> memref<!tpu.dma_semaphore, #tpu.memory_space<semaphore_mem>>
      tpu.wait_indirect_dma semaphore(%dma_wait3A_599 : memref<!tpu.dma_semaphore, #tpu.memory_space<semaphore_mem>>) src(%dma_wait3A_597 : memref<10112x32xf32, #tpu.memory_space<vmem_shared>>) dst(%dma_wait3A_593 : memref<128x32xf32, #tpu.memory_space<vmem>>)
      %mul3A_600 = arith.constant 128 : i32
      %mul3A_601 = arith.muli %add3A_585, %mul3A_600 : i32
      %dma_start3A_602 = arith.constant 0 : i32
      %dma_start3A_603 = arith.constant 0 : i32
      %dma_start3A_604 = arith.constant 0 : i32
      %dma_start3A_605 = arith.constant 0 : i32
      %dma_start3A_606 = tpu.memref_slice %arg9[%dma_start3A_602, %dma_start3A_604, %dma_start3A_605] : memref<8x128x32xf32, #tpu.memory_space<vmem>> -> memref<1x128x32xf32, #tpu.memory_space<vmem>>
      %dma_start3A_607 = tpu.memref_squeeze %dma_start3A_606 : memref<1x128x32xf32, #tpu.memory_space<vmem>> -> memref<128x32xf32, #tpu.memory_space<vmem>>
      %dma_start3A_608 = tpu.memref_slice %arg8[%mul3A_601] : memref<20480xi32, #tpu.memory_space<vmem>> -> memref<128xi32, #tpu.memory_space<vmem>>
      %dma_start3A_609 = arith.constant 0 : i32
      %dma_start3A_610 = arith.constant 0 : i32
      %dma_start3A_611 = tpu.memref_slice %arg5[%dma_start3A_609, %dma_start3A_610] : memref<10112x32xf32, #tpu.memory_space<vmem_shared>> -> memref<10112x32xf32, #tpu.memory_space<vmem_shared>>
      %dma_start3A_612 = tpu.memref_slice %arg11[%dma_start3A_603] : memref<8x!tpu.dma_semaphore, #tpu.memory_space<semaphore_mem>> -> memref<1x!tpu.dma_semaphore, #tpu.memory_space<semaphore_mem>>
      %dma_start3A_613 = tpu.memref_squeeze %dma_start3A_612 : memref<1x!tpu.dma_semaphore, #tpu.memory_space<semaphore_mem>> -> memref<!tpu.dma_semaphore, #tpu.memory_space<semaphore_mem>>
      tpu.enqueue_indirect_dma source(%dma_start3A_607 : memref<128x32xf32, #tpu.memory_space<vmem>>) target(%dma_start3A_611 : memref<10112x32xf32, #tpu.memory_space<vmem_shared>>) offsets(%dma_start3A_608 : memref<128xi32, #tpu.memory_space<vmem>>) semaphore(%dma_start3A_613 : memref<!tpu.dma_semaphore, #tpu.memory_space<semaphore_mem>>) {add = true}
      %lt3A = arith.constant 19 : i32
      %lt3A_614 = arith.cmpi slt, %scan3A_582, %lt3A : i32
      %convert_element_type3A = arith.extui %lt3A_614 : i1 to i32
      %cond3A = arith.constant 0 : i32
      %cond3A_615 = arith.cmpi ne, %convert_element_type3A, %cond3A : i32
      scf.if %cond3A_615 {
        %mul3A_875 = arith.constant 128 : i32
        %mul3A_876 = arith.muli %add3A_585, %mul3A_875 : i32
        %dma_wait3A_877 = arith.constant 0 : i32
        %dma_wait3A_878 = arith.constant 0 : i32
        %dma_wait3A_879 = arith.constant 0 : i32
        %dma_wait3A_880 = arith.constant 0 : i32
        %dma_wait3A_881 = tpu.memref_slice %arg9[%dma_wait3A_877, %dma_wait3A_879, %dma_wait3A_880] : memref<8x128x32xf32, #tpu.memory_space<vmem>> -> memref<1x128x32xf32, #tpu.memory_space<vmem>>
        %dma_wait3A_882 = tpu.memref_squeeze %dma_wait3A_881 : memref<1x128x32xf32, #tpu.memory_space<vmem>> -> memref<128x32xf32, #tpu.memory_space<vmem>>
        %dma_wait3A_883 = tpu.memref_slice %arg8[%mul3A_876] : memref<20480xi32, #tpu.memory_space<vmem>> -> memref<128xi32, #tpu.memory_space<vmem>>
        %dma_wait3A_884 = arith.constant 0 : i32
        %dma_wait3A_885 = arith.constant 0 : i32
        %dma_wait3A_886 = tpu.memref_slice %arg5[%dma_wait3A_884, %dma_wait3A_885] : memref<10112x32xf32, #tpu.memory_space<vmem_shared>> -> memref<10112x32xf32, #tpu.memory_space<vmem_shared>>
        %dma_wait3A_887 = tpu.memref_slice %arg11[%dma_wait3A_878] : memref<8x!tpu.dma_semaphore, #tpu.memory_space<semaphore_mem>> -> memref<1x!tpu.dma_semaphore, #tpu.memory_space<semaphore_mem>>
        %dma_wait3A_888 = tpu.memref_squeeze %dma_wait3A_887 : memref<1x!tpu.dma_semaphore, #tpu.memory_space<semaphore_mem>> -> memref<!tpu.dma_semaphore, #tpu.memory_space<semaphore_mem>>
        tpu.wait_indirect_dma semaphore(%dma_wait3A_888 : memref<!tpu.dma_semaphore, #tpu.memory_space<semaphore_mem>>) src(%dma_wait3A_882 : memref<128x32xf32, #tpu.memory_space<vmem>>) dst(%dma_wait3A_886 : memref<10112x32xf32, #tpu.memory_space<vmem_shared>>)
        %add3A_889 = arith.constant 8 : i32
        %add3A_890 = arith.addi %add3A_585, %add3A_889 : i32
        %mul3A_891 = arith.constant 128 : i32
        %mul3A_892 = arith.muli %add3A_890, %mul3A_891 : i32
        %dma_start3A_893 = arith.constant 0 : i32
        %dma_start3A_894 = arith.constant 0 : i32
        %dma_start3A_895 = arith.constant 0 : i32
        %dma_start3A_896 = arith.constant 0 : i32
        %dma_start3A_897 = tpu.memref_slice %arg9[%dma_start3A_893, %dma_start3A_895, %dma_start3A_896] : memref<8x128x32xf32, #tpu.memory_space<vmem>> -> memref<1x128x32xf32, #tpu.memory_space<vmem>>
        %dma_start3A_898 = tpu.memref_squeeze %dma_start3A_897 : memref<1x128x32xf32, #tpu.memory_space<vmem>> -> memref<128x32xf32, #tpu.memory_space<vmem>>
        %dma_start3A_899 = tpu.memref_slice %arg7[%mul3A_892] : memref<20480xi32, #tpu.memory_space<vmem>> -> memref<128xi32, #tpu.memory_space<vmem>>
        %dma_start3A_900 = arith.constant 0 : i32
        %dma_start3A_901 = arith.constant 0 : i32
        %dma_start3A_902 = tpu.memref_slice %arg6[%dma_start3A_900, %dma_start3A_901] : memref<10112x32xf32, #tpu.memory_space<vmem_shared>> -> memref<10112x32xf32, #tpu.memory_space<vmem_shared>>
        %dma_start3A_903 = tpu.memref_slice %arg10[%dma_start3A_894] : memref<8x!tpu.dma_semaphore, #tpu.memory_space<semaphore_mem>> -> memref<1x!tpu.dma_semaphore, #tpu.memory_space<semaphore_mem>>
        %dma_start3A_904 = tpu.memref_squeeze %dma_start3A_903 : memref<1x!tpu.dma_semaphore, #tpu.memory_space<semaphore_mem>> -> memref<!tpu.dma_semaphore, #tpu.memory_space<semaphore_mem>>
        tpu.enqueue_indirect_dma source(%dma_start3A_902 : memref<10112x32xf32, #tpu.memory_space<vmem_shared>>) target(%dma_start3A_898 : memref<128x32xf32, #tpu.memory_space<vmem>>) offsets(%dma_start3A_899 : memref<128xi32, #tpu.memory_space<vmem>>) semaphore(%dma_start3A_904 : memref<!tpu.dma_semaphore, #tpu.memory_space<semaphore_mem>>)
      } else {
      }
      %mul3A_616 = arith.constant 8 : i32
      %mul3A_617 = arith.muli %scan3A_582, %mul3A_616 : i32
      %add3A_618 = arith.constant 1 : i32
      %add3A_619 = arith.addi %mul3A_617, %add3A_618 : i32
      %mul3A_620 = arith.constant 128 : i32
      %mul3A_621 = arith.muli %add3A_619, %mul3A_620 : i32
      %dma_wait3A_622 = arith.constant 1 : i32
      %dma_wait3A_623 = arith.constant 1 : i32
      %dma_wait3A_624 = arith.constant 0 : i32
      %dma_wait3A_625 = arith.constant 0 : i32
      %dma_wait3A_626 = tpu.memref_slice %arg9[%dma_wait3A_622, %dma_wait3A_624, %dma_wait3A_625] : memref<8x128x32xf32, #tpu.memory_space<vmem>> -> memref<1x128x32xf32, #tpu.memory_space<vmem>>
      %dma_wait3A_627 = tpu.memref_squeeze %dma_wait3A_626 : memref<1x128x32xf32, #tpu.memory_space<vmem>> -> memref<128x32xf32, #tpu.memory_space<vmem>>
      %dma_wait3A_628 = tpu.memref_slice %arg7[%mul3A_621] : memref<20480xi32, #tpu.memory_space<vmem>> -> memref<128xi32, #tpu.memory_space<vmem>>
      %dma_wait3A_629 = arith.constant 0 : i32
      %dma_wait3A_630 = arith.constant 0 : i32
      %dma_wait3A_631 = tpu.memref_slice %arg6[%dma_wait3A_629, %dma_wait3A_630] : memref<10112x32xf32, #tpu.memory_space<vmem_shared>> -> memref<10112x32xf32, #tpu.memory_space<vmem_shared>>
      %dma_wait3A_632 = tpu.memref_slice %arg10[%dma_wait3A_623] : memref<8x!tpu.dma_semaphore, #tpu.memory_space<semaphore_mem>> -> memref<1x!tpu.dma_semaphore, #tpu.memory_space<semaphore_mem>>
      %dma_wait3A_633 = tpu.memref_squeeze %dma_wait3A_632 : memref<1x!tpu.dma_semaphore, #tpu.memory_space<semaphore_mem>> -> memref<!tpu.dma_semaphore, #tpu.memory_space<semaphore_mem>>
      tpu.wait_indirect_dma semaphore(%dma_wait3A_633 : memref<!tpu.dma_semaphore, #tpu.memory_space<semaphore_mem>>) src(%dma_wait3A_631 : memref<10112x32xf32, #tpu.memory_space<vmem_shared>>) dst(%dma_wait3A_627 : memref<128x32xf32, #tpu.memory_space<vmem>>)
      %mul3A_634 = arith.constant 128 : i32
      %mul3A_635 = arith.muli %add3A_619, %mul3A_634 : i32
      %dma_start3A_636 = arith.constant 1 : i32
      %dma_start3A_637 = arith.constant 1 : i32
      %dma_start3A_638 = arith.constant 0 : i32
      %dma_start3A_639 = arith.constant 0 : i32
      %dma_start3A_640 = tpu.memref_slice %arg9[%dma_start3A_636, %dma_start3A_638, %dma_start3A_639] : memref<8x128x32xf32, #tpu.memory_space<vmem>> -> memref<1x128x32xf32, #tpu.memory_space<vmem>>
      %dma_start3A_641 = tpu.memref_squeeze %dma_start3A_640 : memref<1x128x32xf32, #tpu.memory_space<vmem>> -> memref<128x32xf32, #tpu.memory_space<vmem>>
      %dma_start3A_642 = tpu.memref_slice %arg8[%mul3A_635] : memref<20480xi32, #tpu.memory_space<vmem>> -> memref<128xi32, #tpu.memory_space<vmem>>
      %dma_start3A_643 = arith.constant 0 : i32
      %dma_start3A_644 = arith.constant 0 : i32
      %dma_start3A_645 = tpu.memref_slice %arg5[%dma_start3A_643, %dma_start3A_644] : memref<10112x32xf32, #tpu.memory_space<vmem_shared>> -> memref<10112x32xf32, #tpu.memory_space<vmem_shared>>
      %dma_start3A_646 = tpu.memref_slice %arg11[%dma_start3A_637] : memref<8x!tpu.dma_semaphore, #tpu.memory_space<semaphore_mem>> -> memref<1x!tpu.dma_semaphore, #tpu.memory_space<semaphore_mem>>
      %dma_start3A_647 = tpu.memref_squeeze %dma_start3A_646 : memref<1x!tpu.dma_semaphore, #tpu.memory_space<semaphore_mem>> -> memref<!tpu.dma_semaphore, #tpu.memory_space<semaphore_mem>>
      tpu.enqueue_indirect_dma source(%dma_start3A_641 : memref<128x32xf32, #tpu.memory_space<vmem>>) target(%dma_start3A_645 : memref<10112x32xf32, #tpu.memory_space<vmem_shared>>) offsets(%dma_start3A_642 : memref<128xi32, #tpu.memory_space<vmem>>) semaphore(%dma_start3A_647 : memref<!tpu.dma_semaphore, #tpu.memory_space<semaphore_mem>>) {add = true}
      %lt3A_648 = arith.constant 19 : i32
      %lt3A_649 = arith.cmpi slt, %scan3A_582, %lt3A_648 : i32
      %convert_element_type3A_650 = arith.extui %lt3A_649 : i1 to i32
      %cond3A_651 = arith.constant 0 : i32
      %cond3A_652 = arith.cmpi ne, %convert_element_type3A_650, %cond3A_651 : i32
      scf.if %cond3A_652 {
        %mul3A_875 = arith.constant 128 : i32
        %mul3A_876 = arith.muli %add3A_619, %mul3A_875 : i32
        %dma_wait3A_877 = arith.constant 1 : i32
        %dma_wait3A_878 = arith.constant 1 : i32
        %dma_wait3A_879 = arith.constant 0 : i32
        %dma_wait3A_880 = arith.constant 0 : i32
        %dma_wait3A_881 = tpu.memref_slice %arg9[%dma_wait3A_877, %dma_wait3A_879, %dma_wait3A_880] : memref<8x128x32xf32, #tpu.memory_space<vmem>> -> memref<1x128x32xf32, #tpu.memory_space<vmem>>
        %dma_wait3A_882 = tpu.memref_squeeze %dma_wait3A_881 : memref<1x128x32xf32, #tpu.memory_space<vmem>> -> memref<128x32xf32, #tpu.memory_space<vmem>>
        %dma_wait3A_883 = tpu.memref_slice %arg8[%mul3A_876] : memref<20480xi32, #tpu.memory_space<vmem>> -> memref<128xi32, #tpu.memory_space<vmem>>
        %dma_wait3A_884 = arith.constant 0 : i32
        %dma_wait3A_885 = arith.constant 0 : i32
        %dma_wait3A_886 = tpu.memref_slice %arg5[%dma_wait3A_884, %dma_wait3A_885] : memref<10112x32xf32, #tpu.memory_space<vmem_shared>> -> memref<10112x32xf32, #tpu.memory_space<vmem_shared>>
        %dma_wait3A_887 = tpu.memref_slice %arg11[%dma_wait3A_878] : memref<8x!tpu.dma_semaphore, #tpu.memory_space<semaphore_mem>> -> memref<1x!tpu.dma_semaphore, #tpu.memory_space<semaphore_mem>>
        %dma_wait3A_888 = tpu.memref_squeeze %dma_wait3A_887 : memref<1x!tpu.dma_semaphore, #tpu.memory_space<semaphore_mem>> -> memref<!tpu.dma_semaphore, #tpu.memory_space<semaphore_mem>>
        tpu.wait_indirect_dma semaphore(%dma_wait3A_888 : memref<!tpu.dma_semaphore, #tpu.memory_space<semaphore_mem>>) src(%dma_wait3A_882 : memref<128x32xf32, #tpu.memory_space<vmem>>) dst(%dma_wait3A_886 : memref<10112x32xf32, #tpu.memory_space<vmem_shared>>)
        %add3A_889 = arith.constant 8 : i32
        %add3A_890 = arith.addi %add3A_619, %add3A_889 : i32
        %mul3A_891 = arith.constant 128 : i32
        %mul3A_892 = arith.muli %add3A_890, %mul3A_891 : i32
        %dma_start3A_893 = arith.constant 1 : i32
        %dma_start3A_894 = arith.constant 1 : i32
        %dma_start3A_895 = arith.constant 0 : i32
        %dma_start3A_896 = arith.constant 0 : i32
        %dma_start3A_897 = tpu.memref_slice %arg9[%dma_start3A_893, %dma_start3A_895, %dma_start3A_896] : memref<8x128x32xf32, #tpu.memory_space<vmem>> -> memref<1x128x32xf32, #tpu.memory_space<vmem>>
        %dma_start3A_898 = tpu.memref_squeeze %dma_start3A_897 : memref<1x128x32xf32, #tpu.memory_space<vmem>> -> memref<128x32xf32, #tpu.memory_space<vmem>>
        %dma_start3A_899 = tpu.memref_slice %arg7[%mul3A_892] : memref<20480xi32, #tpu.memory_space<vmem>> -> memref<128xi32, #tpu.memory_space<vmem>>
        %dma_start3A_900 = arith.constant 0 : i32
        %dma_start3A_901 = arith.constant 0 : i32
        %dma_start3A_902 = tpu.memref_slice %arg6[%dma_start3A_900, %dma_start3A_901] : memref<10112x32xf32, #tpu.memory_space<vmem_shared>> -> memref<10112x32xf32, #tpu.memory_space<vmem_shared>>
        %dma_start3A_903 = tpu.memref_slice %arg10[%dma_start3A_894] : memref<8x!tpu.dma_semaphore, #tpu.memory_space<semaphore_mem>> -> memref<1x!tpu.dma_semaphore, #tpu.memory_space<semaphore_mem>>
        %dma_start3A_904 = tpu.memref_squeeze %dma_start3A_903 : memref<1x!tpu.dma_semaphore, #tpu.memory_space<semaphore_mem>> -> memref<!tpu.dma_semaphore, #tpu.memory_space<semaphore_mem>>
        tpu.enqueue_indirect_dma source(%dma_start3A_902 : memref<10112x32xf32, #tpu.memory_space<vmem_shared>>) target(%dma_start3A_898 : memref<128x32xf32, #tpu.memory_space<vmem>>) offsets(%dma_start3A_899 : memref<128xi32, #tpu.memory_space<vmem>>) semaphore(%dma_start3A_904 : memref<!tpu.dma_semaphore, #tpu.memory_space<semaphore_mem>>)
      } else {
      }
      %mul3A_653 = arith.constant 8 : i32
      %mul3A_654 = arith.muli %scan3A_582, %mul3A_653 : i32
      %add3A_655 = arith.constant 2 : i32
      %add3A_656 = arith.addi %mul3A_654, %add3A_655 : i32
      %mul3A_657 = arith.constant 128 : i32
      %mul3A_658 = arith.muli %add3A_656, %mul3A_657 : i32
      %dma_wait3A_659 = arith.constant 2 : i32
      %dma_wait3A_660 = arith.constant 2 : i32
      %dma_wait3A_661 = arith.constant 0 : i32
      %dma_wait3A_662 = arith.constant 0 : i32
      %dma_wait3A_663 = tpu.memref_slice %arg9[%dma_wait3A_659, %dma_wait3A_661, %dma_wait3A_662] : memref<8x128x32xf32, #tpu.memory_space<vmem>> -> memref<1x128x32xf32, #tpu.memory_space<vmem>>
      %dma_wait3A_664 = tpu.memref_squeeze %dma_wait3A_663 : memref<1x128x32xf32, #tpu.memory_space<vmem>> -> memref<128x32xf32, #tpu.memory_space<vmem>>
      %dma_wait3A_665 = tpu.memref_slice %arg7[%mul3A_658] : memref<20480xi32, #tpu.memory_space<vmem>> -> memref<128xi32, #tpu.memory_space<vmem>>
      %dma_wait3A_666 = arith.constant 0 : i32
      %dma_wait3A_667 = arith.constant 0 : i32
      %dma_wait3A_668 = tpu.memref_slice %arg6[%dma_wait3A_666, %dma_wait3A_667] : memref<10112x32xf32, #tpu.memory_space<vmem_shared>> -> memref<10112x32xf32, #tpu.memory_space<vmem_shared>>
      %dma_wait3A_669 = tpu.memref_slice %arg10[%dma_wait3A_660] : memref<8x!tpu.dma_semaphore, #tpu.memory_space<semaphore_mem>> -> memref<1x!tpu.dma_semaphore, #tpu.memory_space<semaphore_mem>>
      %dma_wait3A_670 = tpu.memref_squeeze %dma_wait3A_669 : memref<1x!tpu.dma_semaphore, #tpu.memory_space<semaphore_mem>> -> memref<!tpu.dma_semaphore, #tpu.memory_space<semaphore_mem>>
      tpu.wait_indirect_dma semaphore(%dma_wait3A_670 : memref<!tpu.dma_semaphore, #tpu.memory_space<semaphore_mem>>) src(%dma_wait3A_668 : memref<10112x32xf32, #tpu.memory_space<vmem_shared>>) dst(%dma_wait3A_664 : memref<128x32xf32, #tpu.memory_space<vmem>>)
      %mul3A_671 = arith.constant 128 : i32
      %mul3A_672 = arith.muli %add3A_656, %mul3A_671 : i32
      %dma_start3A_673 = arith.constant 2 : i32
      %dma_start3A_674 = arith.constant 2 : i32
      %dma_start3A_675 = arith.constant 0 : i32
      %dma_start3A_676 = arith.constant 0 : i32
      %dma_start3A_677 = tpu.memref_slice %arg9[%dma_start3A_673, %dma_start3A_675, %dma_start3A_676] : memref<8x128x32xf32, #tpu.memory_space<vmem>> -> memref<1x128x32xf32, #tpu.memory_space<vmem>>
      %dma_start3A_678 = tpu.memref_squeeze %dma_start3A_677 : memref<1x128x32xf32, #tpu.memory_space<vmem>> -> memref<128x32xf32, #tpu.memory_space<vmem>>
      %dma_start3A_679 = tpu.memref_slice %arg8[%mul3A_672] : memref<20480xi32, #tpu.memory_space<vmem>> -> memref<128xi32, #tpu.memory_space<vmem>>
      %dma_start3A_680 = arith.constant 0 : i32
      %dma_start3A_681 = arith.constant 0 : i32
      %dma_start3A_682 = tpu.memref_slice %arg5[%dma_start3A_680, %dma_start3A_681] : memref<10112x32xf32, #tpu.memory_space<vmem_shared>> -> memref<10112x32xf32, #tpu.memory_space<vmem_shared>>
      %dma_start3A_683 = tpu.memref_slice %arg11[%dma_start3A_674] : memref<8x!tpu.dma_semaphore, #tpu.memory_space<semaphore_mem>> -> memref<1x!tpu.dma_semaphore, #tpu.memory_space<semaphore_mem>>
      %dma_start3A_684 = tpu.memref_squeeze %dma_start3A_683 : memref<1x!tpu.dma_semaphore, #tpu.memory_space<semaphore_mem>> -> memref<!tpu.dma_semaphore, #tpu.memory_space<semaphore_mem>>
      tpu.enqueue_indirect_dma source(%dma_start3A_678 : memref<128x32xf32, #tpu.memory_space<vmem>>) target(%dma_start3A_682 : memref<10112x32xf32, #tpu.memory_space<vmem_shared>>) offsets(%dma_start3A_679 : memref<128xi32, #tpu.memory_space<vmem>>) semaphore(%dma_start3A_684 : memref<!tpu.dma_semaphore, #tpu.memory_space<semaphore_mem>>) {add = true}
      %lt3A_685 = arith.constant 19 : i32
      %lt3A_686 = arith.cmpi slt, %scan3A_582, %lt3A_685 : i32
      %convert_element_type3A_687 = arith.extui %lt3A_686 : i1 to i32
      %cond3A_688 = arith.constant 0 : i32
      %cond3A_689 = arith.cmpi ne, %convert_element_type3A_687, %cond3A_688 : i32
      scf.if %cond3A_689 {
        %mul3A_875 = arith.constant 128 : i32
        %mul3A_876 = arith.muli %add3A_656, %mul3A_875 : i32
        %dma_wait3A_877 = arith.constant 2 : i32
        %dma_wait3A_878 = arith.constant 2 : i32
        %dma_wait3A_879 = arith.constant 0 : i32
        %dma_wait3A_880 = arith.constant 0 : i32
        %dma_wait3A_881 = tpu.memref_slice %arg9[%dma_wait3A_877, %dma_wait3A_879, %dma_wait3A_880] : memref<8x128x32xf32, #tpu.memory_space<vmem>> -> memref<1x128x32xf32, #tpu.memory_space<vmem>>
        %dma_wait3A_882 = tpu.memref_squeeze %dma_wait3A_881 : memref<1x128x32xf32, #tpu.memory_space<vmem>> -> memref<128x32xf32, #tpu.memory_space<vmem>>
        %dma_wait3A_883 = tpu.memref_slice %arg8[%mul3A_876] : memref<20480xi32, #tpu.memory_space<vmem>> -> memref<128xi32, #tpu.memory_space<vmem>>
        %dma_wait3A_884 = arith.constant 0 : i32
        %dma_wait3A_885 = arith.constant 0 : i32
        %dma_wait3A_886 = tpu.memref_slice %arg5[%dma_wait3A_884, %dma_wait3A_885] : memref<10112x32xf32, #tpu.memory_space<vmem_shared>> -> memref<10112x32xf32, #tpu.memory_space<vmem_shared>>
        %dma_wait3A_887 = tpu.memref_slice %arg11[%dma_wait3A_878] : memref<8x!tpu.dma_semaphore, #tpu.memory_space<semaphore_mem>> -> memref<1x!tpu.dma_semaphore, #tpu.memory_space<semaphore_mem>>
        %dma_wait3A_888 = tpu.memref_squeeze %dma_wait3A_887 : memref<1x!tpu.dma_semaphore, #tpu.memory_space<semaphore_mem>> -> memref<!tpu.dma_semaphore, #tpu.memory_space<semaphore_mem>>
        tpu.wait_indirect_dma semaphore(%dma_wait3A_888 : memref<!tpu.dma_semaphore, #tpu.memory_space<semaphore_mem>>) src(%dma_wait3A_882 : memref<128x32xf32, #tpu.memory_space<vmem>>) dst(%dma_wait3A_886 : memref<10112x32xf32, #tpu.memory_space<vmem_shared>>)
        %add3A_889 = arith.constant 8 : i32
        %add3A_890 = arith.addi %add3A_656, %add3A_889 : i32
        %mul3A_891 = arith.constant 128 : i32
        %mul3A_892 = arith.muli %add3A_890, %mul3A_891 : i32
        %dma_start3A_893 = arith.constant 2 : i32
        %dma_start3A_894 = arith.constant 2 : i32
        %dma_start3A_895 = arith.constant 0 : i32
        %dma_start3A_896 = arith.constant 0 : i32
        %dma_start3A_897 = tpu.memref_slice %arg9[%dma_start3A_893, %dma_start3A_895, %dma_start3A_896] : memref<8x128x32xf32, #tpu.memory_space<vmem>> -> memref<1x128x32xf32, #tpu.memory_space<vmem>>
        %dma_start3A_898 = tpu.memref_squeeze %dma_start3A_897 : memref<1x128x32xf32, #tpu.memory_space<vmem>> -> memref<128x32xf32, #tpu.memory_space<vmem>>
        %dma_start3A_899 = tpu.memref_slice %arg7[%mul3A_892] : memref<20480xi32, #tpu.memory_space<vmem>> -> memref<128xi32, #tpu.memory_space<vmem>>
        %dma_start3A_900 = arith.constant 0 : i32
        %dma_start3A_901 = arith.constant 0 : i32
        %dma_start3A_902 = tpu.memref_slice %arg6[%dma_start3A_900, %dma_start3A_901] : memref<10112x32xf32, #tpu.memory_space<vmem_shared>> -> memref<10112x32xf32, #tpu.memory_space<vmem_shared>>
        %dma_start3A_903 = tpu.memref_slice %arg10[%dma_start3A_894] : memref<8x!tpu.dma_semaphore, #tpu.memory_space<semaphore_mem>> -> memref<1x!tpu.dma_semaphore, #tpu.memory_space<semaphore_mem>>
        %dma_start3A_904 = tpu.memref_squeeze %dma_start3A_903 : memref<1x!tpu.dma_semaphore, #tpu.memory_space<semaphore_mem>> -> memref<!tpu.dma_semaphore, #tpu.memory_space<semaphore_mem>>
        tpu.enqueue_indirect_dma source(%dma_start3A_902 : memref<10112x32xf32, #tpu.memory_space<vmem_shared>>) target(%dma_start3A_898 : memref<128x32xf32, #tpu.memory_space<vmem>>) offsets(%dma_start3A_899 : memref<128xi32, #tpu.memory_space<vmem>>) semaphore(%dma_start3A_904 : memref<!tpu.dma_semaphore, #tpu.memory_space<semaphore_mem>>)
      } else {
      }
      %mul3A_690 = arith.constant 8 : i32
      %mul3A_691 = arith.muli %scan3A_582, %mul3A_690 : i32
      %add3A_692 = arith.constant 3 : i32
      %add3A_693 = arith.addi %mul3A_691, %add3A_692 : i32
      %mul3A_694 = arith.constant 128 : i32
      %mul3A_695 = arith.muli %add3A_693, %mul3A_694 : i32
      %dma_wait3A_696 = arith.constant 3 : i32
      %dma_wait3A_697 = arith.constant 3 : i32
      %dma_wait3A_698 = arith.constant 0 : i32
      %dma_wait3A_699 = arith.constant 0 : i32
      %dma_wait3A_700 = tpu.memref_slice %arg9[%dma_wait3A_696, %dma_wait3A_698, %dma_wait3A_699] : memref<8x128x32xf32, #tpu.memory_space<vmem>> -> memref<1x128x32xf32, #tpu.memory_space<vmem>>
      %dma_wait3A_701 = tpu.memref_squeeze %dma_wait3A_700 : memref<1x128x32xf32, #tpu.memory_space<vmem>> -> memref<128x32xf32, #tpu.memory_space<vmem>>
      %dma_wait3A_702 = tpu.memref_slice %arg7[%mul3A_695] : memref<20480xi32, #tpu.memory_space<vmem>> -> memref<128xi32, #tpu.memory_space<vmem>>
      %dma_wait3A_703 = arith.constant 0 : i32
      %dma_wait3A_704 = arith.constant 0 : i32
      %dma_wait3A_705 = tpu.memref_slice %arg6[%dma_wait3A_703, %dma_wait3A_704] : memref<10112x32xf32, #tpu.memory_space<vmem_shared>> -> memref<10112x32xf32, #tpu.memory_space<vmem_shared>>
      %dma_wait3A_706 = tpu.memref_slice %arg10[%dma_wait3A_697] : memref<8x!tpu.dma_semaphore, #tpu.memory_space<semaphore_mem>> -> memref<1x!tpu.dma_semaphore, #tpu.memory_space<semaphore_mem>>
      %dma_wait3A_707 = tpu.memref_squeeze %dma_wait3A_706 : memref<1x!tpu.dma_semaphore, #tpu.memory_space<semaphore_mem>> -> memref<!tpu.dma_semaphore, #tpu.memory_space<semaphore_mem>>
      tpu.wait_indirect_dma semaphore(%dma_wait3A_707 : memref<!tpu.dma_semaphore, #tpu.memory_space<semaphore_mem>>) src(%dma_wait3A_705 : memref<10112x32xf32, #tpu.memory_space<vmem_shared>>) dst(%dma_wait3A_701 : memref<128x32xf32, #tpu.memory_space<vmem>>)
      %mul3A_708 = arith.constant 128 : i32
      %mul3A_709 = arith.muli %add3A_693, %mul3A_708 : i32
      %dma_start3A_710 = arith.constant 3 : i32
      %dma_start3A_711 = arith.constant 3 : i32
      %dma_start3A_712 = arith.constant 0 : i32
      %dma_start3A_713 = arith.constant 0 : i32
      %dma_start3A_714 = tpu.memref_slice %arg9[%dma_start3A_710, %dma_start3A_712, %dma_start3A_713] : memref<8x128x32xf32, #tpu.memory_space<vmem>> -> memref<1x128x32xf32, #tpu.memory_space<vmem>>
      %dma_start3A_715 = tpu.memref_squeeze %dma_start3A_714 : memref<1x128x32xf32, #tpu.memory_space<vmem>> -> memref<128x32xf32, #tpu.memory_space<vmem>>
      %dma_start3A_716 = tpu.memref_slice %arg8[%mul3A_709] : memref<20480xi32, #tpu.memory_space<vmem>> -> memref<128xi32, #tpu.memory_space<vmem>>
      %dma_start3A_717 = arith.constant 0 : i32
      %dma_start3A_718 = arith.constant 0 : i32
      %dma_start3A_719 = tpu.memref_slice %arg5[%dma_start3A_717, %dma_start3A_718] : memref<10112x32xf32, #tpu.memory_space<vmem_shared>> -> memref<10112x32xf32, #tpu.memory_space<vmem_shared>>
      %dma_start3A_720 = tpu.memref_slice %arg11[%dma_start3A_711] : memref<8x!tpu.dma_semaphore, #tpu.memory_space<semaphore_mem>> -> memref<1x!tpu.dma_semaphore, #tpu.memory_space<semaphore_mem>>
      %dma_start3A_721 = tpu.memref_squeeze %dma_start3A_720 : memref<1x!tpu.dma_semaphore, #tpu.memory_space<semaphore_mem>> -> memref<!tpu.dma_semaphore, #tpu.memory_space<semaphore_mem>>
      tpu.enqueue_indirect_dma source(%dma_start3A_715 : memref<128x32xf32, #tpu.memory_space<vmem>>) target(%dma_start3A_719 : memref<10112x32xf32, #tpu.memory_space<vmem_shared>>) offsets(%dma_start3A_716 : memref<128xi32, #tpu.memory_space<vmem>>) semaphore(%dma_start3A_721 : memref<!tpu.dma_semaphore, #tpu.memory_space<semaphore_mem>>) {add = true}
      %lt3A_722 = arith.constant 19 : i32
      %lt3A_723 = arith.cmpi slt, %scan3A_582, %lt3A_722 : i32
      %convert_element_type3A_724 = arith.extui %lt3A_723 : i1 to i32
      %cond3A_725 = arith.constant 0 : i32
      %cond3A_726 = arith.cmpi ne, %convert_element_type3A_724, %cond3A_725 : i32
      scf.if %cond3A_726 {
        %mul3A_875 = arith.constant 128 : i32
        %mul3A_876 = arith.muli %add3A_693, %mul3A_875 : i32
        %dma_wait3A_877 = arith.constant 3 : i32
        %dma_wait3A_878 = arith.constant 3 : i32
        %dma_wait3A_879 = arith.constant 0 : i32
        %dma_wait3A_880 = arith.constant 0 : i32
        %dma_wait3A_881 = tpu.memref_slice %arg9[%dma_wait3A_877, %dma_wait3A_879, %dma_wait3A_880] : memref<8x128x32xf32, #tpu.memory_space<vmem>> -> memref<1x128x32xf32, #tpu.memory_space<vmem>>
        %dma_wait3A_882 = tpu.memref_squeeze %dma_wait3A_881 : memref<1x128x32xf32, #tpu.memory_space<vmem>> -> memref<128x32xf32, #tpu.memory_space<vmem>>
        %dma_wait3A_883 = tpu.memref_slice %arg8[%mul3A_876] : memref<20480xi32, #tpu.memory_space<vmem>> -> memref<128xi32, #tpu.memory_space<vmem>>
        %dma_wait3A_884 = arith.constant 0 : i32
        %dma_wait3A_885 = arith.constant 0 : i32
        %dma_wait3A_886 = tpu.memref_slice %arg5[%dma_wait3A_884, %dma_wait3A_885] : memref<10112x32xf32, #tpu.memory_space<vmem_shared>> -> memref<10112x32xf32, #tpu.memory_space<vmem_shared>>
        %dma_wait3A_887 = tpu.memref_slice %arg11[%dma_wait3A_878] : memref<8x!tpu.dma_semaphore, #tpu.memory_space<semaphore_mem>> -> memref<1x!tpu.dma_semaphore, #tpu.memory_space<semaphore_mem>>
        %dma_wait3A_888 = tpu.memref_squeeze %dma_wait3A_887 : memref<1x!tpu.dma_semaphore, #tpu.memory_space<semaphore_mem>> -> memref<!tpu.dma_semaphore, #tpu.memory_space<semaphore_mem>>
        tpu.wait_indirect_dma semaphore(%dma_wait3A_888 : memref<!tpu.dma_semaphore, #tpu.memory_space<semaphore_mem>>) src(%dma_wait3A_882 : memref<128x32xf32, #tpu.memory_space<vmem>>) dst(%dma_wait3A_886 : memref<10112x32xf32, #tpu.memory_space<vmem_shared>>)
        %add3A_889 = arith.constant 8 : i32
        %add3A_890 = arith.addi %add3A_693, %add3A_889 : i32
        %mul3A_891 = arith.constant 128 : i32
        %mul3A_892 = arith.muli %add3A_890, %mul3A_891 : i32
        %dma_start3A_893 = arith.constant 3 : i32
        %dma_start3A_894 = arith.constant 3 : i32
        %dma_start3A_895 = arith.constant 0 : i32
        %dma_start3A_896 = arith.constant 0 : i32
        %dma_start3A_897 = tpu.memref_slice %arg9[%dma_start3A_893, %dma_start3A_895, %dma_start3A_896] : memref<8x128x32xf32, #tpu.memory_space<vmem>> -> memref<1x128x32xf32, #tpu.memory_space<vmem>>
        %dma_start3A_898 = tpu.memref_squeeze %dma_start3A_897 : memref<1x128x32xf32, #tpu.memory_space<vmem>> -> memref<128x32xf32, #tpu.memory_space<vmem>>
        %dma_start3A_899 = tpu.memref_slice %arg7[%mul3A_892] : memref<20480xi32, #tpu.memory_space<vmem>> -> memref<128xi32, #tpu.memory_space<vmem>>
        %dma_start3A_900 = arith.constant 0 : i32
        %dma_start3A_901 = arith.constant 0 : i32
        %dma_start3A_902 = tpu.memref_slice %arg6[%dma_start3A_900, %dma_start3A_901] : memref<10112x32xf32, #tpu.memory_space<vmem_shared>> -> memref<10112x32xf32, #tpu.memory_space<vmem_shared>>
        %dma_start3A_903 = tpu.memref_slice %arg10[%dma_start3A_894] : memref<8x!tpu.dma_semaphore, #tpu.memory_space<semaphore_mem>> -> memref<1x!tpu.dma_semaphore, #tpu.memory_space<semaphore_mem>>
        %dma_start3A_904 = tpu.memref_squeeze %dma_start3A_903 : memref<1x!tpu.dma_semaphore, #tpu.memory_space<semaphore_mem>> -> memref<!tpu.dma_semaphore, #tpu.memory_space<semaphore_mem>>
        tpu.enqueue_indirect_dma source(%dma_start3A_902 : memref<10112x32xf32, #tpu.memory_space<vmem_shared>>) target(%dma_start3A_898 : memref<128x32xf32, #tpu.memory_space<vmem>>) offsets(%dma_start3A_899 : memref<128xi32, #tpu.memory_space<vmem>>) semaphore(%dma_start3A_904 : memref<!tpu.dma_semaphore, #tpu.memory_space<semaphore_mem>>)
      } else {
      }
      %mul3A_727 = arith.constant 8 : i32
      %mul3A_728 = arith.muli %scan3A_582, %mul3A_727 : i32
      %add3A_729 = arith.constant 4 : i32
      %add3A_730 = arith.addi %mul3A_728, %add3A_729 : i32
      %mul3A_731 = arith.constant 128 : i32
      %mul3A_732 = arith.muli %add3A_730, %mul3A_731 : i32
      %dma_wait3A_733 = arith.constant 4 : i32
      %dma_wait3A_734 = arith.constant 4 : i32
      %dma_wait3A_735 = arith.constant 0 : i32
      %dma_wait3A_736 = arith.constant 0 : i32
      %dma_wait3A_737 = tpu.memref_slice %arg9[%dma_wait3A_733, %dma_wait3A_735, %dma_wait3A_736] : memref<8x128x32xf32, #tpu.memory_space<vmem>> -> memref<1x128x32xf32, #tpu.memory_space<vmem>>
      %dma_wait3A_738 = tpu.memref_squeeze %dma_wait3A_737 : memref<1x128x32xf32, #tpu.memory_space<vmem>> -> memref<128x32xf32, #tpu.memory_space<vmem>>
      %dma_wait3A_739 = tpu.memref_slice %arg7[%mul3A_732] : memref<20480xi32, #tpu.memory_space<vmem>> -> memref<128xi32, #tpu.memory_space<vmem>>
      %dma_wait3A_740 = arith.constant 0 : i32
      %dma_wait3A_741 = arith.constant 0 : i32
      %dma_wait3A_742 = tpu.memref_slice %arg6[%dma_wait3A_740, %dma_wait3A_741] : memref<10112x32xf32, #tpu.memory_space<vmem_shared>> -> memref<10112x32xf32, #tpu.memory_space<vmem_shared>>
      %dma_wait3A_743 = tpu.memref_slice %arg10[%dma_wait3A_734] : memref<8x!tpu.dma_semaphore, #tpu.memory_space<semaphore_mem>> -> memref<1x!tpu.dma_semaphore, #tpu.memory_space<semaphore_mem>>
      %dma_wait3A_744 = tpu.memref_squeeze %dma_wait3A_743 : memref<1x!tpu.dma_semaphore, #tpu.memory_space<semaphore_mem>> -> memref<!tpu.dma_semaphore, #tpu.memory_space<semaphore_mem>>
      tpu.wait_indirect_dma semaphore(%dma_wait3A_744 : memref<!tpu.dma_semaphore, #tpu.memory_space<semaphore_mem>>) src(%dma_wait3A_742 : memref<10112x32xf32, #tpu.memory_space<vmem_shared>>) dst(%dma_wait3A_738 : memref<128x32xf32, #tpu.memory_space<vmem>>)
      %mul3A_745 = arith.constant 128 : i32
      %mul3A_746 = arith.muli %add3A_730, %mul3A_745 : i32
      %dma_start3A_747 = arith.constant 4 : i32
      %dma_start3A_748 = arith.constant 4 : i32
      %dma_start3A_749 = arith.constant 0 : i32
      %dma_start3A_750 = arith.constant 0 : i32
      %dma_start3A_751 = tpu.memref_slice %arg9[%dma_start3A_747, %dma_start3A_749, %dma_start3A_750] : memref<8x128x32xf32, #tpu.memory_space<vmem>> -> memref<1x128x32xf32, #tpu.memory_space<vmem>>
      %dma_start3A_752 = tpu.memref_squeeze %dma_start3A_751 : memref<1x128x32xf32, #tpu.memory_space<vmem>> -> memref<128x32xf32, #tpu.memory_space<vmem>>
      %dma_start3A_753 = tpu.memref_slice %arg8[%mul3A_746] : memref<20480xi32, #tpu.memory_space<vmem>> -> memref<128xi32, #tpu.memory_space<vmem>>
      %dma_start3A_754 = arith.constant 0 : i32
      %dma_start3A_755 = arith.constant 0 : i32
      %dma_start3A_756 = tpu.memref_slice %arg5[%dma_start3A_754, %dma_start3A_755] : memref<10112x32xf32, #tpu.memory_space<vmem_shared>> -> memref<10112x32xf32, #tpu.memory_space<vmem_shared>>
      %dma_start3A_757 = tpu.memref_slice %arg11[%dma_start3A_748] : memref<8x!tpu.dma_semaphore, #tpu.memory_space<semaphore_mem>> -> memref<1x!tpu.dma_semaphore, #tpu.memory_space<semaphore_mem>>
      %dma_start3A_758 = tpu.memref_squeeze %dma_start3A_757 : memref<1x!tpu.dma_semaphore, #tpu.memory_space<semaphore_mem>> -> memref<!tpu.dma_semaphore, #tpu.memory_space<semaphore_mem>>
      tpu.enqueue_indirect_dma source(%dma_start3A_752 : memref<128x32xf32, #tpu.memory_space<vmem>>) target(%dma_start3A_756 : memref<10112x32xf32, #tpu.memory_space<vmem_shared>>) offsets(%dma_start3A_753 : memref<128xi32, #tpu.memory_space<vmem>>) semaphore(%dma_start3A_758 : memref<!tpu.dma_semaphore, #tpu.memory_space<semaphore_mem>>) {add = true}
      %lt3A_759 = arith.constant 19 : i32
      %lt3A_760 = arith.cmpi slt, %scan3A_582, %lt3A_759 : i32
      %convert_element_type3A_761 = arith.extui %lt3A_760 : i1 to i32
      %cond3A_762 = arith.constant 0 : i32
      %cond3A_763 = arith.cmpi ne, %convert_element_type3A_761, %cond3A_762 : i32
      scf.if %cond3A_763 {
        %mul3A_875 = arith.constant 128 : i32
        %mul3A_876 = arith.muli %add3A_730, %mul3A_875 : i32
        %dma_wait3A_877 = arith.constant 4 : i32
        %dma_wait3A_878 = arith.constant 4 : i32
        %dma_wait3A_879 = arith.constant 0 : i32
        %dma_wait3A_880 = arith.constant 0 : i32
        %dma_wait3A_881 = tpu.memref_slice %arg9[%dma_wait3A_877, %dma_wait3A_879, %dma_wait3A_880] : memref<8x128x32xf32, #tpu.memory_space<vmem>> -> memref<1x128x32xf32, #tpu.memory_space<vmem>>
        %dma_wait3A_882 = tpu.memref_squeeze %dma_wait3A_881 : memref<1x128x32xf32, #tpu.memory_space<vmem>> -> memref<128x32xf32, #tpu.memory_space<vmem>>
        %dma_wait3A_883 = tpu.memref_slice %arg8[%mul3A_876] : memref<20480xi32, #tpu.memory_space<vmem>> -> memref<128xi32, #tpu.memory_space<vmem>>
        %dma_wait3A_884 = arith.constant 0 : i32
        %dma_wait3A_885 = arith.constant 0 : i32
        %dma_wait3A_886 = tpu.memref_slice %arg5[%dma_wait3A_884, %dma_wait3A_885] : memref<10112x32xf32, #tpu.memory_space<vmem_shared>> -> memref<10112x32xf32, #tpu.memory_space<vmem_shared>>
        %dma_wait3A_887 = tpu.memref_slice %arg11[%dma_wait3A_878] : memref<8x!tpu.dma_semaphore, #tpu.memory_space<semaphore_mem>> -> memref<1x!tpu.dma_semaphore, #tpu.memory_space<semaphore_mem>>
        %dma_wait3A_888 = tpu.memref_squeeze %dma_wait3A_887 : memref<1x!tpu.dma_semaphore, #tpu.memory_space<semaphore_mem>> -> memref<!tpu.dma_semaphore, #tpu.memory_space<semaphore_mem>>
        tpu.wait_indirect_dma semaphore(%dma_wait3A_888 : memref<!tpu.dma_semaphore, #tpu.memory_space<semaphore_mem>>) src(%dma_wait3A_882 : memref<128x32xf32, #tpu.memory_space<vmem>>) dst(%dma_wait3A_886 : memref<10112x32xf32, #tpu.memory_space<vmem_shared>>)
        %add3A_889 = arith.constant 8 : i32
        %add3A_890 = arith.addi %add3A_730, %add3A_889 : i32
        %mul3A_891 = arith.constant 128 : i32
        %mul3A_892 = arith.muli %add3A_890, %mul3A_891 : i32
        %dma_start3A_893 = arith.constant 4 : i32
        %dma_start3A_894 = arith.constant 4 : i32
        %dma_start3A_895 = arith.constant 0 : i32
        %dma_start3A_896 = arith.constant 0 : i32
        %dma_start3A_897 = tpu.memref_slice %arg9[%dma_start3A_893, %dma_start3A_895, %dma_start3A_896] : memref<8x128x32xf32, #tpu.memory_space<vmem>> -> memref<1x128x32xf32, #tpu.memory_space<vmem>>
        %dma_start3A_898 = tpu.memref_squeeze %dma_start3A_897 : memref<1x128x32xf32, #tpu.memory_space<vmem>> -> memref<128x32xf32, #tpu.memory_space<vmem>>
        %dma_start3A_899 = tpu.memref_slice %arg7[%mul3A_892] : memref<20480xi32, #tpu.memory_space<vmem>> -> memref<128xi32, #tpu.memory_space<vmem>>
        %dma_start3A_900 = arith.constant 0 : i32
        %dma_start3A_901 = arith.constant 0 : i32
        %dma_start3A_902 = tpu.memref_slice %arg6[%dma_start3A_900, %dma_start3A_901] : memref<10112x32xf32, #tpu.memory_space<vmem_shared>> -> memref<10112x32xf32, #tpu.memory_space<vmem_shared>>
        %dma_start3A_903 = tpu.memref_slice %arg10[%dma_start3A_894] : memref<8x!tpu.dma_semaphore, #tpu.memory_space<semaphore_mem>> -> memref<1x!tpu.dma_semaphore, #tpu.memory_space<semaphore_mem>>
        %dma_start3A_904 = tpu.memref_squeeze %dma_start3A_903 : memref<1x!tpu.dma_semaphore, #tpu.memory_space<semaphore_mem>> -> memref<!tpu.dma_semaphore, #tpu.memory_space<semaphore_mem>>
        tpu.enqueue_indirect_dma source(%dma_start3A_902 : memref<10112x32xf32, #tpu.memory_space<vmem_shared>>) target(%dma_start3A_898 : memref<128x32xf32, #tpu.memory_space<vmem>>) offsets(%dma_start3A_899 : memref<128xi32, #tpu.memory_space<vmem>>) semaphore(%dma_start3A_904 : memref<!tpu.dma_semaphore, #tpu.memory_space<semaphore_mem>>)
      } else {
      }
      %mul3A_764 = arith.constant 8 : i32
      %mul3A_765 = arith.muli %scan3A_582, %mul3A_764 : i32
      %add3A_766 = arith.constant 5 : i32
      %add3A_767 = arith.addi %mul3A_765, %add3A_766 : i32
      %mul3A_768 = arith.constant 128 : i32
      %mul3A_769 = arith.muli %add3A_767, %mul3A_768 : i32
      %dma_wait3A_770 = arith.constant 5 : i32
      %dma_wait3A_771 = arith.constant 5 : i32
      %dma_wait3A_772 = arith.constant 0 : i32
      %dma_wait3A_773 = arith.constant 0 : i32
      %dma_wait3A_774 = tpu.memref_slice %arg9[%dma_wait3A_770, %dma_wait3A_772, %dma_wait3A_773] : memref<8x128x32xf32, #tpu.memory_space<vmem>> -> memref<1x128x32xf32, #tpu.memory_space<vmem>>
      %dma_wait3A_775 = tpu.memref_squeeze %dma_wait3A_774 : memref<1x128x32xf32, #tpu.memory_space<vmem>> -> memref<128x32xf32, #tpu.memory_space<vmem>>
      %dma_wait3A_776 = tpu.memref_slice %arg7[%mul3A_769] : memref<20480xi32, #tpu.memory_space<vmem>> -> memref<128xi32, #tpu.memory_space<vmem>>
      %dma_wait3A_777 = arith.constant 0 : i32
      %dma_wait3A_778 = arith.constant 0 : i32
      %dma_wait3A_779 = tpu.memref_slice %arg6[%dma_wait3A_777, %dma_wait3A_778] : memref<10112x32xf32, #tpu.memory_space<vmem_shared>> -> memref<10112x32xf32, #tpu.memory_space<vmem_shared>>
      %dma_wait3A_780 = tpu.memref_slice %arg10[%dma_wait3A_771] : memref<8x!tpu.dma_semaphore, #tpu.memory_space<semaphore_mem>> -> memref<1x!tpu.dma_semaphore, #tpu.memory_space<semaphore_mem>>
      %dma_wait3A_781 = tpu.memref_squeeze %dma_wait3A_780 : memref<1x!tpu.dma_semaphore, #tpu.memory_space<semaphore_mem>> -> memref<!tpu.dma_semaphore, #tpu.memory_space<semaphore_mem>>
      tpu.wait_indirect_dma semaphore(%dma_wait3A_781 : memref<!tpu.dma_semaphore, #tpu.memory_space<semaphore_mem>>) src(%dma_wait3A_779 : memref<10112x32xf32, #tpu.memory_space<vmem_shared>>) dst(%dma_wait3A_775 : memref<128x32xf32, #tpu.memory_space<vmem>>)
      %mul3A_782 = arith.constant 128 : i32
      %mul3A_783 = arith.muli %add3A_767, %mul3A_782 : i32
      %dma_start3A_784 = arith.constant 5 : i32
      %dma_start3A_785 = arith.constant 5 : i32
      %dma_start3A_786 = arith.constant 0 : i32
      %dma_start3A_787 = arith.constant 0 : i32
      %dma_start3A_788 = tpu.memref_slice %arg9[%dma_start3A_784, %dma_start3A_786, %dma_start3A_787] : memref<8x128x32xf32, #tpu.memory_space<vmem>> -> memref<1x128x32xf32, #tpu.memory_space<vmem>>
      %dma_start3A_789 = tpu.memref_squeeze %dma_start3A_788 : memref<1x128x32xf32, #tpu.memory_space<vmem>> -> memref<128x32xf32, #tpu.memory_space<vmem>>
      %dma_start3A_790 = tpu.memref_slice %arg8[%mul3A_783] : memref<20480xi32, #tpu.memory_space<vmem>> -> memref<128xi32, #tpu.memory_space<vmem>>
      %dma_start3A_791 = arith.constant 0 : i32
      %dma_start3A_792 = arith.constant 0 : i32
      %dma_start3A_793 = tpu.memref_slice %arg5[%dma_start3A_791, %dma_start3A_792] : memref<10112x32xf32, #tpu.memory_space<vmem_shared>> -> memref<10112x32xf32, #tpu.memory_space<vmem_shared>>
      %dma_start3A_794 = tpu.memref_slice %arg11[%dma_start3A_785] : memref<8x!tpu.dma_semaphore, #tpu.memory_space<semaphore_mem>> -> memref<1x!tpu.dma_semaphore, #tpu.memory_space<semaphore_mem>>
      %dma_start3A_795 = tpu.memref_squeeze %dma_start3A_794 : memref<1x!tpu.dma_semaphore, #tpu.memory_space<semaphore_mem>> -> memref<!tpu.dma_semaphore, #tpu.memory_space<semaphore_mem>>
      tpu.enqueue_indirect_dma source(%dma_start3A_789 : memref<128x32xf32, #tpu.memory_space<vmem>>) target(%dma_start3A_793 : memref<10112x32xf32, #tpu.memory_space<vmem_shared>>) offsets(%dma_start3A_790 : memref<128xi32, #tpu.memory_space<vmem>>) semaphore(%dma_start3A_795 : memref<!tpu.dma_semaphore, #tpu.memory_space<semaphore_mem>>) {add = true}
      %lt3A_796 = arith.constant 19 : i32
      %lt3A_797 = arith.cmpi slt, %scan3A_582, %lt3A_796 : i32
      %convert_element_type3A_798 = arith.extui %lt3A_797 : i1 to i32
      %cond3A_799 = arith.constant 0 : i32
      %cond3A_800 = arith.cmpi ne, %convert_element_type3A_798, %cond3A_799 : i32
      scf.if %cond3A_800 {
        %mul3A_875 = arith.constant 128 : i32
        %mul3A_876 = arith.muli %add3A_767, %mul3A_875 : i32
        %dma_wait3A_877 = arith.constant 5 : i32
        %dma_wait3A_878 = arith.constant 5 : i32
        %dma_wait3A_879 = arith.constant 0 : i32
        %dma_wait3A_880 = arith.constant 0 : i32
        %dma_wait3A_881 = tpu.memref_slice %arg9[%dma_wait3A_877, %dma_wait3A_879, %dma_wait3A_880] : memref<8x128x32xf32, #tpu.memory_space<vmem>> -> memref<1x128x32xf32, #tpu.memory_space<vmem>>
        %dma_wait3A_882 = tpu.memref_squeeze %dma_wait3A_881 : memref<1x128x32xf32, #tpu.memory_space<vmem>> -> memref<128x32xf32, #tpu.memory_space<vmem>>
        %dma_wait3A_883 = tpu.memref_slice %arg8[%mul3A_876] : memref<20480xi32, #tpu.memory_space<vmem>> -> memref<128xi32, #tpu.memory_space<vmem>>
        %dma_wait3A_884 = arith.constant 0 : i32
        %dma_wait3A_885 = arith.constant 0 : i32
        %dma_wait3A_886 = tpu.memref_slice %arg5[%dma_wait3A_884, %dma_wait3A_885] : memref<10112x32xf32, #tpu.memory_space<vmem_shared>> -> memref<10112x32xf32, #tpu.memory_space<vmem_shared>>
        %dma_wait3A_887 = tpu.memref_slice %arg11[%dma_wait3A_878] : memref<8x!tpu.dma_semaphore, #tpu.memory_space<semaphore_mem>> -> memref<1x!tpu.dma_semaphore, #tpu.memory_space<semaphore_mem>>
        %dma_wait3A_888 = tpu.memref_squeeze %dma_wait3A_887 : memref<1x!tpu.dma_semaphore, #tpu.memory_space<semaphore_mem>> -> memref<!tpu.dma_semaphore, #tpu.memory_space<semaphore_mem>>
        tpu.wait_indirect_dma semaphore(%dma_wait3A_888 : memref<!tpu.dma_semaphore, #tpu.memory_space<semaphore_mem>>) src(%dma_wait3A_882 : memref<128x32xf32, #tpu.memory_space<vmem>>) dst(%dma_wait3A_886 : memref<10112x32xf32, #tpu.memory_space<vmem_shared>>)
        %add3A_889 = arith.constant 8 : i32
        %add3A_890 = arith.addi %add3A_767, %add3A_889 : i32
        %mul3A_891 = arith.constant 128 : i32
        %mul3A_892 = arith.muli %add3A_890, %mul3A_891 : i32
        %dma_start3A_893 = arith.constant 5 : i32
        %dma_start3A_894 = arith.constant 5 : i32
        %dma_start3A_895 = arith.constant 0 : i32
        %dma_start3A_896 = arith.constant 0 : i32
        %dma_start3A_897 = tpu.memref_slice %arg9[%dma_start3A_893, %dma_start3A_895, %dma_start3A_896] : memref<8x128x32xf32, #tpu.memory_space<vmem>> -> memref<1x128x32xf32, #tpu.memory_space<vmem>>
        %dma_start3A_898 = tpu.memref_squeeze %dma_start3A_897 : memref<1x128x32xf32, #tpu.memory_space<vmem>> -> memref<128x32xf32, #tpu.memory_space<vmem>>
        %dma_start3A_899 = tpu.memref_slice %arg7[%mul3A_892] : memref<20480xi32, #tpu.memory_space<vmem>> -> memref<128xi32, #tpu.memory_space<vmem>>
        %dma_start3A_900 = arith.constant 0 : i32
        %dma_start3A_901 = arith.constant 0 : i32
        %dma_start3A_902 = tpu.memref_slice %arg6[%dma_start3A_900, %dma_start3A_901] : memref<10112x32xf32, #tpu.memory_space<vmem_shared>> -> memref<10112x32xf32, #tpu.memory_space<vmem_shared>>
        %dma_start3A_903 = tpu.memref_slice %arg10[%dma_start3A_894] : memref<8x!tpu.dma_semaphore, #tpu.memory_space<semaphore_mem>> -> memref<1x!tpu.dma_semaphore, #tpu.memory_space<semaphore_mem>>
        %dma_start3A_904 = tpu.memref_squeeze %dma_start3A_903 : memref<1x!tpu.dma_semaphore, #tpu.memory_space<semaphore_mem>> -> memref<!tpu.dma_semaphore, #tpu.memory_space<semaphore_mem>>
        tpu.enqueue_indirect_dma source(%dma_start3A_902 : memref<10112x32xf32, #tpu.memory_space<vmem_shared>>) target(%dma_start3A_898 : memref<128x32xf32, #tpu.memory_space<vmem>>) offsets(%dma_start3A_899 : memref<128xi32, #tpu.memory_space<vmem>>) semaphore(%dma_start3A_904 : memref<!tpu.dma_semaphore, #tpu.memory_space<semaphore_mem>>)
      } else {
      }
      %mul3A_801 = arith.constant 8 : i32
      %mul3A_802 = arith.muli %scan3A_582, %mul3A_801 : i32
      %add3A_803 = arith.constant 6 : i32
      %add3A_804 = arith.addi %mul3A_802, %add3A_803 : i32
      %mul3A_805 = arith.constant 128 : i32
      %mul3A_806 = arith.muli %add3A_804, %mul3A_805 : i32
      %dma_wait3A_807 = arith.constant 6 : i32
      %dma_wait3A_808 = arith.constant 6 : i32
      %dma_wait3A_809 = arith.constant 0 : i32
      %dma_wait3A_810 = arith.constant 0 : i32
      %dma_wait3A_811 = tpu.memref_slice %arg9[%dma_wait3A_807, %dma_wait3A_809, %dma_wait3A_810] : memref<8x128x32xf32, #tpu.memory_space<vmem>> -> memref<1x128x32xf32, #tpu.memory_space<vmem>>
      %dma_wait3A_812 = tpu.memref_squeeze %dma_wait3A_811 : memref<1x128x32xf32, #tpu.memory_space<vmem>> -> memref<128x32xf32, #tpu.memory_space<vmem>>
      %dma_wait3A_813 = tpu.memref_slice %arg7[%mul3A_806] : memref<20480xi32, #tpu.memory_space<vmem>> -> memref<128xi32, #tpu.memory_space<vmem>>
      %dma_wait3A_814 = arith.constant 0 : i32
      %dma_wait3A_815 = arith.constant 0 : i32
      %dma_wait3A_816 = tpu.memref_slice %arg6[%dma_wait3A_814, %dma_wait3A_815] : memref<10112x32xf32, #tpu.memory_space<vmem_shared>> -> memref<10112x32xf32, #tpu.memory_space<vmem_shared>>
      %dma_wait3A_817 = tpu.memref_slice %arg10[%dma_wait3A_808] : memref<8x!tpu.dma_semaphore, #tpu.memory_space<semaphore_mem>> -> memref<1x!tpu.dma_semaphore, #tpu.memory_space<semaphore_mem>>
      %dma_wait3A_818 = tpu.memref_squeeze %dma_wait3A_817 : memref<1x!tpu.dma_semaphore, #tpu.memory_space<semaphore_mem>> -> memref<!tpu.dma_semaphore, #tpu.memory_space<semaphore_mem>>
      tpu.wait_indirect_dma semaphore(%dma_wait3A_818 : memref<!tpu.dma_semaphore, #tpu.memory_space<semaphore_mem>>) src(%dma_wait3A_816 : memref<10112x32xf32, #tpu.memory_space<vmem_shared>>) dst(%dma_wait3A_812 : memref<128x32xf32, #tpu.memory_space<vmem>>)
      %mul3A_819 = arith.constant 128 : i32
      %mul3A_820 = arith.muli %add3A_804, %mul3A_819 : i32
      %dma_start3A_821 = arith.constant 6 : i32
      %dma_start3A_822 = arith.constant 6 : i32
      %dma_start3A_823 = arith.constant 0 : i32
      %dma_start3A_824 = arith.constant 0 : i32
      %dma_start3A_825 = tpu.memref_slice %arg9[%dma_start3A_821, %dma_start3A_823, %dma_start3A_824] : memref<8x128x32xf32, #tpu.memory_space<vmem>> -> memref<1x128x32xf32, #tpu.memory_space<vmem>>
      %dma_start3A_826 = tpu.memref_squeeze %dma_start3A_825 : memref<1x128x32xf32, #tpu.memory_space<vmem>> -> memref<128x32xf32, #tpu.memory_space<vmem>>
      %dma_start3A_827 = tpu.memref_slice %arg8[%mul3A_820] : memref<20480xi32, #tpu.memory_space<vmem>> -> memref<128xi32, #tpu.memory_space<vmem>>
      %dma_start3A_828 = arith.constant 0 : i32
      %dma_start3A_829 = arith.constant 0 : i32
      %dma_start3A_830 = tpu.memref_slice %arg5[%dma_start3A_828, %dma_start3A_829] : memref<10112x32xf32, #tpu.memory_space<vmem_shared>> -> memref<10112x32xf32, #tpu.memory_space<vmem_shared>>
      %dma_start3A_831 = tpu.memref_slice %arg11[%dma_start3A_822] : memref<8x!tpu.dma_semaphore, #tpu.memory_space<semaphore_mem>> -> memref<1x!tpu.dma_semaphore, #tpu.memory_space<semaphore_mem>>
      %dma_start3A_832 = tpu.memref_squeeze %dma_start3A_831 : memref<1x!tpu.dma_semaphore, #tpu.memory_space<semaphore_mem>> -> memref<!tpu.dma_semaphore, #tpu.memory_space<semaphore_mem>>
      tpu.enqueue_indirect_dma source(%dma_start3A_826 : memref<128x32xf32, #tpu.memory_space<vmem>>) target(%dma_start3A_830 : memref<10112x32xf32, #tpu.memory_space<vmem_shared>>) offsets(%dma_start3A_827 : memref<128xi32, #tpu.memory_space<vmem>>) semaphore(%dma_start3A_832 : memref<!tpu.dma_semaphore, #tpu.memory_space<semaphore_mem>>) {add = true}
      %lt3A_833 = arith.constant 19 : i32
      %lt3A_834 = arith.cmpi slt, %scan3A_582, %lt3A_833 : i32
      %convert_element_type3A_835 = arith.extui %lt3A_834 : i1 to i32
      %cond3A_836 = arith.constant 0 : i32
      %cond3A_837 = arith.cmpi ne, %convert_element_type3A_835, %cond3A_836 : i32
      scf.if %cond3A_837 {
        %mul3A_875 = arith.constant 128 : i32
        %mul3A_876 = arith.muli %add3A_804, %mul3A_875 : i32
        %dma_wait3A_877 = arith.constant 6 : i32
        %dma_wait3A_878 = arith.constant 6 : i32
        %dma_wait3A_879 = arith.constant 0 : i32
        %dma_wait3A_880 = arith.constant 0 : i32
        %dma_wait3A_881 = tpu.memref_slice %arg9[%dma_wait3A_877, %dma_wait3A_879, %dma_wait3A_880] : memref<8x128x32xf32, #tpu.memory_space<vmem>> -> memref<1x128x32xf32, #tpu.memory_space<vmem>>
        %dma_wait3A_882 = tpu.memref_squeeze %dma_wait3A_881 : memref<1x128x32xf32, #tpu.memory_space<vmem>> -> memref<128x32xf32, #tpu.memory_space<vmem>>
        %dma_wait3A_883 = tpu.memref_slice %arg8[%mul3A_876] : memref<20480xi32, #tpu.memory_space<vmem>> -> memref<128xi32, #tpu.memory_space<vmem>>
        %dma_wait3A_884 = arith.constant 0 : i32
        %dma_wait3A_885 = arith.constant 0 : i32
        %dma_wait3A_886 = tpu.memref_slice %arg5[%dma_wait3A_884, %dma_wait3A_885] : memref<10112x32xf32, #tpu.memory_space<vmem_shared>> -> memref<10112x32xf32, #tpu.memory_space<vmem_shared>>
        %dma_wait3A_887 = tpu.memref_slice %arg11[%dma_wait3A_878] : memref<8x!tpu.dma_semaphore, #tpu.memory_space<semaphore_mem>> -> memref<1x!tpu.dma_semaphore, #tpu.memory_space<semaphore_mem>>
        %dma_wait3A_888 = tpu.memref_squeeze %dma_wait3A_887 : memref<1x!tpu.dma_semaphore, #tpu.memory_space<semaphore_mem>> -> memref<!tpu.dma_semaphore, #tpu.memory_space<semaphore_mem>>
        tpu.wait_indirect_dma semaphore(%dma_wait3A_888 : memref<!tpu.dma_semaphore, #tpu.memory_space<semaphore_mem>>) src(%dma_wait3A_882 : memref<128x32xf32, #tpu.memory_space<vmem>>) dst(%dma_wait3A_886 : memref<10112x32xf32, #tpu.memory_space<vmem_shared>>)
        %add3A_889 = arith.constant 8 : i32
        %add3A_890 = arith.addi %add3A_804, %add3A_889 : i32
        %mul3A_891 = arith.constant 128 : i32
        %mul3A_892 = arith.muli %add3A_890, %mul3A_891 : i32
        %dma_start3A_893 = arith.constant 6 : i32
        %dma_start3A_894 = arith.constant 6 : i32
        %dma_start3A_895 = arith.constant 0 : i32
        %dma_start3A_896 = arith.constant 0 : i32
        %dma_start3A_897 = tpu.memref_slice %arg9[%dma_start3A_893, %dma_start3A_895, %dma_start3A_896] : memref<8x128x32xf32, #tpu.memory_space<vmem>> -> memref<1x128x32xf32, #tpu.memory_space<vmem>>
        %dma_start3A_898 = tpu.memref_squeeze %dma_start3A_897 : memref<1x128x32xf32, #tpu.memory_space<vmem>> -> memref<128x32xf32, #tpu.memory_space<vmem>>
        %dma_start3A_899 = tpu.memref_slice %arg7[%mul3A_892] : memref<20480xi32, #tpu.memory_space<vmem>> -> memref<128xi32, #tpu.memory_space<vmem>>
        %dma_start3A_900 = arith.constant 0 : i32
        %dma_start3A_901 = arith.constant 0 : i32
        %dma_start3A_902 = tpu.memref_slice %arg6[%dma_start3A_900, %dma_start3A_901] : memref<10112x32xf32, #tpu.memory_space<vmem_shared>> -> memref<10112x32xf32, #tpu.memory_space<vmem_shared>>
        %dma_start3A_903 = tpu.memref_slice %arg10[%dma_start3A_894] : memref<8x!tpu.dma_semaphore, #tpu.memory_space<semaphore_mem>> -> memref<1x!tpu.dma_semaphore, #tpu.memory_space<semaphore_mem>>
        %dma_start3A_904 = tpu.memref_squeeze %dma_start3A_903 : memref<1x!tpu.dma_semaphore, #tpu.memory_space<semaphore_mem>> -> memref<!tpu.dma_semaphore, #tpu.memory_space<semaphore_mem>>
        tpu.enqueue_indirect_dma source(%dma_start3A_902 : memref<10112x32xf32, #tpu.memory_space<vmem_shared>>) target(%dma_start3A_898 : memref<128x32xf32, #tpu.memory_space<vmem>>) offsets(%dma_start3A_899 : memref<128xi32, #tpu.memory_space<vmem>>) semaphore(%dma_start3A_904 : memref<!tpu.dma_semaphore, #tpu.memory_space<semaphore_mem>>)
      } else {
      }
      %mul3A_838 = arith.constant 8 : i32
      %mul3A_839 = arith.muli %scan3A_582, %mul3A_838 : i32
      %add3A_840 = arith.constant 7 : i32
      %add3A_841 = arith.addi %mul3A_839, %add3A_840 : i32
      %mul3A_842 = arith.constant 128 : i32
      %mul3A_843 = arith.muli %add3A_841, %mul3A_842 : i32
      %dma_wait3A_844 = arith.constant 7 : i32
      %dma_wait3A_845 = arith.constant 7 : i32
      %dma_wait3A_846 = arith.constant 0 : i32
      %dma_wait3A_847 = arith.constant 0 : i32
      %dma_wait3A_848 = tpu.memref_slice %arg9[%dma_wait3A_844, %dma_wait3A_846, %dma_wait3A_847] : memref<8x128x32xf32, #tpu.memory_space<vmem>> -> memref<1x128x32xf32, #tpu.memory_space<vmem>>
      %dma_wait3A_849 = tpu.memref_squeeze %dma_wait3A_848 : memref<1x128x32xf32, #tpu.memory_space<vmem>> -> memref<128x32xf32, #tpu.memory_space<vmem>>
      %dma_wait3A_850 = tpu.memref_slice %arg7[%mul3A_843] : memref<20480xi32, #tpu.memory_space<vmem>> -> memref<128xi32, #tpu.memory_space<vmem>>
      %dma_wait3A_851 = arith.constant 0 : i32
      %dma_wait3A_852 = arith.constant 0 : i32
      %dma_wait3A_853 = tpu.memref_slice %arg6[%dma_wait3A_851, %dma_wait3A_852] : memref<10112x32xf32, #tpu.memory_space<vmem_shared>> -> memref<10112x32xf32, #tpu.memory_space<vmem_shared>>
      %dma_wait3A_854 = tpu.memref_slice %arg10[%dma_wait3A_845] : memref<8x!tpu.dma_semaphore, #tpu.memory_space<semaphore_mem>> -> memref<1x!tpu.dma_semaphore, #tpu.memory_space<semaphore_mem>>
      %dma_wait3A_855 = tpu.memref_squeeze %dma_wait3A_854 : memref<1x!tpu.dma_semaphore, #tpu.memory_space<semaphore_mem>> -> memref<!tpu.dma_semaphore, #tpu.memory_space<semaphore_mem>>
      tpu.wait_indirect_dma semaphore(%dma_wait3A_855 : memref<!tpu.dma_semaphore, #tpu.memory_space<semaphore_mem>>) src(%dma_wait3A_853 : memref<10112x32xf32, #tpu.memory_space<vmem_shared>>) dst(%dma_wait3A_849 : memref<128x32xf32, #tpu.memory_space<vmem>>)
      %mul3A_856 = arith.constant 128 : i32
      %mul3A_857 = arith.muli %add3A_841, %mul3A_856 : i32
      %dma_start3A_858 = arith.constant 7 : i32
      %dma_start3A_859 = arith.constant 7 : i32
      %dma_start3A_860 = arith.constant 0 : i32
      %dma_start3A_861 = arith.constant 0 : i32
      %dma_start3A_862 = tpu.memref_slice %arg9[%dma_start3A_858, %dma_start3A_860, %dma_start3A_861] : memref<8x128x32xf32, #tpu.memory_space<vmem>> -> memref<1x128x32xf32, #tpu.memory_space<vmem>>
      %dma_start3A_863 = tpu.memref_squeeze %dma_start3A_862 : memref<1x128x32xf32, #tpu.memory_space<vmem>> -> memref<128x32xf32, #tpu.memory_space<vmem>>
      %dma_start3A_864 = tpu.memref_slice %arg8[%mul3A_857] : memref<20480xi32, #tpu.memory_space<vmem>> -> memref<128xi32, #tpu.memory_space<vmem>>
      %dma_start3A_865 = arith.constant 0 : i32
      %dma_start3A_866 = arith.constant 0 : i32
      %dma_start3A_867 = tpu.memref_slice %arg5[%dma_start3A_865, %dma_start3A_866] : memref<10112x32xf32, #tpu.memory_space<vmem_shared>> -> memref<10112x32xf32, #tpu.memory_space<vmem_shared>>
      %dma_start3A_868 = tpu.memref_slice %arg11[%dma_start3A_859] : memref<8x!tpu.dma_semaphore, #tpu.memory_space<semaphore_mem>> -> memref<1x!tpu.dma_semaphore, #tpu.memory_space<semaphore_mem>>
      %dma_start3A_869 = tpu.memref_squeeze %dma_start3A_868 : memref<1x!tpu.dma_semaphore, #tpu.memory_space<semaphore_mem>> -> memref<!tpu.dma_semaphore, #tpu.memory_space<semaphore_mem>>
      tpu.enqueue_indirect_dma source(%dma_start3A_863 : memref<128x32xf32, #tpu.memory_space<vmem>>) target(%dma_start3A_867 : memref<10112x32xf32, #tpu.memory_space<vmem_shared>>) offsets(%dma_start3A_864 : memref<128xi32, #tpu.memory_space<vmem>>) semaphore(%dma_start3A_869 : memref<!tpu.dma_semaphore, #tpu.memory_space<semaphore_mem>>) {add = true}
      %lt3A_870 = arith.constant 19 : i32
      %lt3A_871 = arith.cmpi slt, %scan3A_582, %lt3A_870 : i32
      %convert_element_type3A_872 = arith.extui %lt3A_871 : i1 to i32
      %cond3A_873 = arith.constant 0 : i32
      %cond3A_874 = arith.cmpi ne, %convert_element_type3A_872, %cond3A_873 : i32
      scf.if %cond3A_874 {
        %mul3A_875 = arith.constant 128 : i32
        %mul3A_876 = arith.muli %add3A_841, %mul3A_875 : i32
        %dma_wait3A_877 = arith.constant 7 : i32
        %dma_wait3A_878 = arith.constant 7 : i32
        %dma_wait3A_879 = arith.constant 0 : i32
        %dma_wait3A_880 = arith.constant 0 : i32
        %dma_wait3A_881 = tpu.memref_slice %arg9[%dma_wait3A_877, %dma_wait3A_879, %dma_wait3A_880] : memref<8x128x32xf32, #tpu.memory_space<vmem>> -> memref<1x128x32xf32, #tpu.memory_space<vmem>>
        %dma_wait3A_882 = tpu.memref_squeeze %dma_wait3A_881 : memref<1x128x32xf32, #tpu.memory_space<vmem>> -> memref<128x32xf32, #tpu.memory_space<vmem>>
        %dma_wait3A_883 = tpu.memref_slice %arg8[%mul3A_876] : memref<20480xi32, #tpu.memory_space<vmem>> -> memref<128xi32, #tpu.memory_space<vmem>>
        %dma_wait3A_884 = arith.constant 0 : i32
        %dma_wait3A_885 = arith.constant 0 : i32
        %dma_wait3A_886 = tpu.memref_slice %arg5[%dma_wait3A_884, %dma_wait3A_885] : memref<10112x32xf32, #tpu.memory_space<vmem_shared>> -> memref<10112x32xf32, #tpu.memory_space<vmem_shared>>
        %dma_wait3A_887 = tpu.memref_slice %arg11[%dma_wait3A_878] : memref<8x!tpu.dma_semaphore, #tpu.memory_space<semaphore_mem>> -> memref<1x!tpu.dma_semaphore, #tpu.memory_space<semaphore_mem>>
        %dma_wait3A_888 = tpu.memref_squeeze %dma_wait3A_887 : memref<1x!tpu.dma_semaphore, #tpu.memory_space<semaphore_mem>> -> memref<!tpu.dma_semaphore, #tpu.memory_space<semaphore_mem>>
        tpu.wait_indirect_dma semaphore(%dma_wait3A_888 : memref<!tpu.dma_semaphore, #tpu.memory_space<semaphore_mem>>) src(%dma_wait3A_882 : memref<128x32xf32, #tpu.memory_space<vmem>>) dst(%dma_wait3A_886 : memref<10112x32xf32, #tpu.memory_space<vmem_shared>>)
        %add3A_889 = arith.constant 8 : i32
        %add3A_890 = arith.addi %add3A_841, %add3A_889 : i32
        %mul3A_891 = arith.constant 128 : i32
        %mul3A_892 = arith.muli %add3A_890, %mul3A_891 : i32
        %dma_start3A_893 = arith.constant 7 : i32
        %dma_start3A_894 = arith.constant 7 : i32
        %dma_start3A_895 = arith.constant 0 : i32
        %dma_start3A_896 = arith.constant 0 : i32
        %dma_start3A_897 = tpu.memref_slice %arg9[%dma_start3A_893, %dma_start3A_895, %dma_start3A_896] : memref<8x128x32xf32, #tpu.memory_space<vmem>> -> memref<1x128x32xf32, #tpu.memory_space<vmem>>
        %dma_start3A_898 = tpu.memref_squeeze %dma_start3A_897 : memref<1x128x32xf32, #tpu.memory_space<vmem>> -> memref<128x32xf32, #tpu.memory_space<vmem>>
        %dma_start3A_899 = tpu.memref_slice %arg7[%mul3A_892] : memref<20480xi32, #tpu.memory_space<vmem>> -> memref<128xi32, #tpu.memory_space<vmem>>
        %dma_start3A_900 = arith.constant 0 : i32
        %dma_start3A_901 = arith.constant 0 : i32
        %dma_start3A_902 = tpu.memref_slice %arg6[%dma_start3A_900, %dma_start3A_901] : memref<10112x32xf32, #tpu.memory_space<vmem_shared>> -> memref<10112x32xf32, #tpu.memory_space<vmem_shared>>
        %dma_start3A_903 = tpu.memref_slice %arg10[%dma_start3A_894] : memref<8x!tpu.dma_semaphore, #tpu.memory_space<semaphore_mem>> -> memref<1x!tpu.dma_semaphore, #tpu.memory_space<semaphore_mem>>
        %dma_start3A_904 = tpu.memref_squeeze %dma_start3A_903 : memref<1x!tpu.dma_semaphore, #tpu.memory_space<semaphore_mem>> -> memref<!tpu.dma_semaphore, #tpu.memory_space<semaphore_mem>>
        tpu.enqueue_indirect_dma source(%dma_start3A_902 : memref<10112x32xf32, #tpu.memory_space<vmem_shared>>) target(%dma_start3A_898 : memref<128x32xf32, #tpu.memory_space<vmem>>) offsets(%dma_start3A_899 : memref<128xi32, #tpu.memory_space<vmem>>) semaphore(%dma_start3A_904 : memref<!tpu.dma_semaphore, #tpu.memory_space<semaphore_mem>>)
      } else {
      }
    }
    %scan3A_475 = arith.constant 20 : i32
    %dma_wait3A = arith.constant 0 : i32
    %dma_wait3A_476 = arith.constant 0 : i32
    %dma_wait3A_477 = arith.constant 0 : i32
    %dma_wait3A_478 = arith.constant 0 : i32
    %dma_wait3A_479 = tpu.memref_slice %arg9[%dma_wait3A, %dma_wait3A_477, %dma_wait3A_478] : memref<8x128x32xf32, #tpu.memory_space<vmem>> -> memref<1x128x32xf32, #tpu.memory_space<vmem>>
    %dma_wait3A_480 = tpu.memref_squeeze %dma_wait3A_479 : memref<1x128x32xf32, #tpu.memory_space<vmem>> -> memref<128x32xf32, #tpu.memory_space<vmem>>
    %dma_wait3A_481 = arith.constant 19456 : i32
    %dma_wait3A_482 = tpu.memref_slice %arg8[%dma_wait3A_481] : memref<20480xi32, #tpu.memory_space<vmem>> -> memref<128xi32, #tpu.memory_space<vmem>>
    %dma_wait3A_483 = arith.constant 0 : i32
    %dma_wait3A_484 = arith.constant 0 : i32
    %dma_wait3A_485 = tpu.memref_slice %arg5[%dma_wait3A_483, %dma_wait3A_484] : memref<10112x32xf32, #tpu.memory_space<vmem_shared>> -> memref<10112x32xf32, #tpu.memory_space<vmem_shared>>
    %dma_wait3A_486 = tpu.memref_slice %arg11[%dma_wait3A_476] : memref<8x!tpu.dma_semaphore, #tpu.memory_space<semaphore_mem>> -> memref<1x!tpu.dma_semaphore, #tpu.memory_space<semaphore_mem>>
    %dma_wait3A_487 = tpu.memref_squeeze %dma_wait3A_486 : memref<1x!tpu.dma_semaphore, #tpu.memory_space<semaphore_mem>> -> memref<!tpu.dma_semaphore, #tpu.memory_space<semaphore_mem>>
    tpu.wait_indirect_dma semaphore(%dma_wait3A_487 : memref<!tpu.dma_semaphore, #tpu.memory_space<semaphore_mem>>) src(%dma_wait3A_480 : memref<128x32xf32, #tpu.memory_space<vmem>>) dst(%dma_wait3A_485 : memref<10112x32xf32, #tpu.memory_space<vmem_shared>>)
    %dma_wait3A_488 = arith.constant 1 : i32
    %dma_wait3A_489 = arith.constant 1 : i32
    %dma_wait3A_490 = arith.constant 0 : i32
    %dma_wait3A_491 = arith.constant 0 : i32
    %dma_wait3A_492 = tpu.memref_slice %arg9[%dma_wait3A_488, %dma_wait3A_490, %dma_wait3A_491] : memref<8x128x32xf32, #tpu.memory_space<vmem>> -> memref<1x128x32xf32, #tpu.memory_space<vmem>>
    %dma_wait3A_493 = tpu.memref_squeeze %dma_wait3A_492 : memref<1x128x32xf32, #tpu.memory_space<vmem>> -> memref<128x32xf32, #tpu.memory_space<vmem>>
    %dma_wait3A_494 = arith.constant 19584 : i32
    %dma_wait3A_495 = tpu.memref_slice %arg8[%dma_wait3A_494] : memref<20480xi32, #tpu.memory_space<vmem>> -> memref<128xi32, #tpu.memory_space<vmem>>
    %dma_wait3A_496 = arith.constant 0 : i32
    %dma_wait3A_497 = arith.constant 0 : i32
    %dma_wait3A_498 = tpu.memref_slice %arg5[%dma_wait3A_496, %dma_wait3A_497] : memref<10112x32xf32, #tpu.memory_space<vmem_shared>> -> memref<10112x32xf32, #tpu.memory_space<vmem_shared>>
    %dma_wait3A_499 = tpu.memref_slice %arg11[%dma_wait3A_489] : memref<8x!tpu.dma_semaphore, #tpu.memory_space<semaphore_mem>> -> memref<1x!tpu.dma_semaphore, #tpu.memory_space<semaphore_mem>>
    %dma_wait3A_500 = tpu.memref_squeeze %dma_wait3A_499 : memref<1x!tpu.dma_semaphore, #tpu.memory_space<semaphore_mem>> -> memref<!tpu.dma_semaphore, #tpu.memory_space<semaphore_mem>>
    tpu.wait_indirect_dma semaphore(%dma_wait3A_500 : memref<!tpu.dma_semaphore, #tpu.memory_space<semaphore_mem>>) src(%dma_wait3A_493 : memref<128x32xf32, #tpu.memory_space<vmem>>) dst(%dma_wait3A_498 : memref<10112x32xf32, #tpu.memory_space<vmem_shared>>)
    %dma_wait3A_501 = arith.constant 2 : i32
    %dma_wait3A_502 = arith.constant 2 : i32
    %dma_wait3A_503 = arith.constant 0 : i32
    %dma_wait3A_504 = arith.constant 0 : i32
    %dma_wait3A_505 = tpu.memref_slice %arg9[%dma_wait3A_501, %dma_wait3A_503, %dma_wait3A_504] : memref<8x128x32xf32, #tpu.memory_space<vmem>> -> memref<1x128x32xf32, #tpu.memory_space<vmem>>
    %dma_wait3A_506 = tpu.memref_squeeze %dma_wait3A_505 : memref<1x128x32xf32, #tpu.memory_space<vmem>> -> memref<128x32xf32, #tpu.memory_space<vmem>>
    %dma_wait3A_507 = arith.constant 19712 : i32
    %dma_wait3A_508 = tpu.memref_slice %arg8[%dma_wait3A_507] : memref<20480xi32, #tpu.memory_space<vmem>> -> memref<128xi32, #tpu.memory_space<vmem>>
    %dma_wait3A_509 = arith.constant 0 : i32
    %dma_wait3A_510 = arith.constant 0 : i32
    %dma_wait3A_511 = tpu.memref_slice %arg5[%dma_wait3A_509, %dma_wait3A_510] : memref<10112x32xf32, #tpu.memory_space<vmem_shared>> -> memref<10112x32xf32, #tpu.memory_space<vmem_shared>>
    %dma_wait3A_512 = tpu.memref_slice %arg11[%dma_wait3A_502] : memref<8x!tpu.dma_semaphore, #tpu.memory_space<semaphore_mem>> -> memref<1x!tpu.dma_semaphore, #tpu.memory_space<semaphore_mem>>
    %dma_wait3A_513 = tpu.memref_squeeze %dma_wait3A_512 : memref<1x!tpu.dma_semaphore, #tpu.memory_space<semaphore_mem>> -> memref<!tpu.dma_semaphore, #tpu.memory_space<semaphore_mem>>
    tpu.wait_indirect_dma semaphore(%dma_wait3A_513 : memref<!tpu.dma_semaphore, #tpu.memory_space<semaphore_mem>>) src(%dma_wait3A_506 : memref<128x32xf32, #tpu.memory_space<vmem>>) dst(%dma_wait3A_511 : memref<10112x32xf32, #tpu.memory_space<vmem_shared>>)
    %dma_wait3A_514 = arith.constant 3 : i32
    %dma_wait3A_515 = arith.constant 3 : i32
    %dma_wait3A_516 = arith.constant 0 : i32
    %dma_wait3A_517 = arith.constant 0 : i32
    %dma_wait3A_518 = tpu.memref_slice %arg9[%dma_wait3A_514, %dma_wait3A_516, %dma_wait3A_517] : memref<8x128x32xf32, #tpu.memory_space<vmem>> -> memref<1x128x32xf32, #tpu.memory_space<vmem>>
    %dma_wait3A_519 = tpu.memref_squeeze %dma_wait3A_518 : memref<1x128x32xf32, #tpu.memory_space<vmem>> -> memref<128x32xf32, #tpu.memory_space<vmem>>
    %dma_wait3A_520 = arith.constant 19840 : i32
    %dma_wait3A_521 = tpu.memref_slice %arg8[%dma_wait3A_520] : memref<20480xi32, #tpu.memory_space<vmem>> -> memref<128xi32, #tpu.memory_space<vmem>>
    %dma_wait3A_522 = arith.constant 0 : i32
    %dma_wait3A_523 = arith.constant 0 : i32
    %dma_wait3A_524 = tpu.memref_slice %arg5[%dma_wait3A_522, %dma_wait3A_523] : memref<10112x32xf32, #tpu.memory_space<vmem_shared>> -> memref<10112x32xf32, #tpu.memory_space<vmem_shared>>
    %dma_wait3A_525 = tpu.memref_slice %arg11[%dma_wait3A_515] : memref<8x!tpu.dma_semaphore, #tpu.memory_space<semaphore_mem>> -> memref<1x!tpu.dma_semaphore, #tpu.memory_space<semaphore_mem>>
    %dma_wait3A_526 = tpu.memref_squeeze %dma_wait3A_525 : memref<1x!tpu.dma_semaphore, #tpu.memory_space<semaphore_mem>> -> memref<!tpu.dma_semaphore, #tpu.memory_space<semaphore_mem>>
    tpu.wait_indirect_dma semaphore(%dma_wait3A_526 : memref<!tpu.dma_semaphore, #tpu.memory_space<semaphore_mem>>) src(%dma_wait3A_519 : memref<128x32xf32, #tpu.memory_space<vmem>>) dst(%dma_wait3A_524 : memref<10112x32xf32, #tpu.memory_space<vmem_shared>>)
    %dma_wait3A_527 = arith.constant 4 : i32
    %dma_wait3A_528 = arith.constant 4 : i32
    %dma_wait3A_529 = arith.constant 0 : i32
    %dma_wait3A_530 = arith.constant 0 : i32
    %dma_wait3A_531 = tpu.memref_slice %arg9[%dma_wait3A_527, %dma_wait3A_529, %dma_wait3A_530] : memref<8x128x32xf32, #tpu.memory_space<vmem>> -> memref<1x128x32xf32, #tpu.memory_space<vmem>>
    %dma_wait3A_532 = tpu.memref_squeeze %dma_wait3A_531 : memref<1x128x32xf32, #tpu.memory_space<vmem>> -> memref<128x32xf32, #tpu.memory_space<vmem>>
    %dma_wait3A_533 = arith.constant 19968 : i32
    %dma_wait3A_534 = tpu.memref_slice %arg8[%dma_wait3A_533] : memref<20480xi32, #tpu.memory_space<vmem>> -> memref<128xi32, #tpu.memory_space<vmem>>
    %dma_wait3A_535 = arith.constant 0 : i32
    %dma_wait3A_536 = arith.constant 0 : i32
    %dma_wait3A_537 = tpu.memref_slice %arg5[%dma_wait3A_535, %dma_wait3A_536] : memref<10112x32xf32, #tpu.memory_space<vmem_shared>> -> memref<10112x32xf32, #tpu.memory_space<vmem_shared>>
    %dma_wait3A_538 = tpu.memref_slice %arg11[%dma_wait3A_528] : memref<8x!tpu.dma_semaphore, #tpu.memory_space<semaphore_mem>> -> memref<1x!tpu.dma_semaphore, #tpu.memory_space<semaphore_mem>>
    %dma_wait3A_539 = tpu.memref_squeeze %dma_wait3A_538 : memref<1x!tpu.dma_semaphore, #tpu.memory_space<semaphore_mem>> -> memref<!tpu.dma_semaphore, #tpu.memory_space<semaphore_mem>>
    tpu.wait_indirect_dma semaphore(%dma_wait3A_539 : memref<!tpu.dma_semaphore, #tpu.memory_space<semaphore_mem>>) src(%dma_wait3A_532 : memref<128x32xf32, #tpu.memory_space<vmem>>) dst(%dma_wait3A_537 : memref<10112x32xf32, #tpu.memory_space<vmem_shared>>)
    %dma_wait3A_540 = arith.constant 5 : i32
    %dma_wait3A_541 = arith.constant 5 : i32
    %dma_wait3A_542 = arith.constant 0 : i32
    %dma_wait3A_543 = arith.constant 0 : i32
    %dma_wait3A_544 = tpu.memref_slice %arg9[%dma_wait3A_540, %dma_wait3A_542, %dma_wait3A_543] : memref<8x128x32xf32, #tpu.memory_space<vmem>> -> memref<1x128x32xf32, #tpu.memory_space<vmem>>
    %dma_wait3A_545 = tpu.memref_squeeze %dma_wait3A_544 : memref<1x128x32xf32, #tpu.memory_space<vmem>> -> memref<128x32xf32, #tpu.memory_space<vmem>>
    %dma_wait3A_546 = arith.constant 20096 : i32
    %dma_wait3A_547 = tpu.memref_slice %arg8[%dma_wait3A_546] : memref<20480xi32, #tpu.memory_space<vmem>> -> memref<128xi32, #tpu.memory_space<vmem>>
    %dma_wait3A_548 = arith.constant 0 : i32
    %dma_wait3A_549 = arith.constant 0 : i32
    %dma_wait3A_550 = tpu.memref_slice %arg5[%dma_wait3A_548, %dma_wait3A_549] : memref<10112x32xf32, #tpu.memory_space<vmem_shared>> -> memref<10112x32xf32, #tpu.memory_space<vmem_shared>>
    %dma_wait3A_551 = tpu.memref_slice %arg11[%dma_wait3A_541] : memref<8x!tpu.dma_semaphore, #tpu.memory_space<semaphore_mem>> -> memref<1x!tpu.dma_semaphore, #tpu.memory_space<semaphore_mem>>
    %dma_wait3A_552 = tpu.memref_squeeze %dma_wait3A_551 : memref<1x!tpu.dma_semaphore, #tpu.memory_space<semaphore_mem>> -> memref<!tpu.dma_semaphore, #tpu.memory_space<semaphore_mem>>
    tpu.wait_indirect_dma semaphore(%dma_wait3A_552 : memref<!tpu.dma_semaphore, #tpu.memory_space<semaphore_mem>>) src(%dma_wait3A_545 : memref<128x32xf32, #tpu.memory_space<vmem>>) dst(%dma_wait3A_550 : memref<10112x32xf32, #tpu.memory_space<vmem_shared>>)
    %dma_wait3A_553 = arith.constant 6 : i32
    %dma_wait3A_554 = arith.constant 6 : i32
    %dma_wait3A_555 = arith.constant 0 : i32
    %dma_wait3A_556 = arith.constant 0 : i32
    %dma_wait3A_557 = tpu.memref_slice %arg9[%dma_wait3A_553, %dma_wait3A_555, %dma_wait3A_556] : memref<8x128x32xf32, #tpu.memory_space<vmem>> -> memref<1x128x32xf32, #tpu.memory_space<vmem>>
    %dma_wait3A_558 = tpu.memref_squeeze %dma_wait3A_557 : memref<1x128x32xf32, #tpu.memory_space<vmem>> -> memref<128x32xf32, #tpu.memory_space<vmem>>
    %dma_wait3A_559 = arith.constant 20224 : i32
    %dma_wait3A_560 = tpu.memref_slice %arg8[%dma_wait3A_559] : memref<20480xi32, #tpu.memory_space<vmem>> -> memref<128xi32, #tpu.memory_space<vmem>>
    %dma_wait3A_561 = arith.constant 0 : i32
    %dma_wait3A_562 = arith.constant 0 : i32
    %dma_wait3A_563 = tpu.memref_slice %arg5[%dma_wait3A_561, %dma_wait3A_562] : memref<10112x32xf32, #tpu.memory_space<vmem_shared>> -> memref<10112x32xf32, #tpu.memory_space<vmem_shared>>
    %dma_wait3A_564 = tpu.memref_slice %arg11[%dma_wait3A_554] : memref<8x!tpu.dma_semaphore, #tpu.memory_space<semaphore_mem>> -> memref<1x!tpu.dma_semaphore, #tpu.memory_space<semaphore_mem>>
    %dma_wait3A_565 = tpu.memref_squeeze %dma_wait3A_564 : memref<1x!tpu.dma_semaphore, #tpu.memory_space<semaphore_mem>> -> memref<!tpu.dma_semaphore, #tpu.memory_space<semaphore_mem>>
    tpu.wait_indirect_dma semaphore(%dma_wait3A_565 : memref<!tpu.dma_semaphore, #tpu.memory_space<semaphore_mem>>) src(%dma_wait3A_558 : memref<128x32xf32, #tpu.memory_space<vmem>>) dst(%dma_wait3A_563 : memref<10112x32xf32, #tpu.memory_space<vmem_shared>>)
    %dma_wait3A_566 = arith.constant 7 : i32
    %dma_wait3A_567 = arith.constant 7 : i32
    %dma_wait3A_568 = arith.constant 0 : i32
    %dma_wait3A_569 = arith.constant 0 : i32
    %dma_wait3A_570 = tpu.memref_slice %arg9[%dma_wait3A_566, %dma_wait3A_568, %dma_wait3A_569] : memref<8x128x32xf32, #tpu.memory_space<vmem>> -> memref<1x128x32xf32, #tpu.memory_space<vmem>>
    %dma_wait3A_571 = tpu.memref_squeeze %dma_wait3A_570 : memref<1x128x32xf32, #tpu.memory_space<vmem>> -> memref<128x32xf32, #tpu.memory_space<vmem>>
    %dma_wait3A_572 = arith.constant 20352 : i32
    %dma_wait3A_573 = tpu.memref_slice %arg8[%dma_wait3A_572] : memref<20480xi32, #tpu.memory_space<vmem>> -> memref<128xi32, #tpu.memory_space<vmem>>
    %dma_wait3A_574 = arith.constant 0 : i32
    %dma_wait3A_575 = arith.constant 0 : i32
    %dma_wait3A_576 = tpu.memref_slice %arg5[%dma_wait3A_574, %dma_wait3A_575] : memref<10112x32xf32, #tpu.memory_space<vmem_shared>> -> memref<10112x32xf32, #tpu.memory_space<vmem_shared>>
    %dma_wait3A_577 = tpu.memref_slice %arg11[%dma_wait3A_567] : memref<8x!tpu.dma_semaphore, #tpu.memory_space<semaphore_mem>> -> memref<1x!tpu.dma_semaphore, #tpu.memory_space<semaphore_mem>>
    %dma_wait3A_578 = tpu.memref_squeeze %dma_wait3A_577 : memref<1x!tpu.dma_semaphore, #tpu.memory_space<semaphore_mem>> -> memref<!tpu.dma_semaphore, #tpu.memory_space<semaphore_mem>>
    tpu.wait_indirect_dma semaphore(%dma_wait3A_578 : memref<!tpu.dma_semaphore, #tpu.memory_space<semaphore_mem>>) src(%dma_wait3A_571 : memref<128x32xf32, #tpu.memory_space<vmem>>) dst(%dma_wait3A_576 : memref<10112x32xf32, #tpu.memory_space<vmem_shared>>)
    %barrier3A_579 = arith.constant 0 : index
    tpu.barrier barrier_id(%barrier3A_579)
    %mul3A_580 = arith.constant 32 : i32
    %mul3A_581 = arith.muli %arg0, %mul3A_580 : i32
    "tpu.region"() ({
      %run_scoped3A_582 = tpu.sem_alloc : memref<!tpu.dma_semaphore, #tpu.memory_space<semaphore_mem>>
      %dma_start3A_583 = tpu.memref_slice %arg4[%mul3A_0, %mul3A_581] : memref<10112x64xf32, #tpu.memory_space<hbm>> -> memref<632x32xf32, #tpu.memory_space<hbm>>
      %dma_start3A_584 = arith.constant 0 : i32
      %dma_start3A_585 = tpu.memref_slice %arg5[%mul3A_0, %dma_start3A_584] : memref<10112x32xf32, #tpu.memory_space<vmem_shared>> -> memref<632x32xf32, #tpu.memory_space<vmem_shared>>
      tpu.enqueue_dma source(%dma_start3A_585 : memref<632x32xf32, #tpu.memory_space<vmem_shared>>) target(%dma_start3A_583 : memref<632x32xf32, #tpu.memory_space<hbm>>) target_semaphore(%run_scoped3A_582 : memref<!tpu.dma_semaphore, #tpu.memory_space<semaphore_mem>>)
      %dma_wait3A_586 = tpu.memref_slice %arg4[%mul3A_0, %mul3A_581] : memref<10112x64xf32, #tpu.memory_space<hbm>> -> memref<632x32xf32, #tpu.memory_space<hbm>>
      %dma_wait3A_587 = arith.constant 0 : i32
      %dma_wait3A_588 = tpu.memref_slice %arg5[%mul3A_0, %dma_wait3A_587] : memref<10112x32xf32, #tpu.memory_space<vmem_shared>> -> memref<632x32xf32, #tpu.memory_space<vmem_shared>>
      tpu.wait_dma2 semaphore(%run_scoped3A_582 : memref<!tpu.dma_semaphore, #tpu.memory_space<semaphore_mem>>) src(%dma_wait3A_588 : memref<632x32xf32, #tpu.memory_space<vmem_shared>>) dst(%dma_wait3A_586 : memref<632x32xf32, #tpu.memory_space<hbm>>)
      tpu.yield
    }) : () -> ()
    return
  }
}

module attributes {stable_mosaic.version = 14 : i64} {
  func.func @_tc_xw_body(%arg0: memref<10000x128xf32, #tpu.memory_space<vmem>>, %arg1: memref<128x64xf32, #tpu.memory_space<vmem>>, %arg2: memref<10112x64xf32, #tpu.memory_space<vmem>>) attributes {dimension_semantics = [], scalar_prefetch = 0 : i64, scratch_operands = 0 : i64, tpu.core_type = #tpu.core_type<tc>} {
    %get3A = arith.constant 0 : index
    %get3A_0 = arith.constant 0 : index
    %get3A_1 = vector.load %arg0[%get3A, %get3A_0] : memref<10000x128xf32, #tpu.memory_space<vmem>>, vector<10000x128xf32>
    %get3A_2 = arith.constant 0 : index
    %get3A_3 = arith.constant 0 : index
    %get3A_4 = vector.load %arg1[%get3A_2, %get3A_3] : memref<128x64xf32, #tpu.memory_space<vmem>>, vector<128x64xf32>
    %dot_general3A = arith.constant dense<0.000000e+00> : vector<10000x64xf32>
    %dot_general3A_5 = tpu.matmul %get3A_1, %get3A_4, %dot_general3A {dimension_numbers = #tpu.dot_dimension_numbers<[1], [0], [0], [1], [0, 0, 1, 1], [], []>, transpose_lhs_hint = false} : vector<10000x128xf32>, vector<128x64xf32>, vector<10000x64xf32> -> vector<10000x64xf32>
    %jit3A = arith.constant 0 : i32
    %convert_element_type3A = arith.sitofp %jit3A : i32 to f32
    %pad3A = vector.broadcast %convert_element_type3A : f32 to vector<112x64xf32>
    %pad3A_6 = tpu.concatenate %dot_general3A_5, %pad3A in 0 : vector<10000x64xf32>, vector<112x64xf32> -> vector<10112x64xf32>
    %swap3A = arith.constant 0 : index
    %swap3A_7 = arith.constant 0 : index
    %swap3A_8 = vector.load %arg2[%swap3A, %swap3A_7] : memref<10112x64xf32, #tpu.memory_space<vmem>>, vector<10112x64xf32>
    tpu.vector_store %arg2[%swap3A, %swap3A_7], %pad3A_6 {strides = array<i32>} : memref<10112x64xf32, #tpu.memory_space<vmem>>, vector<10112x64xf32>,
    return
  }
}

module attributes {stable_mosaic.version = 14 : i64} {
  func.func @_tc_scale_body(%arg0: memref<10112x64xf32, #tpu.memory_space<vmem>>, %arg1: memref<2x10112xf32, #tpu.memory_space<vmem>>, %arg2: memref<10112x64xf32, #tpu.memory_space<vmem>>, %arg3: memref<10112x16xf32, #tpu.memory_space<vmem>>) attributes {dimension_semantics = [], scalar_prefetch = 0 : i64, scratch_operands = 0 : i64, tpu.core_type = #tpu.core_type<tc>} {
    %get3A = arith.constant 0 : index
    %get3A_0 = arith.constant 0 : index
    %get3A_1 = vector.load %arg1[%get3A, %get3A_0] : memref<2x10112xf32, #tpu.memory_space<vmem>>, vector<1x10112xf32>
    %get3A_2 = vector.shape_cast %get3A_1 : vector<1x10112xf32> to vector<10112xf32>
    %get3A_3 = arith.constant 1 : index
    %get3A_4 = arith.constant 0 : index
    %get3A_5 = vector.load %arg1[%get3A_3, %get3A_4] : memref<2x10112xf32, #tpu.memory_space<vmem>>, vector<1x10112xf32>
    %get3A_6 = vector.shape_cast %get3A_5 : vector<1x10112xf32> to vector<10112xf32>
    %add3A = arith.addf %get3A_2, %get3A_6 : vector<10112xf32>
    %reshape3A = vector.shape_cast %add3A : vector<10112xf32> to vector<10112x1xf32>
    %add3A_7 = arith.constant 1.000000e+00 : f32
    %add3A_8 = vector.broadcast %add3A_7 : f32 to vector<10112x1xf32>
    %add3A_9 = arith.addf %reshape3A, %add3A_8 : vector<10112x1xf32>
    %rsqrt3A = math.rsqrt %add3A_9 : vector<10112x1xf32>
    %broadcast_in_dim3A = vector.shape_cast %rsqrt3A : vector<10112x1xf32> to vector<10112x1xf32>
    %broadcast_in_dim3A_10 = vector.broadcast %broadcast_in_dim3A : vector<10112x1xf32> to vector<10112x16xf32>
    %swap3A = arith.constant 0 : index
    %swap3A_11 = arith.constant 0 : index
    %swap3A_12 = vector.load %arg3[%swap3A, %swap3A_11] : memref<10112x16xf32, #tpu.memory_space<vmem>>, vector<10112x16xf32>
    tpu.vector_store %arg3[%swap3A, %swap3A_11], %broadcast_in_dim3A_10 {strides = array<i32>} : memref<10112x16xf32, #tpu.memory_space<vmem>>, vector<10112x16xf32>,
    %get3A_13 = arith.constant 0 : index
    %get3A_14 = arith.constant 0 : index
    %get3A_15 = vector.load %arg0[%get3A_13, %get3A_14] : memref<10112x64xf32, #tpu.memory_space<vmem>>, vector<10112x64xf32>
    %mul3A = vector.broadcast %rsqrt3A : vector<10112x1xf32> to vector<10112x64xf32>
    %mul3A_16 = arith.mulf %get3A_15, %mul3A : vector<10112x64xf32>
    %swap3A_17 = arith.constant 0 : index
    %swap3A_18 = arith.constant 0 : index
    %swap3A_19 = vector.load %arg2[%swap3A_17, %swap3A_18] : memref<10112x64xf32, #tpu.memory_space<vmem>>, vector<10112x64xf32>
    tpu.vector_store %arg2[%swap3A_17, %swap3A_18], %mul3A_16 {strides = array<i32>} : memref<10112x64xf32, #tpu.memory_space<vmem>>, vector<10112x64xf32>,
    return
  }
}

module attributes {stable_mosaic.version = 14 : i64} {
  func.func @_tc_mid_body(%arg0: memref<10112x64xf32, #tpu.memory_space<vmem>>, %arg1: memref<10112x16xf32, #tpu.memory_space<vmem>>, %arg2: memref<1x64xf32, #tpu.memory_space<vmem>>, %arg3: memref<64x64xf32, #tpu.memory_space<vmem>>, %arg4: memref<10112x64xf32, #tpu.memory_space<vmem>>) attributes {dimension_semantics = [], scalar_prefetch = 0 : i64, scratch_operands = 0 : i64, tpu.core_type = #tpu.core_type<tc>} {
    %get3A = arith.constant 0 : index
    %get3A_0 = arith.constant 0 : index
    %get3A_1 = vector.load %arg1[%get3A, %get3A_0] : memref<10112x16xf32, #tpu.memory_space<vmem>>, vector<10112x1xf32>
    %get3A_2 = arith.constant 0 : index
    %get3A_3 = arith.constant 0 : index
    %get3A_4 = vector.load %arg0[%get3A_2, %get3A_3] : memref<10112x64xf32, #tpu.memory_space<vmem>>, vector<10112x64xf32>
    %mul3A = vector.broadcast %get3A_1 : vector<10112x1xf32> to vector<10112x64xf32>
    %mul3A_5 = arith.mulf %get3A_4, %mul3A : vector<10112x64xf32>
    %get3A_6 = arith.constant 0 : index
    %get3A_7 = arith.constant 0 : index
    %get3A_8 = vector.load %arg2[%get3A_6, %get3A_7] : memref<1x64xf32, #tpu.memory_space<vmem>>, vector<1x64xf32>
    %add3A = vector.broadcast %get3A_8 : vector<1x64xf32> to vector<10112x64xf32>
    %add3A_9 = arith.addf %mul3A_5, %add3A : vector<10112x64xf32>
    %max3A = arith.constant 0.000000e+00 : f32
    %max3A_10 = vector.broadcast %max3A : f32 to vector<10112x64xf32>
    %max3A_11 = arith.maximumf %add3A_9, %max3A_10 : vector<10112x64xf32>
    %get3A_12 = arith.constant 0 : index
    %get3A_13 = arith.constant 0 : index
    %get3A_14 = vector.load %arg3[%get3A_12, %get3A_13] : memref<64x64xf32, #tpu.memory_space<vmem>>, vector<64x64xf32>
    %dot_general3A = arith.constant dense<0.000000e+00> : vector<10112x64xf32>
    %dot_general3A_15 = tpu.matmul %max3A_11, %get3A_14, %dot_general3A {dimension_numbers = #tpu.dot_dimension_numbers<[1], [0], [0], [1], [0, 0, 1, 1], [], []>, transpose_lhs_hint = false} : vector<10112x64xf32>, vector<64x64xf32>, vector<10112x64xf32> -> vector<10112x64xf32>
    %mul3A_16 = vector.broadcast %get3A_1 : vector<10112x1xf32> to vector<10112x64xf32>
    %mul3A_17 = arith.mulf %dot_general3A_15, %mul3A_16 : vector<10112x64xf32>
    %iota3A = tpu.iota {dimensions = array<i32: 0>} : vector<10112x1xi32>
    %lt3A = arith.constant 10000 : i32
    %lt3A_18 = vector.broadcast %lt3A : i32 to vector<10112x1xi32>
    %lt3A_19 = arith.cmpi slt, %iota3A, %lt3A_18 : vector<10112x1xi32>
    %jit3A = arith.constant 0.000000e+00 : f32
    %broadcast_in_dim3A = vector.shape_cast %lt3A_19 : vector<10112x1xi1> to vector<10112x1xi1>
    %broadcast_in_dim3A_20 = vector.broadcast %broadcast_in_dim3A : vector<10112x1xi1> to vector<10112x64xi1>
    %broadcast_in_dim3A_21 = vector.broadcast %jit3A : f32 to vector<10112x64xf32>
    %select_n3A = arith.select %broadcast_in_dim3A_20, %mul3A_17, %broadcast_in_dim3A_21 : vector<10112x64xi1>, vector<10112x64xf32>
    %swap3A = arith.constant 0 : index
    %swap3A_22 = arith.constant 0 : index
    %swap3A_23 = vector.load %arg4[%swap3A, %swap3A_22] : memref<10112x64xf32, #tpu.memory_space<vmem>>, vector<10112x64xf32>
    tpu.vector_store %arg4[%swap3A, %swap3A_22], %select_n3A {strides = array<i32>} : memref<10112x64xf32, #tpu.memory_space<vmem>>, vector<10112x64xf32>,
    return
  }
}

module attributes {stable_mosaic.version = 14 : i64} {
  func.func @_tc_final_body(%arg0: memref<10112x64xf32, #tpu.memory_space<vmem>>, %arg1: memref<10112x16xf32, #tpu.memory_space<vmem>>, %arg2: memref<1x64xf32, #tpu.memory_space<vmem>>, %arg3: memref<2x72x16xf32, #tpu.memory_space<vmem>>, %arg4: memref<64x32xf32, #tpu.memory_space<vmem>>, %arg5: memref<1x32xf32, #tpu.memory_space<vmem>>, %arg6: memref<32x2xf32, #tpu.memory_space<vmem>>, %arg7: memref<1x2xf32, #tpu.memory_space<vmem>>, %arg8: memref<64x2xf32, #tpu.memory_space<vmem>>) attributes {dimension_semantics = [], scalar_prefetch = 0 : i64, scratch_operands = 0 : i64, tpu.core_type = #tpu.core_type<tc>} {
    %get3A = arith.constant 0 : index
    %get3A_0 = arith.constant 0 : index
    %get3A_1 = vector.load %arg1[%get3A, %get3A_0] : memref<10112x16xf32, #tpu.memory_space<vmem>>, vector<10112x1xf32>
    %get3A_2 = arith.constant 0 : index
    %get3A_3 = arith.constant 0 : index
    %get3A_4 = vector.load %arg0[%get3A_2, %get3A_3] : memref<10112x64xf32, #tpu.memory_space<vmem>>, vector<10112x64xf32>
    %mul3A = vector.broadcast %get3A_1 : vector<10112x1xf32> to vector<10112x64xf32>
    %mul3A_5 = arith.mulf %get3A_4, %mul3A : vector<10112x64xf32>
    %get3A_6 = arith.constant 0 : index
    %get3A_7 = arith.constant 0 : index
    %get3A_8 = vector.load %arg2[%get3A_6, %get3A_7] : memref<1x64xf32, #tpu.memory_space<vmem>>, vector<1x64xf32>
    %add3A = vector.broadcast %get3A_8 : vector<1x64xf32> to vector<10112x64xf32>
    %add3A_9 = arith.addf %mul3A_5, %add3A : vector<10112x64xf32>
    %max3A = arith.constant 0.000000e+00 : f32
    %max3A_10 = vector.broadcast %max3A : f32 to vector<10112x64xf32>
    %max3A_11 = arith.maximumf %add3A_9, %max3A_10 : vector<10112x64xf32>
    %get3A_12 = arith.constant 0 : index
    %get3A_13 = arith.constant 0 : index
    %get3A_14 = arith.constant 0 : index
    %get3A_15 = vector.load %arg3[%get3A_12, %get3A_13, %get3A_14] : memref<2x72x16xf32, #tpu.memory_space<vmem>>, vector<1x64x1xf32>
    %get3A_16 = vector.shape_cast %get3A_15 : vector<1x64x1xf32> to vector<1x64xf32>
    %get3A_17 = arith.constant 1 : index
    %get3A_18 = arith.constant 0 : index
    %get3A_19 = arith.constant 0 : index
    %get3A_20 = vector.load %arg3[%get3A_17, %get3A_18, %get3A_19] : memref<2x72x16xf32, #tpu.memory_space<vmem>>, vector<1x64x1xf32>
    %get3A_21 = vector.shape_cast %get3A_20 : vector<1x64x1xf32> to vector<1x64xf32>
    %add3A_22 = arith.addf %get3A_16, %get3A_21 : vector<1x64xf32>
    %get3A_23 = arith.constant 0 : index
    %get3A_24 = arith.constant 0 : index
    %get3A_25 = arith.constant 0 : index
    %get3A_26 = vector.load %arg3[%get3A_23, %get3A_24, %get3A_25] : memref<2x72x16xf32, #tpu.memory_space<vmem>>, vector<1x64x1xf32>
    %get3A_27 = vector.shape_cast %get3A_26 : vector<1x64x1xf32> to vector<64x1xf32>
    %get3A_28 = arith.constant 1 : index
    %get3A_29 = arith.constant 0 : index
    %get3A_30 = arith.constant 0 : index
    %get3A_31 = vector.load %arg3[%get3A_28, %get3A_29, %get3A_30] : memref<2x72x16xf32, #tpu.memory_space<vmem>>, vector<1x64x1xf32>
    %get3A_32 = vector.shape_cast %get3A_31 : vector<1x64x1xf32> to vector<64x1xf32>
    %add3A_33 = arith.addf %get3A_27, %get3A_32 : vector<64x1xf32>
    %iota3A = tpu.iota {dimensions = array<i32: 0>} : vector<64x64xi32>
    %iota3A_34 = tpu.iota {dimensions = array<i32: 1>} : vector<64x64xi32>
    %le3A = arith.cmpi sle, %iota3A, %iota3A_34 : vector<64x64xi32>
    %convert_element_type3A = arith.extui %le3A : vector<64x64xi1> to vector<64x64xi32>
    %convert_element_type3A_35 = arith.sitofp %convert_element_type3A : vector<64x64xi32> to vector<64x64xf32>
    %dot_general3A = arith.constant dense<0.000000e+00> : vector<1x64xf32>
    %dot_general3A_36 = tpu.matmul %add3A_22, %convert_element_type3A_35, %dot_general3A {dimension_numbers = #tpu.dot_dimension_numbers<[1], [0], [0], [1], [0, 0, 1, 1], [], []>, transpose_lhs_hint = false} : vector<1x64xf32>, vector<64x64xf32>, vector<1x64xf32> -> vector<1x64xf32>
    %sub3A = arith.subf %dot_general3A_36, %add3A_22 : vector<1x64xf32>
    %iota3A_37 = tpu.iota {dimensions = array<i32: 0>} : vector<10112x1xi32>
    %convert_element_type3A_38 = arith.sitofp %iota3A_37 : vector<10112x1xi32> to vector<10112x1xf32>
    %ge3A = vector.broadcast %convert_element_type3A_38 : vector<10112x1xf32> to vector<10112x64xf32>
    %ge3A_39 = vector.broadcast %sub3A : vector<1x64xf32> to vector<10112x64xf32>
    %ge3A_40 = arith.cmpf oge, %ge3A, %ge3A_39 : vector<10112x64xf32>
    %lt3A = vector.broadcast %convert_element_type3A_38 : vector<10112x1xf32> to vector<10112x64xf32>
    %lt3A_41 = vector.broadcast %dot_general3A_36 : vector<1x64xf32> to vector<10112x64xf32>
    %lt3A_42 = arith.cmpf olt, %lt3A, %lt3A_41 : vector<10112x64xf32>
    %and3A = arith.andi %ge3A_40, %lt3A_42 : vector<10112x64xi1>
    %convert_element_type3A_43 = arith.extui %and3A : vector<10112x64xi1> to vector<10112x64xi32>
    %convert_element_type3A_44 = arith.sitofp %convert_element_type3A_43 : vector<10112x64xi32> to vector<10112x64xf32>
    %dot_general3A_45 = arith.constant dense<0.000000e+00> : vector<64x64xf32>
    %dot_general3A_46 = tpu.matmul %convert_element_type3A_44, %max3A_11, %dot_general3A_45 {dimension_numbers = #tpu.dot_dimension_numbers<[0], [0], [1], [1], [0, 1, 1, 1], [], []>, transpose_lhs_hint = false} : vector<10112x64xf32>, vector<10112x64xf32>, vector<64x64xf32> -> vector<64x64xf32>
    %max3A_47 = arith.constant 1.000000e+00 : f32
    %max3A_48 = vector.broadcast %max3A_47 : f32 to vector<64x1xf32>
    %max3A_49 = arith.maximumf %add3A_33, %max3A_48 : vector<64x1xf32>
    %div3A = vector.broadcast %max3A_49 : vector<64x1xf32> to vector<64x64xf32>
    %div3A_50 = arith.divf %dot_general3A_46, %div3A : vector<64x64xf32>
    %get3A_51 = arith.constant 0 : index
    %get3A_52 = arith.constant 0 : index
    %get3A_53 = vector.load %arg4[%get3A_51, %get3A_52] : memref<64x32xf32, #tpu.memory_space<vmem>>, vector<64x32xf32>
    %dot_general3A_54 = arith.constant dense<0.000000e+00> : vector<64x32xf32>
    %dot_general3A_55 = tpu.matmul %div3A_50, %get3A_53, %dot_general3A_54 {dimension_numbers = #tpu.dot_dimension_numbers<[1], [0], [0], [1], [0, 0, 1, 1], [], []>, transpose_lhs_hint = false} : vector<64x64xf32>, vector<64x32xf32>, vector<64x32xf32> -> vector<64x32xf32>
    %get3A_56 = arith.constant 0 : index
    %get3A_57 = arith.constant 0 : index
    %get3A_58 = vector.load %arg5[%get3A_56, %get3A_57] : memref<1x32xf32, #tpu.memory_space<vmem>>, vector<1x32xf32>
    %add3A_59 = vector.broadcast %get3A_58 : vector<1x32xf32> to vector<64x32xf32>
    %add3A_60 = arith.addf %dot_general3A_55, %add3A_59 : vector<64x32xf32>
    %max3A_61 = arith.constant 0.000000e+00 : f32
    %max3A_62 = vector.broadcast %max3A_61 : f32 to vector<64x32xf32>
    %max3A_63 = arith.maximumf %add3A_60, %max3A_62 : vector<64x32xf32>
    %get3A_64 = arith.constant 0 : index
    %get3A_65 = arith.constant 0 : index
    %get3A_66 = vector.load %arg6[%get3A_64, %get3A_65] : memref<32x2xf32, #tpu.memory_space<vmem>>, vector<32x2xf32>
    %dot_general3A_67 = arith.constant dense<0.000000e+00> : vector<64x2xf32>
    %dot_general3A_68 = tpu.matmul %max3A_63, %get3A_66, %dot_general3A_67 {dimension_numbers = #tpu.dot_dimension_numbers<[1], [0], [0], [1], [0, 0, 1, 1], [], []>, transpose_lhs_hint = false} : vector<64x32xf32>, vector<32x2xf32>, vector<64x2xf32> -> vector<64x2xf32>
    %get3A_69 = arith.constant 0 : index
    %get3A_70 = arith.constant 0 : index
    %get3A_71 = vector.load %arg7[%get3A_69, %get3A_70] : memref<1x2xf32, #tpu.memory_space<vmem>>, vector<1x2xf32>
    %add3A_72 = vector.broadcast %get3A_71 : vector<1x2xf32> to vector<64x2xf32>
    %add3A_73 = arith.addf %dot_general3A_68, %add3A_72 : vector<64x2xf32>
    %reduce_max3A = arith.constant dense<0xFF800000> : vector<64xf32>
    %reduce_max3A_74 = vector.multi_reduction <maximumf>, %add3A_73, %reduce_max3A [1] : vector<64x2xf32> to vector<64xf32>
    %broadcast_in_dim3A = vector.shape_cast %reduce_max3A_74 : vector<64xf32> to vector<64x1xf32>
    %sub3A_75 = vector.broadcast %broadcast_in_dim3A : vector<64x1xf32> to vector<64x2xf32>
    %sub3A_76 = arith.subf %add3A_73, %sub3A_75 : vector<64x2xf32>
    %exp3A = math.exp %sub3A_76 : vector<64x2xf32>
    %sub3A_77 = vector.broadcast %broadcast_in_dim3A : vector<64x1xf32> to vector<64x2xf32>
    %sub3A_78 = arith.subf %add3A_73, %sub3A_77 : vector<64x2xf32>
    %reduce_sum3A = arith.constant dense<0.000000e+00> : vector<64xf32>
    %reduce_sum3A_79 = vector.multi_reduction <add>, %exp3A, %reduce_sum3A [1] : vector<64x2xf32> to vector<64xf32>
    %broadcast_in_dim3A_80 = vector.shape_cast %reduce_sum3A_79 : vector<64xf32> to vector<64x1xf32>
    %log3A = math.log %broadcast_in_dim3A_80 : vector<64x1xf32>
    %sub3A_81 = vector.broadcast %log3A : vector<64x1xf32> to vector<64x2xf32>
    %sub3A_82 = arith.subf %sub3A_78, %sub3A_81 : vector<64x2xf32>
    %swap3A = arith.constant 0 : index
    %swap3A_83 = arith.constant 0 : index
    %swap3A_84 = vector.load %arg8[%swap3A, %swap3A_83] : memref<64x2xf32, #tpu.memory_space<vmem>>, vector<64x2xf32>
    tpu.vector_store %arg8[%swap3A, %swap3A_83], %sub3A_82 {strides = array<i32>} : memref<64x2xf32, #tpu.memory_space<vmem>>, vector<64x2xf32>,
    return
  }
}

</mosaic_0001>

<sc_bundles>
// kernel: kernel.12.cloned.1.call-start
scs
__scs_entry_jumppad:
0x0: {  	(pc) =	sbr.rel $0x88, $3  }
0x1: {  	(tag) =	ssettag $0x0;
	lr =	simm.s32 $0x1  }
0x2: {  	[smem:$0x3F96] =	sst lr;
	_ =	strace $0xD0000000  }
0x3: {  	_ = 	snop  }
0x4: {  	_ = 	snop  }
0x5: {  	_ = 	snop  }
0x6: {  	_ = 	snop  }
0x7: {  	_ = 	snop  }
__scs_overlays_trampoline_lowered:
0x8: {  	[smem:$0x3FA5] =	sst s0  }
0x9: {  	[smem:$0x3FA6] =	sst s1  }
0xa: {  	[smem:$0x3FA7] =	sst s2  }
0xb: {  	[smem:$0x3FA8] =	sst s3  }
0xc: {  	[smem:$0x3FA9] =	sst s4  }
0xd: {  	[smem:$0x3FAA] =	sst s5  }
0xe: {  	[smem:$0x3FAB] =	sst s6  }
0xf: {  	[smem:$0x3FAC] =	sst s7  }
0x10: {  	[smem:$0x3FAD] =	sst s8  }
0x11: {  	[smem:$0x3FAE] =	sst s9;
	s0 =	simm.s32 @!p0 $0x0  }
0x12: {  	s1 =	sld [smem:$0x3F94];
	s0 =	simm.s32 @p0 $0x1  }
0x13: {  	[smem:$0x3FAF] =	sst s0;
	s0 =	simm.s32 @!p1 $0x0  }
0x14: {  	s2 =	sld [smem:$0x3F93];
	s0 =	simm.s32 @p1 $0x1  }
0x15: {  	[smem:$0x3FB0] =	sst s0;
	s0 =	simm.s32 @!p2 $0x0  }
0x16: {  	s3 =	sld [smem:$0x3FDB];
	s0 =	simm.s32 @p2 $0x1  }
0x17: {  	s4 =	simm.s32 $0x1BF5;
	[smem:$0x3FB2] =	sst s0  }
0x18: {  	s0 =	sld [smem:$0x3F95];
	_ =	swait.ge [sflag:s4], $0x0  }
0x19: {  	s7 =	sld [smem:$0x3F96]  }
0x1a: {  	s8 =	sadd.s32 $0xFFFFE003, lr  }
0x1b: {  	s9 =	sadd.s32 $0xFFFFFEF7, lr;
	s5 =	simm.s32 $0xFFFFFFFF;
	p2 =	slt.u32 s8, $0xFFFFF086  }
0x1c: {  	p1 =	slt.u32 s9, $0xF7A;
	s5 =	simm.s32 @!p2 $0x0  }
0x1d: {  	s5 =	simm.s32 @p1 $0x1;
	p0 =	seq.s32 s7, s2  }
0x1e: {  	s7 =	smul.u32 @!p0 $0xF7A, s2;
	p2 =	seq.s32 @!p0 s5, $0x0  }
0x1f: {  	s9 =	smul.u32 $0xF7A, s1;
	s8 =	simm.s32 @!p0 $0x1BF5;
	p2 =	por !p2, p0  }
0x20: {  	[sflag:s8] =	ssyncset.s32 @!p0 $0xFFFFF086;
	s6 =	sadd.s32 @!p0 s3, s7;
	s7 =	simm.s32 @!p0 $0x108  }
0x21: {  	s3 =	sadd.s32 s3, s9;
	s6 =	sadd.s32 @!p0 $0x88, s6;
	s7 =	simm.s32 @p2 $0x1082  }
0x22: {  	[simem:s7], [sflag:s8] =	dma.local @!p0 [hbm:s6], $0xF7A  }
0x23: {  	s9 =	sor.u32 $0xD0000000, s2;
	s6 =	simm.s32 $0x108;
	_ =	swait.ge @!p0 [sflag:s8], $0x0  }
0x24: {  	s3 =	sadd.s32 $0x88, s3;
	s6 =	simm.s32 @!p1 $0x1082;
	[sflag:s4] =	ssyncset.s32 $0xFFFFF086  }
0x25: {  	[simem:s6], [sflag:s4] =	dma.local [hbm:s3], $0xF7A  }
0x26: {  	[smem:$0x3F96] =	sst s1;
	(tag) =	ssettag s2;
	_ =	strace s9  }
0x27: {  	s1 =	sld [smem:$0x3FA6]  }
0x28: {  	s2 =	sld [smem:$0x3FA7]  }
0x29: {  	s4 =	sld [smem:$0x3FA9]  }
0x2a: {  	p0 =	seq.s32 s5, $0x0;
	s5 =	sld [smem:$0x3FAA]  }
0x2b: {  	s6 =	sld [smem:$0x3FAB]  }
0x2c: {  	s7 =	sld [smem:$0x3FAC]  }
0x2d: {  	s3 =	simm.s32 $0x108;
	s8 =	sld [smem:$0x3FAD]  }
0x2e: {  	s3 =	simm.s32 @!p0 $0x1082;
	s9 =	sld [smem:$0x3FAE]  }
0x2f: {  	lr =	sadd.s32 s0, s3;
	s0 =	sld [smem:$0x3FA5]  }
0x30: {  	s3 =	sld [smem:$0x3FA8]  }
0x31: {  	[smem:$0x3FB1] =	sst s10  }
0x32: {  	s10 =	sld [smem:$0x3FAF];
	_ =	sdelay $0x3  }
0x33: {  	p0 =	seq.s32 s10, $0x1;
	s10 =	sld [smem:$0x3FB1];
	_ =	sdelay $0x3  }
0x34: {  	[smem:$0x3FB1] =	sst s10  }
0x35: {  	s10 =	sld [smem:$0x3FB0];
	_ =	sdelay $0x3  }
0x36: {  	p1 =	seq.s32 s10, $0x1;
	s10 =	sld [smem:$0x3FB1];
	_ =	sdelay $0x3  }
0x37: {  	[smem:$0x3FB1] =	sst s10  }
0x38: {  	s10 =	sld [smem:$0x3FB2]  }
0x39: {  	_ = 	snop;
	(pc) =	sbr.ind lr, $3  }
0x3a: {  	_ = 	snop  }
0x3b: {  	_ = 	snop  }
0x3c: {  	p2 =	seq.s32 s10, $0x1;
	s10 =	sld [smem:$0x3FB1]  }
0x3d: {  	_ =	shalt  }
0x3e: {  	_ =	shalt  }
0x3f: {  	_ =	shalt  }
0x40: {  	_ =	shalt  }
0x41: {  	_ =	shalt  }
0x42: {  	_ =	shalt  }
0x43: {  	_ =	shalt  }
0x44: {  	_ =	shalt  }
0x45: {  	_ =	shalt  }
0x46: {  	_ =	shalt  }
0x47: {  	_ =	shalt  }
0x48: {  	_ =	shalt  }
0x49: {  	_ =	shalt  }
0x4a: {  	_ =	shalt  }
0x4b: {  	_ =	shalt  }
0x4c: {  	_ =	shalt  }
0x4d: {  	_ =	shalt  }
0x4e: {  	_ =	shalt  }
0x4f: {  	_ =	shalt  }
0x50: {  	_ =	shalt  }
0x51: {  	_ =	shalt  }
0x52: {  	_ =	shalt  }
0x53: {  	_ =	shalt  }
0x54: {  	_ =	shalt  }
0x55: {  	_ =	shalt  }
0x56: {  	_ =	shalt  }
0x57: {  	_ =	shalt  }
0x58: {  	_ =	shalt  }
0x59: {  	_ =	shalt  }
0x5a: {  	_ =	shalt  }
0x5b: {  	_ =	shalt  }
0x5c: {  	_ =	shalt  }
0x5d: {  	_ =	shalt  }
0x5e: {  	_ =	shalt  }
0x5f: {  	_ =	shalt  }
0x60: {  	_ =	shalt  }
0x61: {  	_ =	shalt  }
0x62: {  	_ =	shalt  }
0x63: {  	_ =	shalt  }
0x64: {  	_ =	shalt  }
0x65: {  	_ =	shalt  }
0x66: {  	_ =	shalt  }
0x67: {  	_ =	shalt  }
0x68: {  	_ =	shalt  }
0x69: {  	_ =	shalt  }
0x6a: {  	_ =	shalt  }
0x6b: {  	_ =	shalt  }
0x6c: {  	_ =	shalt  }
0x6d: {  	_ =	shalt  }
0x6e: {  	_ =	shalt  }
0x6f: {  	_ =	shalt  }
0x70: {  	_ =	shalt  }
0x71: {  	_ =	shalt  }
0x72: {  	_ =	shalt  }
0x73: {  	_ =	shalt  }
0x74: {  	_ =	shalt  }
0x75: {  	_ =	shalt  }
0x76: {  	_ =	shalt  }
0x77: {  	_ =	shalt  }
0x78: {  	_ =	shalt  }
0x79: {  	_ =	shalt  }
0x7a: {  	_ =	shalt  }
0x7b: {  	_ =	shalt  }
0x7c: {  	_ =	shalt  }
0x7d: {  	_ =	shalt  }
0x7e: {  	_ =	shalt  }
0x7f: {  	_ =	shalt  }
0x80: {  	_ =	shalt  }
0x81: {  	_ =	shalt  }
0x82: {  	_ =	shalt  }
0x83: {  	_ =	shalt  }
0x84: {  	_ =	shalt  }
0x85: {  	_ =	shalt  }
0x86: {  	_ =	shalt  }
0x87: {  	_ =	shalt  }
.Lfunc_end0:
.L_simem_size_0:
called_computation.1_lowered:
.L_overlay_start_0:
0x88: {  	s2 =	sld [smem:$0x3FD9]  }
0x89: {  	s3 =	sld [smem:$0x3FFE];
	_ =	sdelay $0x1  }
0x8a: {  	s1 =	srdreg.scid  }
0x8b: {  	s0 =	sand.u32 $0x1, s1  }
0x8c: {  	s16 =	sshll.u32 s0, $0xA;
	s2 =	sadd.s32 s3, s2  }
0x8d: {  	s2 =	sadd.s32 s2, s16  }
0x8e: {  	[smem:$0x3FBD] =	sst s2  }
0x8f: {  	_ = 	snop  }
0x90: {  	(tm) =	ssettm $0x1  }
0x91: {  	s17 =	sld [smem:$0x3FFB];
	_ =	sdelay $0x3  }
0x92: {  	_ =	strace s17  }
0x93: {  	s2 =	sld [smem:$0x3FFC];
	_ =	sdelay $0x3  }
0x94: {  	_ =	strace s2  }
0x95: {  	s2 =	sld [smem:$0x3FFD];
	_ =	sdelay $0x3  }
0x96: {  	_ =	strace s2  }
0x97: {  	_ =	strace $0x8FFFFFFF  }
0x98: {  	s18 =	sld [smem:$0x3FDB];
	_ =	sdelay $0x1  }
0x99: {  	s19 =	simm.s32 $_scs_section_size  }
0x9a: {  	s4 =	simm.s32 $_size__tile_overlayer_lowered;
	s5 =	simm.s32 $_tile_overlayer_lowered  }
0x9b: {  	s22 =	simm.s32 $0x1BFF;
	s21 =	sshll.u32 s5, $0x1;
	s2 =	sadd.s32 s19, s18  }
0x9c: {  	s6 =	simm.s32 $0x0;
	s20 =	sshll.u32 s4, $0x1;
	s4 =	sadd.s32 s21, s2  }
0x9d: {  	[timem:s6], [sflag:s22] =	dma.local [hbm:s4], s20  }
0x9e: {  	_ =	swait.ge [sflag:s22], s20  }
0x9f: {  	s3 =	ssub.s32 $0x0, s20;
	[sflag:s22] =	ssyncset.done $0x0  }
0xa0: {  	[sflag:s22] =	ssyncadd.s32 s3;
	_ =	sdelay $0x1  }
0xa1: {  	s23 =	simm.s32 $0x1B8B  }
0xa2: {  	_ =	swait.ge [sflag:s23], $0x1  }
0xa3: {  	[sflag:s23] =	ssyncset.done $0x0  }
0xa4: {  	s25 =	simm.s32 $0x1B8E;
	s24 =	sld [smem:$0x3FFE];
	[sflag:s23] =	ssyncadd.s32 $0xFFFFFFFF  }
0xa5: {  	s26 =	simm.s32 $execute0_lowered;
	[smem:$0x3FD2] =	sst s25  }
0xa6: {  	s4 =	sshll.u32 s26, $0x1;
	_ =	strace $0x80000049;
	[dreg:$0x1] =	wrdreg $0xFFFFFFFF  }
0xa7: {  	s28 =	simm.s32 $_size_execute0_lowered;
	s2 =	sadd.s32 s2, s4;
	[dreg:$0x0] =	wrdreg $0x0  }
0xa8: {  	s4 =	sshll.u32 s28, $0x1;
	[dreg:$0x2] =	wrdreg s2  }
0xa9: {  	[dreg:$0x3] =	wrdreg s4  }
0xaa: {  	[dreg:$0x4] =	wrdreg $0xC0  }
0xab: {  	_ =	task [dreg:s6], $0x5FFFF  }
0xac: {  	[dreg:$0x1] =	wrdreg $0xFFFFFFFF  }
0xad: {  	[dreg:$0x0] =	wrdreg $0x60  }
0xae: {  	[dreg:$0x2] =	wrdreg s24  }
0xaf: {  	[dreg:$0x3] =	wrdreg $0x4F000  }
0xb0: {  	[dreg:$0x4] =	wrdreg $0x0  }
0xb1: {  	[dreg:$0x5] =	wrdreg $0x9  }
0xb2: {  	_ =	task.clear_ibuf [dreg:s6], $0x6FFFF;
	_ =	strace $0x90000049  }
0xb3: {  	s29 =	simm.s32 $0x9;
	_ =	strace $0x8000004B  }
0xb4: {  	_ =	swait.ge [sflag:s29], $0x1  }
0xb5: {  	[sflag:s29] =	ssyncadd.s32 $0xFFFFFFFF  }
0xb6: {  	_ =	strace $0x9000004B  }
0xb7: {  	_ =	sfence  }
0xb8: {  	s30 =	sld [smem:$0x0];
	_ =	sdelay $0x2  }
0xb9: {  	s31 =	sshll.u32 s1, $0xD;
	s1 =	sshrl.u32 s1, $0x2  }
0xba: {  	s3 =	sand.u32 $0x4000, s31;
	s1 =	sadd.s32 s1, s30  }
0xbb: {  	s0 =	sor.u32 s3, s0;
	s1 =	sshll.u32 s1, $0x11  }
0xbc: {  	s0 =	sor.u32 s1, s0  }
0xbd: {  	s0 =	sadd.s32 $0x8F2B, s0  }
0xbe: {  	[sflag:s0] =	ssyncadd.remote.s32 $0x1  }
0xbf: {  	_ =	sfence.sel $0xFFFF  }
0xc0: {  	[dreg:$0x0] =	wrdreg $0xFFFFFFFF;
	(pc) =	sbr.abs _section_cstart, $3  }
0xc1: {  	[dreg:$0x1] =	wrdreg $0xFFFFFFFF  }
0xc2: {  	_ =	task.clear_ibuf [dreg:s6], $0x2FFFF;
	_ =	strace $0x9FFFFFFF  }
0xc3: {  	(tm) =	ssettm $0x7FFFFFFF  }
tec
execute0_lowered:
.L_overlay_start_1:
0x0: {  	(tag) =	ssettag $0x1  }
0x1: {  	s0 =	rddreg [dreg:$0x0]  }
0x2: {  	s2 =	rddreg [dreg:$0x1]  }
0x3: {  	s3 =	rddreg [dreg:$0x2]  }
0x4: {  	s9 =	stileid.u32;
	s5 =	simm.s32 $0x0;
	s4 =	srdreg.scid  }
0x5: {  	s12 =	simm.s32 $0x1;
	s10 =	simm.s32 $0x4;
	s14 =	simm.s32 $0x8  }
0x6: {  	s15 =	simm.s32 $0x11;
	s19 =	simm.s32 $0x80;
	s20 =	simm.s32 $0x13E00  }
0x7: {  	s29 =	simm.s32 $0x17E00;
	s21 =	simm.s32 $0x1AE00;
	s22 =	simm.s32 $0x3  }
0x8: {  	s31 =	simm.s32 $0xC;
	s18 =	simm.s32 $0xE;
	s1 =	smul.u32 $0x4E20, s9  }
0x9: {  	[smem:$0x7FF] =	sst s5;
	s4 =	sand.u32 $0x1, s4;
	s23 =	smul.u32 $0x9E00, s9  }
0xa: {  	s7 =	smul.u32 $0x4F00, s9;
	s25 =	sshll.u32 s9, $0x6;
	_ =	strace $0x8000004A  }
0xb: {  	s6 =	sshll.u32 s4, $0x5;
	s4 =	ssub.s32 $0x2, s4;
	s1 =	sshrl.u32 s1, $0x3  }
0xc: {  	s5 =	sor.u32 s6, s23;
	s24 =	sshrl.u32 s4, $0x1;
	s8 =	sadd.s32 s7, s2  }
0xd: {  	s6 =	sor.u32 $0x1C11, s25;
	s7 =	sadd.s32 s7, s3;
	s23 =	simm.s32 $0x5  }
0xe: {  	s25 =	simm.s32 $0x7;
	s5 =	sshrl.u32 s5, $0x3;
	s1 =	sadd.s32 s1, s0  }
0xf: {  	s4 =	ssub.s32 s4, s24;
	s30 =	sshrl.u32 s8, $0x3;
	s16 =	sshrl.u32 s7, $0x3  }
0x10: {  	s24 =	simm.s32 $0x15E00;
	s7 =	simm.s32 $0x10;
	s8 =	simm.s32 $0x0  }
.Ltmp0:
0x11: {  	s26 =	sadd.s32 $0x2E00, s1;
	[dreg:$0x8] =	wrdreg s30;
	(pc) =	sbr.rel .LBB2_1-.Ltmp0, $4  }
0x12: {  	s0 =	sadd.s32 s5, s0;
	s1 =	sadd.s32 $0xCA40, s1;
	[dreg:$0x4] =	wrdreg s26  }
0x13: {  	s28 =	smax.u32 s4, $0x1;
	s4 =	simm.s32 $0xF;
	[dreg:$0x5] =	wrdreg s1  }
0x14: {  	s5 =	sadd.s32 $0x1CC00, s0;
	s0 =	sadd.s32 $0x30800, s0;
	[dreg:$0x7] =	wrdreg s28  }
0x15: {  	v0 =	vimm.s32 $0x2710;
	v1 =	vimm.s32 $0x2718;
	s1 =	simm.s32 $0x19E00;
	[dreg:$0x6] =	wrdreg s0;
	s0 =	simm.s32 $0xD  }
.LBB2_4:
0x16: {  	_ =	swait.ge [sflag:s14], $0x1000  }
0x17: {  	[sflag:s14] =	ssyncset.done $0x0  }
0x18: {  	s9 =	simm.s32 $0x9;
	[sflag:s14] =	ssyncadd.s32 $0xFFFFF000  }
0x19: {  	[spmem:s3] =	stream.indirect.scatter.add.f32 [tilespmem:s21], [sflag:$0x10], $0x20, s11, s19, $0xb8;
	[tilespmem:$0x1BE00] =	vst v63  }
0x1a: {  	_ =	swait.ge [sflag:s9], $0x1000  }
0x1b: {  	[sflag:s9] =	ssyncset.done $0x0  }
0x1c: {  	s17 =	simm.s32 $0xA;
	[sflag:s9] =	ssyncadd.s32 $0xFFFFF000  }
0x1d: {  	_ =	swait.ge [sflag:s17], $0x1000  }
0x1e: {  	[sflag:s17] =	ssyncset.done $0x0  }
0x1f: {  	s26 =	simm.s32 $0xB;
	[sflag:s17] =	ssyncadd.s32 $0xFFFFF000  }
0x20: {  	_ =	swait.ge [sflag:s26], $0x1000  }
0x21: {  	[sflag:s26] =	ssyncset.done $0x0  }
0x22: {  	[sflag:s26] =	ssyncadd.s32 $0xFFFFF000  }
0x23: {  	_ =	swait.ge [sflag:s31], $0x1000  }
0x24: {  	[sflag:s31] =	ssyncset.done $0x0  }
0x25: {  	[sflag:s31] =	ssyncadd.s32 $0xFFFFF000  }
0x26: {  	_ =	swait.ge [sflag:s0], $0x1000  }
0x27: {  	[sflag:s0] =	ssyncset.done $0x0  }
0x28: {  	[sflag:s0] =	ssyncadd.s32 $0xFFFFF000  }
0x29: {  	_ =	swait.ge [sflag:s18], $0x1000  }
0x2a: {  	[sflag:s18] =	ssyncset.done $0x0  }
0x2b: {  	[sflag:s18] =	ssyncadd.s32 $0xFFFFF000  }
0x2c: {  	_ =	swait.ge [sflag:s4], $0x1000  }
0x2d: {  	[sflag:s4] =	ssyncset.done $0x0  }
0x2e: {  	[sflag:s4] =	ssyncadd.s32 $0xFFFFF000  }
0x2f: {  	_ =	swait.ge [sflag:s7], $0x1000  }
0x30: {  	[sflag:s7] =	ssyncset.done $0x0  }
0x31: {  	[sflag:s7] =	ssyncadd.s32 $0xFFFFF000  }
0x32: {  	[bflag:$0x0] =	sbarrier.arrive $0xFFFF  }
0x33: {  	s10 =	simm.s32 $0x4;
	s28 =	rddreg [dreg:$0x6]  }
0x34: {  	[hbm:s28@s14], [sflag:s6] =	dma.strided [spmem:s16@s10], $0x9E0, s12, $0x4   }
0x35: {  	_ =	swait.ge [sflag:s15], $0x9E0  }
0x36: {  	s8 =	sadd.s32 $0x1, s8;
	s30 =	rddreg [dreg:$0x7]  }
0x37: {  	p0 =	sne.s32 s8, s30  }
.Ltmp1:
0x38: {  	_ = 	snop;
	(pc) =	sbr.rel @!p0 .LBB2_5-.Ltmp1, $3  }
0x39: {  	_ =	sdelay $0x1  }
0x3a: {  	[sflag:s15] =	ssyncset.done $0x0  }
0x3b: {  	[sflag:s15] =	ssyncadd.s32 $0xFFFFF620  }
.LBB2_1:
0x3c: {  	s9 =	rddreg [dreg:$0x8]  }
0x3d: {  	[spmem:s9@s10], [sflag:s6] =	dma.strided [hbm:s5@s14], $0x9E0, s12, $0x4   }
0x3e: {  	_ =	swait.ge [sflag:s15], $0x9E0  }
0x3f: {  	[sflag:s15] =	ssyncset.done $0x0  }
0x40: {  	[sflag:s15] =	ssyncadd.s32 $0xFFFFF620  }
0x41: {  	[spmem:s16@s10], [sflag:s6] =	dma.strided [hbm:s5@s14], $0x9E0, s12, $0x4   }
0x42: {  	_ =	swait.ge [sflag:s15], $0x9E0  }
0x43: {  	[sflag:s15] =	ssyncset.done $0x0  }
0x44: {  	[sflag:s15] =	ssyncadd.s32 $0xFFFFF620  }
0x45: {  	[tilespmem:$0xEC20] =	vst v0  }
0x46: {  	[tilespmem:$0xEC30] =	vst v0  }
0x47: {  	[tilespmem:$0xEC40] =	vst v0  }
0x48: {  	[tilespmem:$0xEC50] =	vst v0  }
0x49: {  	[tilespmem:$0xEC60] =	vst v0  }
0x4a: {  	[tilespmem:$0xEC70] =	vst v0  }
0x4b: {  	[tilespmem:$0xEC80] =	vst v0  }
0x4c: {  	[tilespmem:$0xEC90] =	vst v0  }
0x4d: {  	[tilespmem:$0xECA0] =	vst v0  }
0x4e: {  	[tilespmem:$0xECB0] =	vst v0  }
0x4f: {  	[tilespmem:$0xECC0] =	vst v0  }
0x50: {  	[tilespmem:$0xECD0] =	vst v0  }
0x51: {  	[tilespmem:$0xECE0] =	vst v0  }
0x52: {  	[tilespmem:$0xECF0] =	vst v0  }
0x53: {  	[tilespmem:$0xED00] =	vst v0  }
0x54: {  	[tilespmem:$0xED10] =	vst v0  }
0x55: {  	[tilespmem:$0xED20] =	vst v0  }
0x56: {  	[tilespmem:$0xED30] =	vst v0  }
0x57: {  	[tilespmem:$0xED40] =	vst v0  }
0x58: {  	[tilespmem:$0xED50] =	vst v0  }
0x59: {  	[tilespmem:$0xED60] =	vst v0  }
0x5a: {  	[tilespmem:$0xED70] =	vst v0  }
0x5b: {  	[tilespmem:$0xED80] =	vst v0  }
0x5c: {  	[tilespmem:$0xED90] =	vst v0  }
0x5d: {  	[tilespmem:$0xEDA0] =	vst v0  }
0x5e: {  	[tilespmem:$0xEDB0] =	vst v0  }
0x5f: {  	[tilespmem:$0xEDC0] =	vst v0  }
0x60: {  	[tilespmem:$0xEDD0] =	vst v0  }
0x61: {  	[tilespmem:$0xEDE0] =	vst v0  }
0x62: {  	[tilespmem:$0xEDF0] =	vst v0  }
0x63: {  	[tilespmem:$0x13C20] =	vst v1  }
0x64: {  	[tilespmem:$0x13C30] =	vst v1  }
0x65: {  	[tilespmem:$0x13C40] =	vst v1  }
0x66: {  	[tilespmem:$0x13C50] =	vst v1  }
0x67: {  	[tilespmem:$0x13C60] =	vst v1  }
0x68: {  	[tilespmem:$0x13C70] =	vst v1  }
0x69: {  	[tilespmem:$0x13C80] =	vst v1  }
0x6a: {  	[tilespmem:$0x13C90] =	vst v1  }
0x6b: {  	[tilespmem:$0x13CA0] =	vst v1  }
0x6c: {  	[tilespmem:$0x13CB0] =	vst v1  }
0x6d: {  	[tilespmem:$0x13CC0] =	vst v1  }
0x6e: {  	[tilespmem:$0x13CD0] =	vst v1  }
0x6f: {  	[tilespmem:$0x13CE0] =	vst v1  }
0x70: {  	[tilespmem:$0x13CF0] =	vst v1  }
0x71: {  	[tilespmem:$0x13D00] =	vst v1  }
0x72: {  	[tilespmem:$0x13D10] =	vst v1  }
0x73: {  	[tilespmem:$0x13D20] =	vst v1  }
0x74: {  	[tilespmem:$0x13D30] =	vst v1  }
0x75: {  	[tilespmem:$0x13D40] =	vst v1  }
0x76: {  	[tilespmem:$0x13D50] =	vst v1  }
0x77: {  	[tilespmem:$0x13D60] =	vst v1  }
0x78: {  	[tilespmem:$0x13D70] =	vst v1  }
0x79: {  	[tilespmem:$0x13D80] =	vst v1  }
0x7a: {  	[tilespmem:$0x13D90] =	vst v1  }
0x7b: {  	[tilespmem:$0x13DA0] =	vst v1  }
0x7c: {  	[tilespmem:$0x13DB0] =	vst v1  }
0x7d: {  	[tilespmem:$0x13DC0] =	vst v1  }
0x7e: {  	[tilespmem:$0x13DD0] =	vst v1  }
0x7f: {  	[tilespmem:$0x13DE0] =	vst v1  }
0x80: {  	s30 =	simm.s32 $0x0;
	s11 =	simm.s32 $0x9E00;
	s13 =	rddreg [dreg:$0x4];
	[tilespmem:$0x13DF0] =	vst v1  }
0x81: {  	[tilespmem:s11], [sflag:$0x11] =	stream.linear.gather [hbm4b:s13+s30], $0x4E20, $0x38;
	[tilespmem:$0x1BE00] =	vst v63  }
0x82: {  	_ =	swait.ge [sflag:s15], $0x4E20  }
0x83: {  	[sflag:s15] =	ssyncset.done $0x0  }
0x84: {  	s13 =	simm.s32 $0xEE00;
	s17 =	rddreg [dreg:$0x5];
	[sflag:s15] =	ssyncadd.s32 $0xFFFFB1E0  }
0x85: {  	[tilespmem:s13], [sflag:$0x11] =	stream.linear.gather [hbm4b:s17+s30], $0x4E20, $0x38;
	[tilespmem:$0x1BE00] =	vst v63  }
0x86: {  	_ =	swait.ge [sflag:s15], $0x4E20  }
0x87: {  	[sflag:s15] =	ssyncset.done $0x0  }
0x88: {  	[sflag:s15] =	ssyncadd.s32 $0xFFFFB1E0  }
0x89: {  	[bflag:$0x0] =	sbarrier.arrive $0xFFFF  }
0x8a: {  	[tilespmem:s20], [sflag:$0x1] =	stream.indirect.gather [spmem:s2], $0x20, s11, s19, $0xb8;
	[tilespmem:$0x1BE00] =	vst v63  }
0x8b: {  	s26 =	simm.s32 $0x9E80;
	s28 =	simm.s32 $0x14E00  }
0x8c: {  	[tilespmem:s28], [sflag:$0x2] =	stream.indirect.gather [spmem:s2], $0x20, s26, s19, $0xb8;
	[tilespmem:$0x1BE00] =	vst v63  }
0x8d: {  	s30 =	simm.s32 $0x9F00  }
0x8e: {  	[tilespmem:s24], [sflag:$0x3] =	stream.indirect.gather [spmem:s2], $0x20, s30, s19, $0xb8;
	[tilespmem:$0x1BE00] =	vst v63  }
0x8f: {  	s10 =	simm.s32 $0x9F80;
	s11 =	simm.s32 $0x16E00  }
0x90: {  	[tilespmem:s11], [sflag:$0x4] =	stream.indirect.gather [spmem:s2], $0x20, s10, s19, $0xb8;
	[tilespmem:$0x1BE00] =	vst v63  }
0x91: {  	s13 =	simm.s32 $0xA000  }
0x92: {  	[tilespmem:s29], [sflag:$0x5] =	stream.indirect.gather [spmem:s2], $0x20, s13, s19, $0xb8;
	[tilespmem:$0x1BE00] =	vst v63  }
0x93: {  	s17 =	simm.s32 $0xA080;
	s26 =	simm.s32 $0x18E00  }
0x94: {  	[tilespmem:s26], [sflag:$0x6] =	stream.indirect.gather [spmem:s2], $0x20, s17, s19, $0xb8;
	[tilespmem:$0x1BE00] =	vst v63  }
0x95: {  	s28 =	simm.s32 $0xA100  }
0x96: {  	[tilespmem:s1], [sflag:$0x7] =	stream.indirect.gather [spmem:s2], $0x20, s28, s19, $0xb8;
	[tilespmem:$0x1BE00] =	vst v63  }
0x97: {  	s9 =	simm.s32 $0x0;
	s30 =	simm.s32 $0xA180  }
0x98: {  	[tilespmem:s21], [sflag:$0x8] =	stream.indirect.gather [spmem:s2], $0x20, s30, s19, $0xb8;
	[tilespmem:$0x1BE00] =	vst v63  }
.LBB2_2:
0x99: {  	_ =	swait.ge [sflag:s12], $0x1000  }
0x9a: {  	s10 =	sshra.s32 s9, $0x2;
	[sflag:s12] =	ssyncset.done $0x0  }
0x9b: {  	p0 =	seq.s32 s9, $0x13000;
	s11 =	sadd.s32 $0xEE00, s10;
	[sflag:s12] =	ssyncadd.s32 $0xFFFFF000  }
0x9c: {  	[spmem:s3] =	stream.indirect.scatter.add.f32 [tilespmem:s20], [sflag:$0x9], $0x20, s11, s19, $0xb8;
	[tilespmem:$0x1BE00] =	vst v63  }
0x9d: {  	s11 =	simm.s32 @p0 $0x2  }
0x9e: {  	_ =	swait.ge @p0 [sflag:s11], $0x1000  }
0x9f: {  	s13 =	sshra.s32 @p0 s9, $0x2;
	s26 =	simm.s32 @p0 $0x80;
	[sflag:s11] =	ssyncset.done @p0 $0x0  }
0xa0: {  	s17 =	simm.s32 @p0 $0x14E00;
	[sflag:s11] =	ssyncadd.s32 @p0 $0xFFFFF000;
	s11 =	sadd.s32 @p0 $0xEE80, s13  }
0xa1: {  	[spmem:s3] =	stream.indirect.scatter.add.f32 @p0 [tilespmem:s17], [sflag:$0xA], $0x20, s11, s26, $0xb8;
	[tilespmem:$0x1BE00] =	vst v63  }
0xa2: {  	s11 =	simm.s32 @!p0 $0x9  }
0xa3: {  	_ =	swait.ge @!p0 [sflag:s11], $0x1000  }
0xa4: {  	[sflag:s11] =	ssyncset.done @!p0 $0x0  }
0xa5: {  	[sflag:s11] =	ssyncadd.s32 @!p0 $0xFFFFF000;
	s11 =	sshra.s32 @!p0 s9, $0x2  }
0xa6: {  	s30 =	simm.s32 @!p0 $0x13E00;
	s17 =	simm.s32 @!p0 $0x80;
	s28 =	sadd.s32 @!p0 $0xA200, s11  }
0xa7: {  	[tilespmem:s30], [sflag:$0x1] =	stream.indirect.gather @!p0 [spmem:s2], $0x20, s28, s17, $0xb8;
	[tilespmem:$0x1BE00] =	vst v63  }
0xa8: {  	s28 =	simm.s32 @!p0 $0x2  }
0xa9: {  	_ =	swait.ge @!p0 [sflag:s28], $0x1000  }
0xaa: {  	[sflag:s28] =	ssyncset.done @!p0 $0x0  }
0xab: {  	s30 =	simm.s32 @!p0 $0x14E00;
	[sflag:s28] =	ssyncadd.s32 @!p0 $0xFFFFF000;
	s28 =	sadd.s32 @!p0 $0xEE80, s11  }
0xac: {  	[spmem:s3] =	stream.indirect.scatter.add.f32 @!p0 [tilespmem:s30], [sflag:$0xA], $0x20, s28, s17, $0xb8;
	[tilespmem:$0x1BE00] =	vst v63  }
0xad: {  	s28 =	simm.s32 @!p0 $0xA  }
0xae: {  	_ =	swait.ge @!p0 [sflag:s28], $0x1000  }
0xaf: {  	[sflag:s28] =	ssyncset.done @!p0 $0x0  }
0xb0: {  	[sflag:s28] =	ssyncadd.s32 @!p0 $0xFFFFF000;
	s28 =	sadd.s32 @!p0 $0xA280, s11  }
0xb1: {  	[tilespmem:s30], [sflag:$0x2] =	stream.indirect.gather @!p0 [spmem:s2], $0x20, s28, s17, $0xb8;
	[tilespmem:$0x1BE00] =	vst v63  }
0xb2: {  	_ =	swait.ge [sflag:s22], $0x1000  }
0xb3: {  	[sflag:s22] =	ssyncset.done $0x0  }
0xb4: {  	s30 =	sadd.s32 $0xEF00, s10;
	s28 =	simm.s32 @p0 $0x4;
	[sflag:s22] =	ssyncadd.s32 $0xFFFFF000  }
0xb5: {  	[spmem:s3] =	stream.indirect.scatter.add.f32 [tilespmem:s24], [sflag:$0xB], $0x20, s30, s19, $0xb8;
	[tilespmem:$0x1BE00] =	vst v63  }
0xb6: {  	_ =	swait.ge @p0 [sflag:s28], $0x1000  }
0xb7: {  	[sflag:s28] =	ssyncset.done @p0 $0x0  }
0xb8: {  	s30 =	simm.s32 @p0 $0x16E00;
	[sflag:s28] =	ssyncadd.s32 @p0 $0xFFFFF000;
	s28 =	sadd.s32 @p0 $0xEF80, s13  }
0xb9: {  	[spmem:s3] =	stream.indirect.scatter.add.f32 @p0 [tilespmem:s30], [sflag:$0xC], $0x20, s28, s26, $0xb8;
	[tilespmem:$0x1BE00] =	vst v63  }
0xba: {  	s28 =	simm.s32 @!p0 $0xB  }
0xbb: {  	_ =	swait.ge @!p0 [sflag:s28], $0x1000  }
0xbc: {  	[sflag:s28] =	ssyncset.done @!p0 $0x0  }
0xbd: {  	s30 =	simm.s32 @!p0 $0x15E00;
	[sflag:s28] =	ssyncadd.s32 @!p0 $0xFFFFF000;
	s28 =	sadd.s32 @!p0 $0xA300, s11  }
0xbe: {  	[tilespmem:s30], [sflag:$0x3] =	stream.indirect.gather @!p0 [spmem:s2], $0x20, s28, s17, $0xb8;
	[tilespmem:$0x1BE00] =	vst v63  }
0xbf: {  	s28 =	simm.s32 @!p0 $0x4  }
0xc0: {  	_ =	swait.ge @!p0 [sflag:s28], $0x1000  }
0xc1: {  	[sflag:s28] =	ssyncset.done @!p0 $0x0  }
0xc2: {  	s30 =	simm.s32 @!p0 $0x16E00;
	[sflag:s28] =	ssyncadd.s32 @!p0 $0xFFFFF000;
	s28 =	sadd.s32 @!p0 $0xEF80, s11  }
0xc3: {  	[spmem:s3] =	stream.indirect.scatter.add.f32 @!p0 [tilespmem:s30], [sflag:$0xC], $0x20, s28, s17, $0xb8;
	[tilespmem:$0x1BE00] =	vst v63  }
0xc4: {  	s28 =	simm.s32 @!p0 $0xC  }
0xc5: {  	_ =	swait.ge @!p0 [sflag:s28], $0x1000  }
0xc6: {  	[sflag:s28] =	ssyncset.done @!p0 $0x0  }
0xc7: {  	[sflag:s28] =	ssyncadd.s32 @!p0 $0xFFFFF000;
	s28 =	sadd.s32 @!p0 $0xA380, s11  }
0xc8: {  	[tilespmem:s30], [sflag:$0x4] =	stream.indirect.gather @!p0 [spmem:s2], $0x20, s28, s17, $0xb8;
	[tilespmem:$0x1BE00] =	vst v63  }
0xc9: {  	_ =	swait.ge [sflag:s23], $0x1000  }
0xca: {  	[sflag:s23] =	ssyncset.done $0x0  }
0xcb: {  	s30 =	sadd.s32 $0xF000, s10;
	s28 =	simm.s32 @p0 $0x6;
	[sflag:s23] =	ssyncadd.s32 $0xFFFFF000  }
0xcc: {  	[spmem:s3] =	stream.indirect.scatter.add.f32 [tilespmem:s29], [sflag:$0xD], $0x20, s30, s19, $0xb8;
	[tilespmem:$0x1BE00] =	vst v63  }
0xcd: {  	_ =	swait.ge @p0 [sflag:s28], $0x1000  }
0xce: {  	[sflag:s28] =	ssyncset.done @p0 $0x0  }
0xcf: {  	s13 =	sadd.s32 @p0 $0xF080, s13;
	[sflag:s28] =	ssyncadd.s32 @p0 $0xFFFFF000;
	s28 =	simm.s32 @p0 $0x18E00  }
0xd0: {  	[spmem:s3] =	stream.indirect.scatter.add.f32 @p0 [tilespmem:s28], [sflag:$0xE], $0x20, s13, s26, $0xb8;
	[tilespmem:$0x1BE00] =	vst v63  }
0xd1: {  	s13 =	simm.s32 @!p0 $0xD  }
0xd2: {  	_ =	swait.ge @!p0 [sflag:s13], $0x1000  }
0xd3: {  	[sflag:s13] =	ssyncset.done @!p0 $0x0  }
0xd4: {  	s26 =	simm.s32 @!p0 $0x17E00;
	[sflag:s13] =	ssyncadd.s32 @!p0 $0xFFFFF000;
	s13 =	sadd.s32 @!p0 $0xA400, s11  }
0xd5: {  	[tilespmem:s26], [sflag:$0x5] =	stream.indirect.gather @!p0 [spmem:s2], $0x20, s13, s17, $0xb8;
	[tilespmem:$0x1BE00] =	vst v63  }
0xd6: {  	s13 =	simm.s32 @!p0 $0x6  }
0xd7: {  	_ =	swait.ge @!p0 [sflag:s13], $0x1000  }
0xd8: {  	[sflag:s13] =	ssyncset.done @!p0 $0x0  }
0xd9: {  	s26 =	simm.s32 @!p0 $0x18E00;
	[sflag:s13] =	ssyncadd.s32 @!p0 $0xFFFFF000;
	s13 =	sadd.s32 @!p0 $0xF080, s11  }
0xda: {  	[spmem:s3] =	stream.indirect.scatter.add.f32 @!p0 [tilespmem:s26], [sflag:$0xE], $0x20, s13, s17, $0xb8;
	[tilespmem:$0x1BE00] =	vst v63  }
0xdb: {  	s13 =	simm.s32 @!p0 $0xE  }
0xdc: {  	_ =	swait.ge @!p0 [sflag:s13], $0x1000  }
0xdd: {  	[sflag:s13] =	ssyncset.done @!p0 $0x0  }
0xde: {  	s11 =	sadd.s32 @!p0 $0xA480, s11;
	[sflag:s13] =	ssyncadd.s32 @!p0 $0xFFFFF000  }
0xdf: {  	[tilespmem:s26], [sflag:$0x6] =	stream.indirect.gather @!p0 [spmem:s2], $0x20, s11, s17, $0xb8;
	[tilespmem:$0x1BE00] =	vst v63  }
.Ltmp2:
0xe0: {  	_ = 	snop;
	(pc) =	sbr.rel @p0 .LBB2_4-.Ltmp2, $4  }
0xe1: {  	_ =	swait.ge [sflag:s25], $0x1000  }
0xe2: {  	[sflag:s25] =	ssyncset.done $0x0  }
0xe3: {  	s30 =	sadd.s32 $0xF100, s10;
	s11 =	sadd.s32 $0xF180, s10;
	[sflag:s25] =	ssyncadd.s32 $0xFFFFF000  }
0xe4: {  	[spmem:s3] =	stream.indirect.scatter.add.f32 [tilespmem:s1], [sflag:$0xF], $0x20, s30, s19, $0xb8;
	[tilespmem:$0x1BE00] =	vst v63  }
0xe5: {  	_ =	swait.ge [sflag:s4], $0x1000  }
0xe6: {  	[sflag:s4] =	ssyncset.done $0x0  }
0xe7: {  	s13 =	sadd.s32 $0xA500, s10;
	[sflag:s4] =	ssyncadd.s32 $0xFFFFF000  }
0xe8: {  	[tilespmem:s1], [sflag:$0x7] =	stream.indirect.gather [spmem:s2], $0x20, s13, s19, $0xb8;
	[tilespmem:$0x1BE00] =	vst v63  }
0xe9: {  	_ =	swait.ge [sflag:s14], $0x1000  }
0xea: {  	[sflag:s14] =	ssyncset.done $0x0  }
0xeb: {  	[sflag:s14] =	ssyncadd.s32 $0xFFFFF000  }
0xec: {  	[spmem:s3] =	stream.indirect.scatter.add.f32 [tilespmem:s21], [sflag:$0x10], $0x20, s11, s19, $0xb8;
	[tilespmem:$0x1BE00] =	vst v63  }
.Ltmp3:
0xed: {  	_ = 	snop;
	(pc) =	sbr.rel .LBB2_2-.Ltmp3, $4  }
0xee: {  	_ =	swait.ge [sflag:s7], $0x1000  }
0xef: {  	[sflag:s7] =	ssyncset.done $0x0  }
0xf0: {  	s30 =	sadd.s32 $0xA580, s10;
	s9 =	sadd.s32 $0x1000, s9;
	[sflag:s7] =	ssyncadd.s32 $0xFFFFF000  }
0xf1: {  	[tilespmem:s21], [sflag:$0x8] =	stream.indirect.gather [spmem:s2], $0x20, s30, s19, $0xb8;
	[tilespmem:$0x1BE00] =	vst v63  }
.LBB2_5:
0xf2: {  	_ =	sfence.sel $0x180000  }
0xf3: {  	[bflag:$0x0] =	sbarrier.arrive $0xFFFF  }
0xf4: {  	_ =	strace $0x9000004A  }
0xf5: {  	s0 =	stileid.u32;
	[bflag:$0x2] =	sbarrier.arrive $0xFFFF  }
0xf6: {  	p0 =	sne.s32 s0, $0x0;
	s0 =	rddreg [dreg:$0x3]  }
0xf7: {  	s0 =	sadd.s32 @!p0 $0x100000, s0  }
0xf8: {  	[sflag:s0] =	ssyncadd.tile.s32 @!p0 $0x1;
	_ =	shalt  }
.Lfunc_end2:
_tile_overlayer_lowered:
.L_overlay_start_2:
0xf9: {  	(tag) =	ssettag $0x2  }
0xfa: {  	s0 =	rddreg [dreg:$0x0];
	s2 =	stileid.u32  }
0xfb: {  	s1 =	rddreg [dreg:$0x1];
	p0 =	sne.s32 s2, $0x0  }
0xfc: {  	s3 =	rddreg [dreg:$0x2];
	[bflag:$0x3] =	sbarrier.arrive $0xFFFF;
	s2 =	simm.s32 @!p0 $0x1C11  }
0xfd: {  	[timem:s3], [sflag:s2] =	dma.local @!p0 [hbm:s0], s1  }
0xfe: {  	s0 =	simm.s32 @!p0 $0x11  }
0xff: {  	_ =	swait.ge @!p0 [sflag:s0], s1  }
0x100: {  	s1 =	ssub.s32 @!p0 $0x0, s1;
	[sflag:s0] =	ssyncset.done @!p0 $0x0  }
0x101: {  	[sflag:s0] =	ssyncadd.s32 @!p0 s1  }
0x102: {  	[bflag:$0x3] =	sbarrier.arrive $0xFFFF  }
0x103: {  	_ =	shalt  }

// kernel: kernel.15.cloned.1.call-start
scs
__scs_entry_jumppad:
0x0: {  	(pc) =	sbr.rel $0x88, $3  }
0x1: {  	(tag) =	ssettag $0x0;
	lr =	simm.s32 $0x1  }
0x2: {  	[smem:$0x3F96] =	sst lr;
	_ =	strace $0xD0000000  }
0x3: {  	_ = 	snop  }
0x4: {  	_ = 	snop  }
0x5: {  	_ = 	snop  }
0x6: {  	_ = 	snop  }
0x7: {  	_ = 	snop  }
__scs_overlays_trampoline_lowered:
0x8: {  	[smem:$0x3FA5] =	sst s0  }
0x9: {  	[smem:$0x3FA6] =	sst s1  }
0xa: {  	[smem:$0x3FA7] =	sst s2  }
0xb: {  	[smem:$0x3FA8] =	sst s3  }
0xc: {  	[smem:$0x3FA9] =	sst s4  }
0xd: {  	[smem:$0x3FAA] =	sst s5  }
0xe: {  	[smem:$0x3FAB] =	sst s6  }
0xf: {  	[smem:$0x3FAC] =	sst s7  }
0x10: {  	[smem:$0x3FAD] =	sst s8  }
0x11: {  	[smem:$0x3FAE] =	sst s9;
	s0 =	simm.s32 @!p0 $0x0  }
0x12: {  	s1 =	sld [smem:$0x3F94];
	s0 =	simm.s32 @p0 $0x1  }
0x13: {  	[smem:$0x3FAF] =	sst s0;
	s0 =	simm.s32 @!p1 $0x0  }
0x14: {  	s2 =	sld [smem:$0x3F93];
	s0 =	simm.s32 @p1 $0x1  }
0x15: {  	[smem:$0x3FB0] =	sst s0;
	s0 =	simm.s32 @!p2 $0x0  }
0x16: {  	s3 =	sld [smem:$0x3FDB];
	s0 =	simm.s32 @p2 $0x1  }
0x17: {  	s4 =	simm.s32 $0x1BF5;
	[smem:$0x3FB2] =	sst s0  }
0x18: {  	s0 =	sld [smem:$0x3F95];
	_ =	swait.ge [sflag:s4], $0x0  }
0x19: {  	s7 =	sld [smem:$0x3F96]  }
0x1a: {  	s8 =	sadd.s32 $0xFFFFE003, lr  }
0x1b: {  	s9 =	sadd.s32 $0xFFFFFEF7, lr;
	s5 =	simm.s32 $0xFFFFFFFF;
	p2 =	slt.u32 s8, $0xFFFFF086  }
0x1c: {  	p1 =	slt.u32 s9, $0xF7A;
	s5 =	simm.s32 @!p2 $0x0  }
0x1d: {  	s5 =	simm.s32 @p1 $0x1;
	p0 =	seq.s32 s7, s2  }
0x1e: {  	s7 =	smul.u32 @!p0 $0xF7A, s2;
	p2 =	seq.s32 @!p0 s5, $0x0  }
0x1f: {  	s9 =	smul.u32 $0xF7A, s1;
	s8 =	simm.s32 @!p0 $0x1BF5;
	p2 =	por !p2, p0  }
0x20: {  	[sflag:s8] =	ssyncset.s32 @!p0 $0xFFFFF086;
	s6 =	sadd.s32 @!p0 s3, s7;
	s7 =	simm.s32 @!p0 $0x108  }
0x21: {  	s3 =	sadd.s32 s3, s9;
	s6 =	sadd.s32 @!p0 $0x88, s6;
	s7 =	simm.s32 @p2 $0x1082  }
0x22: {  	[simem:s7], [sflag:s8] =	dma.local @!p0 [hbm:s6], $0xF7A  }
0x23: {  	s9 =	sor.u32 $0xD0000000, s2;
	s6 =	simm.s32 $0x108;
	_ =	swait.ge @!p0 [sflag:s8], $0x0  }
0x24: {  	s3 =	sadd.s32 $0x88, s3;
	s6 =	simm.s32 @!p1 $0x1082;
	[sflag:s4] =	ssyncset.s32 $0xFFFFF086  }
0x25: {  	[simem:s6], [sflag:s4] =	dma.local [hbm:s3], $0xF7A  }
0x26: {  	[smem:$0x3F96] =	sst s1;
	(tag) =	ssettag s2;
	_ =	strace s9  }
0x27: {  	s1 =	sld [smem:$0x3FA6]  }
0x28: {  	s2 =	sld [smem:$0x3FA7]  }
0x29: {  	s4 =	sld [smem:$0x3FA9]  }
0x2a: {  	p0 =	seq.s32 s5, $0x0;
	s5 =	sld [smem:$0x3FAA]  }
0x2b: {  	s6 =	sld [smem:$0x3FAB]  }
0x2c: {  	s7 =	sld [smem:$0x3FAC]  }
0x2d: {  	s3 =	simm.s32 $0x108;
	s8 =	sld [smem:$0x3FAD]  }
0x2e: {  	s3 =	simm.s32 @!p0 $0x1082;
	s9 =	sld [smem:$0x3FAE]  }
0x2f: {  	lr =	sadd.s32 s0, s3;
	s0 =	sld [smem:$0x3FA5]  }
0x30: {  	s3 =	sld [smem:$0x3FA8]  }
0x31: {  	[smem:$0x3FB1] =	sst s10  }
0x32: {  	s10 =	sld [smem:$0x3FAF];
	_ =	sdelay $0x3  }
0x33: {  	p0 =	seq.s32 s10, $0x1;
	s10 =	sld [smem:$0x3FB1];
	_ =	sdelay $0x3  }
0x34: {  	[smem:$0x3FB1] =	sst s10  }
0x35: {  	s10 =	sld [smem:$0x3FB0];
	_ =	sdelay $0x3  }
0x36: {  	p1 =	seq.s32 s10, $0x1;
	s10 =	sld [smem:$0x3FB1];
	_ =	sdelay $0x3  }
0x37: {  	[smem:$0x3FB1] =	sst s10  }
0x38: {  	s10 =	sld [smem:$0x3FB2]  }
0x39: {  	_ = 	snop;
	(pc) =	sbr.ind lr, $3  }
0x3a: {  	_ = 	snop  }
0x3b: {  	_ = 	snop  }
0x3c: {  	p2 =	seq.s32 s10, $0x1;
	s10 =	sld [smem:$0x3FB1]  }
0x3d: {  	_ =	shalt  }
0x3e: {  	_ =	shalt  }
0x3f: {  	_ =	shalt  }
0x40: {  	_ =	shalt  }
0x41: {  	_ =	shalt  }
0x42: {  	_ =	shalt  }
0x43: {  	_ =	shalt  }
0x44: {  	_ =	shalt  }
0x45: {  	_ =	shalt  }
0x46: {  	_ =	shalt  }
0x47: {  	_ =	shalt  }
0x48: {  	_ =	shalt  }
0x49: {  	_ =	shalt  }
0x4a: {  	_ =	shalt  }
0x4b: {  	_ =	shalt  }
0x4c: {  	_ =	shalt  }
0x4d: {  	_ =	shalt  }
0x4e: {  	_ =	shalt  }
0x4f: {  	_ =	shalt  }
0x50: {  	_ =	shalt  }
0x51: {  	_ =	shalt  }
0x52: {  	_ =	shalt  }
0x53: {  	_ =	shalt  }
0x54: {  	_ =	shalt  }
0x55: {  	_ =	shalt  }
0x56: {  	_ =	shalt  }
0x57: {  	_ =	shalt  }
0x58: {  	_ =	shalt  }
0x59: {  	_ =	shalt  }
0x5a: {  	_ =	shalt  }
0x5b: {  	_ =	shalt  }
0x5c: {  	_ =	shalt  }
0x5d: {  	_ =	shalt  }
0x5e: {  	_ =	shalt  }
0x5f: {  	_ =	shalt  }
0x60: {  	_ =	shalt  }
0x61: {  	_ =	shalt  }
0x62: {  	_ =	shalt  }
0x63: {  	_ =	shalt  }
0x64: {  	_ =	shalt  }
0x65: {  	_ =	shalt  }
0x66: {  	_ =	shalt  }
0x67: {  	_ =	shalt  }
0x68: {  	_ =	shalt  }
0x69: {  	_ =	shalt  }
0x6a: {  	_ =	shalt  }
0x6b: {  	_ =	shalt  }
0x6c: {  	_ =	shalt  }
0x6d: {  	_ =	shalt  }
0x6e: {  	_ =	shalt  }
0x6f: {  	_ =	shalt  }
0x70: {  	_ =	shalt  }
0x71: {  	_ =	shalt  }
0x72: {  	_ =	shalt  }
0x73: {  	_ =	shalt  }
0x74: {  	_ =	shalt  }
0x75: {  	_ =	shalt  }
0x76: {  	_ =	shalt  }
0x77: {  	_ =	shalt  }
0x78: {  	_ =	shalt  }
0x79: {  	_ =	shalt  }
0x7a: {  	_ =	shalt  }
0x7b: {  	_ =	shalt  }
0x7c: {  	_ =	shalt  }
0x7d: {  	_ =	shalt  }
0x7e: {  	_ =	shalt  }
0x7f: {  	_ =	shalt  }
0x80: {  	_ =	shalt  }
0x81: {  	_ =	shalt  }
0x82: {  	_ =	shalt  }
0x83: {  	_ =	shalt  }
0x84: {  	_ =	shalt  }
0x85: {  	_ =	shalt  }
0x86: {  	_ =	shalt  }
0x87: {  	_ =	shalt  }
.Lfunc_end0:
.L_simem_size_0:
called_computation.2_lowered:
.L_overlay_start_0:
0x88: {  	s2 =	sld [smem:$0x3FD9]  }
0x89: {  	s3 =	sld [smem:$0x3FFE];
	_ =	sdelay $0x1  }
0x8a: {  	s1 =	srdreg.scid  }
0x8b: {  	s0 =	sand.u32 $0x1, s1  }
0x8c: {  	s16 =	sshll.u32 s0, $0xA;
	s2 =	sadd.s32 s3, s2  }
0x8d: {  	s2 =	sadd.s32 s2, s16  }
0x8e: {  	[smem:$0x3FBD] =	sst s2  }
0x8f: {  	_ = 	snop  }
0x90: {  	(tm) =	ssettm $0x1  }
0x91: {  	s17 =	sld [smem:$0x3FFB];
	_ =	sdelay $0x3  }
0x92: {  	_ =	strace s17  }
0x93: {  	s2 =	sld [smem:$0x3FFC];
	_ =	sdelay $0x3  }
0x94: {  	_ =	strace s2  }
0x95: {  	s2 =	sld [smem:$0x3FFD];
	_ =	sdelay $0x3  }
0x96: {  	_ =	strace s2  }
0x97: {  	_ =	strace $0x8FFFFFFF  }
0x98: {  	s18 =	sld [smem:$0x3FDB];
	_ =	sdelay $0x1  }
0x99: {  	s19 =	simm.s32 $_scs_section_size  }
0x9a: {  	s4 =	simm.s32 $_size__tile_overlayer_lowered;
	s5 =	simm.s32 $_tile_overlayer_lowered  }
0x9b: {  	s22 =	simm.s32 $0x1BFF;
	s21 =	sshll.u32 s5, $0x1;
	s2 =	sadd.s32 s19, s18  }
0x9c: {  	s6 =	simm.s32 $0x0;
	s20 =	sshll.u32 s4, $0x1;
	s4 =	sadd.s32 s21, s2  }
0x9d: {  	[timem:s6], [sflag:s22] =	dma.local [hbm:s4], s20  }
0x9e: {  	_ =	swait.ge [sflag:s22], s20  }
0x9f: {  	s3 =	ssub.s32 $0x0, s20;
	[sflag:s22] =	ssyncset.done $0x0  }
0xa0: {  	[sflag:s22] =	ssyncadd.s32 s3;
	_ =	sdelay $0x1  }
0xa1: {  	s23 =	simm.s32 $0x1B8B  }
0xa2: {  	_ =	swait.ge [sflag:s23], $0x1  }
0xa3: {  	[sflag:s23] =	ssyncset.done $0x0  }
0xa4: {  	s25 =	simm.s32 $0x1B8E;
	s24 =	sld [smem:$0x3FFE];
	[sflag:s23] =	ssyncadd.s32 $0xFFFFFFFF  }
0xa5: {  	s26 =	simm.s32 $execute0_lowered;
	[smem:$0x3FD2] =	sst s25  }
0xa6: {  	s4 =	sshll.u32 s26, $0x1;
	_ =	strace $0x8000004C;
	[dreg:$0x1] =	wrdreg $0xFFFFFFFF  }
0xa7: {  	s28 =	simm.s32 $_size_execute0_lowered;
	s2 =	sadd.s32 s2, s4;
	[dreg:$0x0] =	wrdreg $0x0  }
0xa8: {  	s4 =	sshll.u32 s28, $0x1;
	[dreg:$0x2] =	wrdreg s2  }
0xa9: {  	[dreg:$0x3] =	wrdreg s4  }
0xaa: {  	[dreg:$0x4] =	wrdreg $0xC0  }
0xab: {  	_ =	task [dreg:s6], $0x5FFFF  }
0xac: {  	[dreg:$0x1] =	wrdreg $0xFFFFFFFF  }
0xad: {  	[dreg:$0x0] =	wrdreg $0x60  }
0xae: {  	[dreg:$0x2] =	wrdreg s24  }
0xaf: {  	[dreg:$0x3] =	wrdreg $0x4F000  }
0xb0: {  	[dreg:$0x4] =	wrdreg $0x0  }
0xb1: {  	[dreg:$0x5] =	wrdreg $0x9  }
0xb2: {  	_ =	task.clear_ibuf [dreg:s6], $0x6FFFF;
	_ =	strace $0x9000004C  }
0xb3: {  	s29 =	simm.s32 $0x9;
	_ =	strace $0x8000004E  }
0xb4: {  	_ =	swait.ge [sflag:s29], $0x1  }
0xb5: {  	[sflag:s29] =	ssyncadd.s32 $0xFFFFFFFF  }
0xb6: {  	_ =	strace $0x9000004E  }
0xb7: {  	_ =	sfence  }
0xb8: {  	s30 =	sld [smem:$0x0];
	_ =	sdelay $0x2  }
0xb9: {  	s31 =	sshll.u32 s1, $0xD;
	s1 =	sshrl.u32 s1, $0x2  }
0xba: {  	s3 =	sand.u32 $0x4000, s31;
	s1 =	sadd.s32 s1, s30  }
0xbb: {  	s0 =	sor.u32 s3, s0;
	s1 =	sshll.u32 s1, $0x11  }
0xbc: {  	s0 =	sor.u32 s1, s0  }
0xbd: {  	s0 =	sadd.s32 $0x8F2B, s0  }
0xbe: {  	[sflag:s0] =	ssyncadd.remote.s32 $0x1  }
0xbf: {  	_ =	sfence.sel $0xFFFF  }
0xc0: {  	[dreg:$0x0] =	wrdreg $0xFFFFFFFF;
	(pc) =	sbr.abs _section_cstart, $3  }
0xc1: {  	[dreg:$0x1] =	wrdreg $0xFFFFFFFF  }
0xc2: {  	_ =	task.clear_ibuf [dreg:s6], $0x2FFFF;
	_ =	strace $0x9FFFFFFF  }
0xc3: {  	(tm) =	ssettm $0x7FFFFFFF  }
tec
execute0_lowered:
.L_overlay_start_1:
0x0: {  	(tag) =	ssettag $0x1  }
0x1: {  	s0 =	rddreg [dreg:$0x0]  }
0x2: {  	s2 =	rddreg [dreg:$0x1]  }
0x3: {  	s3 =	rddreg [dreg:$0x2]  }
0x4: {  	s9 =	stileid.u32;
	s5 =	simm.s32 $0x0;
	s4 =	srdreg.scid  }
0x5: {  	s12 =	simm.s32 $0x1;
	s10 =	simm.s32 $0x4;
	s14 =	simm.s32 $0x8  }
0x6: {  	s15 =	simm.s32 $0x11;
	s19 =	simm.s32 $0x80;
	s20 =	simm.s32 $0x13E00  }
0x7: {  	s29 =	simm.s32 $0x17E00;
	s21 =	simm.s32 $0x1AE00;
	s22 =	simm.s32 $0x3  }
0x8: {  	s31 =	simm.s32 $0xC;
	s18 =	simm.s32 $0xE;
	s1 =	smul.u32 $0x4E20, s9  }
0x9: {  	[smem:$0x7FF] =	sst s5;
	s4 =	sand.u32 $0x1, s4;
	s23 =	smul.u32 $0x9E00, s9  }
0xa: {  	s7 =	smul.u32 $0x4F00, s9;
	s25 =	sshll.u32 s9, $0x6;
	_ =	strace $0x8000004D  }
0xb: {  	s6 =	sshll.u32 s4, $0x5;
	s4 =	ssub.s32 $0x2, s4;
	s1 =	sshrl.u32 s1, $0x3  }
0xc: {  	s5 =	sor.u32 s6, s23;
	s24 =	sshrl.u32 s4, $0x1;
	s8 =	sadd.s32 s7, s2  }
0xd: {  	s6 =	sor.u32 $0x1C11, s25;
	s7 =	sadd.s32 s7, s3;
	s23 =	simm.s32 $0x5  }
0xe: {  	s25 =	simm.s32 $0x7;
	s5 =	sshrl.u32 s5, $0x3;
	s1 =	sadd.s32 s1, s0  }
0xf: {  	s4 =	ssub.s32 s4, s24;
	s30 =	sshrl.u32 s8, $0x3;
	s16 =	sshrl.u32 s7, $0x3  }
0x10: {  	s24 =	simm.s32 $0x15E00;
	s7 =	simm.s32 $0x10;
	s8 =	simm.s32 $0x0  }
.Ltmp0:
0x11: {  	s26 =	sadd.s32 $0x2E00, s1;
	[dreg:$0x8] =	wrdreg s30;
	(pc) =	sbr.rel .LBB2_1-.Ltmp0, $4  }
0x12: {  	s0 =	sadd.s32 s5, s0;
	s1 =	sadd.s32 $0xCA40, s1;
	[dreg:$0x4] =	wrdreg s26  }
0x13: {  	s28 =	smax.u32 s4, $0x1;
	s4 =	simm.s32 $0xF;
	[dreg:$0x5] =	wrdreg s1  }
0x14: {  	s5 =	sadd.s32 $0x1CC00, s0;
	s0 =	sadd.s32 $0x30800, s0;
	[dreg:$0x7] =	wrdreg s28  }
0x15: {  	v0 =	vimm.s32 $0x2710;
	v1 =	vimm.s32 $0x2718;
	s1 =	simm.s32 $0x19E00;
	[dreg:$0x6] =	wrdreg s0;
	s0 =	simm.s32 $0xD  }
.LBB2_4:
0x16: {  	_ =	swait.ge [sflag:s14], $0x1000  }
0x17: {  	[sflag:s14] =	ssyncset.done $0x0  }
0x18: {  	s9 =	simm.s32 $0x9;
	[sflag:s14] =	ssyncadd.s32 $0xFFFFF000  }
0x19: {  	[spmem:s3] =	stream.indirect.scatter.add.f32 [tilespmem:s21], [sflag:$0x10], $0x20, s11, s19, $0xb8;
	[tilespmem:$0x1BE00] =	vst v63  }
0x1a: {  	_ =	swait.ge [sflag:s9], $0x1000  }
0x1b: {  	[sflag:s9] =	ssyncset.done $0x0  }
0x1c: {  	s17 =	simm.s32 $0xA;
	[sflag:s9] =	ssyncadd.s32 $0xFFFFF000  }
0x1d: {  	_ =	swait.ge [sflag:s17], $0x1000  }
0x1e: {  	[sflag:s17] =	ssyncset.done $0x0  }
0x1f: {  	s26 =	simm.s32 $0xB;
	[sflag:s17] =	ssyncadd.s32 $0xFFFFF000  }
0x20: {  	_ =	swait.ge [sflag:s26], $0x1000  }
0x21: {  	[sflag:s26] =	ssyncset.done $0x0  }
0x22: {  	[sflag:s26] =	ssyncadd.s32 $0xFFFFF000  }
0x23: {  	_ =	swait.ge [sflag:s31], $0x1000  }
0x24: {  	[sflag:s31] =	ssyncset.done $0x0  }
0x25: {  	[sflag:s31] =	ssyncadd.s32 $0xFFFFF000  }
0x26: {  	_ =	swait.ge [sflag:s0], $0x1000  }
0x27: {  	[sflag:s0] =	ssyncset.done $0x0  }
0x28: {  	[sflag:s0] =	ssyncadd.s32 $0xFFFFF000  }
0x29: {  	_ =	swait.ge [sflag:s18], $0x1000  }
0x2a: {  	[sflag:s18] =	ssyncset.done $0x0  }
0x2b: {  	[sflag:s18] =	ssyncadd.s32 $0xFFFFF000  }
0x2c: {  	_ =	swait.ge [sflag:s4], $0x1000  }
0x2d: {  	[sflag:s4] =	ssyncset.done $0x0  }
0x2e: {  	[sflag:s4] =	ssyncadd.s32 $0xFFFFF000  }
0x2f: {  	_ =	swait.ge [sflag:s7], $0x1000  }
0x30: {  	[sflag:s7] =	ssyncset.done $0x0  }
0x31: {  	[sflag:s7] =	ssyncadd.s32 $0xFFFFF000  }
0x32: {  	[bflag:$0x0] =	sbarrier.arrive $0xFFFF  }
0x33: {  	s10 =	simm.s32 $0x4;
	s28 =	rddreg [dreg:$0x6]  }
0x34: {  	[hbm:s28@s14], [sflag:s6] =	dma.strided [spmem:s16@s10], $0x9E0, s12, $0x4   }
0x35: {  	_ =	swait.ge [sflag:s15], $0x9E0  }
0x36: {  	s8 =	sadd.s32 $0x1, s8;
	s30 =	rddreg [dreg:$0x7]  }
0x37: {  	p0 =	sne.s32 s8, s30  }
.Ltmp1:
0x38: {  	_ = 	snop;
	(pc) =	sbr.rel @!p0 .LBB2_5-.Ltmp1, $3  }
0x39: {  	_ =	sdelay $0x1  }
0x3a: {  	[sflag:s15] =	ssyncset.done $0x0  }
0x3b: {  	[sflag:s15] =	ssyncadd.s32 $0xFFFFF620  }
.LBB2_1:
0x3c: {  	s9 =	rddreg [dreg:$0x8]  }
0x3d: {  	[spmem:s9@s10], [sflag:s6] =	dma.strided [hbm:s5@s14], $0x9E0, s12, $0x4   }
0x3e: {  	_ =	swait.ge [sflag:s15], $0x9E0  }
0x3f: {  	[sflag:s15] =	ssyncset.done $0x0  }
0x40: {  	[sflag:s15] =	ssyncadd.s32 $0xFFFFF620  }
0x41: {  	[spmem:s16@s10], [sflag:s6] =	dma.strided [hbm:s5@s14], $0x9E0, s12, $0x4   }
0x42: {  	_ =	swait.ge [sflag:s15], $0x9E0  }
0x43: {  	[sflag:s15] =	ssyncset.done $0x0  }
0x44: {  	[sflag:s15] =	ssyncadd.s32 $0xFFFFF620  }
0x45: {  	[tilespmem:$0xEC20] =	vst v0  }
0x46: {  	[tilespmem:$0xEC30] =	vst v0  }
0x47: {  	[tilespmem:$0xEC40] =	vst v0  }
0x48: {  	[tilespmem:$0xEC50] =	vst v0  }
0x49: {  	[tilespmem:$0xEC60] =	vst v0  }
0x4a: {  	[tilespmem:$0xEC70] =	vst v0  }
0x4b: {  	[tilespmem:$0xEC80] =	vst v0  }
0x4c: {  	[tilespmem:$0xEC90] =	vst v0  }
0x4d: {  	[tilespmem:$0xECA0] =	vst v0  }
0x4e: {  	[tilespmem:$0xECB0] =	vst v0  }
0x4f: {  	[tilespmem:$0xECC0] =	vst v0  }
0x50: {  	[tilespmem:$0xECD0] =	vst v0  }
0x51: {  	[tilespmem:$0xECE0] =	vst v0  }
0x52: {  	[tilespmem:$0xECF0] =	vst v0  }
0x53: {  	[tilespmem:$0xED00] =	vst v0  }
0x54: {  	[tilespmem:$0xED10] =	vst v0  }
0x55: {  	[tilespmem:$0xED20] =	vst v0  }
0x56: {  	[tilespmem:$0xED30] =	vst v0  }
0x57: {  	[tilespmem:$0xED40] =	vst v0  }
0x58: {  	[tilespmem:$0xED50] =	vst v0  }
0x59: {  	[tilespmem:$0xED60] =	vst v0  }
0x5a: {  	[tilespmem:$0xED70] =	vst v0  }
0x5b: {  	[tilespmem:$0xED80] =	vst v0  }
0x5c: {  	[tilespmem:$0xED90] =	vst v0  }
0x5d: {  	[tilespmem:$0xEDA0] =	vst v0  }
0x5e: {  	[tilespmem:$0xEDB0] =	vst v0  }
0x5f: {  	[tilespmem:$0xEDC0] =	vst v0  }
0x60: {  	[tilespmem:$0xEDD0] =	vst v0  }
0x61: {  	[tilespmem:$0xEDE0] =	vst v0  }
0x62: {  	[tilespmem:$0xEDF0] =	vst v0  }
0x63: {  	[tilespmem:$0x13C20] =	vst v1  }
0x64: {  	[tilespmem:$0x13C30] =	vst v1  }
0x65: {  	[tilespmem:$0x13C40] =	vst v1  }
0x66: {  	[tilespmem:$0x13C50] =	vst v1  }
0x67: {  	[tilespmem:$0x13C60] =	vst v1  }
0x68: {  	[tilespmem:$0x13C70] =	vst v1  }
0x69: {  	[tilespmem:$0x13C80] =	vst v1  }
0x6a: {  	[tilespmem:$0x13C90] =	vst v1  }
0x6b: {  	[tilespmem:$0x13CA0] =	vst v1  }
0x6c: {  	[tilespmem:$0x13CB0] =	vst v1  }
0x6d: {  	[tilespmem:$0x13CC0] =	vst v1  }
0x6e: {  	[tilespmem:$0x13CD0] =	vst v1  }
0x6f: {  	[tilespmem:$0x13CE0] =	vst v1  }
0x70: {  	[tilespmem:$0x13CF0] =	vst v1  }
0x71: {  	[tilespmem:$0x13D00] =	vst v1  }
0x72: {  	[tilespmem:$0x13D10] =	vst v1  }
0x73: {  	[tilespmem:$0x13D20] =	vst v1  }
0x74: {  	[tilespmem:$0x13D30] =	vst v1  }
0x75: {  	[tilespmem:$0x13D40] =	vst v1  }
0x76: {  	[tilespmem:$0x13D50] =	vst v1  }
0x77: {  	[tilespmem:$0x13D60] =	vst v1  }
0x78: {  	[tilespmem:$0x13D70] =	vst v1  }
0x79: {  	[tilespmem:$0x13D80] =	vst v1  }
0x7a: {  	[tilespmem:$0x13D90] =	vst v1  }
0x7b: {  	[tilespmem:$0x13DA0] =	vst v1  }
0x7c: {  	[tilespmem:$0x13DB0] =	vst v1  }
0x7d: {  	[tilespmem:$0x13DC0] =	vst v1  }
0x7e: {  	[tilespmem:$0x13DD0] =	vst v1  }
0x7f: {  	[tilespmem:$0x13DE0] =	vst v1  }
0x80: {  	s30 =	simm.s32 $0x0;
	s11 =	simm.s32 $0x9E00;
	s13 =	rddreg [dreg:$0x4];
	[tilespmem:$0x13DF0] =	vst v1  }
0x81: {  	[tilespmem:s11], [sflag:$0x11] =	stream.linear.gather [hbm4b:s13+s30], $0x4E20, $0x38;
	[tilespmem:$0x1BE00] =	vst v63  }
0x82: {  	_ =	swait.ge [sflag:s15], $0x4E20  }
0x83: {  	[sflag:s15] =	ssyncset.done $0x0  }
0x84: {  	s13 =	simm.s32 $0xEE00;
	s17 =	rddreg [dreg:$0x5];
	[sflag:s15] =	ssyncadd.s32 $0xFFFFB1E0  }
0x85: {  	[tilespmem:s13], [sflag:$0x11] =	stream.linear.gather [hbm4b:s17+s30], $0x4E20, $0x38;
	[tilespmem:$0x1BE00] =	vst v63  }
0x86: {  	_ =	swait.ge [sflag:s15], $0x4E20  }
0x87: {  	[sflag:s15] =	ssyncset.done $0x0  }
0x88: {  	[sflag:s15] =	ssyncadd.s32 $0xFFFFB1E0  }
0x89: {  	[bflag:$0x0] =	sbarrier.arrive $0xFFFF  }
0x8a: {  	[tilespmem:s20], [sflag:$0x1] =	stream.indirect.gather [spmem:s2], $0x20, s11, s19, $0xb8;
	[tilespmem:$0x1BE00] =	vst v63  }
0x8b: {  	s26 =	simm.s32 $0x9E80;
	s28 =	simm.s32 $0x14E00  }
0x8c: {  	[tilespmem:s28], [sflag:$0x2] =	stream.indirect.gather [spmem:s2], $0x20, s26, s19, $0xb8;
	[tilespmem:$0x1BE00] =	vst v63  }
0x8d: {  	s30 =	simm.s32 $0x9F00  }
0x8e: {  	[tilespmem:s24], [sflag:$0x3] =	stream.indirect.gather [spmem:s2], $0x20, s30, s19, $0xb8;
	[tilespmem:$0x1BE00] =	vst v63  }
0x8f: {  	s10 =	simm.s32 $0x9F80;
	s11 =	simm.s32 $0x16E00  }
0x90: {  	[tilespmem:s11], [sflag:$0x4] =	stream.indirect.gather [spmem:s2], $0x20, s10, s19, $0xb8;
	[tilespmem:$0x1BE00] =	vst v63  }
0x91: {  	s13 =	simm.s32 $0xA000  }
0x92: {  	[tilespmem:s29], [sflag:$0x5] =	stream.indirect.gather [spmem:s2], $0x20, s13, s19, $0xb8;
	[tilespmem:$0x1BE00] =	vst v63  }
0x93: {  	s17 =	simm.s32 $0xA080;
	s26 =	simm.s32 $0x18E00  }
0x94: {  	[tilespmem:s26], [sflag:$0x6] =	stream.indirect.gather [spmem:s2], $0x20, s17, s19, $0xb8;
	[tilespmem:$0x1BE00] =	vst v63  }
0x95: {  	s28 =	simm.s32 $0xA100  }
0x96: {  	[tilespmem:s1], [sflag:$0x7] =	stream.indirect.gather [spmem:s2], $0x20, s28, s19, $0xb8;
	[tilespmem:$0x1BE00] =	vst v63  }
0x97: {  	s9 =	simm.s32 $0x0;
	s30 =	simm.s32 $0xA180  }
0x98: {  	[tilespmem:s21], [sflag:$0x8] =	stream.indirect.gather [spmem:s2], $0x20, s30, s19, $0xb8;
	[tilespmem:$0x1BE00] =	vst v63  }
.LBB2_2:
0x99: {  	_ =	swait.ge [sflag:s12], $0x1000  }
0x9a: {  	s10 =	sshra.s32 s9, $0x2;
	[sflag:s12] =	ssyncset.done $0x0  }
0x9b: {  	p0 =	seq.s32 s9, $0x13000;
	s11 =	sadd.s32 $0xEE00, s10;
	[sflag:s12] =	ssyncadd.s32 $0xFFFFF000  }
0x9c: {  	[spmem:s3] =	stream.indirect.scatter.add.f32 [tilespmem:s20], [sflag:$0x9], $0x20, s11, s19, $0xb8;
	[tilespmem:$0x1BE00] =	vst v63  }
0x9d: {  	s11 =	simm.s32 @p0 $0x2  }
0x9e: {  	_ =	swait.ge @p0 [sflag:s11], $0x1000  }
0x9f: {  	s13 =	sshra.s32 @p0 s9, $0x2;
	s26 =	simm.s32 @p0 $0x80;
	[sflag:s11] =	ssyncset.done @p0 $0x0  }
0xa0: {  	s17 =	simm.s32 @p0 $0x14E00;
	[sflag:s11] =	ssyncadd.s32 @p0 $0xFFFFF000;
	s11 =	sadd.s32 @p0 $0xEE80, s13  }
0xa1: {  	[spmem:s3] =	stream.indirect.scatter.add.f32 @p0 [tilespmem:s17], [sflag:$0xA], $0x20, s11, s26, $0xb8;
	[tilespmem:$0x1BE00] =	vst v63  }
0xa2: {  	s11 =	simm.s32 @!p0 $0x9  }
0xa3: {  	_ =	swait.ge @!p0 [sflag:s11], $0x1000  }
0xa4: {  	[sflag:s11] =	ssyncset.done @!p0 $0x0  }
0xa5: {  	[sflag:s11] =	ssyncadd.s32 @!p0 $0xFFFFF000;
	s11 =	sshra.s32 @!p0 s9, $0x2  }
0xa6: {  	s30 =	simm.s32 @!p0 $0x13E00;
	s17 =	simm.s32 @!p0 $0x80;
	s28 =	sadd.s32 @!p0 $0xA200, s11  }
0xa7: {  	[tilespmem:s30], [sflag:$0x1] =	stream.indirect.gather @!p0 [spmem:s2], $0x20, s28, s17, $0xb8;
	[tilespmem:$0x1BE00] =	vst v63  }
0xa8: {  	s28 =	simm.s32 @!p0 $0x2  }
0xa9: {  	_ =	swait.ge @!p0 [sflag:s28], $0x1000  }
0xaa: {  	[sflag:s28] =	ssyncset.done @!p0 $0x0  }
0xab: {  	s30 =	simm.s32 @!p0 $0x14E00;
	[sflag:s28] =	ssyncadd.s32 @!p0 $0xFFFFF000;
	s28 =	sadd.s32 @!p0 $0xEE80, s11  }
0xac: {  	[spmem:s3] =	stream.indirect.scatter.add.f32 @!p0 [tilespmem:s30], [sflag:$0xA], $0x20, s28, s17, $0xb8;
	[tilespmem:$0x1BE00] =	vst v63  }
0xad: {  	s28 =	simm.s32 @!p0 $0xA  }
0xae: {  	_ =	swait.ge @!p0 [sflag:s28], $0x1000  }
0xaf: {  	[sflag:s28] =	ssyncset.done @!p0 $0x0  }
0xb0: {  	[sflag:s28] =	ssyncadd.s32 @!p0 $0xFFFFF000;
	s28 =	sadd.s32 @!p0 $0xA280, s11  }
0xb1: {  	[tilespmem:s30], [sflag:$0x2] =	stream.indirect.gather @!p0 [spmem:s2], $0x20, s28, s17, $0xb8;
	[tilespmem:$0x1BE00] =	vst v63  }
0xb2: {  	_ =	swait.ge [sflag:s22], $0x1000  }
0xb3: {  	[sflag:s22] =	ssyncset.done $0x0  }
0xb4: {  	s30 =	sadd.s32 $0xEF00, s10;
	s28 =	simm.s32 @p0 $0x4;
	[sflag:s22] =	ssyncadd.s32 $0xFFFFF000  }
0xb5: {  	[spmem:s3] =	stream.indirect.scatter.add.f32 [tilespmem:s24], [sflag:$0xB], $0x20, s30, s19, $0xb8;
	[tilespmem:$0x1BE00] =	vst v63  }
0xb6: {  	_ =	swait.ge @p0 [sflag:s28], $0x1000  }
0xb7: {  	[sflag:s28] =	ssyncset.done @p0 $0x0  }
0xb8: {  	s30 =	simm.s32 @p0 $0x16E00;
	[sflag:s28] =	ssyncadd.s32 @p0 $0xFFFFF000;
	s28 =	sadd.s32 @p0 $0xEF80, s13  }
0xb9: {  	[spmem:s3] =	stream.indirect.scatter.add.f32 @p0 [tilespmem:s30], [sflag:$0xC], $0x20, s28, s26, $0xb8;
	[tilespmem:$0x1BE00] =	vst v63  }
0xba: {  	s28 =	simm.s32 @!p0 $0xB  }
0xbb: {  	_ =	swait.ge @!p0 [sflag:s28], $0x1000  }
0xbc: {  	[sflag:s28] =	ssyncset.done @!p0 $0x0  }
0xbd: {  	s30 =	simm.s32 @!p0 $0x15E00;
	[sflag:s28] =	ssyncadd.s32 @!p0 $0xFFFFF000;
	s28 =	sadd.s32 @!p0 $0xA300, s11  }
0xbe: {  	[tilespmem:s30], [sflag:$0x3] =	stream.indirect.gather @!p0 [spmem:s2], $0x20, s28, s17, $0xb8;
	[tilespmem:$0x1BE00] =	vst v63  }
0xbf: {  	s28 =	simm.s32 @!p0 $0x4  }
0xc0: {  	_ =	swait.ge @!p0 [sflag:s28], $0x1000  }
0xc1: {  	[sflag:s28] =	ssyncset.done @!p0 $0x0  }
0xc2: {  	s30 =	simm.s32 @!p0 $0x16E00;
	[sflag:s28] =	ssyncadd.s32 @!p0 $0xFFFFF000;
	s28 =	sadd.s32 @!p0 $0xEF80, s11  }
0xc3: {  	[spmem:s3] =	stream.indirect.scatter.add.f32 @!p0 [tilespmem:s30], [sflag:$0xC], $0x20, s28, s17, $0xb8;
	[tilespmem:$0x1BE00] =	vst v63  }
0xc4: {  	s28 =	simm.s32 @!p0 $0xC  }
0xc5: {  	_ =	swait.ge @!p0 [sflag:s28], $0x1000  }
0xc6: {  	[sflag:s28] =	ssyncset.done @!p0 $0x0  }
0xc7: {  	[sflag:s28] =	ssyncadd.s32 @!p0 $0xFFFFF000;
	s28 =	sadd.s32 @!p0 $0xA380, s11  }
0xc8: {  	[tilespmem:s30], [sflag:$0x4] =	stream.indirect.gather @!p0 [spmem:s2], $0x20, s28, s17, $0xb8;
	[tilespmem:$0x1BE00] =	vst v63  }
0xc9: {  	_ =	swait.ge [sflag:s23], $0x1000  }
0xca: {  	[sflag:s23] =	ssyncset.done $0x0  }
0xcb: {  	s30 =	sadd.s32 $0xF000, s10;
	s28 =	simm.s32 @p0 $0x6;
	[sflag:s23] =	ssyncadd.s32 $0xFFFFF000  }
0xcc: {  	[spmem:s3] =	stream.indirect.scatter.add.f32 [tilespmem:s29], [sflag:$0xD], $0x20, s30, s19, $0xb8;
	[tilespmem:$0x1BE00] =	vst v63  }
0xcd: {  	_ =	swait.ge @p0 [sflag:s28], $0x1000  }
0xce: {  	[sflag:s28] =	ssyncset.done @p0 $0x0  }
0xcf: {  	s13 =	sadd.s32 @p0 $0xF080, s13;
	[sflag:s28] =	ssyncadd.s32 @p0 $0xFFFFF000;
	s28 =	simm.s32 @p0 $0x18E00  }
0xd0: {  	[spmem:s3] =	stream.indirect.scatter.add.f32 @p0 [tilespmem:s28], [sflag:$0xE], $0x20, s13, s26, $0xb8;
	[tilespmem:$0x1BE00] =	vst v63  }
0xd1: {  	s13 =	simm.s32 @!p0 $0xD  }
0xd2: {  	_ =	swait.ge @!p0 [sflag:s13], $0x1000  }
0xd3: {  	[sflag:s13] =	ssyncset.done @!p0 $0x0  }
0xd4: {  	s26 =	simm.s32 @!p0 $0x17E00;
	[sflag:s13] =	ssyncadd.s32 @!p0 $0xFFFFF000;
	s13 =	sadd.s32 @!p0 $0xA400, s11  }
0xd5: {  	[tilespmem:s26], [sflag:$0x5] =	stream.indirect.gather @!p0 [spmem:s2], $0x20, s13, s17, $0xb8;
	[tilespmem:$0x1BE00] =	vst v63  }
0xd6: {  	s13 =	simm.s32 @!p0 $0x6  }
0xd7: {  	_ =	swait.ge @!p0 [sflag:s13], $0x1000  }
0xd8: {  	[sflag:s13] =	ssyncset.done @!p0 $0x0  }
0xd9: {  	s26 =	simm.s32 @!p0 $0x18E00;
	[sflag:s13] =	ssyncadd.s32 @!p0 $0xFFFFF000;
	s13 =	sadd.s32 @!p0 $0xF080, s11  }
0xda: {  	[spmem:s3] =	stream.indirect.scatter.add.f32 @!p0 [tilespmem:s26], [sflag:$0xE], $0x20, s13, s17, $0xb8;
	[tilespmem:$0x1BE00] =	vst v63  }
0xdb: {  	s13 =	simm.s32 @!p0 $0xE  }
0xdc: {  	_ =	swait.ge @!p0 [sflag:s13], $0x1000  }
0xdd: {  	[sflag:s13] =	ssyncset.done @!p0 $0x0  }
0xde: {  	s11 =	sadd.s32 @!p0 $0xA480, s11;
	[sflag:s13] =	ssyncadd.s32 @!p0 $0xFFFFF000  }
0xdf: {  	[tilespmem:s26], [sflag:$0x6] =	stream.indirect.gather @!p0 [spmem:s2], $0x20, s11, s17, $0xb8;
	[tilespmem:$0x1BE00] =	vst v63  }
.Ltmp2:
0xe0: {  	_ = 	snop;
	(pc) =	sbr.rel @p0 .LBB2_4-.Ltmp2, $4  }
0xe1: {  	_ =	swait.ge [sflag:s25], $0x1000  }
0xe2: {  	[sflag:s25] =	ssyncset.done $0x0  }
0xe3: {  	s30 =	sadd.s32 $0xF100, s10;
	s11 =	sadd.s32 $0xF180, s10;
	[sflag:s25] =	ssyncadd.s32 $0xFFFFF000  }
0xe4: {  	[spmem:s3] =	stream.indirect.scatter.add.f32 [tilespmem:s1], [sflag:$0xF], $0x20, s30, s19, $0xb8;
	[tilespmem:$0x1BE00] =	vst v63  }
0xe5: {  	_ =	swait.ge [sflag:s4], $0x1000  }
0xe6: {  	[sflag:s4] =	ssyncset.done $0x0  }
0xe7: {  	s13 =	sadd.s32 $0xA500, s10;
	[sflag:s4] =	ssyncadd.s32 $0xFFFFF000  }
0xe8: {  	[tilespmem:s1], [sflag:$0x7] =	stream.indirect.gather [spmem:s2], $0x20, s13, s19, $0xb8;
	[tilespmem:$0x1BE00] =	vst v63  }
0xe9: {  	_ =	swait.ge [sflag:s14], $0x1000  }
0xea: {  	[sflag:s14] =	ssyncset.done $0x0  }
0xeb: {  	[sflag:s14] =	ssyncadd.s32 $0xFFFFF000  }
0xec: {  	[spmem:s3] =	stream.indirect.scatter.add.f32 [tilespmem:s21], [sflag:$0x10], $0x20, s11, s19, $0xb8;
	[tilespmem:$0x1BE00] =	vst v63  }
.Ltmp3:
0xed: {  	_ = 	snop;
	(pc) =	sbr.rel .LBB2_2-.Ltmp3, $4  }
0xee: {  	_ =	swait.ge [sflag:s7], $0x1000  }
0xef: {  	[sflag:s7] =	ssyncset.done $0x0  }
0xf0: {  	s30 =	sadd.s32 $0xA580, s10;
	s9 =	sadd.s32 $0x1000, s9;
	[sflag:s7] =	ssyncadd.s32 $0xFFFFF000  }
0xf1: {  	[tilespmem:s21], [sflag:$0x8] =	stream.indirect.gather [spmem:s2], $0x20, s30, s19, $0xb8;
	[tilespmem:$0x1BE00] =	vst v63  }
.LBB2_5:
0xf2: {  	_ =	sfence.sel $0x180000  }
0xf3: {  	[bflag:$0x0] =	sbarrier.arrive $0xFFFF  }
0xf4: {  	_ =	strace $0x9000004D  }
0xf5: {  	s0 =	stileid.u32;
	[bflag:$0x2] =	sbarrier.arrive $0xFFFF  }
0xf6: {  	p0 =	sne.s32 s0, $0x0;
	s0 =	rddreg [dreg:$0x3]  }
0xf7: {  	s0 =	sadd.s32 @!p0 $0x100000, s0  }
0xf8: {  	[sflag:s0] =	ssyncadd.tile.s32 @!p0 $0x1;
	_ =	shalt  }
.Lfunc_end2:
_tile_overlayer_lowered:
.L_overlay_start_2:
0xf9: {  	(tag) =	ssettag $0x2  }
0xfa: {  	s0 =	rddreg [dreg:$0x0];
	s2 =	stileid.u32  }
0xfb: {  	s1 =	rddreg [dreg:$0x1];
	p0 =	sne.s32 s2, $0x0  }
0xfc: {  	s3 =	rddreg [dreg:$0x2];
	[bflag:$0x3] =	sbarrier.arrive $0xFFFF;
	s2 =	simm.s32 @!p0 $0x1C11  }
0xfd: {  	[timem:s3], [sflag:s2] =	dma.local @!p0 [hbm:s0], s1  }
0xfe: {  	s0 =	simm.s32 @!p0 $0x11  }
0xff: {  	_ =	swait.ge @!p0 [sflag:s0], s1  }
0x100: {  	s1 =	ssub.s32 @!p0 $0x0, s1;
	[sflag:s0] =	ssyncset.done @!p0 $0x0  }
0x101: {  	[sflag:s0] =	ssyncadd.s32 @!p0 s1  }
0x102: {  	[bflag:$0x3] =	sbarrier.arrive $0xFFFF  }
0x103: {  	_ =	shalt  }

// kernel: kernel.9.cloned.1.call-start
scs
__scs_entry_jumppad:
0x0: {  	(pc) =	sbr.rel $0x88, $3  }
0x1: {  	(tag) =	ssettag $0x0;
	lr =	simm.s32 $0x1  }
0x2: {  	[smem:$0x3F96] =	sst lr;
	_ =	strace $0xD0000000  }
0x3: {  	_ = 	snop  }
0x4: {  	_ = 	snop  }
0x5: {  	_ = 	snop  }
0x6: {  	_ = 	snop  }
0x7: {  	_ = 	snop  }
__scs_overlays_trampoline_lowered:
0x8: {  	[smem:$0x3FA5] =	sst s0  }
0x9: {  	[smem:$0x3FA6] =	sst s1  }
0xa: {  	[smem:$0x3FA7] =	sst s2  }
0xb: {  	[smem:$0x3FA8] =	sst s3  }
0xc: {  	[smem:$0x3FA9] =	sst s4  }
0xd: {  	[smem:$0x3FAA] =	sst s5  }
0xe: {  	[smem:$0x3FAB] =	sst s6  }
0xf: {  	[smem:$0x3FAC] =	sst s7  }
0x10: {  	[smem:$0x3FAD] =	sst s8  }
0x11: {  	[smem:$0x3FAE] =	sst s9;
	s0 =	simm.s32 @!p0 $0x0  }
0x12: {  	s1 =	sld [smem:$0x3F94];
	s0 =	simm.s32 @p0 $0x1  }
0x13: {  	[smem:$0x3FAF] =	sst s0;
	s0 =	simm.s32 @!p1 $0x0  }
0x14: {  	s2 =	sld [smem:$0x3F93];
	s0 =	simm.s32 @p1 $0x1  }
0x15: {  	[smem:$0x3FB0] =	sst s0;
	s0 =	simm.s32 @!p2 $0x0  }
0x16: {  	s3 =	sld [smem:$0x3FDB];
	s0 =	simm.s32 @p2 $0x1  }
0x17: {  	s4 =	simm.s32 $0x1BF5;
	[smem:$0x3FB2] =	sst s0  }
0x18: {  	s0 =	sld [smem:$0x3F95];
	_ =	swait.ge [sflag:s4], $0x0  }
0x19: {  	s7 =	sld [smem:$0x3F96]  }
0x1a: {  	s8 =	sadd.s32 $0xFFFFE003, lr  }
0x1b: {  	s9 =	sadd.s32 $0xFFFFFEF7, lr;
	s5 =	simm.s32 $0xFFFFFFFF;
	p2 =	slt.u32 s8, $0xFFFFF086  }
0x1c: {  	p1 =	slt.u32 s9, $0xF7A;
	s5 =	simm.s32 @!p2 $0x0  }
0x1d: {  	s5 =	simm.s32 @p1 $0x1;
	p0 =	seq.s32 s7, s2  }
0x1e: {  	s7 =	smul.u32 @!p0 $0xF7A, s2;
	p2 =	seq.s32 @!p0 s5, $0x0  }
0x1f: {  	s9 =	smul.u32 $0xF7A, s1;
	s8 =	simm.s32 @!p0 $0x1BF5;
	p2 =	por !p2, p0  }
0x20: {  	[sflag:s8] =	ssyncset.s32 @!p0 $0xFFFFF086;
	s6 =	sadd.s32 @!p0 s3, s7;
	s7 =	simm.s32 @!p0 $0x108  }
0x21: {  	s3 =	sadd.s32 s3, s9;
	s6 =	sadd.s32 @!p0 $0x88, s6;
	s7 =	simm.s32 @p2 $0x1082  }
0x22: {  	[simem:s7], [sflag:s8] =	dma.local @!p0 [hbm:s6], $0xF7A  }
0x23: {  	s9 =	sor.u32 $0xD0000000, s2;
	s6 =	simm.s32 $0x108;
	_ =	swait.ge @!p0 [sflag:s8], $0x0  }
0x24: {  	s3 =	sadd.s32 $0x88, s3;
	s6 =	simm.s32 @!p1 $0x1082;
	[sflag:s4] =	ssyncset.s32 $0xFFFFF086  }
0x25: {  	[simem:s6], [sflag:s4] =	dma.local [hbm:s3], $0xF7A  }
0x26: {  	[smem:$0x3F96] =	sst s1;
	(tag) =	ssettag s2;
	_ =	strace s9  }
0x27: {  	s1 =	sld [smem:$0x3FA6]  }
0x28: {  	s2 =	sld [smem:$0x3FA7]  }
0x29: {  	s4 =	sld [smem:$0x3FA9]  }
0x2a: {  	p0 =	seq.s32 s5, $0x0;
	s5 =	sld [smem:$0x3FAA]  }
0x2b: {  	s6 =	sld [smem:$0x3FAB]  }
0x2c: {  	s7 =	sld [smem:$0x3FAC]  }
0x2d: {  	s3 =	simm.s32 $0x108;
	s8 =	sld [smem:$0x3FAD]  }
0x2e: {  	s3 =	simm.s32 @!p0 $0x1082;
	s9 =	sld [smem:$0x3FAE]  }
0x2f: {  	lr =	sadd.s32 s0, s3;
	s0 =	sld [smem:$0x3FA5]  }
0x30: {  	s3 =	sld [smem:$0x3FA8]  }
0x31: {  	[smem:$0x3FB1] =	sst s10  }
0x32: {  	s10 =	sld [smem:$0x3FAF];
	_ =	sdelay $0x3  }
0x33: {  	p0 =	seq.s32 s10, $0x1;
	s10 =	sld [smem:$0x3FB1];
	_ =	sdelay $0x3  }
0x34: {  	[smem:$0x3FB1] =	sst s10  }
0x35: {  	s10 =	sld [smem:$0x3FB0];
	_ =	sdelay $0x3  }
0x36: {  	p1 =	seq.s32 s10, $0x1;
	s10 =	sld [smem:$0x3FB1];
	_ =	sdelay $0x3  }
0x37: {  	[smem:$0x3FB1] =	sst s10  }
0x38: {  	s10 =	sld [smem:$0x3FB2]  }
0x39: {  	_ = 	snop;
	(pc) =	sbr.ind lr, $3  }
0x3a: {  	_ = 	snop  }
0x3b: {  	_ = 	snop  }
0x3c: {  	p2 =	seq.s32 s10, $0x1;
	s10 =	sld [smem:$0x3FB1]  }
0x3d: {  	_ =	shalt  }
0x3e: {  	_ =	shalt  }
0x3f: {  	_ =	shalt  }
0x40: {  	_ =	shalt  }
0x41: {  	_ =	shalt  }
0x42: {  	_ =	shalt  }
0x43: {  	_ =	shalt  }
0x44: {  	_ =	shalt  }
0x45: {  	_ =	shalt  }
0x46: {  	_ =	shalt  }
0x47: {  	_ =	shalt  }
0x48: {  	_ =	shalt  }
0x49: {  	_ =	shalt  }
0x4a: {  	_ =	shalt  }
0x4b: {  	_ =	shalt  }
0x4c: {  	_ =	shalt  }
0x4d: {  	_ =	shalt  }
0x4e: {  	_ =	shalt  }
0x4f: {  	_ =	shalt  }
0x50: {  	_ =	shalt  }
0x51: {  	_ =	shalt  }
0x52: {  	_ =	shalt  }
0x53: {  	_ =	shalt  }
0x54: {  	_ =	shalt  }
0x55: {  	_ =	shalt  }
0x56: {  	_ =	shalt  }
0x57: {  	_ =	shalt  }
0x58: {  	_ =	shalt  }
0x59: {  	_ =	shalt  }
0x5a: {  	_ =	shalt  }
0x5b: {  	_ =	shalt  }
0x5c: {  	_ =	shalt  }
0x5d: {  	_ =	shalt  }
0x5e: {  	_ =	shalt  }
0x5f: {  	_ =	shalt  }
0x60: {  	_ =	shalt  }
0x61: {  	_ =	shalt  }
0x62: {  	_ =	shalt  }
0x63: {  	_ =	shalt  }
0x64: {  	_ =	shalt  }
0x65: {  	_ =	shalt  }
0x66: {  	_ =	shalt  }
0x67: {  	_ =	shalt  }
0x68: {  	_ =	shalt  }
0x69: {  	_ =	shalt  }
0x6a: {  	_ =	shalt  }
0x6b: {  	_ =	shalt  }
0x6c: {  	_ =	shalt  }
0x6d: {  	_ =	shalt  }
0x6e: {  	_ =	shalt  }
0x6f: {  	_ =	shalt  }
0x70: {  	_ =	shalt  }
0x71: {  	_ =	shalt  }
0x72: {  	_ =	shalt  }
0x73: {  	_ =	shalt  }
0x74: {  	_ =	shalt  }
0x75: {  	_ =	shalt  }
0x76: {  	_ =	shalt  }
0x77: {  	_ =	shalt  }
0x78: {  	_ =	shalt  }
0x79: {  	_ =	shalt  }
0x7a: {  	_ =	shalt  }
0x7b: {  	_ =	shalt  }
0x7c: {  	_ =	shalt  }
0x7d: {  	_ =	shalt  }
0x7e: {  	_ =	shalt  }
0x7f: {  	_ =	shalt  }
0x80: {  	_ =	shalt  }
0x81: {  	_ =	shalt  }
0x82: {  	_ =	shalt  }
0x83: {  	_ =	shalt  }
0x84: {  	_ =	shalt  }
0x85: {  	_ =	shalt  }
0x86: {  	_ =	shalt  }
0x87: {  	_ =	shalt  }
.Lfunc_end0:
.L_simem_size_0:
called_computation_lowered:
.L_overlay_start_0:
0x88: {  	s2 =	sld [smem:$0x3FD9]  }
0x89: {  	s3 =	sld [smem:$0x3FFE];
	_ =	sdelay $0x1  }
0x8a: {  	s1 =	srdreg.scid  }
0x8b: {  	s0 =	sand.u32 $0x1, s1  }
0x8c: {  	s16 =	sshll.u32 s0, $0xA;
	s2 =	sadd.s32 s3, s2  }
0x8d: {  	s2 =	sadd.s32 s2, s16  }
0x8e: {  	[smem:$0x3FBD] =	sst s2  }
0x8f: {  	_ = 	snop  }
0x90: {  	(tm) =	ssettm $0x1  }
0x91: {  	s17 =	sld [smem:$0x3FFB];
	_ =	sdelay $0x3  }
0x92: {  	_ =	strace s17  }
0x93: {  	s2 =	sld [smem:$0x3FFC];
	_ =	sdelay $0x3  }
0x94: {  	_ =	strace s2  }
0x95: {  	s2 =	sld [smem:$0x3FFD];
	_ =	sdelay $0x3  }
0x96: {  	_ =	strace s2  }
0x97: {  	_ =	strace $0x8FFFFFFF  }
0x98: {  	s18 =	sld [smem:$0x3FDB];
	_ =	sdelay $0x1  }
0x99: {  	s19 =	simm.s32 $_scs_section_size  }
0x9a: {  	s4 =	simm.s32 $_size__tile_overlayer_lowered;
	s5 =	simm.s32 $_tile_overlayer_lowered  }
0x9b: {  	s22 =	simm.s32 $0x1BFF;
	s21 =	sshll.u32 s5, $0x1;
	s2 =	sadd.s32 s19, s18  }
0x9c: {  	s6 =	simm.s32 $0x0;
	s20 =	sshll.u32 s4, $0x1;
	s4 =	sadd.s32 s21, s2  }
0x9d: {  	[timem:s6], [sflag:s22] =	dma.local [hbm:s4], s20  }
0x9e: {  	_ =	swait.ge [sflag:s22], s20  }
0x9f: {  	s3 =	ssub.s32 $0x0, s20;
	[sflag:s22] =	ssyncset.done $0x0  }
0xa0: {  	[sflag:s22] =	ssyncadd.s32 s3;
	_ =	sdelay $0x1  }
0xa1: {  	s23 =	simm.s32 $0x1B8B  }
0xa2: {  	_ =	swait.ge [sflag:s23], $0x1  }
0xa3: {  	[sflag:s23] =	ssyncset.done $0x0  }
0xa4: {  	s25 =	simm.s32 $0x1B8E;
	s24 =	sld [smem:$0x3FFE];
	[sflag:s23] =	ssyncadd.s32 $0xFFFFFFFF  }
0xa5: {  	s26 =	simm.s32 $execute0_lowered;
	[smem:$0x3FD2] =	sst s25  }
0xa6: {  	s4 =	sshll.u32 s26, $0x1;
	_ =	strace $0x80000046;
	[dreg:$0x1] =	wrdreg $0xFFFFFFFF  }
0xa7: {  	s28 =	simm.s32 $_size_execute0_lowered;
	s2 =	sadd.s32 s2, s4;
	[dreg:$0x0] =	wrdreg $0x0  }
0xa8: {  	s4 =	sshll.u32 s28, $0x1;
	[dreg:$0x2] =	wrdreg s2  }
0xa9: {  	[dreg:$0x3] =	wrdreg s4  }
0xaa: {  	[dreg:$0x4] =	wrdreg $0xC0  }
0xab: {  	_ =	task [dreg:s6], $0x5FFFF  }
0xac: {  	[dreg:$0x1] =	wrdreg $0xFFFFFFFF  }
0xad: {  	[dreg:$0x0] =	wrdreg $0x60  }
0xae: {  	[dreg:$0x2] =	wrdreg s24  }
0xaf: {  	[dreg:$0x3] =	wrdreg $0x0  }
0xb0: {  	[dreg:$0x4] =	wrdreg $0x27800  }
0xb1: {  	[dreg:$0x5] =	wrdreg $0x9  }
0xb2: {  	_ =	task.clear_ibuf [dreg:s6], $0x6FFFF;
	_ =	strace $0x90000046  }
0xb3: {  	s29 =	simm.s32 $0x9;
	_ =	strace $0x80000048  }
0xb4: {  	_ =	swait.ge [sflag:s29], $0x1  }
0xb5: {  	[sflag:s29] =	ssyncadd.s32 $0xFFFFFFFF  }
0xb6: {  	_ =	strace $0x90000048  }
0xb7: {  	_ =	sfence  }
0xb8: {  	s30 =	sld [smem:$0x0];
	_ =	sdelay $0x2  }
0xb9: {  	s31 =	sshll.u32 s1, $0xD;
	s1 =	sshrl.u32 s1, $0x2  }
0xba: {  	s3 =	sand.u32 $0x4000, s31;
	s1 =	sadd.s32 s1, s30  }
0xbb: {  	s0 =	sor.u32 s3, s0;
	s1 =	sshll.u32 s1, $0x11  }
0xbc: {  	s0 =	sor.u32 s1, s0  }
0xbd: {  	s0 =	sadd.s32 $0x8F2B, s0  }
0xbe: {  	[sflag:s0] =	ssyncadd.remote.s32 $0x1  }
0xbf: {  	_ =	sfence.sel $0xFFFF  }
0xc0: {  	[dreg:$0x0] =	wrdreg $0xFFFFFFFF;
	(pc) =	sbr.abs _section_cstart, $3  }
0xc1: {  	[dreg:$0x1] =	wrdreg $0xFFFFFFFF  }
0xc2: {  	_ =	task.clear_ibuf [dreg:s6], $0x2FFFF;
	_ =	strace $0x9FFFFFFF  }
0xc3: {  	(tm) =	ssettm $0x7FFFFFFF  }
tec
execute0_lowered:
.L_overlay_start_1:
0x0: {  	(tag) =	ssettag $0x1  }
0x1: {  	s7 =	rddreg [dreg:$0x0]  }
0x2: {  	s1 =	rddreg [dreg:$0x1]  }
0x3: {  	s2 =	rddreg [dreg:$0x2];
	s3 =	simm.s32 $0x0;
	s13 =	stileid.u32  }
0x4: {  	s4 =	srdreg.scid;
	s18 =	simm.s32 $0x80;
	s19 =	simm.s32 $0x2848  }
0x5: {  	s20 =	simm.s32 $0x28C8;
	s21 =	simm.s32 $0x1;
	s22 =	simm.s32 $0x2  }
0x6: {  	s23 =	simm.s32 $0x3;
	s28 =	simm.s32 $0x0;
	[smem:$0x7FF] =	sst s3  }
0x7: {  	s24 =	smul.u32 $0x4F, s13;
	s16 =	sand.u32 $0x1, s4;
	s5 =	sshll.u32 s13, $0x1  }
0x8: {  	s4 =	sadd.s32 $0x16E00, s7;
	s11 =	smul.u32 $0x2780, s13;
	s31 =	sshll.u32 s13, $0x6  }
0x9: {  	p0 =	sne.s32 s13, $0x0;
	_ =	strace $0x80000047;
	s6 =	smul.u32 $0x4F0, s16  }
0xa: {  	s8 =	smul.u32 $0x90, s16;
	s9 =	sor.u32 s16, s5;
	s5 =	sadd.s32 $0x1BE00, s7  }
0xb: {  	s12 =	ssub.s32 $0x2, s16;
	p1 =	sne.s32 s16, $0x0;
	s16 =	simm.s32 $0x27C8  }
0xc: {  	s10 =	sadd.s32 s24, s7;
	s9 =	smul.u32 $0x2710, s9;
	s26 =	sshrl.u32 s12, $0x1  }
0xd: {  	s30 =	sshrl.u32 s11, $0x3;
	s14 =	sadd.s32 s6, s7;
	s15 =	sadd.s32 s8, s7  }
0xe: {  	s12 =	ssub.s32 s12, s26;
	s6 =	sadd.s32 s11, s1;
	s8 =	sor.u32 $0x1C04, s31  }
0xf: {  	s10 =	sadd.s32 $0x16800, s10;
	s26 =	simm.s32 $0x82C8;
	s29 =	sshrl.u32 s9, $0x3  }
0x10: {  	s25 =	sadd.s32 $0x1C000, s14;
	s11 =	sadd.s32 $0x1CA00, s15;
	s12 =	smax.u32 s12, $0x1  }
0x11: {  	s13 =	sshrl.u32 s6, $0x3;
	s14 =	simm.s32 $0x4;
	s15 =	sshrl.u32 @!p0 s2, $0x3  }
0x12: {  	v1 =	vlaneseq.u32;
	s17 =	sadd.s32 s7, s29;
	s7 =	sadd.s32 s4, s30;
	s24 =	sadd.s32 s24, s25  }
0x13: {  	v0 =	vimm.s32 $0x2718;
	v1 =	vmul.u32 $0x10, v1;
	s25 =	simm.s32 $0x5AC8;
	s9 =	sadd.s32 $0xCA40, s17;
	s17 =	simm.s32 $0x52C8  }
.LBB2_1:
0x14: {  	[spmem:s13], [sflag:s8] =	dma.local [hbm:s7], $0x4F0  }
0x15: {  	_ =	swait.ge [sflag:s14], $0x4F0  }
0x16: {  	[sflag:s14] =	ssyncset.done $0x0  }
0x17: {  	s29 =	simm.s32 @!p0 $0x4;
	[sflag:s14] =	ssyncadd.s32 $0xFFFFFB10  }
0x18: {  	[spmem:s15], [sflag:s8] =	dma.local @!p0 [hbm:s4], $0x90  }
0x19: {  	_ =	swait.ge @!p0 [sflag:s29], $0x90  }
0x1a: {  	[sflag:s29] =	ssyncset.done @!p0 $0x0  }
0x1b: {  	[sflag:s29] =	ssyncadd.s32 @!p0 $0xFFFFFF70  }
0x1c: {  	[tilespmem:$0x4ED8] =	vst v0  }
0x1d: {  	[tilespmem:$0x4EE8] =	vst v0  }
0x1e: {  	[tilespmem:$0x4EF8] =	vst v0  }
0x1f: {  	[tilespmem:$0x4F08] =	vst v0  }
0x20: {  	[tilespmem:$0x4F18] =	vst v0  }
0x21: {  	[tilespmem:$0x4F28] =	vst v0  }
0x22: {  	[tilespmem:$0x4F38] =	vst v0  }
0x23: {  	[tilespmem:$0x4F48] =	vst v0  }
0x24: {  	[tilespmem:$0x4F58] =	vst v0  }
0x25: {  	[tilespmem:$0x4F68] =	vst v0  }
0x26: {  	[tilespmem:$0x4F78] =	vst v0  }
0x27: {  	[tilespmem:$0x4F88] =	vst v0  }
0x28: {  	[tilespmem:$0x4F98] =	vst v0  }
0x29: {  	[tilespmem:$0x4FA8] =	vst v0  }
0x2a: {  	[tilespmem:$0x4FB8] =	vst v0  }
0x2b: {  	[tilespmem:$0x4FC8] =	vst v0  }
0x2c: {  	[tilespmem:$0x4FD8] =	vst v0  }
0x2d: {  	[tilespmem:$0x4FE8] =	vst v0  }
0x2e: {  	[tilespmem:$0x4FF8] =	vst v0  }
0x2f: {  	[tilespmem:$0x5008] =	vst v0  }
0x30: {  	[tilespmem:$0x5018] =	vst v0  }
0x31: {  	[tilespmem:$0x5028] =	vst v0  }
0x32: {  	[tilespmem:$0x5038] =	vst v0  }
0x33: {  	[tilespmem:s16], [sflag:$0x4] =	stream.linear.gather [hbm4b:s9+s3], $0x2710, $0x38;
	[tilespmem:$0x8548] =	vst v63  }
0x34: {  	_ =	swait.ge [sflag:s14], $0x2710  }
0x35: {  	[sflag:s14] =	ssyncset.done $0x0  }
0x36: {  	[sflag:s14] =	ssyncadd.s32 $0xFFFFD8F0  }
0x37: {  	[tilespmem:s17], [sflag:$0x4] =	stream.linear.gather [hbm4b:s5+s3], $0x800, $0x38;
	[tilespmem:$0x8548] =	vst v63  }
0x38: {  	_ =	swait.ge [sflag:s14], $0x800  }
0x39: {  	[sflag:s14] =	ssyncset.done $0x0  }
0x3a: {  	v2 =	vimm.s32 @!p1 $0x40;
	[sflag:s14] =	ssyncadd.s32 $0xFFFFF800  }
0x3b: {  	[tilespmem:$0x5248] =	vst @!p1 v2  }
0x3c: {  	[tilespmem:$0x5258] =	vst @!p1 v2  }
0x3d: {  	[tilespmem:$0x5268] =	vst @!p1 v2  }
0x3e: {  	[tilespmem:$0x5278] =	vst @!p1 v2  }
0x3f: {  	[tilespmem:$0x5288] =	vst @!p1 v2  }
0x40: {  	[tilespmem:$0x5298] =	vst @!p1 v2  }
0x41: {  	[tilespmem:$0x52A8] =	vst @!p1 v2  }
0x42: {  	s30 =	simm.s32 @!p1 $0x5048;
	s29 =	simm.s32 @!p1 $0x0;
	[tilespmem:$0x52B8] =	vst @!p1 v2  }
0x43: {  	[tilespmem:s30], [sflag:$0x4] =	stream.linear.gather @!p1 [hbm4b:s10+s29], $0x278, $0x38;
	[tilespmem:$0x8548] =	vst v63  }
0x44: {  	s29 =	simm.s32 @!p1 $0x4  }
0x45: {  	_ =	swait.ge @!p1 [sflag:s29], $0x278  }
0x46: {  	[sflag:s29] =	ssyncset.done @!p1 $0x0  }
0x47: {  	[sflag:s29] =	ssyncadd.s32 @!p1 $0xFFFFFD88  }
0x48: {  	[bflag:$0x0] =	sbarrier.arrive $0xFFFF  }
0x49: {  	[spmem:s1] =	stream.indirect.scatter.add.f32 [tilespmem:s17], [sflag:$0x1], $0x10, s16, s18, $0xb8;
	[tilespmem:$0x8548] =	vst v63  }
0x4a: {  	_ = 	snop  }
0x4b: {  	[spmem:s1] =	stream.indirect.scatter.add.f32 [tilespmem:s17], [sflag:$0x2], $0x10, s19, s18, $0xb8;
	[tilespmem:$0x8548] =	vst v63  }
0x4c: {  	_ = 	snop  }
0x4d: {  	[spmem:s1] =	stream.indirect.scatter.add.f32 [tilespmem:s17], [sflag:$0x3], $0x10, s20, s18, $0xb8;
	[tilespmem:$0x8548] =	vst v63  }
0x4e: {  	_ =	swait.ge [sflag:s21], $0x800  }
0x4f: {  	[sflag:s21] =	ssyncset.done $0x0  }
0x50: {  	s29 =	simm.s32 $0x2948;
	[sflag:s21] =	ssyncadd.s32 $0xFFFFF800  }
0x51: {  	[spmem:s1] =	stream.indirect.scatter.add.f32 [tilespmem:s17], [sflag:$0x1], $0x10, s29, s18, $0xb8;
	[tilespmem:$0x8548] =	vst v63  }
0x52: {  	_ =	swait.ge [sflag:s22], $0x800  }
0x53: {  	[sflag:s22] =	ssyncset.done $0x0  }
0x54: {  	s29 =	simm.s32 $0x29C8;
	[sflag:s22] =	ssyncadd.s32 $0xFFFFF800  }
0x55: {  	[spmem:s1] =	stream.indirect.scatter.add.f32 [tilespmem:s17], [sflag:$0x2], $0x10, s29, s18, $0xb8;
	[tilespmem:$0x8548] =	vst v63  }
0x56: {  	_ =	swait.ge [sflag:s23], $0x800  }
0x57: {  	[sflag:s23] =	ssyncset.done $0x0  }
0x58: {  	s30 =	simm.s32 $0x2A48;
	s29 =	simm.s32 $0xFFFF6A00;
	[sflag:s23] =	ssyncadd.s32 $0xFFFFF800  }
.LBB2_2:
0x59: {  	[spmem:s1] =	stream.indirect.scatter.add.f32 [tilespmem:s17], [sflag:$0x3], $0x10, s30, s18, $0xb8;
	[tilespmem:$0x8548] =	vst v63  }
0x5a: {  	s30 =	smov.u32 s29  }
0x5b: {  	p2 =	sne.s32 s29, $0xFFFFFA00;
	s29 =	sadd.s32 $0x600, s29;
	_ =	swait.ge [sflag:s21], $0x800  }
0x5c: {  	s30 =	sshra.s32 s30, $0x2;
	[sflag:s21] =	ssyncset.done $0x0  }
0x5d: {  	s31 =	sadd.s32 $0x5048, s30;
	[sflag:s21] =	ssyncadd.s32 $0xFFFFF800  }
0x5e: {  	[spmem:s1] =	stream.indirect.scatter.add.f32 [tilespmem:s17], [sflag:$0x1], $0x10, s31, s18, $0xb8;
	[tilespmem:$0x8548] =	vst v63  }
0x5f: {  	_ =	swait.ge [sflag:s22], $0x800  }
0x60: {  	[sflag:s22] =	ssyncset.done $0x0  }
.Ltmp0:
0x61: {  	s31 =	sadd.s32 $0x50C8, s30;
	[sflag:s22] =	ssyncadd.s32 $0xFFFFF800;
	(pc) =	sbr.rel @p2 .LBB2_2-.Ltmp0, $4  }
0x62: {  	[spmem:s1] =	stream.indirect.scatter.add.f32 [tilespmem:s17], [sflag:$0x2], $0x10, s31, s18, $0xb8;
	[tilespmem:$0x8548] =	vst v63  }
0x63: {  	_ =	swait.ge [sflag:s23], $0x800  }
0x64: {  	[sflag:s23] =	ssyncset.done $0x0  }
0x65: {  	s30 =	sadd.s32 $0x5148, s30;
	[sflag:s23] =	ssyncadd.s32 $0xFFFFF800  }
0x66: {  	[spmem:s1] =	stream.indirect.scatter.add.f32 [tilespmem:s17], [sflag:$0x3], $0x10, s30, s18, $0xb8;
	[tilespmem:$0x8548] =	vst v63  }
0x67: {  	_ =	swait.ge [sflag:s21], $0x800  }
0x68: {  	[sflag:s21] =	ssyncset.done $0x0  }
0x69: {  	[sflag:s21] =	ssyncadd.s32 $0xFFFFF800  }
0x6a: {  	_ =	swait.ge [sflag:s22], $0x800  }
0x6b: {  	[sflag:s22] =	ssyncset.done $0x0  }
0x6c: {  	[sflag:s22] =	ssyncadd.s32 $0xFFFFF800  }
0x6d: {  	_ =	swait.ge [sflag:s23], $0x800  }
0x6e: {  	s29 =	simm.s32 @!p1 $0x80;
	[sflag:s23] =	ssyncset.done $0x0  }
0x6f: {  	s30 =	simm.s32 @!p1 $0x5048;
	s31 =	simm.s32 @!p1 $0x52C8;
	[sflag:s23] =	ssyncadd.s32 $0xFFFFF800  }
0x70: {  	[spmem:s2] =	stream.indirect.scatter.add.f32 @!p1 [tilespmem:s31], [sflag:$0x4], $0x10, s30, s29, $0xb8;
	[tilespmem:$0x8548] =	vst v63  }
0x71: {  	s30 =	simm.s32 @!p1 $0x4  }
0x72: {  	_ =	swait.ge @!p1 [sflag:s30], $0x800  }
0x73: {  	[sflag:s30] =	ssyncset.done @!p1 $0x0  }
0x74: {  	s0 =	simm.s32 @!p1 $0x50C8;
	[sflag:s30] =	ssyncadd.s32 @!p1 $0xFFFFF800  }
0x75: {  	[spmem:s2] =	stream.indirect.scatter.add.f32 @!p1 [tilespmem:s31], [sflag:$0x4], $0x10, s0, s29, $0xb8;
	[tilespmem:$0x8548] =	vst v63  }
0x76: {  	_ =	swait.ge @!p1 [sflag:s30], $0x800  }
0x77: {  	[sflag:s30] =	ssyncset.done @!p1 $0x0  }
0x78: {  	s0 =	simm.s32 @!p1 $0x5148;
	[sflag:s30] =	ssyncadd.s32 @!p1 $0xFFFFF800  }
0x79: {  	[spmem:s2] =	stream.indirect.scatter.add.f32 @!p1 [tilespmem:s31], [sflag:$0x4], $0x10, s0, s29, $0xb8;
	[tilespmem:$0x8548] =	vst v63  }
0x7a: {  	_ =	swait.ge @!p1 [sflag:s30], $0x800  }
0x7b: {  	[sflag:s30] =	ssyncset.done @!p1 $0x0  }
0x7c: {  	s0 =	simm.s32 @!p1 $0x51C8;
	[sflag:s30] =	ssyncadd.s32 @!p1 $0xFFFFF800  }
0x7d: {  	[spmem:s2] =	stream.indirect.scatter.add.f32 @!p1 [tilespmem:s31], [sflag:$0x4], $0x10, s0, s29, $0xb8;
	[tilespmem:$0x8548] =	vst v63  }
0x7e: {  	_ =	swait.ge @!p1 [sflag:s30], $0x800  }
0x7f: {  	[sflag:s30] =	ssyncset.done @!p1 $0x0  }
0x80: {  	s0 =	simm.s32 @!p1 $0x5248;
	[sflag:s30] =	ssyncadd.s32 @!p1 $0xFFFFF800  }
0x81: {  	[spmem:s2] =	stream.indirect.scatter.add.f32 @!p1 [tilespmem:s31], [sflag:$0x4], $0x10, s0, s29, $0xb8;
	[tilespmem:$0x8548] =	vst v63  }
0x82: {  	s31 =	simm.s32 $0x0;
	_ =	swait.ge @!p1 [sflag:s30], $0x800  }
0x83: {  	v2 =	vmov s31;
	[sflag:s30] =	ssyncset.done @!p1 $0x0  }
0x84: {  	v2 =	vshll.u32 v2, $0x4;
	[sflag:s30] =	ssyncadd.s32 @!p1 $0xFFFFF800  }
0x85: {  	v2 =	vor.u32 v1, v2;
	[bflag:$0x0] =	sbarrier.arrive $0xFFFF  }
0x86: {  	[tilespmem:s25], [sflag:$0x4] =	stream.linear.gather [spmem:s6], $0x2780, $0x38;
	[tilespmem:$0x8548] =	vst v63  }
0x87: {  	_ =	swait.ge [sflag:s14], $0x2780  }
0x88: {  	s31 =	simm.s32 $0x10;
	[sflag:s14] =	ssyncset.done $0x0  }
0x89: {  	v3 =	vmov s31;
	[sflag:s14] =	ssyncadd.s32 $0xFFFFD880  }
0x8a: {  	v3 =	vshll.u32 v3, $0x4;
	v2 =	vld.idx.msk [tilespmem:v2+s25+$0x0], $0xffff  }
0x8b: {  	v4 =	vor.u32 v1, v3;
	_ =	sdelay $0x2  }
0x8c: {  	s29 =	simm.s32 $0x82C8  }
0x8d: {  	s31 =	simm.s32 $0x20;
	[tilespmem:s29+$0x0] =	vst v2  }
0x8e: {  	s30 =	simm.s32 $0x30;
	v3 =	vmov s31;
	v2 =	vld.idx.msk [tilespmem:v4+s25+$0x0], $0xffff  }
.LBB2_4:
0x8f: {  	p2 =	sne.s32 s30, $0x270;
	v3 =	vshll.u32 v3, $0x4  }
0x90: {  	v4 =	vor.u32 v1, v3  }
.Ltmp1:
0x91: {  	(pc) =	sbr.rel @p2 .LBB2_4-.Ltmp1, $4  }
0x92: {  	_ = 	snop  }
0x93: {  	s29 =	sadd.s32 $0x10, s29  }
0x94: {  	[tilespmem:s29+$0x0] =	vst v2  }
0x95: {  	v3 =	vmov s30;
	s30 =	sadd.s32 $0x10, s30;
	v2 =	vld.idx.msk [tilespmem:v4+s25+$0x0], $0xffff  }
0x96: {  	v3 =	vshll.u32 v3, $0x4  }
0x97: {  	v3 =	vor.u32 v1, v3;
	_ =	sdelay $0x2  }
0x98: {  	s0 =	sadd.s32 $0x10, s29  }
0x99: {  	[tilespmem:s0+$0x0] =	vst v2  }
0x9a: {  	v2 =	vld.idx.msk [tilespmem:v3+s25+$0x0], $0xffff;
	_ =	sdelay $0x3  }
0x9b: {  	s0 =	sadd.s32 $0x10, s0  }
0x9c: {  	[tilespmem:s0+$0x0] =	vst v2  }
0x9d: {  	[hbm4b:s24+s3] =	stream.linear.scatter [tilespmem:s26], [sflag:$0x4], $0x278, $0x38;
	[tilespmem:$0x8548] =	vst v63  }
0x9e: {  	s28 =	sadd.s32 $0x1, s28;
	_ =	swait.ge [sflag:s14], $0x278  }
0x9f: {  	p2 =	sne.s32 s28, s12;
	[sflag:s14] =	ssyncset.done $0x0  }
.Ltmp2:
0xa0: {  	s0 =	simm.s32 @!p0 $0x4;
	[sflag:s14] =	ssyncadd.s32 $0xFFFFFD88;
	(pc) =	sbr.rel @p2 .LBB2_1-.Ltmp2, $4  }
0xa1: {  	[hbm:s11], [sflag:s8] =	dma.local @!p0 [spmem:s15], $0x90  }
0xa2: {  	_ =	swait.ge @!p0 [sflag:s0], $0x90  }
0xa3: {  	[sflag:s0] =	ssyncset.done @!p0 $0x0  }
0xa4: {  	[sflag:s0] =	ssyncadd.s32 @!p0 $0xFFFFFF70  }
0xa5: {  	_ =	sfence.sel $0x180000  }
0xa6: {  	[bflag:$0x0] =	sbarrier.arrive $0xFFFF  }
0xa7: {  	_ =	strace $0x90000047  }
0xa8: {  	[bflag:$0x2] =	sbarrier.arrive $0xFFFF  }
0xa9: {  	s0 =	rddreg [dreg:$0x3]  }
0xaa: {  	s0 =	sadd.s32 @!p0 $0x100000, s0  }
0xab: {  	[sflag:s0] =	ssyncadd.tile.s32 @!p0 $0x1;
	_ =	shalt  }
.Lfunc_end2:
_tile_overlayer_lowered:
.L_overlay_start_2:
0xac: {  	(tag) =	ssettag $0x2  }
0xad: {  	s0 =	rddreg [dreg:$0x0];
	s2 =	stileid.u32  }
0xae: {  	s1 =	rddreg [dreg:$0x1];
	p0 =	sne.s32 s2, $0x0  }
0xaf: {  	s3 =	rddreg [dreg:$0x2];
	[bflag:$0x3] =	sbarrier.arrive $0xFFFF;
	s2 =	simm.s32 @!p0 $0x1C04  }
0xb0: {  	[timem:s3], [sflag:s2] =	dma.local @!p0 [hbm:s0], s1  }
0xb1: {  	s0 =	simm.s32 @!p0 $0x4  }
0xb2: {  	_ =	swait.ge @!p0 [sflag:s0], s1  }
0xb3: {  	s1 =	ssub.s32 @!p0 $0x0, s1;
	[sflag:s0] =	ssyncset.done @!p0 $0x0  }
0xb4: {  	[sflag:s0] =	ssyncadd.s32 @!p0 s1  }
0xb5: {  	[bflag:$0x3] =	sbarrier.arrive $0xFFFF  }
0xb6: {  	_ =	shalt  }

</sc_bundles>
